<compile_context>
chip_gen: v7x
topology: tpu7x:2x2x1
jax: 0.10.2.dev20260603
libtpu: 0.0.44.dev20260713+nightly
codegen_flags: <defaults>
</compile_context>

<pallas_src>
import functools

import jax
import jax.numpy as jnp
from jax import lax
from jax.experimental import pallas as pl
from jax.experimental.pallas import tpu as pltpu
from jax.experimental.pallas import tpu_sc as plsc
VOCAB = 1000
WMAIN = 896
WTAIL = VOCAB - WMAIN
N_EMBD = 32
B, T = 1024, 200
BT = B * T

NC, NS = 2, 16
NW = NC * NS
B_PER_W = BT // NW
CH = 32
N_CH = B_PER_W // CH
NP = N_CH // 2

_TAIL_OFFS = (0, 16, 32, 48, 64, 80)


def _table_body(emb_ref, wa_ref, wb_ref, ba_ref, bb_ref, outa_ref, outb_ref):
    e = emb_ref[...]
    outa_ref[...] = (
        jnp.dot(e, wa_ref[...], preferred_element_type=jnp.float32)
        + ba_ref[...]
    )
    outb_ref[...] = (
        jnp.dot(e, wb_ref[...], preferred_element_type=jnp.float32)
        + bb_ref[...]
    )


def _fused_tables(emb_table, W, b):
    wa = W[:, :WMAIN]
    wb = jnp.pad(W[:, WMAIN:], ((0, 0), (0, 128 - WTAIL)))
    ba = b[:WMAIN].reshape(1, WMAIN)
    bb = jnp.pad(b[WMAIN:], (0, 128 - WTAIL)).reshape(1, 128)
    return pl.pallas_call(
        _table_body,
        out_shape=(
            jax.ShapeDtypeStruct((VOCAB, WMAIN), jnp.float32),
            jax.ShapeDtypeStruct((VOCAB, 128), jnp.float32),
        ),
    )(emb_table, wa, wb, ba, bb)


_mesh = plsc.VectorSubcoreMesh(core_axis_name="c", subcore_axis_name="s")


@functools.partial(
    pl.kernel,
    mesh=_mesh,
    out_type=jax.ShapeDtypeStruct((BT, VOCAB), jnp.float32),
    scratch_types=[
        pltpu.VMEM((B_PER_W,), jnp.int32),
        pltpu.VMEM((CH, VOCAB), jnp.float32),
        pltpu.VMEM((CH, VOCAB), jnp.float32),
        pltpu.VMEM((CH, 128), jnp.float32),
        pltpu.VMEM((CH, 128), jnp.float32),
        pltpu.SemaphoreType.DMA,
        pltpu.SemaphoreType.DMA,
        pltpu.SemaphoreType.DMA,
        pltpu.SemaphoreType.DMA,
    ],
    compiler_params=pltpu.CompilerParams(
        use_tc_tiling_on_sc=True, needs_layout_passes=False
    ),
)
def _sc_gather(tbla_hbm, tblb_hbm, idx_hbm, out_hbm, idx_v, rows_a, rows_b,
               tail_a, tail_b, gsem_a, gsem_b, ssem_a, ssem_b):
    c = lax.axis_index("c")
    s = lax.axis_index("s")
    wid = s * NC + c
    base = wid * B_PER_W

    pltpu.sync_copy(idx_hbm.at[pl.ds(base, B_PER_W)], idx_v)

    def start_gather(g, rows, tail, sem):
        idxs = idx_v.at[pl.ds(g * CH, CH)]
        pltpu.async_copy(tbla_hbm.at[idxs], rows.at[:, pl.ds(0, WMAIN)], sem)
        pltpu.async_copy(tblb_hbm.at[idxs], tail, sem)

    def wait_gather(rows, tail, sem):
        idxs = idx_v.at[pl.ds(0, CH)]
        pltpu.make_async_copy(
            tbla_hbm.at[idxs], rows.at[:, pl.ds(0, WMAIN)], sem
        ).wait()
        pltpu.make_async_copy(tblb_hbm.at[idxs], tail, sem).wait()

    def fix_tail(rows, tail):
        lanes = lax.iota(jnp.int32, 16)
        rem_mask = lanes < (WTAIL - 96)
        for r in range(CH):
            for off in _TAIL_OFFS:
                rows[r, pl.ds(WMAIN + off, 16)] = tail[r, pl.ds(off, 16)]
            x = tail[r, pl.ds(96, 16)]
            plsc.store_scatter(
                rows,
                [jnp.full((16,), r, jnp.int32), WMAIN + 96 + lanes],
                x,
                mask=rem_mask,
            )

    def start_scatter(g, rows, sem):
        pltpu.async_copy(rows, out_hbm.at[pl.ds(base + g * CH, CH)], sem)

    def wait_scatter(rows, sem):
        pltpu.make_async_copy(
            rows, out_hbm.at[pl.ds(base, CH)], sem
        ).wait()

    start_gather(0, rows_a, tail_a, gsem_a)
    start_gather(1, rows_b, tail_b, gsem_b)

    def body(p, carry):
        g0 = 2 * p
        wait_gather(rows_a, tail_a, gsem_a)
        fix_tail(rows_a, tail_a)
        start_scatter(g0, rows_a, ssem_a)
        wait_gather(rows_b, tail_b, gsem_b)
        fix_tail(rows_b, tail_b)
        start_scatter(g0 + 1, rows_b, ssem_b)
        wait_scatter(rows_a, ssem_a)
        start_gather(jnp.minimum(g0 + 2, N_CH - 2), rows_a, tail_a, gsem_a)
        wait_scatter(rows_b, ssem_b)
        start_gather(jnp.minimum(g0 + 3, N_CH - 1), rows_b, tail_b, gsem_b)
        return carry

    lax.fori_loop(0, NP, body, 0)
    wait_gather(rows_a, tail_a, gsem_a)
    wait_gather(rows_b, tail_b, gsem_b)


def kernel(idx, emb_table, W, b):
    tbla, tblb = _fused_tables(emb_table, W, b)
    flat_idx = idx.reshape(-1).astype(jnp.int32)
    out = _sc_gather(tbla, tblb, flat_idx)
    return out.reshape(B, T, VOCAB)

# --- scband reference (transcript-rebuilt; emitter-appended) ---
"""Pipeline reference for scband-bigram-language-model2-10368051053174 (READ-ONLY COPY).

The authoritative reference and input builder live on the scoring server;
editing this copy changes nothing except your own understanding.
"""

import jax, jax.numpy as jnp
import numpy as np

VOCAB = 1000
N_EMBD = 32
B, T = 1024, 200


def setup_inputs(seed: int = 0) -> dict:
    key = jax.random.key(seed)
    k1, k2, k3 = jax.random.split(key, 3)
    idx = jax.random.randint(k1, (B, T), 0, VOCAB, dtype=jnp.int64) if jax.config.jax_enable_x64 else jax.random.randint(k1, (B, T), 0, VOCAB, dtype=jnp.int32)
    emb_table = jax.random.normal(k2, (VOCAB, N_EMBD), dtype=jnp.float32) * 0.02
    W = jax.random.normal(k3, (N_EMBD, VOCAB), dtype=jnp.float32) * 0.02
    b = jnp.zeros((VOCAB,), dtype=jnp.float32)
    return {"idx": idx, "emb_table": emb_table, "W": W, "b": b}


def reference(idx, emb_table, W, b):
    # tok_emb = self.token_embedding_table(idx)
    tok_emb = jnp.take(emb_table, idx, axis=0)            # [B, T, n_embd]
    # logits = self.lm_head(tok_emb)
    logits = jnp.einsum('btc,cv->btv', tok_emb, W) + b    # [B, T, vocab]
    # targets is None -> loss is None; return logits (the loss branch is skipped)
    return logits

if __name__ == "__main__":
    import jax
    _d = setup_inputs()
    print(jax.jit(kernel)(*tuple(_d.values())))

</pallas_src>

<mosaic_0001>
#map = affine_map<(d0, d1) -> (0, 0)>
#map1 = affine_map<(d0, d1) -> (0)>
module attributes {stable_mosaic.version = 14 : i64} {
  func.func @_sc_gather(%arg0: i32, %arg1: i32, %arg2: memref<1000x896xf32, #tpu.memory_space<hbm>>, %arg3: memref<1000x128xf32, #tpu.memory_space<hbm>>, %arg4: memref<204800xi32, #tpu.memory_space<hbm>>, %arg5: memref<204800x1000xf32, #tpu.memory_space<hbm>>, %arg6: memref<6400xi32, #tpu.memory_space<vmem>>, %arg7: memref<32x1000xf32, #tpu.memory_space<vmem>>, %arg8: memref<32x1000xf32, #tpu.memory_space<vmem>>, %arg9: memref<32x128xf32, #tpu.memory_space<vmem>>, %arg10: memref<32x128xf32, #tpu.memory_space<vmem>>, %arg11: memref<!tpu.dma_semaphore, #tpu.memory_space<semaphore_mem>>, %arg12: memref<!tpu.dma_semaphore, #tpu.memory_space<semaphore_mem>>, %arg13: memref<!tpu.dma_semaphore, #tpu.memory_space<semaphore_mem>>, %arg14: memref<!tpu.dma_semaphore, #tpu.memory_space<semaphore_mem>>) attributes {dimension_semantics = [#tpu.dimension_semantics<core_parallel>, #tpu.dimension_semantics<subcore_parallel>], iteration_bounds = array<i64: 2, 16>, scalar_prefetch = 0 : i64, scratch_operands = 9 : i64, tpu.core_type = #tpu.core_type<sc_vector_subcore>, window_params = [{transform_indices = #map}, {transform_indices = #map}, {transform_indices = #map1}, {transform_indices = #map}]} {
    %mul3A = arith.constant 2 : i32
    %mul3A_0 = arith.muli %arg1, %mul3A : i32
    %add3A = arith.addi %mul3A_0, %arg0 : i32
    %mul3A_1 = arith.constant 6400 : i32
    %mul3A_2 = arith.muli %add3A, %mul3A_1 : i32
    "tpu.region"() ({
      %run_scoped3A = tpu.sem_alloc : memref<!tpu.dma_semaphore, #tpu.memory_space<semaphore_mem>>
      %dma_start3A_58 = tpu.memref_slice %arg4[%mul3A_2] : memref<204800xi32, #tpu.memory_space<hbm>> -> memref<6400xi32, #tpu.memory_space<hbm>>
      %dma_start3A_59 = tpu.memref_slice %arg4[%mul3A_2] : memref<204800xi32, #tpu.memory_space<hbm>> -> memref<6400xi32, #tpu.memory_space<hbm>>
      tpu.enqueue_dma source(%dma_start3A_59 : memref<6400xi32, #tpu.memory_space<hbm>>) target(%arg6 : memref<6400xi32, #tpu.memory_space<vmem>>) target_semaphore(%run_scoped3A : memref<!tpu.dma_semaphore, #tpu.memory_space<semaphore_mem>>)
      %dma_wait3A_60 = tpu.memref_slice %arg4[%mul3A_2] : memref<204800xi32, #tpu.memory_space<hbm>> -> memref<6400xi32, #tpu.memory_space<hbm>>
      %dma_wait3A_61 = tpu.memref_slice %arg4[%mul3A_2] : memref<204800xi32, #tpu.memory_space<hbm>> -> memref<6400xi32, #tpu.memory_space<hbm>>
      tpu.wait_dma2 semaphore(%run_scoped3A : memref<!tpu.dma_semaphore, #tpu.memory_space<semaphore_mem>>) src(%dma_wait3A_61 : memref<6400xi32, #tpu.memory_space<hbm>>) dst(%arg6 : memref<6400xi32, #tpu.memory_space<vmem>>)
      tpu.yield
    }) : () -> ()
    %dma_start3A = arith.constant 0 : i32
    %dma_start3A_3 = arith.constant 0 : i32
    %dma_start3A_4 = tpu.memref_slice %arg7[%dma_start3A, %dma_start3A_3] : memref<32x1000xf32, #tpu.memory_space<vmem>> -> memref<32x896xf32, #tpu.memory_space<vmem>>
    %dma_start3A_5 = arith.constant 0 : i32
    %dma_start3A_6 = tpu.memref_slice %arg6[%dma_start3A_5] : memref<6400xi32, #tpu.memory_space<vmem>> -> memref<32xi32, #tpu.memory_space<vmem>>
    %dma_start3A_7 = arith.constant 0 : i32
    %dma_start3A_8 = arith.constant 0 : i32
    %dma_start3A_9 = tpu.memref_slice %arg2[%dma_start3A_7, %dma_start3A_8] : memref<1000x896xf32, #tpu.memory_space<hbm>> -> memref<1000x896xf32, #tpu.memory_space<hbm>>
    tpu.enqueue_indirect_dma source(%dma_start3A_9 : memref<1000x896xf32, #tpu.memory_space<hbm>>) target(%dma_start3A_4 : memref<32x896xf32, #tpu.memory_space<vmem>>) offsets(%dma_start3A_6 : memref<32xi32, #tpu.memory_space<vmem>>) semaphore(%arg11 : memref<!tpu.dma_semaphore, #tpu.memory_space<semaphore_mem>>)
    %dma_start3A_10 = arith.constant 0 : i32
    %dma_start3A_11 = tpu.memref_slice %arg6[%dma_start3A_10] : memref<6400xi32, #tpu.memory_space<vmem>> -> memref<32xi32, #tpu.memory_space<vmem>>
    %dma_start3A_12 = arith.constant 0 : i32
    %dma_start3A_13 = arith.constant 0 : i32
    %dma_start3A_14 = tpu.memref_slice %arg3[%dma_start3A_12, %dma_start3A_13] : memref<1000x128xf32, #tpu.memory_space<hbm>> -> memref<1000x128xf32, #tpu.memory_space<hbm>>
    tpu.enqueue_indirect_dma source(%dma_start3A_14 : memref<1000x128xf32, #tpu.memory_space<hbm>>) target(%arg9 : memref<32x128xf32, #tpu.memory_space<vmem>>) offsets(%dma_start3A_11 : memref<32xi32, #tpu.memory_space<vmem>>) semaphore(%arg11 : memref<!tpu.dma_semaphore, #tpu.memory_space<semaphore_mem>>)
    %dma_start3A_15 = arith.constant 0 : i32
    %dma_start3A_16 = arith.constant 0 : i32
    %dma_start3A_17 = tpu.memref_slice %arg8[%dma_start3A_15, %dma_start3A_16] : memref<32x1000xf32, #tpu.memory_space<vmem>> -> memref<32x896xf32, #tpu.memory_space<vmem>>
    %dma_start3A_18 = arith.constant 32 : i32
    %dma_start3A_19 = tpu.memref_slice %arg6[%dma_start3A_18] : memref<6400xi32, #tpu.memory_space<vmem>> -> memref<32xi32, #tpu.memory_space<vmem>>
    %dma_start3A_20 = arith.constant 0 : i32
    %dma_start3A_21 = arith.constant 0 : i32
    %dma_start3A_22 = tpu.memref_slice %arg2[%dma_start3A_20, %dma_start3A_21] : memref<1000x896xf32, #tpu.memory_space<hbm>> -> memref<1000x896xf32, #tpu.memory_space<hbm>>
    tpu.enqueue_indirect_dma source(%dma_start3A_22 : memref<1000x896xf32, #tpu.memory_space<hbm>>) target(%dma_start3A_17 : memref<32x896xf32, #tpu.memory_space<vmem>>) offsets(%dma_start3A_19 : memref<32xi32, #tpu.memory_space<vmem>>) semaphore(%arg12 : memref<!tpu.dma_semaphore, #tpu.memory_space<semaphore_mem>>)
    %dma_start3A_23 = arith.constant 32 : i32
    %dma_start3A_24 = tpu.memref_slice %arg6[%dma_start3A_23] : memref<6400xi32, #tpu.memory_space<vmem>> -> memref<32xi32, #tpu.memory_space<vmem>>
    %dma_start3A_25 = arith.constant 0 : i32
    %dma_start3A_26 = arith.constant 0 : i32
    %dma_start3A_27 = tpu.memref_slice %arg3[%dma_start3A_25, %dma_start3A_26] : memref<1000x128xf32, #tpu.memory_space<hbm>> -> memref<1000x128xf32, #tpu.memory_space<hbm>>
    tpu.enqueue_indirect_dma source(%dma_start3A_27 : memref<1000x128xf32, #tpu.memory_space<hbm>>) target(%arg10 : memref<32x128xf32, #tpu.memory_space<vmem>>) offsets(%dma_start3A_24 : memref<32xi32, #tpu.memory_space<vmem>>) semaphore(%arg12 : memref<!tpu.dma_semaphore, #tpu.memory_space<semaphore_mem>>)
    %scan3A = arith.constant 0 : i32
    %scan3A_28 = arith.constant 0 : i32
    %scan3A_29 = arith.constant 100 : i32
    %scan3A_30 = arith.addi %scan3A_28, %scan3A_29 : i32
    %scan3A_31 = arith.constant 1 : i32
    scf.for %scan3A_58 = %scan3A_28 to %scan3A_30 step %scan3A_31  : i32 {
      %mul3A_59 = arith.constant 2 : i32
      %mul3A_60 = arith.muli %mul3A_59, %scan3A_58 : i32
      %dma_wait3A_61 = arith.constant 0 : i32
      %dma_wait3A_62 = arith.constant 0 : i32
      %dma_wait3A_63 = tpu.memref_slice %arg7[%dma_wait3A_61, %dma_wait3A_62] : memref<32x1000xf32, #tpu.memory_space<vmem>> -> memref<32x896xf32, #tpu.memory_space<vmem>>
      %dma_wait3A_64 = arith.constant 0 : i32
      %dma_wait3A_65 = tpu.memref_slice %arg6[%dma_wait3A_64] : memref<6400xi32, #tpu.memory_space<vmem>> -> memref<32xi32, #tpu.memory_space<vmem>>
      %dma_wait3A_66 = arith.constant 0 : i32
      %dma_wait3A_67 = arith.constant 0 : i32
      %dma_wait3A_68 = tpu.memref_slice %arg2[%dma_wait3A_66, %dma_wait3A_67] : memref<1000x896xf32, #tpu.memory_space<hbm>> -> memref<1000x896xf32, #tpu.memory_space<hbm>>
      tpu.wait_indirect_dma semaphore(%arg11 : memref<!tpu.dma_semaphore, #tpu.memory_space<semaphore_mem>>) src(%dma_wait3A_68 : memref<1000x896xf32, #tpu.memory_space<hbm>>) dst(%dma_wait3A_63 : memref<32x896xf32, #tpu.memory_space<vmem>>)
      %dma_wait3A_69 = arith.constant 0 : i32
      %dma_wait3A_70 = tpu.memref_slice %arg6[%dma_wait3A_69] : memref<6400xi32, #tpu.memory_space<vmem>> -> memref<32xi32, #tpu.memory_space<vmem>>
      %dma_wait3A_71 = arith.constant 0 : i32
      %dma_wait3A_72 = arith.constant 0 : i32
      %dma_wait3A_73 = tpu.memref_slice %arg3[%dma_wait3A_71, %dma_wait3A_72] : memref<1000x128xf32, #tpu.memory_space<hbm>> -> memref<1000x128xf32, #tpu.memory_space<hbm>>
      tpu.wait_indirect_dma semaphore(%arg11 : memref<!tpu.dma_semaphore, #tpu.memory_space<semaphore_mem>>) src(%dma_wait3A_73 : memref<1000x128xf32, #tpu.memory_space<hbm>>) dst(%arg9 : memref<32x128xf32, #tpu.memory_space<vmem>>)
      %iota3A = tpu.iota {dimensions = array<i32: 0>} : vector<16xi32>
      %lt3A = arith.constant 8 : i32
      %lt3A_74 = vector.broadcast %lt3A : i32 to vector<16xi32>
      %lt3A_75 = arith.cmpi slt, %iota3A, %lt3A_74 : vector<16xi32>
      %get3A = arith.constant 0 : i32
      %get3A_76 = arith.index_cast %get3A : i32 to index
      %get3A_77 = arith.constant 0 : index
      %get3A_78 = tpu.vector_load %arg9[%get3A_76, %get3A_77] {strides = array<i32>} : memref<32x128xf32, #tpu.memory_space<vmem>>, vector<16xf32>,
      %swap3A = arith.constant 0 : i32
      %swap3A_79 = arith.index_cast %swap3A : i32 to index
      %swap3A_80 = arith.constant 896 : index
      %swap3A_81 = tpu.vector_load %arg7[%swap3A_79, %swap3A_80] {strides = array<i32>} : memref<32x1000xf32, #tpu.memory_space<vmem>>, vector<16xf32>,
      tpu.vector_store %arg7[%swap3A_79, %swap3A_80], %get3A_78 {strides = array<i32>} : memref<32x1000xf32, #tpu.memory_space<vmem>>, vector<16xf32>,
      %get3A_82 = arith.constant 0 : i32
      %get3A_83 = arith.index_cast %get3A_82 : i32 to index
      %get3A_84 = arith.constant 16 : index
      %get3A_85 = tpu.vector_load %arg9[%get3A_83, %get3A_84] {strides = array<i32>} : memref<32x128xf32, #tpu.memory_space<vmem>>, vector<16xf32>,
      %swap3A_86 = arith.constant 0 : i32
      %swap3A_87 = arith.index_cast %swap3A_86 : i32 to index
      %swap3A_88 = arith.constant 912 : index
      %swap3A_89 = tpu.vector_load %arg7[%swap3A_87, %swap3A_88] {strides = array<i32>} : memref<32x1000xf32, #tpu.memory_space<vmem>>, vector<16xf32>,
      tpu.vector_store %arg7[%swap3A_87, %swap3A_88], %get3A_85 {strides = array<i32>} : memref<32x1000xf32, #tpu.memory_space<vmem>>, vector<16xf32>,
      %get3A_90 = arith.constant 0 : i32
      %get3A_91 = arith.index_cast %get3A_90 : i32 to index
      %get3A_92 = arith.constant 32 : index
      %get3A_93 = tpu.vector_load %arg9[%get3A_91, %get3A_92] {strides = array<i32>} : memref<32x128xf32, #tpu.memory_space<vmem>>, vector<16xf32>,
      %swap3A_94 = arith.constant 0 : i32
      %swap3A_95 = arith.index_cast %swap3A_94 : i32 to index
      %swap3A_96 = arith.constant 928 : index
      %swap3A_97 = tpu.vector_load %arg7[%swap3A_95, %swap3A_96] {strides = array<i32>} : memref<32x1000xf32, #tpu.memory_space<vmem>>, vector<16xf32>,
      tpu.vector_store %arg7[%swap3A_95, %swap3A_96], %get3A_93 {strides = array<i32>} : memref<32x1000xf32, #tpu.memory_space<vmem>>, vector<16xf32>,
      %get3A_98 = arith.constant 0 : i32
      %get3A_99 = arith.index_cast %get3A_98 : i32 to index
      %get3A_100 = arith.constant 48 : index
      %get3A_101 = tpu.vector_load %arg9[%get3A_99, %get3A_100] {strides = array<i32>} : memref<32x128xf32, #tpu.memory_space<vmem>>, vector<16xf32>,
      %swap3A_102 = arith.constant 0 : i32
      %swap3A_103 = arith.index_cast %swap3A_102 : i32 to index
      %swap3A_104 = arith.constant 944 : index
      %swap3A_105 = tpu.vector_load %arg7[%swap3A_103, %swap3A_104] {strides = array<i32>} : memref<32x1000xf32, #tpu.memory_space<vmem>>, vector<16xf32>,
      tpu.vector_store %arg7[%swap3A_103, %swap3A_104], %get3A_101 {strides = array<i32>} : memref<32x1000xf32, #tpu.memory_space<vmem>>, vector<16xf32>,
      %get3A_106 = arith.constant 0 : i32
      %get3A_107 = arith.index_cast %get3A_106 : i32 to index
      %get3A_108 = arith.constant 64 : index
      %get3A_109 = tpu.vector_load %arg9[%get3A_107, %get3A_108] {strides = array<i32>} : memref<32x128xf32, #tpu.memory_space<vmem>>, vector<16xf32>,
      %swap3A_110 = arith.constant 0 : i32
      %swap3A_111 = arith.index_cast %swap3A_110 : i32 to index
      %swap3A_112 = arith.constant 960 : index
      %swap3A_113 = tpu.vector_load %arg7[%swap3A_111, %swap3A_112] {strides = array<i32>} : memref<32x1000xf32, #tpu.memory_space<vmem>>, vector<16xf32>,
      tpu.vector_store %arg7[%swap3A_111, %swap3A_112], %get3A_109 {strides = array<i32>} : memref<32x1000xf32, #tpu.memory_space<vmem>>, vector<16xf32>,
      %get3A_114 = arith.constant 0 : i32
      %get3A_115 = arith.index_cast %get3A_114 : i32 to index
      %get3A_116 = arith.constant 80 : index
      %get3A_117 = tpu.vector_load %arg9[%get3A_115, %get3A_116] {strides = array<i32>} : memref<32x128xf32, #tpu.memory_space<vmem>>, vector<16xf32>,
      %swap3A_118 = arith.constant 0 : i32
      %swap3A_119 = arith.index_cast %swap3A_118 : i32 to index
      %swap3A_120 = arith.constant 976 : index
      %swap3A_121 = tpu.vector_load %arg7[%swap3A_119, %swap3A_120] {strides = array<i32>} : memref<32x1000xf32, #tpu.memory_space<vmem>>, vector<16xf32>,
      tpu.vector_store %arg7[%swap3A_119, %swap3A_120], %get3A_117 {strides = array<i32>} : memref<32x1000xf32, #tpu.memory_space<vmem>>, vector<16xf32>,
      %get3A_122 = arith.constant 0 : i32
      %get3A_123 = arith.index_cast %get3A_122 : i32 to index
      %get3A_124 = arith.constant 96 : index
      %get3A_125 = tpu.vector_load %arg9[%get3A_123, %get3A_124] {strides = array<i32>} : memref<32x128xf32, #tpu.memory_space<vmem>>, vector<16xf32>,
      %broadcast_in_dim3A = arith.constant 0 : i32
      %broadcast_in_dim3A_126 = vector.broadcast %broadcast_in_dim3A : i32 to vector<16xi32>
      %add3A_127 = arith.constant 992 : i32
      %add3A_128 = vector.broadcast %add3A_127 : i32 to vector<16xi32>
      %add3A_129 = arith.addi %add3A_128, %iota3A : vector<16xi32>
      tpu.vector_store_idx %arg7[%broadcast_in_dim3A_126, %add3A_129], %get3A_125 masked %lt3A_75 : memref<32x1000xf32, #tpu.memory_space<vmem>>[vector<16xi32>, vector<16xi32>], vector<16xf32>, vector<16xi1>
      %get3A_130 = arith.constant 1 : i32
      %get3A_131 = arith.index_cast %get3A_130 : i32 to index
      %get3A_132 = arith.constant 0 : index
      %get3A_133 = tpu.vector_load %arg9[%get3A_131, %get3A_132] {strides = array<i32>} : memref<32x128xf32, #tpu.memory_space<vmem>>, vector<16xf32>,
      %swap3A_134 = arith.constant 1 : i32
      %swap3A_135 = arith.index_cast %swap3A_134 : i32 to index
      %swap3A_136 = arith.constant 896 : index
      %swap3A_137 = tpu.vector_load %arg7[%swap3A_135, %swap3A_136] {strides = array<i32>} : memref<32x1000xf32, #tpu.memory_space<vmem>>, vector<16xf32>,
      tpu.vector_store %arg7[%swap3A_135, %swap3A_136], %get3A_133 {strides = array<i32>} : memref<32x1000xf32, #tpu.memory_space<vmem>>, vector<16xf32>,
      %get3A_138 = arith.constant 1 : i32
      %get3A_139 = arith.index_cast %get3A_138 : i32 to index
      %get3A_140 = arith.constant 16 : index
      %get3A_141 = tpu.vector_load %arg9[%get3A_139, %get3A_140] {strides = array<i32>} : memref<32x128xf32, #tpu.memory_space<vmem>>, vector<16xf32>,
      %swap3A_142 = arith.constant 1 : i32
      %swap3A_143 = arith.index_cast %swap3A_142 : i32 to index
      %swap3A_144 = arith.constant 912 : index
      %swap3A_145 = tpu.vector_load %arg7[%swap3A_143, %swap3A_144] {strides = array<i32>} : memref<32x1000xf32, #tpu.memory_space<vmem>>, vector<16xf32>,
      tpu.vector_store %arg7[%swap3A_143, %swap3A_144], %get3A_141 {strides = array<i32>} : memref<32x1000xf32, #tpu.memory_space<vmem>>, vector<16xf32>,
      %get3A_146 = arith.constant 1 : i32
      %get3A_147 = arith.index_cast %get3A_146 : i32 to index
      %get3A_148 = arith.constant 32 : index
      %get3A_149 = tpu.vector_load %arg9[%get3A_147, %get3A_148] {strides = array<i32>} : memref<32x128xf32, #tpu.memory_space<vmem>>, vector<16xf32>,
      %swap3A_150 = arith.constant 1 : i32
      %swap3A_151 = arith.index_cast %swap3A_150 : i32 to index
      %swap3A_152 = arith.constant 928 : index
      %swap3A_153 = tpu.vector_load %arg7[%swap3A_151, %swap3A_152] {strides = array<i32>} : memref<32x1000xf32, #tpu.memory_space<vmem>>, vector<16xf32>,
      tpu.vector_store %arg7[%swap3A_151, %swap3A_152], %get3A_149 {strides = array<i32>} : memref<32x1000xf32, #tpu.memory_space<vmem>>, vector<16xf32>,
      %get3A_154 = arith.constant 1 : i32
      %get3A_155 = arith.index_cast %get3A_154 : i32 to index
      %get3A_156 = arith.constant 48 : index
      %get3A_157 = tpu.vector_load %arg9[%get3A_155, %get3A_156] {strides = array<i32>} : memref<32x128xf32, #tpu.memory_space<vmem>>, vector<16xf32>,
      %swap3A_158 = arith.constant 1 : i32
      %swap3A_159 = arith.index_cast %swap3A_158 : i32 to index
      %swap3A_160 = arith.constant 944 : index
      %swap3A_161 = tpu.vector_load %arg7[%swap3A_159, %swap3A_160] {strides = array<i32>} : memref<32x1000xf32, #tpu.memory_space<vmem>>, vector<16xf32>,
      tpu.vector_store %arg7[%swap3A_159, %swap3A_160], %get3A_157 {strides = array<i32>} : memref<32x1000xf32, #tpu.memory_space<vmem>>, vector<16xf32>,
      %get3A_162 = arith.constant 1 : i32
      %get3A_163 = arith.index_cast %get3A_162 : i32 to index
      %get3A_164 = arith.constant 64 : index
      %get3A_165 = tpu.vector_load %arg9[%get3A_163, %get3A_164] {strides = array<i32>} : memref<32x128xf32, #tpu.memory_space<vmem>>, vector<16xf32>,
      %swap3A_166 = arith.constant 1 : i32
      %swap3A_167 = arith.index_cast %swap3A_166 : i32 to index
      %swap3A_168 = arith.constant 960 : index
      %swap3A_169 = tpu.vector_load %arg7[%swap3A_167, %swap3A_168] {strides = array<i32>} : memref<32x1000xf32, #tpu.memory_space<vmem>>, vector<16xf32>,
      tpu.vector_store %arg7[%swap3A_167, %swap3A_168], %get3A_165 {strides = array<i32>} : memref<32x1000xf32, #tpu.memory_space<vmem>>, vector<16xf32>,
      %get3A_170 = arith.constant 1 : i32
      %get3A_171 = arith.index_cast %get3A_170 : i32 to index
      %get3A_172 = arith.constant 80 : index
      %get3A_173 = tpu.vector_load %arg9[%get3A_171, %get3A_172] {strides = array<i32>} : memref<32x128xf32, #tpu.memory_space<vmem>>, vector<16xf32>,
      %swap3A_174 = arith.constant 1 : i32
      %swap3A_175 = arith.index_cast %swap3A_174 : i32 to index
      %swap3A_176 = arith.constant 976 : index
      %swap3A_177 = tpu.vector_load %arg7[%swap3A_175, %swap3A_176] {strides = array<i32>} : memref<32x1000xf32, #tpu.memory_space<vmem>>, vector<16xf32>,
      tpu.vector_store %arg7[%swap3A_175, %swap3A_176], %get3A_173 {strides = array<i32>} : memref<32x1000xf32, #tpu.memory_space<vmem>>, vector<16xf32>,
      %get3A_178 = arith.constant 1 : i32
      %get3A_179 = arith.index_cast %get3A_178 : i32 to index
      %get3A_180 = arith.constant 96 : index
      %get3A_181 = tpu.vector_load %arg9[%get3A_179, %get3A_180] {strides = array<i32>} : memref<32x128xf32, #tpu.memory_space<vmem>>, vector<16xf32>,
      %broadcast_in_dim3A_182 = arith.constant 1 : i32
      %broadcast_in_dim3A_183 = vector.broadcast %broadcast_in_dim3A_182 : i32 to vector<16xi32>
      %add3A_184 = arith.constant 992 : i32
      %add3A_185 = vector.broadcast %add3A_184 : i32 to vector<16xi32>
      %add3A_186 = arith.addi %add3A_185, %iota3A : vector<16xi32>
      tpu.vector_store_idx %arg7[%broadcast_in_dim3A_183, %add3A_186], %get3A_181 masked %lt3A_75 : memref<32x1000xf32, #tpu.memory_space<vmem>>[vector<16xi32>, vector<16xi32>], vector<16xf32>, vector<16xi1>
      %get3A_187 = arith.constant 2 : i32
      %get3A_188 = arith.index_cast %get3A_187 : i32 to index
      %get3A_189 = arith.constant 0 : index
      %get3A_190 = tpu.vector_load %arg9[%get3A_188, %get3A_189] {strides = array<i32>} : memref<32x128xf32, #tpu.memory_space<vmem>>, vector<16xf32>,
      %swap3A_191 = arith.constant 2 : i32
      %swap3A_192 = arith.index_cast %swap3A_191 : i32 to index
      %swap3A_193 = arith.constant 896 : index
      %swap3A_194 = tpu.vector_load %arg7[%swap3A_192, %swap3A_193] {strides = array<i32>} : memref<32x1000xf32, #tpu.memory_space<vmem>>, vector<16xf32>,
      tpu.vector_store %arg7[%swap3A_192, %swap3A_193], %get3A_190 {strides = array<i32>} : memref<32x1000xf32, #tpu.memory_space<vmem>>, vector<16xf32>,
      %get3A_195 = arith.constant 2 : i32
      %get3A_196 = arith.index_cast %get3A_195 : i32 to index
      %get3A_197 = arith.constant 16 : index
      %get3A_198 = tpu.vector_load %arg9[%get3A_196, %get3A_197] {strides = array<i32>} : memref<32x128xf32, #tpu.memory_space<vmem>>, vector<16xf32>,
      %swap3A_199 = arith.constant 2 : i32
      %swap3A_200 = arith.index_cast %swap3A_199 : i32 to index
      %swap3A_201 = arith.constant 912 : index
      %swap3A_202 = tpu.vector_load %arg7[%swap3A_200, %swap3A_201] {strides = array<i32>} : memref<32x1000xf32, #tpu.memory_space<vmem>>, vector<16xf32>,
      tpu.vector_store %arg7[%swap3A_200, %swap3A_201], %get3A_198 {strides = array<i32>} : memref<32x1000xf32, #tpu.memory_space<vmem>>, vector<16xf32>,
      %get3A_203 = arith.constant 2 : i32
      %get3A_204 = arith.index_cast %get3A_203 : i32 to index
      %get3A_205 = arith.constant 32 : index
      %get3A_206 = tpu.vector_load %arg9[%get3A_204, %get3A_205] {strides = array<i32>} : memref<32x128xf32, #tpu.memory_space<vmem>>, vector<16xf32>,
      %swap3A_207 = arith.constant 2 : i32
      %swap3A_208 = arith.index_cast %swap3A_207 : i32 to index
      %swap3A_209 = arith.constant 928 : index
      %swap3A_210 = tpu.vector_load %arg7[%swap3A_208, %swap3A_209] {strides = array<i32>} : memref<32x1000xf32, #tpu.memory_space<vmem>>, vector<16xf32>,
      tpu.vector_store %arg7[%swap3A_208, %swap3A_209], %get3A_206 {strides = array<i32>} : memref<32x1000xf32, #tpu.memory_space<vmem>>, vector<16xf32>,
      %get3A_211 = arith.constant 2 : i32
      %get3A_212 = arith.index_cast %get3A_211 : i32 to index
      %get3A_213 = arith.constant 48 : index
      %get3A_214 = tpu.vector_load %arg9[%get3A_212, %get3A_213] {strides = array<i32>} : memref<32x128xf32, #tpu.memory_space<vmem>>, vector<16xf32>,
      %swap3A_215 = arith.constant 2 : i32
      %swap3A_216 = arith.index_cast %swap3A_215 : i32 to index
      %swap3A_217 = arith.constant 944 : index
      %swap3A_218 = tpu.vector_load %arg7[%swap3A_216, %swap3A_217] {strides = array<i32>} : memref<32x1000xf32, #tpu.memory_space<vmem>>, vector<16xf32>,
      tpu.vector_store %arg7[%swap3A_216, %swap3A_217], %get3A_214 {strides = array<i32>} : memref<32x1000xf32, #tpu.memory_space<vmem>>, vector<16xf32>,
      %get3A_219 = arith.constant 2 : i32
      %get3A_220 = arith.index_cast %get3A_219 : i32 to index
      %get3A_221 = arith.constant 64 : index
      %get3A_222 = tpu.vector_load %arg9[%get3A_220, %get3A_221] {strides = array<i32>} : memref<32x128xf32, #tpu.memory_space<vmem>>, vector<16xf32>,
      %swap3A_223 = arith.constant 2 : i32
      %swap3A_224 = arith.index_cast %swap3A_223 : i32 to index
      %swap3A_225 = arith.constant 960 : index
      %swap3A_226 = tpu.vector_load %arg7[%swap3A_224, %swap3A_225] {strides = array<i32>} : memref<32x1000xf32, #tpu.memory_space<vmem>>, vector<16xf32>,
      tpu.vector_store %arg7[%swap3A_224, %swap3A_225], %get3A_222 {strides = array<i32>} : memref<32x1000xf32, #tpu.memory_space<vmem>>, vector<16xf32>,
      %get3A_227 = arith.constant 2 : i32
      %get3A_228 = arith.index_cast %get3A_227 : i32 to index
      %get3A_229 = arith.constant 80 : index
      %get3A_230 = tpu.vector_load %arg9[%get3A_228, %get3A_229] {strides = array<i32>} : memref<32x128xf32, #tpu.memory_space<vmem>>, vector<16xf32>,
      %swap3A_231 = arith.constant 2 : i32
      %swap3A_232 = arith.index_cast %swap3A_231 : i32 to index
      %swap3A_233 = arith.constant 976 : index
      %swap3A_234 = tpu.vector_load %arg7[%swap3A_232, %swap3A_233] {strides = array<i32>} : memref<32x1000xf32, #tpu.memory_space<vmem>>, vector<16xf32>,
      tpu.vector_store %arg7[%swap3A_232, %swap3A_233], %get3A_230 {strides = array<i32>} : memref<32x1000xf32, #tpu.memory_space<vmem>>, vector<16xf32>,
      %get3A_235 = arith.constant 2 : i32
      %get3A_236 = arith.index_cast %get3A_235 : i32 to index
      %get3A_237 = arith.constant 96 : index
      %get3A_238 = tpu.vector_load %arg9[%get3A_236, %get3A_237] {strides = array<i32>} : memref<32x128xf32, #tpu.memory_space<vmem>>, vector<16xf32>,
      %broadcast_in_dim3A_239 = arith.constant 2 : i32
      %broadcast_in_dim3A_240 = vector.broadcast %broadcast_in_dim3A_239 : i32 to vector<16xi32>
      %add3A_241 = arith.constant 992 : i32
      %add3A_242 = vector.broadcast %add3A_241 : i32 to vector<16xi32>
      %add3A_243 = arith.addi %add3A_242, %iota3A : vector<16xi32>
      tpu.vector_store_idx %arg7[%broadcast_in_dim3A_240, %add3A_243], %get3A_238 masked %lt3A_75 : memref<32x1000xf32, #tpu.memory_space<vmem>>[vector<16xi32>, vector<16xi32>], vector<16xf32>, vector<16xi1>
      %get3A_244 = arith.constant 3 : i32
      %get3A_245 = arith.index_cast %get3A_244 : i32 to index
      %get3A_246 = arith.constant 0 : index
      %get3A_247 = tpu.vector_load %arg9[%get3A_245, %get3A_246] {strides = array<i32>} : memref<32x128xf32, #tpu.memory_space<vmem>>, vector<16xf32>,
      %swap3A_248 = arith.constant 3 : i32
      %swap3A_249 = arith.index_cast %swap3A_248 : i32 to index
      %swap3A_250 = arith.constant 896 : index
      %swap3A_251 = tpu.vector_load %arg7[%swap3A_249, %swap3A_250] {strides = array<i32>} : memref<32x1000xf32, #tpu.memory_space<vmem>>, vector<16xf32>,
      tpu.vector_store %arg7[%swap3A_249, %swap3A_250], %get3A_247 {strides = array<i32>} : memref<32x1000xf32, #tpu.memory_space<vmem>>, vector<16xf32>,
      %get3A_252 = arith.constant 3 : i32
      %get3A_253 = arith.index_cast %get3A_252 : i32 to index
      %get3A_254 = arith.constant 16 : index
      %get3A_255 = tpu.vector_load %arg9[%get3A_253, %get3A_254] {strides = array<i32>} : memref<32x128xf32, #tpu.memory_space<vmem>>, vector<16xf32>,
      %swap3A_256 = arith.constant 3 : i32
      %swap3A_257 = arith.index_cast %swap3A_256 : i32 to index
      %swap3A_258 = arith.constant 912 : index
      %swap3A_259 = tpu.vector_load %arg7[%swap3A_257, %swap3A_258] {strides = array<i32>} : memref<32x1000xf32, #tpu.memory_space<vmem>>, vector<16xf32>,
      tpu.vector_store %arg7[%swap3A_257, %swap3A_258], %get3A_255 {strides = array<i32>} : memref<32x1000xf32, #tpu.memory_space<vmem>>, vector<16xf32>,
      %get3A_260 = arith.constant 3 : i32
      %get3A_261 = arith.index_cast %get3A_260 : i32 to index
      %get3A_262 = arith.constant 32 : index
      %get3A_263 = tpu.vector_load %arg9[%get3A_261, %get3A_262] {strides = array<i32>} : memref<32x128xf32, #tpu.memory_space<vmem>>, vector<16xf32>,
      %swap3A_264 = arith.constant 3 : i32
      %swap3A_265 = arith.index_cast %swap3A_264 : i32 to index
      %swap3A_266 = arith.constant 928 : index
      %swap3A_267 = tpu.vector_load %arg7[%swap3A_265, %swap3A_266] {strides = array<i32>} : memref<32x1000xf32, #tpu.memory_space<vmem>>, vector<16xf32>,
      tpu.vector_store %arg7[%swap3A_265, %swap3A_266], %get3A_263 {strides = array<i32>} : memref<32x1000xf32, #tpu.memory_space<vmem>>, vector<16xf32>,
      %get3A_268 = arith.constant 3 : i32
      %get3A_269 = arith.index_cast %get3A_268 : i32 to index
      %get3A_270 = arith.constant 48 : index
      %get3A_271 = tpu.vector_load %arg9[%get3A_269, %get3A_270] {strides = array<i32>} : memref<32x128xf32, #tpu.memory_space<vmem>>, vector<16xf32>,
      %swap3A_272 = arith.constant 3 : i32
      %swap3A_273 = arith.index_cast %swap3A_272 : i32 to index
      %swap3A_274 = arith.constant 944 : index
      %swap3A_275 = tpu.vector_load %arg7[%swap3A_273, %swap3A_274] {strides = array<i32>} : memref<32x1000xf32, #tpu.memory_space<vmem>>, vector<16xf32>,
      tpu.vector_store %arg7[%swap3A_273, %swap3A_274], %get3A_271 {strides = array<i32>} : memref<32x1000xf32, #tpu.memory_space<vmem>>, vector<16xf32>,
      %get3A_276 = arith.constant 3 : i32
      %get3A_277 = arith.index_cast %get3A_276 : i32 to index
      %get3A_278 = arith.constant 64 : index
      %get3A_279 = tpu.vector_load %arg9[%get3A_277, %get3A_278] {strides = array<i32>} : memref<32x128xf32, #tpu.memory_space<vmem>>, vector<16xf32>,
      %swap3A_280 = arith.constant 3 : i32
      %swap3A_281 = arith.index_cast %swap3A_280 : i32 to index
      %swap3A_282 = arith.constant 960 : index
      %swap3A_283 = tpu.vector_load %arg7[%swap3A_281, %swap3A_282] {strides = array<i32>} : memref<32x1000xf32, #tpu.memory_space<vmem>>, vector<16xf32>,
      tpu.vector_store %arg7[%swap3A_281, %swap3A_282], %get3A_279 {strides = array<i32>} : memref<32x1000xf32, #tpu.memory_space<vmem>>, vector<16xf32>,
      %get3A_284 = arith.constant 3 : i32
      %get3A_285 = arith.index_cast %get3A_284 : i32 to index
      %get3A_286 = arith.constant 80 : index
      %get3A_287 = tpu.vector_load %arg9[%get3A_285, %get3A_286] {strides = array<i32>} : memref<32x128xf32, #tpu.memory_space<vmem>>, vector<16xf32>,
      %swap3A_288 = arith.constant 3 : i32
      %swap3A_289 = arith.index_cast %swap3A_288 : i32 to index
      %swap3A_290 = arith.constant 976 : index
      %swap3A_291 = tpu.vector_load %arg7[%swap3A_289, %swap3A_290] {strides = array<i32>} : memref<32x1000xf32, #tpu.memory_space<vmem>>, vector<16xf32>,
      tpu.vector_store %arg7[%swap3A_289, %swap3A_290], %get3A_287 {strides = array<i32>} : memref<32x1000xf32, #tpu.memory_space<vmem>>, vector<16xf32>,
      %get3A_292 = arith.constant 3 : i32
      %get3A_293 = arith.index_cast %get3A_292 : i32 to index
      %get3A_294 = arith.constant 96 : index
      %get3A_295 = tpu.vector_load %arg9[%get3A_293, %get3A_294] {strides = array<i32>} : memref<32x128xf32, #tpu.memory_space<vmem>>, vector<16xf32>,
      %broadcast_in_dim3A_296 = arith.constant 3 : i32
      %broadcast_in_dim3A_297 = vector.broadcast %broadcast_in_dim3A_296 : i32 to vector<16xi32>
      %add3A_298 = arith.constant 992 : i32
      %add3A_299 = vector.broadcast %add3A_298 : i32 to vector<16xi32>
      %add3A_300 = arith.addi %add3A_299, %iota3A : vector<16xi32>
      tpu.vector_store_idx %arg7[%broadcast_in_dim3A_297, %add3A_300], %get3A_295 masked %lt3A_75 : memref<32x1000xf32, #tpu.memory_space<vmem>>[vector<16xi32>, vector<16xi32>], vector<16xf32>, vector<16xi1>
      %get3A_301 = arith.constant 4 : i32
      %get3A_302 = arith.index_cast %get3A_301 : i32 to index
      %get3A_303 = arith.constant 0 : index
      %get3A_304 = tpu.vector_load %arg9[%get3A_302, %get3A_303] {strides = array<i32>} : memref<32x128xf32, #tpu.memory_space<vmem>>, vector<16xf32>,
      %swap3A_305 = arith.constant 4 : i32
      %swap3A_306 = arith.index_cast %swap3A_305 : i32 to index
      %swap3A_307 = arith.constant 896 : index
      %swap3A_308 = tpu.vector_load %arg7[%swap3A_306, %swap3A_307] {strides = array<i32>} : memref<32x1000xf32, #tpu.memory_space<vmem>>, vector<16xf32>,
      tpu.vector_store %arg7[%swap3A_306, %swap3A_307], %get3A_304 {strides = array<i32>} : memref<32x1000xf32, #tpu.memory_space<vmem>>, vector<16xf32>,
      %get3A_309 = arith.constant 4 : i32
      %get3A_310 = arith.index_cast %get3A_309 : i32 to index
      %get3A_311 = arith.constant 16 : index
      %get3A_312 = tpu.vector_load %arg9[%get3A_310, %get3A_311] {strides = array<i32>} : memref<32x128xf32, #tpu.memory_space<vmem>>, vector<16xf32>,
      %swap3A_313 = arith.constant 4 : i32
      %swap3A_314 = arith.index_cast %swap3A_313 : i32 to index
      %swap3A_315 = arith.constant 912 : index
      %swap3A_316 = tpu.vector_load %arg7[%swap3A_314, %swap3A_315] {strides = array<i32>} : memref<32x1000xf32, #tpu.memory_space<vmem>>, vector<16xf32>,
      tpu.vector_store %arg7[%swap3A_314, %swap3A_315], %get3A_312 {strides = array<i32>} : memref<32x1000xf32, #tpu.memory_space<vmem>>, vector<16xf32>,
      %get3A_317 = arith.constant 4 : i32
      %get3A_318 = arith.index_cast %get3A_317 : i32 to index
      %get3A_319 = arith.constant 32 : index
      %get3A_320 = tpu.vector_load %arg9[%get3A_318, %get3A_319] {strides = array<i32>} : memref<32x128xf32, #tpu.memory_space<vmem>>, vector<16xf32>,
      %swap3A_321 = arith.constant 4 : i32
      %swap3A_322 = arith.index_cast %swap3A_321 : i32 to index
      %swap3A_323 = arith.constant 928 : index
      %swap3A_324 = tpu.vector_load %arg7[%swap3A_322, %swap3A_323] {strides = array<i32>} : memref<32x1000xf32, #tpu.memory_space<vmem>>, vector<16xf32>,
      tpu.vector_store %arg7[%swap3A_322, %swap3A_323], %get3A_320 {strides = array<i32>} : memref<32x1000xf32, #tpu.memory_space<vmem>>, vector<16xf32>,
      %get3A_325 = arith.constant 4 : i32
      %get3A_326 = arith.index_cast %get3A_325 : i32 to index
      %get3A_327 = arith.constant 48 : index
      %get3A_328 = tpu.vector_load %arg9[%get3A_326, %get3A_327] {strides = array<i32>} : memref<32x128xf32, #tpu.memory_space<vmem>>, vector<16xf32>,
      %swap3A_329 = arith.constant 4 : i32
      %swap3A_330 = arith.index_cast %swap3A_329 : i32 to index
      %swap3A_331 = arith.constant 944 : index
      %swap3A_332 = tpu.vector_load %arg7[%swap3A_330, %swap3A_331] {strides = array<i32>} : memref<32x1000xf32, #tpu.memory_space<vmem>>, vector<16xf32>,
      tpu.vector_store %arg7[%swap3A_330, %swap3A_331], %get3A_328 {strides = array<i32>} : memref<32x1000xf32, #tpu.memory_space<vmem>>, vector<16xf32>,
      %get3A_333 = arith.constant 4 : i32
      %get3A_334 = arith.index_cast %get3A_333 : i32 to index
      %get3A_335 = arith.constant 64 : index
      %get3A_336 = tpu.vector_load %arg9[%get3A_334, %get3A_335] {strides = array<i32>} : memref<32x128xf32, #tpu.memory_space<vmem>>, vector<16xf32>,
      %swap3A_337 = arith.constant 4 : i32
      %swap3A_338 = arith.index_cast %swap3A_337 : i32 to index
      %swap3A_339 = arith.constant 960 : index
      %swap3A_340 = tpu.vector_load %arg7[%swap3A_338, %swap3A_339] {strides = array<i32>} : memref<32x1000xf32, #tpu.memory_space<vmem>>, vector<16xf32>,
      tpu.vector_store %arg7[%swap3A_338, %swap3A_339], %get3A_336 {strides = array<i32>} : memref<32x1000xf32, #tpu.memory_space<vmem>>, vector<16xf32>,
      %get3A_341 = arith.constant 4 : i32
      %get3A_342 = arith.index_cast %get3A_341 : i32 to index
      %get3A_343 = arith.constant 80 : index
      %get3A_344 = tpu.vector_load %arg9[%get3A_342, %get3A_343] {strides = array<i32>} : memref<32x128xf32, #tpu.memory_space<vmem>>, vector<16xf32>,
      %swap3A_345 = arith.constant 4 : i32
      %swap3A_346 = arith.index_cast %swap3A_345 : i32 to index
      %swap3A_347 = arith.constant 976 : index
      %swap3A_348 = tpu.vector_load %arg7[%swap3A_346, %swap3A_347] {strides = array<i32>} : memref<32x1000xf32, #tpu.memory_space<vmem>>, vector<16xf32>,
      tpu.vector_store %arg7[%swap3A_346, %swap3A_347], %get3A_344 {strides = array<i32>} : memref<32x1000xf32, #tpu.memory_space<vmem>>, vector<16xf32>,
      %get3A_349 = arith.constant 4 : i32
      %get3A_350 = arith.index_cast %get3A_349 : i32 to index
      %get3A_351 = arith.constant 96 : index
      %get3A_352 = tpu.vector_load %arg9[%get3A_350, %get3A_351] {strides = array<i32>} : memref<32x128xf32, #tpu.memory_space<vmem>>, vector<16xf32>,
      %broadcast_in_dim3A_353 = arith.constant 4 : i32
      %broadcast_in_dim3A_354 = vector.broadcast %broadcast_in_dim3A_353 : i32 to vector<16xi32>
      %add3A_355 = arith.constant 992 : i32
      %add3A_356 = vector.broadcast %add3A_355 : i32 to vector<16xi32>
      %add3A_357 = arith.addi %add3A_356, %iota3A : vector<16xi32>
      tpu.vector_store_idx %arg7[%broadcast_in_dim3A_354, %add3A_357], %get3A_352 masked %lt3A_75 : memref<32x1000xf32, #tpu.memory_space<vmem>>[vector<16xi32>, vector<16xi32>], vector<16xf32>, vector<16xi1>
      %get3A_358 = arith.constant 5 : i32
      %get3A_359 = arith.index_cast %get3A_358 : i32 to index
      %get3A_360 = arith.constant 0 : index
      %get3A_361 = tpu.vector_load %arg9[%get3A_359, %get3A_360] {strides = array<i32>} : memref<32x128xf32, #tpu.memory_space<vmem>>, vector<16xf32>,
      %swap3A_362 = arith.constant 5 : i32
      %swap3A_363 = arith.index_cast %swap3A_362 : i32 to index
      %swap3A_364 = arith.constant 896 : index
      %swap3A_365 = tpu.vector_load %arg7[%swap3A_363, %swap3A_364] {strides = array<i32>} : memref<32x1000xf32, #tpu.memory_space<vmem>>, vector<16xf32>,
      tpu.vector_store %arg7[%swap3A_363, %swap3A_364], %get3A_361 {strides = array<i32>} : memref<32x1000xf32, #tpu.memory_space<vmem>>, vector<16xf32>,
      %get3A_366 = arith.constant 5 : i32
      %get3A_367 = arith.index_cast %get3A_366 : i32 to index
      %get3A_368 = arith.constant 16 : index
      %get3A_369 = tpu.vector_load %arg9[%get3A_367, %get3A_368] {strides = array<i32>} : memref<32x128xf32, #tpu.memory_space<vmem>>, vector<16xf32>,
      %swap3A_370 = arith.constant 5 : i32
      %swap3A_371 = arith.index_cast %swap3A_370 : i32 to index
      %swap3A_372 = arith.constant 912 : index
      %swap3A_373 = tpu.vector_load %arg7[%swap3A_371, %swap3A_372] {strides = array<i32>} : memref<32x1000xf32, #tpu.memory_space<vmem>>, vector<16xf32>,
      tpu.vector_store %arg7[%swap3A_371, %swap3A_372], %get3A_369 {strides = array<i32>} : memref<32x1000xf32, #tpu.memory_space<vmem>>, vector<16xf32>,
      %get3A_374 = arith.constant 5 : i32
      %get3A_375 = arith.index_cast %get3A_374 : i32 to index
      %get3A_376 = arith.constant 32 : index
      %get3A_377 = tpu.vector_load %arg9[%get3A_375, %get3A_376] {strides = array<i32>} : memref<32x128xf32, #tpu.memory_space<vmem>>, vector<16xf32>,
      %swap3A_378 = arith.constant 5 : i32
      %swap3A_379 = arith.index_cast %swap3A_378 : i32 to index
      %swap3A_380 = arith.constant 928 : index
      %swap3A_381 = tpu.vector_load %arg7[%swap3A_379, %swap3A_380] {strides = array<i32>} : memref<32x1000xf32, #tpu.memory_space<vmem>>, vector<16xf32>,
      tpu.vector_store %arg7[%swap3A_379, %swap3A_380], %get3A_377 {strides = array<i32>} : memref<32x1000xf32, #tpu.memory_space<vmem>>, vector<16xf32>,
      %get3A_382 = arith.constant 5 : i32
      %get3A_383 = arith.index_cast %get3A_382 : i32 to index
      %get3A_384 = arith.constant 48 : index
      %get3A_385 = tpu.vector_load %arg9[%get3A_383, %get3A_384] {strides = array<i32>} : memref<32x128xf32, #tpu.memory_space<vmem>>, vector<16xf32>,
      %swap3A_386 = arith.constant 5 : i32
      %swap3A_387 = arith.index_cast %swap3A_386 : i32 to index
      %swap3A_388 = arith.constant 944 : index
      %swap3A_389 = tpu.vector_load %arg7[%swap3A_387, %swap3A_388] {strides = array<i32>} : memref<32x1000xf32, #tpu.memory_space<vmem>>, vector<16xf32>,
      tpu.vector_store %arg7[%swap3A_387, %swap3A_388], %get3A_385 {strides = array<i32>} : memref<32x1000xf32, #tpu.memory_space<vmem>>, vector<16xf32>,
      %get3A_390 = arith.constant 5 : i32
      %get3A_391 = arith.index_cast %get3A_390 : i32 to index
      %get3A_392 = arith.constant 64 : index
      %get3A_393 = tpu.vector_load %arg9[%get3A_391, %get3A_392] {strides = array<i32>} : memref<32x128xf32, #tpu.memory_space<vmem>>, vector<16xf32>,
      %swap3A_394 = arith.constant 5 : i32
      %swap3A_395 = arith.index_cast %swap3A_394 : i32 to index
      %swap3A_396 = arith.constant 960 : index
      %swap3A_397 = tpu.vector_load %arg7[%swap3A_395, %swap3A_396] {strides = array<i32>} : memref<32x1000xf32, #tpu.memory_space<vmem>>, vector<16xf32>,
      tpu.vector_store %arg7[%swap3A_395, %swap3A_396], %get3A_393 {strides = array<i32>} : memref<32x1000xf32, #tpu.memory_space<vmem>>, vector<16xf32>,
      %get3A_398 = arith.constant 5 : i32
      %get3A_399 = arith.index_cast %get3A_398 : i32 to index
      %get3A_400 = arith.constant 80 : index
      %get3A_401 = tpu.vector_load %arg9[%get3A_399, %get3A_400] {strides = array<i32>} : memref<32x128xf32, #tpu.memory_space<vmem>>, vector<16xf32>,
      %swap3A_402 = arith.constant 5 : i32
      %swap3A_403 = arith.index_cast %swap3A_402 : i32 to index
      %swap3A_404 = arith.constant 976 : index
      %swap3A_405 = tpu.vector_load %arg7[%swap3A_403, %swap3A_404] {strides = array<i32>} : memref<32x1000xf32, #tpu.memory_space<vmem>>, vector<16xf32>,
      tpu.vector_store %arg7[%swap3A_403, %swap3A_404], %get3A_401 {strides = array<i32>} : memref<32x1000xf32, #tpu.memory_space<vmem>>, vector<16xf32>,
      %get3A_406 = arith.constant 5 : i32
      %get3A_407 = arith.index_cast %get3A_406 : i32 to index
      %get3A_408 = arith.constant 96 : index
      %get3A_409 = tpu.vector_load %arg9[%get3A_407, %get3A_408] {strides = array<i32>} : memref<32x128xf32, #tpu.memory_space<vmem>>, vector<16xf32>,
      %broadcast_in_dim3A_410 = arith.constant 5 : i32
      %broadcast_in_dim3A_411 = vector.broadcast %broadcast_in_dim3A_410 : i32 to vector<16xi32>
      %add3A_412 = arith.constant 992 : i32
      %add3A_413 = vector.broadcast %add3A_412 : i32 to vector<16xi32>
      %add3A_414 = arith.addi %add3A_413, %iota3A : vector<16xi32>
      tpu.vector_store_idx %arg7[%broadcast_in_dim3A_411, %add3A_414], %get3A_409 masked %lt3A_75 : memref<32x1000xf32, #tpu.memory_space<vmem>>[vector<16xi32>, vector<16xi32>], vector<16xf32>, vector<16xi1>
      %get3A_415 = arith.constant 6 : i32
      %get3A_416 = arith.index_cast %get3A_415 : i32 to index
      %get3A_417 = arith.constant 0 : index
      %get3A_418 = tpu.vector_load %arg9[%get3A_416, %get3A_417] {strides = array<i32>} : memref<32x128xf32, #tpu.memory_space<vmem>>, vector<16xf32>,
      %swap3A_419 = arith.constant 6 : i32
      %swap3A_420 = arith.index_cast %swap3A_419 : i32 to index
      %swap3A_421 = arith.constant 896 : index
      %swap3A_422 = tpu.vector_load %arg7[%swap3A_420, %swap3A_421] {strides = array<i32>} : memref<32x1000xf32, #tpu.memory_space<vmem>>, vector<16xf32>,
      tpu.vector_store %arg7[%swap3A_420, %swap3A_421], %get3A_418 {strides = array<i32>} : memref<32x1000xf32, #tpu.memory_space<vmem>>, vector<16xf32>,
      %get3A_423 = arith.constant 6 : i32
      %get3A_424 = arith.index_cast %get3A_423 : i32 to index
      %get3A_425 = arith.constant 16 : index
      %get3A_426 = tpu.vector_load %arg9[%get3A_424, %get3A_425] {strides = array<i32>} : memref<32x128xf32, #tpu.memory_space<vmem>>, vector<16xf32>,
      %swap3A_427 = arith.constant 6 : i32
      %swap3A_428 = arith.index_cast %swap3A_427 : i32 to index
      %swap3A_429 = arith.constant 912 : index
      %swap3A_430 = tpu.vector_load %arg7[%swap3A_428, %swap3A_429] {strides = array<i32>} : memref<32x1000xf32, #tpu.memory_space<vmem>>, vector<16xf32>,
      tpu.vector_store %arg7[%swap3A_428, %swap3A_429], %get3A_426 {strides = array<i32>} : memref<32x1000xf32, #tpu.memory_space<vmem>>, vector<16xf32>,
      %get3A_431 = arith.constant 6 : i32
      %get3A_432 = arith.index_cast %get3A_431 : i32 to index
      %get3A_433 = arith.constant 32 : index
      %get3A_434 = tpu.vector_load %arg9[%get3A_432, %get3A_433] {strides = array<i32>} : memref<32x128xf32, #tpu.memory_space<vmem>>, vector<16xf32>,
      %swap3A_435 = arith.constant 6 : i32
      %swap3A_436 = arith.index_cast %swap3A_435 : i32 to index
      %swap3A_437 = arith.constant 928 : index
      %swap3A_438 = tpu.vector_load %arg7[%swap3A_436, %swap3A_437] {strides = array<i32>} : memref<32x1000xf32, #tpu.memory_space<vmem>>, vector<16xf32>,
      tpu.vector_store %arg7[%swap3A_436, %swap3A_437], %get3A_434 {strides = array<i32>} : memref<32x1000xf32, #tpu.memory_space<vmem>>, vector<16xf32>,
      %get3A_439 = arith.constant 6 : i32
      %get3A_440 = arith.index_cast %get3A_439 : i32 to index
      %get3A_441 = arith.constant 48 : index
      %get3A_442 = tpu.vector_load %arg9[%get3A_440, %get3A_441] {strides = array<i32>} : memref<32x128xf32, #tpu.memory_space<vmem>>, vector<16xf32>,
      %swap3A_443 = arith.constant 6 : i32
      %swap3A_444 = arith.index_cast %swap3A_443 : i32 to index
      %swap3A_445 = arith.constant 944 : index
      %swap3A_446 = tpu.vector_load %arg7[%swap3A_444, %swap3A_445] {strides = array<i32>} : memref<32x1000xf32, #tpu.memory_space<vmem>>, vector<16xf32>,
      tpu.vector_store %arg7[%swap3A_444, %swap3A_445], %get3A_442 {strides = array<i32>} : memref<32x1000xf32, #tpu.memory_space<vmem>>, vector<16xf32>,
      %get3A_447 = arith.constant 6 : i32
      %get3A_448 = arith.index_cast %get3A_447 : i32 to index
      %get3A_449 = arith.constant 64 : index
      %get3A_450 = tpu.vector_load %arg9[%get3A_448, %get3A_449] {strides = array<i32>} : memref<32x128xf32, #tpu.memory_space<vmem>>, vector<16xf32>,
      %swap3A_451 = arith.constant 6 : i32
      %swap3A_452 = arith.index_cast %swap3A_451 : i32 to index
      %swap3A_453 = arith.constant 960 : index
      %swap3A_454 = tpu.vector_load %arg7[%swap3A_452, %swap3A_453] {strides = array<i32>} : memref<32x1000xf32, #tpu.memory_space<vmem>>, vector<16xf32>,
      tpu.vector_store %arg7[%swap3A_452, %swap3A_453], %get3A_450 {strides = array<i32>} : memref<32x1000xf32, #tpu.memory_space<vmem>>, vector<16xf32>,
      %get3A_455 = arith.constant 6 : i32
      %get3A_456 = arith.index_cast %get3A_455 : i32 to index
      %get3A_457 = arith.constant 80 : index
      %get3A_458 = tpu.vector_load %arg9[%get3A_456, %get3A_457] {strides = array<i32>} : memref<32x128xf32, #tpu.memory_space<vmem>>, vector<16xf32>,
      %swap3A_459 = arith.constant 6 : i32
      %swap3A_460 = arith.index_cast %swap3A_459 : i32 to index
      %swap3A_461 = arith.constant 976 : index
      %swap3A_462 = tpu.vector_load %arg7[%swap3A_460, %swap3A_461] {strides = array<i32>} : memref<32x1000xf32, #tpu.memory_space<vmem>>, vector<16xf32>,
      tpu.vector_store %arg7[%swap3A_460, %swap3A_461], %get3A_458 {strides = array<i32>} : memref<32x1000xf32, #tpu.memory_space<vmem>>, vector<16xf32>,
      %get3A_463 = arith.constant 6 : i32
      %get3A_464 = arith.index_cast %get3A_463 : i32 to index
      %get3A_465 = arith.constant 96 : index
      %get3A_466 = tpu.vector_load %arg9[%get3A_464, %get3A_465] {strides = array<i32>} : memref<32x128xf32, #tpu.memory_space<vmem>>, vector<16xf32>,
      %broadcast_in_dim3A_467 = arith.constant 6 : i32
      %broadcast_in_dim3A_468 = vector.broadcast %broadcast_in_dim3A_467 : i32 to vector<16xi32>
      %add3A_469 = arith.constant 992 : i32
      %add3A_470 = vector.broadcast %add3A_469 : i32 to vector<16xi32>
      %add3A_471 = arith.addi %add3A_470, %iota3A : vector<16xi32>
      tpu.vector_store_idx %arg7[%broadcast_in_dim3A_468, %add3A_471], %get3A_466 masked %lt3A_75 : memref<32x1000xf32, #tpu.memory_space<vmem>>[vector<16xi32>, vector<16xi32>], vector<16xf32>, vector<16xi1>
      %get3A_472 = arith.constant 7 : i32
      %get3A_473 = arith.index_cast %get3A_472 : i32 to index
      %get3A_474 = arith.constant 0 : index
      %get3A_475 = tpu.vector_load %arg9[%get3A_473, %get3A_474] {strides = array<i32>} : memref<32x128xf32, #tpu.memory_space<vmem>>, vector<16xf32>,
      %swap3A_476 = arith.constant 7 : i32
      %swap3A_477 = arith.index_cast %swap3A_476 : i32 to index
      %swap3A_478 = arith.constant 896 : index
      %swap3A_479 = tpu.vector_load %arg7[%swap3A_477, %swap3A_478] {strides = array<i32>} : memref<32x1000xf32, #tpu.memory_space<vmem>>, vector<16xf32>,
      tpu.vector_store %arg7[%swap3A_477, %swap3A_478], %get3A_475 {strides = array<i32>} : memref<32x1000xf32, #tpu.memory_space<vmem>>, vector<16xf32>,
      %get3A_480 = arith.constant 7 : i32
      %get3A_481 = arith.index_cast %get3A_480 : i32 to index
      %get3A_482 = arith.constant 16 : index
      %get3A_483 = tpu.vector_load %arg9[%get3A_481, %get3A_482] {strides = array<i32>} : memref<32x128xf32, #tpu.memory_space<vmem>>, vector<16xf32>,
      %swap3A_484 = arith.constant 7 : i32
      %swap3A_485 = arith.index_cast %swap3A_484 : i32 to index
      %swap3A_486 = arith.constant 912 : index
      %swap3A_487 = tpu.vector_load %arg7[%swap3A_485, %swap3A_486] {strides = array<i32>} : memref<32x1000xf32, #tpu.memory_space<vmem>>, vector<16xf32>,
      tpu.vector_store %arg7[%swap3A_485, %swap3A_486], %get3A_483 {strides = array<i32>} : memref<32x1000xf32, #tpu.memory_space<vmem>>, vector<16xf32>,
      %get3A_488 = arith.constant 7 : i32
      %get3A_489 = arith.index_cast %get3A_488 : i32 to index
      %get3A_490 = arith.constant 32 : index
      %get3A_491 = tpu.vector_load %arg9[%get3A_489, %get3A_490] {strides = array<i32>} : memref<32x128xf32, #tpu.memory_space<vmem>>, vector<16xf32>,
      %swap3A_492 = arith.constant 7 : i32
      %swap3A_493 = arith.index_cast %swap3A_492 : i32 to index
      %swap3A_494 = arith.constant 928 : index
      %swap3A_495 = tpu.vector_load %arg7[%swap3A_493, %swap3A_494] {strides = array<i32>} : memref<32x1000xf32, #tpu.memory_space<vmem>>, vector<16xf32>,
      tpu.vector_store %arg7[%swap3A_493, %swap3A_494], %get3A_491 {strides = array<i32>} : memref<32x1000xf32, #tpu.memory_space<vmem>>, vector<16xf32>,
      %get3A_496 = arith.constant 7 : i32
      %get3A_497 = arith.index_cast %get3A_496 : i32 to index
      %get3A_498 = arith.constant 48 : index
      %get3A_499 = tpu.vector_load %arg9[%get3A_497, %get3A_498] {strides = array<i32>} : memref<32x128xf32, #tpu.memory_space<vmem>>, vector<16xf32>,
      %swap3A_500 = arith.constant 7 : i32
      %swap3A_501 = arith.index_cast %swap3A_500 : i32 to index
      %swap3A_502 = arith.constant 944 : index
      %swap3A_503 = tpu.vector_load %arg7[%swap3A_501, %swap3A_502] {strides = array<i32>} : memref<32x1000xf32, #tpu.memory_space<vmem>>, vector<16xf32>,
      tpu.vector_store %arg7[%swap3A_501, %swap3A_502], %get3A_499 {strides = array<i32>} : memref<32x1000xf32, #tpu.memory_space<vmem>>, vector<16xf32>,
      %get3A_504 = arith.constant 7 : i32
      %get3A_505 = arith.index_cast %get3A_504 : i32 to index
      %get3A_506 = arith.constant 64 : index
      %get3A_507 = tpu.vector_load %arg9[%get3A_505, %get3A_506] {strides = array<i32>} : memref<32x128xf32, #tpu.memory_space<vmem>>, vector<16xf32>,
      %swap3A_508 = arith.constant 7 : i32
      %swap3A_509 = arith.index_cast %swap3A_508 : i32 to index
      %swap3A_510 = arith.constant 960 : index
      %swap3A_511 = tpu.vector_load %arg7[%swap3A_509, %swap3A_510] {strides = array<i32>} : memref<32x1000xf32, #tpu.memory_space<vmem>>, vector<16xf32>,
      tpu.vector_store %arg7[%swap3A_509, %swap3A_510], %get3A_507 {strides = array<i32>} : memref<32x1000xf32, #tpu.memory_space<vmem>>, vector<16xf32>,
      %get3A_512 = arith.constant 7 : i32
      %get3A_513 = arith.index_cast %get3A_512 : i32 to index
      %get3A_514 = arith.constant 80 : index
      %get3A_515 = tpu.vector_load %arg9[%get3A_513, %get3A_514] {strides = array<i32>} : memref<32x128xf32, #tpu.memory_space<vmem>>, vector<16xf32>,
      %swap3A_516 = arith.constant 7 : i32
      %swap3A_517 = arith.index_cast %swap3A_516 : i32 to index
      %swap3A_518 = arith.constant 976 : index
      %swap3A_519 = tpu.vector_load %arg7[%swap3A_517, %swap3A_518] {strides = array<i32>} : memref<32x1000xf32, #tpu.memory_space<vmem>>, vector<16xf32>,
      tpu.vector_store %arg7[%swap3A_517, %swap3A_518], %get3A_515 {strides = array<i32>} : memref<32x1000xf32, #tpu.memory_space<vmem>>, vector<16xf32>,
      %get3A_520 = arith.constant 7 : i32
      %get3A_521 = arith.index_cast %get3A_520 : i32 to index
      %get3A_522 = arith.constant 96 : index
      %get3A_523 = tpu.vector_load %arg9[%get3A_521, %get3A_522] {strides = array<i32>} : memref<32x128xf32, #tpu.memory_space<vmem>>, vector<16xf32>,
      %broadcast_in_dim3A_524 = arith.constant 7 : i32
      %broadcast_in_dim3A_525 = vector.broadcast %broadcast_in_dim3A_524 : i32 to vector<16xi32>
      %add3A_526 = arith.constant 992 : i32
      %add3A_527 = vector.broadcast %add3A_526 : i32 to vector<16xi32>
      %add3A_528 = arith.addi %add3A_527, %iota3A : vector<16xi32>
      tpu.vector_store_idx %arg7[%broadcast_in_dim3A_525, %add3A_528], %get3A_523 masked %lt3A_75 : memref<32x1000xf32, #tpu.memory_space<vmem>>[vector<16xi32>, vector<16xi32>], vector<16xf32>, vector<16xi1>
      %get3A_529 = arith.constant 8 : i32
      %get3A_530 = arith.index_cast %get3A_529 : i32 to index
      %get3A_531 = arith.constant 0 : index
      %get3A_532 = tpu.vector_load %arg9[%get3A_530, %get3A_531] {strides = array<i32>} : memref<32x128xf32, #tpu.memory_space<vmem>>, vector<16xf32>,
      %swap3A_533 = arith.constant 8 : i32
      %swap3A_534 = arith.index_cast %swap3A_533 : i32 to index
      %swap3A_535 = arith.constant 896 : index
      %swap3A_536 = tpu.vector_load %arg7[%swap3A_534, %swap3A_535] {strides = array<i32>} : memref<32x1000xf32, #tpu.memory_space<vmem>>, vector<16xf32>,
      tpu.vector_store %arg7[%swap3A_534, %swap3A_535], %get3A_532 {strides = array<i32>} : memref<32x1000xf32, #tpu.memory_space<vmem>>, vector<16xf32>,
      %get3A_537 = arith.constant 8 : i32
      %get3A_538 = arith.index_cast %get3A_537 : i32 to index
      %get3A_539 = arith.constant 16 : index
      %get3A_540 = tpu.vector_load %arg9[%get3A_538, %get3A_539] {strides = array<i32>} : memref<32x128xf32, #tpu.memory_space<vmem>>, vector<16xf32>,
      %swap3A_541 = arith.constant 8 : i32
      %swap3A_542 = arith.index_cast %swap3A_541 : i32 to index
      %swap3A_543 = arith.constant 912 : index
      %swap3A_544 = tpu.vector_load %arg7[%swap3A_542, %swap3A_543] {strides = array<i32>} : memref<32x1000xf32, #tpu.memory_space<vmem>>, vector<16xf32>,
      tpu.vector_store %arg7[%swap3A_542, %swap3A_543], %get3A_540 {strides = array<i32>} : memref<32x1000xf32, #tpu.memory_space<vmem>>, vector<16xf32>,
      %get3A_545 = arith.constant 8 : i32
      %get3A_546 = arith.index_cast %get3A_545 : i32 to index
      %get3A_547 = arith.constant 32 : index
      %get3A_548 = tpu.vector_load %arg9[%get3A_546, %get3A_547] {strides = array<i32>} : memref<32x128xf32, #tpu.memory_space<vmem>>, vector<16xf32>,
      %swap3A_549 = arith.constant 8 : i32
      %swap3A_550 = arith.index_cast %swap3A_549 : i32 to index
      %swap3A_551 = arith.constant 928 : index
      %swap3A_552 = tpu.vector_load %arg7[%swap3A_550, %swap3A_551] {strides = array<i32>} : memref<32x1000xf32, #tpu.memory_space<vmem>>, vector<16xf32>,
      tpu.vector_store %arg7[%swap3A_550, %swap3A_551], %get3A_548 {strides = array<i32>} : memref<32x1000xf32, #tpu.memory_space<vmem>>, vector<16xf32>,
      %get3A_553 = arith.constant 8 : i32
      %get3A_554 = arith.index_cast %get3A_553 : i32 to index
      %get3A_555 = arith.constant 48 : index
      %get3A_556 = tpu.vector_load %arg9[%get3A_554, %get3A_555] {strides = array<i32>} : memref<32x128xf32, #tpu.memory_space<vmem>>, vector<16xf32>,
      %swap3A_557 = arith.constant 8 : i32
      %swap3A_558 = arith.index_cast %swap3A_557 : i32 to index
      %swap3A_559 = arith.constant 944 : index
      %swap3A_560 = tpu.vector_load %arg7[%swap3A_558, %swap3A_559] {strides = array<i32>} : memref<32x1000xf32, #tpu.memory_space<vmem>>, vector<16xf32>,
      tpu.vector_store %arg7[%swap3A_558, %swap3A_559], %get3A_556 {strides = array<i32>} : memref<32x1000xf32, #tpu.memory_space<vmem>>, vector<16xf32>,
      %get3A_561 = arith.constant 8 : i32
      %get3A_562 = arith.index_cast %get3A_561 : i32 to index
      %get3A_563 = arith.constant 64 : index
      %get3A_564 = tpu.vector_load %arg9[%get3A_562, %get3A_563] {strides = array<i32>} : memref<32x128xf32, #tpu.memory_space<vmem>>, vector<16xf32>,
      %swap3A_565 = arith.constant 8 : i32
      %swap3A_566 = arith.index_cast %swap3A_565 : i32 to index
      %swap3A_567 = arith.constant 960 : index
      %swap3A_568 = tpu.vector_load %arg7[%swap3A_566, %swap3A_567] {strides = array<i32>} : memref<32x1000xf32, #tpu.memory_space<vmem>>, vector<16xf32>,
      tpu.vector_store %arg7[%swap3A_566, %swap3A_567], %get3A_564 {strides = array<i32>} : memref<32x1000xf32, #tpu.memory_space<vmem>>, vector<16xf32>,
      %get3A_569 = arith.constant 8 : i32
      %get3A_570 = arith.index_cast %get3A_569 : i32 to index
      %get3A_571 = arith.constant 80 : index
      %get3A_572 = tpu.vector_load %arg9[%get3A_570, %get3A_571] {strides = array<i32>} : memref<32x128xf32, #tpu.memory_space<vmem>>, vector<16xf32>,
      %swap3A_573 = arith.constant 8 : i32
      %swap3A_574 = arith.index_cast %swap3A_573 : i32 to index
      %swap3A_575 = arith.constant 976 : index
      %swap3A_576 = tpu.vector_load %arg7[%swap3A_574, %swap3A_575] {strides = array<i32>} : memref<32x1000xf32, #tpu.memory_space<vmem>>, vector<16xf32>,
      tpu.vector_store %arg7[%swap3A_574, %swap3A_575], %get3A_572 {strides = array<i32>} : memref<32x1000xf32, #tpu.memory_space<vmem>>, vector<16xf32>,
      %get3A_577 = arith.constant 8 : i32
      %get3A_578 = arith.index_cast %get3A_577 : i32 to index
      %get3A_579 = arith.constant 96 : index
      %get3A_580 = tpu.vector_load %arg9[%get3A_578, %get3A_579] {strides = array<i32>} : memref<32x128xf32, #tpu.memory_space<vmem>>, vector<16xf32>,
      %broadcast_in_dim3A_581 = arith.constant 8 : i32
      %broadcast_in_dim3A_582 = vector.broadcast %broadcast_in_dim3A_581 : i32 to vector<16xi32>
      %add3A_583 = arith.constant 992 : i32
      %add3A_584 = vector.broadcast %add3A_583 : i32 to vector<16xi32>
      %add3A_585 = arith.addi %add3A_584, %iota3A : vector<16xi32>
      tpu.vector_store_idx %arg7[%broadcast_in_dim3A_582, %add3A_585], %get3A_580 masked %lt3A_75 : memref<32x1000xf32, #tpu.memory_space<vmem>>[vector<16xi32>, vector<16xi32>], vector<16xf32>, vector<16xi1>
      %get3A_586 = arith.constant 9 : i32
      %get3A_587 = arith.index_cast %get3A_586 : i32 to index
      %get3A_588 = arith.constant 0 : index
      %get3A_589 = tpu.vector_load %arg9[%get3A_587, %get3A_588] {strides = array<i32>} : memref<32x128xf32, #tpu.memory_space<vmem>>, vector<16xf32>,
      %swap3A_590 = arith.constant 9 : i32
      %swap3A_591 = arith.index_cast %swap3A_590 : i32 to index
      %swap3A_592 = arith.constant 896 : index
      %swap3A_593 = tpu.vector_load %arg7[%swap3A_591, %swap3A_592] {strides = array<i32>} : memref<32x1000xf32, #tpu.memory_space<vmem>>, vector<16xf32>,
      tpu.vector_store %arg7[%swap3A_591, %swap3A_592], %get3A_589 {strides = array<i32>} : memref<32x1000xf32, #tpu.memory_space<vmem>>, vector<16xf32>,
      %get3A_594 = arith.constant 9 : i32
      %get3A_595 = arith.index_cast %get3A_594 : i32 to index
      %get3A_596 = arith.constant 16 : index
      %get3A_597 = tpu.vector_load %arg9[%get3A_595, %get3A_596] {strides = array<i32>} : memref<32x128xf32, #tpu.memory_space<vmem>>, vector<16xf32>,
      %swap3A_598 = arith.constant 9 : i32
      %swap3A_599 = arith.index_cast %swap3A_598 : i32 to index
      %swap3A_600 = arith.constant 912 : index
      %swap3A_601 = tpu.vector_load %arg7[%swap3A_599, %swap3A_600] {strides = array<i32>} : memref<32x1000xf32, #tpu.memory_space<vmem>>, vector<16xf32>,
      tpu.vector_store %arg7[%swap3A_599, %swap3A_600], %get3A_597 {strides = array<i32>} : memref<32x1000xf32, #tpu.memory_space<vmem>>, vector<16xf32>,
      %get3A_602 = arith.constant 9 : i32
      %get3A_603 = arith.index_cast %get3A_602 : i32 to index
      %get3A_604 = arith.constant 32 : index
      %get3A_605 = tpu.vector_load %arg9[%get3A_603, %get3A_604] {strides = array<i32>} : memref<32x128xf32, #tpu.memory_space<vmem>>, vector<16xf32>,
      %swap3A_606 = arith.constant 9 : i32
      %swap3A_607 = arith.index_cast %swap3A_606 : i32 to index
      %swap3A_608 = arith.constant 928 : index
      %swap3A_609 = tpu.vector_load %arg7[%swap3A_607, %swap3A_608] {strides = array<i32>} : memref<32x1000xf32, #tpu.memory_space<vmem>>, vector<16xf32>,
      tpu.vector_store %arg7[%swap3A_607, %swap3A_608], %get3A_605 {strides = array<i32>} : memref<32x1000xf32, #tpu.memory_space<vmem>>, vector<16xf32>,
      %get3A_610 = arith.constant 9 : i32
      %get3A_611 = arith.index_cast %get3A_610 : i32 to index
      %get3A_612 = arith.constant 48 : index
      %get3A_613 = tpu.vector_load %arg9[%get3A_611, %get3A_612] {strides = array<i32>} : memref<32x128xf32, #tpu.memory_space<vmem>>, vector<16xf32>,
      %swap3A_614 = arith.constant 9 : i32
      %swap3A_615 = arith.index_cast %swap3A_614 : i32 to index
      %swap3A_616 = arith.constant 944 : index
      %swap3A_617 = tpu.vector_load %arg7[%swap3A_615, %swap3A_616] {strides = array<i32>} : memref<32x1000xf32, #tpu.memory_space<vmem>>, vector<16xf32>,
      tpu.vector_store %arg7[%swap3A_615, %swap3A_616], %get3A_613 {strides = array<i32>} : memref<32x1000xf32, #tpu.memory_space<vmem>>, vector<16xf32>,
      %get3A_618 = arith.constant 9 : i32
      %get3A_619 = arith.index_cast %get3A_618 : i32 to index
      %get3A_620 = arith.constant 64 : index
      %get3A_621 = tpu.vector_load %arg9[%get3A_619, %get3A_620] {strides = array<i32>} : memref<32x128xf32, #tpu.memory_space<vmem>>, vector<16xf32>,
      %swap3A_622 = arith.constant 9 : i32
      %swap3A_623 = arith.index_cast %swap3A_622 : i32 to index
      %swap3A_624 = arith.constant 960 : index
      %swap3A_625 = tpu.vector_load %arg7[%swap3A_623, %swap3A_624] {strides = array<i32>} : memref<32x1000xf32, #tpu.memory_space<vmem>>, vector<16xf32>,
      tpu.vector_store %arg7[%swap3A_623, %swap3A_624], %get3A_621 {strides = array<i32>} : memref<32x1000xf32, #tpu.memory_space<vmem>>, vector<16xf32>,
      %get3A_626 = arith.constant 9 : i32
      %get3A_627 = arith.index_cast %get3A_626 : i32 to index
      %get3A_628 = arith.constant 80 : index
      %get3A_629 = tpu.vector_load %arg9[%get3A_627, %get3A_628] {strides = array<i32>} : memref<32x128xf32, #tpu.memory_space<vmem>>, vector<16xf32>,
      %swap3A_630 = arith.constant 9 : i32
      %swap3A_631 = arith.index_cast %swap3A_630 : i32 to index
      %swap3A_632 = arith.constant 976 : index
      %swap3A_633 = tpu.vector_load %arg7[%swap3A_631, %swap3A_632] {strides = array<i32>} : memref<32x1000xf32, #tpu.memory_space<vmem>>, vector<16xf32>,
      tpu.vector_store %arg7[%swap3A_631, %swap3A_632], %get3A_629 {strides = array<i32>} : memref<32x1000xf32, #tpu.memory_space<vmem>>, vector<16xf32>,
      %get3A_634 = arith.constant 9 : i32
      %get3A_635 = arith.index_cast %get3A_634 : i32 to index
      %get3A_636 = arith.constant 96 : index
      %get3A_637 = tpu.vector_load %arg9[%get3A_635, %get3A_636] {strides = array<i32>} : memref<32x128xf32, #tpu.memory_space<vmem>>, vector<16xf32>,
      %broadcast_in_dim3A_638 = arith.constant 9 : i32
      %broadcast_in_dim3A_639 = vector.broadcast %broadcast_in_dim3A_638 : i32 to vector<16xi32>
      %add3A_640 = arith.constant 992 : i32
      %add3A_641 = vector.broadcast %add3A_640 : i32 to vector<16xi32>
      %add3A_642 = arith.addi %add3A_641, %iota3A : vector<16xi32>
      tpu.vector_store_idx %arg7[%broadcast_in_dim3A_639, %add3A_642], %get3A_637 masked %lt3A_75 : memref<32x1000xf32, #tpu.memory_space<vmem>>[vector<16xi32>, vector<16xi32>], vector<16xf32>, vector<16xi1>
      %get3A_643 = arith.constant 10 : i32
      %get3A_644 = arith.index_cast %get3A_643 : i32 to index
      %get3A_645 = arith.constant 0 : index
      %get3A_646 = tpu.vector_load %arg9[%get3A_644, %get3A_645] {strides = array<i32>} : memref<32x128xf32, #tpu.memory_space<vmem>>, vector<16xf32>,
      %swap3A_647 = arith.constant 10 : i32
      %swap3A_648 = arith.index_cast %swap3A_647 : i32 to index
      %swap3A_649 = arith.constant 896 : index
      %swap3A_650 = tpu.vector_load %arg7[%swap3A_648, %swap3A_649] {strides = array<i32>} : memref<32x1000xf32, #tpu.memory_space<vmem>>, vector<16xf32>,
      tpu.vector_store %arg7[%swap3A_648, %swap3A_649], %get3A_646 {strides = array<i32>} : memref<32x1000xf32, #tpu.memory_space<vmem>>, vector<16xf32>,
      %get3A_651 = arith.constant 10 : i32
      %get3A_652 = arith.index_cast %get3A_651 : i32 to index
      %get3A_653 = arith.constant 16 : index
      %get3A_654 = tpu.vector_load %arg9[%get3A_652, %get3A_653] {strides = array<i32>} : memref<32x128xf32, #tpu.memory_space<vmem>>, vector<16xf32>,
      %swap3A_655 = arith.constant 10 : i32
      %swap3A_656 = arith.index_cast %swap3A_655 : i32 to index
      %swap3A_657 = arith.constant 912 : index
      %swap3A_658 = tpu.vector_load %arg7[%swap3A_656, %swap3A_657] {strides = array<i32>} : memref<32x1000xf32, #tpu.memory_space<vmem>>, vector<16xf32>,
      tpu.vector_store %arg7[%swap3A_656, %swap3A_657], %get3A_654 {strides = array<i32>} : memref<32x1000xf32, #tpu.memory_space<vmem>>, vector<16xf32>,
      %get3A_659 = arith.constant 10 : i32
      %get3A_660 = arith.index_cast %get3A_659 : i32 to index
      %get3A_661 = arith.constant 32 : index
      %get3A_662 = tpu.vector_load %arg9[%get3A_660, %get3A_661] {strides = array<i32>} : memref<32x128xf32, #tpu.memory_space<vmem>>, vector<16xf32>,
      %swap3A_663 = arith.constant 10 : i32
      %swap3A_664 = arith.index_cast %swap3A_663 : i32 to index
      %swap3A_665 = arith.constant 928 : index
      %swap3A_666 = tpu.vector_load %arg7[%swap3A_664, %swap3A_665] {strides = array<i32>} : memref<32x1000xf32, #tpu.memory_space<vmem>>, vector<16xf32>,
      tpu.vector_store %arg7[%swap3A_664, %swap3A_665], %get3A_662 {strides = array<i32>} : memref<32x1000xf32, #tpu.memory_space<vmem>>, vector<16xf32>,
      %get3A_667 = arith.constant 10 : i32
      %get3A_668 = arith.index_cast %get3A_667 : i32 to index
      %get3A_669 = arith.constant 48 : index
      %get3A_670 = tpu.vector_load %arg9[%get3A_668, %get3A_669] {strides = array<i32>} : memref<32x128xf32, #tpu.memory_space<vmem>>, vector<16xf32>,
      %swap3A_671 = arith.constant 10 : i32
      %swap3A_672 = arith.index_cast %swap3A_671 : i32 to index
      %swap3A_673 = arith.constant 944 : index
      %swap3A_674 = tpu.vector_load %arg7[%swap3A_672, %swap3A_673] {strides = array<i32>} : memref<32x1000xf32, #tpu.memory_space<vmem>>, vector<16xf32>,
      tpu.vector_store %arg7[%swap3A_672, %swap3A_673], %get3A_670 {strides = array<i32>} : memref<32x1000xf32, #tpu.memory_space<vmem>>, vector<16xf32>,
      %get3A_675 = arith.constant 10 : i32
      %get3A_676 = arith.index_cast %get3A_675 : i32 to index
      %get3A_677 = arith.constant 64 : index
      %get3A_678 = tpu.vector_load %arg9[%get3A_676, %get3A_677] {strides = array<i32>} : memref<32x128xf32, #tpu.memory_space<vmem>>, vector<16xf32>,
      %swap3A_679 = arith.constant 10 : i32
      %swap3A_680 = arith.index_cast %swap3A_679 : i32 to index
      %swap3A_681 = arith.constant 960 : index
      %swap3A_682 = tpu.vector_load %arg7[%swap3A_680, %swap3A_681] {strides = array<i32>} : memref<32x1000xf32, #tpu.memory_space<vmem>>, vector<16xf32>,
      tpu.vector_store %arg7[%swap3A_680, %swap3A_681], %get3A_678 {strides = array<i32>} : memref<32x1000xf32, #tpu.memory_space<vmem>>, vector<16xf32>,
      %get3A_683 = arith.constant 10 : i32
      %get3A_684 = arith.index_cast %get3A_683 : i32 to index
      %get3A_685 = arith.constant 80 : index
      %get3A_686 = tpu.vector_load %arg9[%get3A_684, %get3A_685] {strides = array<i32>} : memref<32x128xf32, #tpu.memory_space<vmem>>, vector<16xf32>,
      %swap3A_687 = arith.constant 10 : i32
      %swap3A_688 = arith.index_cast %swap3A_687 : i32 to index
      %swap3A_689 = arith.constant 976 : index
      %swap3A_690 = tpu.vector_load %arg7[%swap3A_688, %swap3A_689] {strides = array<i32>} : memref<32x1000xf32, #tpu.memory_space<vmem>>, vector<16xf32>,
      tpu.vector_store %arg7[%swap3A_688, %swap3A_689], %get3A_686 {strides = array<i32>} : memref<32x1000xf32, #tpu.memory_space<vmem>>, vector<16xf32>,
      %get3A_691 = arith.constant 10 : i32
      %get3A_692 = arith.index_cast %get3A_691 : i32 to index
      %get3A_693 = arith.constant 96 : index
      %get3A_694 = tpu.vector_load %arg9[%get3A_692, %get3A_693] {strides = array<i32>} : memref<32x128xf32, #tpu.memory_space<vmem>>, vector<16xf32>,
      %broadcast_in_dim3A_695 = arith.constant 10 : i32
      %broadcast_in_dim3A_696 = vector.broadcast %broadcast_in_dim3A_695 : i32 to vector<16xi32>
      %add3A_697 = arith.constant 992 : i32
      %add3A_698 = vector.broadcast %add3A_697 : i32 to vector<16xi32>
      %add3A_699 = arith.addi %add3A_698, %iota3A : vector<16xi32>
      tpu.vector_store_idx %arg7[%broadcast_in_dim3A_696, %add3A_699], %get3A_694 masked %lt3A_75 : memref<32x1000xf32, #tpu.memory_space<vmem>>[vector<16xi32>, vector<16xi32>], vector<16xf32>, vector<16xi1>
      %get3A_700 = arith.constant 11 : i32
      %get3A_701 = arith.index_cast %get3A_700 : i32 to index
      %get3A_702 = arith.constant 0 : index
      %get3A_703 = tpu.vector_load %arg9[%get3A_701, %get3A_702] {strides = array<i32>} : memref<32x128xf32, #tpu.memory_space<vmem>>, vector<16xf32>,
      %swap3A_704 = arith.constant 11 : i32
      %swap3A_705 = arith.index_cast %swap3A_704 : i32 to index
      %swap3A_706 = arith.constant 896 : index
      %swap3A_707 = tpu.vector_load %arg7[%swap3A_705, %swap3A_706] {strides = array<i32>} : memref<32x1000xf32, #tpu.memory_space<vmem>>, vector<16xf32>,
      tpu.vector_store %arg7[%swap3A_705, %swap3A_706], %get3A_703 {strides = array<i32>} : memref<32x1000xf32, #tpu.memory_space<vmem>>, vector<16xf32>,
      %get3A_708 = arith.constant 11 : i32
      %get3A_709 = arith.index_cast %get3A_708 : i32 to index
      %get3A_710 = arith.constant 16 : index
      %get3A_711 = tpu.vector_load %arg9[%get3A_709, %get3A_710] {strides = array<i32>} : memref<32x128xf32, #tpu.memory_space<vmem>>, vector<16xf32>,
      %swap3A_712 = arith.constant 11 : i32
      %swap3A_713 = arith.index_cast %swap3A_712 : i32 to index
      %swap3A_714 = arith.constant 912 : index
      %swap3A_715 = tpu.vector_load %arg7[%swap3A_713, %swap3A_714] {strides = array<i32>} : memref<32x1000xf32, #tpu.memory_space<vmem>>, vector<16xf32>,
      tpu.vector_store %arg7[%swap3A_713, %swap3A_714], %get3A_711 {strides = array<i32>} : memref<32x1000xf32, #tpu.memory_space<vmem>>, vector<16xf32>,
      %get3A_716 = arith.constant 11 : i32
      %get3A_717 = arith.index_cast %get3A_716 : i32 to index
      %get3A_718 = arith.constant 32 : index
      %get3A_719 = tpu.vector_load %arg9[%get3A_717, %get3A_718] {strides = array<i32>} : memref<32x128xf32, #tpu.memory_space<vmem>>, vector<16xf32>,
      %swap3A_720 = arith.constant 11 : i32
      %swap3A_721 = arith.index_cast %swap3A_720 : i32 to index
      %swap3A_722 = arith.constant 928 : index
      %swap3A_723 = tpu.vector_load %arg7[%swap3A_721, %swap3A_722] {strides = array<i32>} : memref<32x1000xf32, #tpu.memory_space<vmem>>, vector<16xf32>,
      tpu.vector_store %arg7[%swap3A_721, %swap3A_722], %get3A_719 {strides = array<i32>} : memref<32x1000xf32, #tpu.memory_space<vmem>>, vector<16xf32>,
      %get3A_724 = arith.constant 11 : i32
      %get3A_725 = arith.index_cast %get3A_724 : i32 to index
      %get3A_726 = arith.constant 48 : index
      %get3A_727 = tpu.vector_load %arg9[%get3A_725, %get3A_726] {strides = array<i32>} : memref<32x128xf32, #tpu.memory_space<vmem>>, vector<16xf32>,
      %swap3A_728 = arith.constant 11 : i32
      %swap3A_729 = arith.index_cast %swap3A_728 : i32 to index
      %swap3A_730 = arith.constant 944 : index
      %swap3A_731 = tpu.vector_load %arg7[%swap3A_729, %swap3A_730] {strides = array<i32>} : memref<32x1000xf32, #tpu.memory_space<vmem>>, vector<16xf32>,
      tpu.vector_store %arg7[%swap3A_729, %swap3A_730], %get3A_727 {strides = array<i32>} : memref<32x1000xf32, #tpu.memory_space<vmem>>, vector<16xf32>,
      %get3A_732 = arith.constant 11 : i32
      %get3A_733 = arith.index_cast %get3A_732 : i32 to index
      %get3A_734 = arith.constant 64 : index
      %get3A_735 = tpu.vector_load %arg9[%get3A_733, %get3A_734] {strides = array<i32>} : memref<32x128xf32, #tpu.memory_space<vmem>>, vector<16xf32>,
      %swap3A_736 = arith.constant 11 : i32
      %swap3A_737 = arith.index_cast %swap3A_736 : i32 to index
      %swap3A_738 = arith.constant 960 : index
      %swap3A_739 = tpu.vector_load %arg7[%swap3A_737, %swap3A_738] {strides = array<i32>} : memref<32x1000xf32, #tpu.memory_space<vmem>>, vector<16xf32>,
      tpu.vector_store %arg7[%swap3A_737, %swap3A_738], %get3A_735 {strides = array<i32>} : memref<32x1000xf32, #tpu.memory_space<vmem>>, vector<16xf32>,
      %get3A_740 = arith.constant 11 : i32
      %get3A_741 = arith.index_cast %get3A_740 : i32 to index
      %get3A_742 = arith.constant 80 : index
      %get3A_743 = tpu.vector_load %arg9[%get3A_741, %get3A_742] {strides = array<i32>} : memref<32x128xf32, #tpu.memory_space<vmem>>, vector<16xf32>,
      %swap3A_744 = arith.constant 11 : i32
      %swap3A_745 = arith.index_cast %swap3A_744 : i32 to index
      %swap3A_746 = arith.constant 976 : index
      %swap3A_747 = tpu.vector_load %arg7[%swap3A_745, %swap3A_746] {strides = array<i32>} : memref<32x1000xf32, #tpu.memory_space<vmem>>, vector<16xf32>,
      tpu.vector_store %arg7[%swap3A_745, %swap3A_746], %get3A_743 {strides = array<i32>} : memref<32x1000xf32, #tpu.memory_space<vmem>>, vector<16xf32>,
      %get3A_748 = arith.constant 11 : i32
      %get3A_749 = arith.index_cast %get3A_748 : i32 to index
      %get3A_750 = arith.constant 96 : index
      %get3A_751 = tpu.vector_load %arg9[%get3A_749, %get3A_750] {strides = array<i32>} : memref<32x128xf32, #tpu.memory_space<vmem>>, vector<16xf32>,
      %broadcast_in_dim3A_752 = arith.constant 11 : i32
      %broadcast_in_dim3A_753 = vector.broadcast %broadcast_in_dim3A_752 : i32 to vector<16xi32>
      %add3A_754 = arith.constant 992 : i32
      %add3A_755 = vector.broadcast %add3A_754 : i32 to vector<16xi32>
      %add3A_756 = arith.addi %add3A_755, %iota3A : vector<16xi32>
      tpu.vector_store_idx %arg7[%broadcast_in_dim3A_753, %add3A_756], %get3A_751 masked %lt3A_75 : memref<32x1000xf32, #tpu.memory_space<vmem>>[vector<16xi32>, vector<16xi32>], vector<16xf32>, vector<16xi1>
      %get3A_757 = arith.constant 12 : i32
      %get3A_758 = arith.index_cast %get3A_757 : i32 to index
      %get3A_759 = arith.constant 0 : index
      %get3A_760 = tpu.vector_load %arg9[%get3A_758, %get3A_759] {strides = array<i32>} : memref<32x128xf32, #tpu.memory_space<vmem>>, vector<16xf32>,
      %swap3A_761 = arith.constant 12 : i32
      %swap3A_762 = arith.index_cast %swap3A_761 : i32 to index
      %swap3A_763 = arith.constant 896 : index
      %swap3A_764 = tpu.vector_load %arg7[%swap3A_762, %swap3A_763] {strides = array<i32>} : memref<32x1000xf32, #tpu.memory_space<vmem>>, vector<16xf32>,
      tpu.vector_store %arg7[%swap3A_762, %swap3A_763], %get3A_760 {strides = array<i32>} : memref<32x1000xf32, #tpu.memory_space<vmem>>, vector<16xf32>,
      %get3A_765 = arith.constant 12 : i32
      %get3A_766 = arith.index_cast %get3A_765 : i32 to index
      %get3A_767 = arith.constant 16 : index
      %get3A_768 = tpu.vector_load %arg9[%get3A_766, %get3A_767] {strides = array<i32>} : memref<32x128xf32, #tpu.memory_space<vmem>>, vector<16xf32>,
      %swap3A_769 = arith.constant 12 : i32
      %swap3A_770 = arith.index_cast %swap3A_769 : i32 to index
      %swap3A_771 = arith.constant 912 : index
      %swap3A_772 = tpu.vector_load %arg7[%swap3A_770, %swap3A_771] {strides = array<i32>} : memref<32x1000xf32, #tpu.memory_space<vmem>>, vector<16xf32>,
      tpu.vector_store %arg7[%swap3A_770, %swap3A_771], %get3A_768 {strides = array<i32>} : memref<32x1000xf32, #tpu.memory_space<vmem>>, vector<16xf32>,
      %get3A_773 = arith.constant 12 : i32
      %get3A_774 = arith.index_cast %get3A_773 : i32 to index
      %get3A_775 = arith.constant 32 : index
      %get3A_776 = tpu.vector_load %arg9[%get3A_774, %get3A_775] {strides = array<i32>} : memref<32x128xf32, #tpu.memory_space<vmem>>, vector<16xf32>,
      %swap3A_777 = arith.constant 12 : i32
      %swap3A_778 = arith.index_cast %swap3A_777 : i32 to index
      %swap3A_779 = arith.constant 928 : index
      %swap3A_780 = tpu.vector_load %arg7[%swap3A_778, %swap3A_779] {strides = array<i32>} : memref<32x1000xf32, #tpu.memory_space<vmem>>, vector<16xf32>,
      tpu.vector_store %arg7[%swap3A_778, %swap3A_779], %get3A_776 {strides = array<i32>} : memref<32x1000xf32, #tpu.memory_space<vmem>>, vector<16xf32>,
      %get3A_781 = arith.constant 12 : i32
      %get3A_782 = arith.index_cast %get3A_781 : i32 to index
      %get3A_783 = arith.constant 48 : index
      %get3A_784 = tpu.vector_load %arg9[%get3A_782, %get3A_783] {strides = array<i32>} : memref<32x128xf32, #tpu.memory_space<vmem>>, vector<16xf32>,
      %swap3A_785 = arith.constant 12 : i32
      %swap3A_786 = arith.index_cast %swap3A_785 : i32 to index
      %swap3A_787 = arith.constant 944 : index
      %swap3A_788 = tpu.vector_load %arg7[%swap3A_786, %swap3A_787] {strides = array<i32>} : memref<32x1000xf32, #tpu.memory_space<vmem>>, vector<16xf32>,
      tpu.vector_store %arg7[%swap3A_786, %swap3A_787], %get3A_784 {strides = array<i32>} : memref<32x1000xf32, #tpu.memory_space<vmem>>, vector<16xf32>,
      %get3A_789 = arith.constant 12 : i32
      %get3A_790 = arith.index_cast %get3A_789 : i32 to index
      %get3A_791 = arith.constant 64 : index
      %get3A_792 = tpu.vector_load %arg9[%get3A_790, %get3A_791] {strides = array<i32>} : memref<32x128xf32, #tpu.memory_space<vmem>>, vector<16xf32>,
      %swap3A_793 = arith.constant 12 : i32
      %swap3A_794 = arith.index_cast %swap3A_793 : i32 to index
      %swap3A_795 = arith.constant 960 : index
      %swap3A_796 = tpu.vector_load %arg7[%swap3A_794, %swap3A_795] {strides = array<i32>} : memref<32x1000xf32, #tpu.memory_space<vmem>>, vector<16xf32>,
      tpu.vector_store %arg7[%swap3A_794, %swap3A_795], %get3A_792 {strides = array<i32>} : memref<32x1000xf32, #tpu.memory_space<vmem>>, vector<16xf32>,
      %get3A_797 = arith.constant 12 : i32
      %get3A_798 = arith.index_cast %get3A_797 : i32 to index
      %get3A_799 = arith.constant 80 : index
      %get3A_800 = tpu.vector_load %arg9[%get3A_798, %get3A_799] {strides = array<i32>} : memref<32x128xf32, #tpu.memory_space<vmem>>, vector<16xf32>,
      %swap3A_801 = arith.constant 12 : i32
      %swap3A_802 = arith.index_cast %swap3A_801 : i32 to index
      %swap3A_803 = arith.constant 976 : index
      %swap3A_804 = tpu.vector_load %arg7[%swap3A_802, %swap3A_803] {strides = array<i32>} : memref<32x1000xf32, #tpu.memory_space<vmem>>, vector<16xf32>,
      tpu.vector_store %arg7[%swap3A_802, %swap3A_803], %get3A_800 {strides = array<i32>} : memref<32x1000xf32, #tpu.memory_space<vmem>>, vector<16xf32>,
      %get3A_805 = arith.constant 12 : i32
      %get3A_806 = arith.index_cast %get3A_805 : i32 to index
      %get3A_807 = arith.constant 96 : index
      %get3A_808 = tpu.vector_load %arg9[%get3A_806, %get3A_807] {strides = array<i32>} : memref<32x128xf32, #tpu.memory_space<vmem>>, vector<16xf32>,
      %broadcast_in_dim3A_809 = arith.constant 12 : i32
      %broadcast_in_dim3A_810 = vector.broadcast %broadcast_in_dim3A_809 : i32 to vector<16xi32>
      %add3A_811 = arith.constant 992 : i32
      %add3A_812 = vector.broadcast %add3A_811 : i32 to vector<16xi32>
      %add3A_813 = arith.addi %add3A_812, %iota3A : vector<16xi32>
      tpu.vector_store_idx %arg7[%broadcast_in_dim3A_810, %add3A_813], %get3A_808 masked %lt3A_75 : memref<32x1000xf32, #tpu.memory_space<vmem>>[vector<16xi32>, vector<16xi32>], vector<16xf32>, vector<16xi1>
      %get3A_814 = arith.constant 13 : i32
      %get3A_815 = arith.index_cast %get3A_814 : i32 to index
      %get3A_816 = arith.constant 0 : index
      %get3A_817 = tpu.vector_load %arg9[%get3A_815, %get3A_816] {strides = array<i32>} : memref<32x128xf32, #tpu.memory_space<vmem>>, vector<16xf32>,
      %swap3A_818 = arith.constant 13 : i32
      %swap3A_819 = arith.index_cast %swap3A_818 : i32 to index
      %swap3A_820 = arith.constant 896 : index
      %swap3A_821 = tpu.vector_load %arg7[%swap3A_819, %swap3A_820] {strides = array<i32>} : memref<32x1000xf32, #tpu.memory_space<vmem>>, vector<16xf32>,
      tpu.vector_store %arg7[%swap3A_819, %swap3A_820], %get3A_817 {strides = array<i32>} : memref<32x1000xf32, #tpu.memory_space<vmem>>, vector<16xf32>,
      %get3A_822 = arith.constant 13 : i32
      %get3A_823 = arith.index_cast %get3A_822 : i32 to index
      %get3A_824 = arith.constant 16 : index
      %get3A_825 = tpu.vector_load %arg9[%get3A_823, %get3A_824] {strides = array<i32>} : memref<32x128xf32, #tpu.memory_space<vmem>>, vector<16xf32>,
      %swap3A_826 = arith.constant 13 : i32
      %swap3A_827 = arith.index_cast %swap3A_826 : i32 to index
      %swap3A_828 = arith.constant 912 : index
      %swap3A_829 = tpu.vector_load %arg7[%swap3A_827, %swap3A_828] {strides = array<i32>} : memref<32x1000xf32, #tpu.memory_space<vmem>>, vector<16xf32>,
      tpu.vector_store %arg7[%swap3A_827, %swap3A_828], %get3A_825 {strides = array<i32>} : memref<32x1000xf32, #tpu.memory_space<vmem>>, vector<16xf32>,
      %get3A_830 = arith.constant 13 : i32
      %get3A_831 = arith.index_cast %get3A_830 : i32 to index
      %get3A_832 = arith.constant 32 : index
      %get3A_833 = tpu.vector_load %arg9[%get3A_831, %get3A_832] {strides = array<i32>} : memref<32x128xf32, #tpu.memory_space<vmem>>, vector<16xf32>,
      %swap3A_834 = arith.constant 13 : i32
      %swap3A_835 = arith.index_cast %swap3A_834 : i32 to index
      %swap3A_836 = arith.constant 928 : index
      %swap3A_837 = tpu.vector_load %arg7[%swap3A_835, %swap3A_836] {strides = array<i32>} : memref<32x1000xf32, #tpu.memory_space<vmem>>, vector<16xf32>,
      tpu.vector_store %arg7[%swap3A_835, %swap3A_836], %get3A_833 {strides = array<i32>} : memref<32x1000xf32, #tpu.memory_space<vmem>>, vector<16xf32>,
      %get3A_838 = arith.constant 13 : i32
      %get3A_839 = arith.index_cast %get3A_838 : i32 to index
      %get3A_840 = arith.constant 48 : index
      %get3A_841 = tpu.vector_load %arg9[%get3A_839, %get3A_840] {strides = array<i32>} : memref<32x128xf32, #tpu.memory_space<vmem>>, vector<16xf32>,
      %swap3A_842 = arith.constant 13 : i32
      %swap3A_843 = arith.index_cast %swap3A_842 : i32 to index
      %swap3A_844 = arith.constant 944 : index
      %swap3A_845 = tpu.vector_load %arg7[%swap3A_843, %swap3A_844] {strides = array<i32>} : memref<32x1000xf32, #tpu.memory_space<vmem>>, vector<16xf32>,
      tpu.vector_store %arg7[%swap3A_843, %swap3A_844], %get3A_841 {strides = array<i32>} : memref<32x1000xf32, #tpu.memory_space<vmem>>, vector<16xf32>,
      %get3A_846 = arith.constant 13 : i32
      %get3A_847 = arith.index_cast %get3A_846 : i32 to index
      %get3A_848 = arith.constant 64 : index
      %get3A_849 = tpu.vector_load %arg9[%get3A_847, %get3A_848] {strides = array<i32>} : memref<32x128xf32, #tpu.memory_space<vmem>>, vector<16xf32>,
      %swap3A_850 = arith.constant 13 : i32
      %swap3A_851 = arith.index_cast %swap3A_850 : i32 to index
      %swap3A_852 = arith.constant 960 : index
      %swap3A_853 = tpu.vector_load %arg7[%swap3A_851, %swap3A_852] {strides = array<i32>} : memref<32x1000xf32, #tpu.memory_space<vmem>>, vector<16xf32>,
      tpu.vector_store %arg7[%swap3A_851, %swap3A_852], %get3A_849 {strides = array<i32>} : memref<32x1000xf32, #tpu.memory_space<vmem>>, vector<16xf32>,
      %get3A_854 = arith.constant 13 : i32
      %get3A_855 = arith.index_cast %get3A_854 : i32 to index
      %get3A_856 = arith.constant 80 : index
      %get3A_857 = tpu.vector_load %arg9[%get3A_855, %get3A_856] {strides = array<i32>} : memref<32x128xf32, #tpu.memory_space<vmem>>, vector<16xf32>,
      %swap3A_858 = arith.constant 13 : i32
      %swap3A_859 = arith.index_cast %swap3A_858 : i32 to index
      %swap3A_860 = arith.constant 976 : index
      %swap3A_861 = tpu.vector_load %arg7[%swap3A_859, %swap3A_860] {strides = array<i32>} : memref<32x1000xf32, #tpu.memory_space<vmem>>, vector<16xf32>,
      tpu.vector_store %arg7[%swap3A_859, %swap3A_860], %get3A_857 {strides = array<i32>} : memref<32x1000xf32, #tpu.memory_space<vmem>>, vector<16xf32>,
      %get3A_862 = arith.constant 13 : i32
      %get3A_863 = arith.index_cast %get3A_862 : i32 to index
      %get3A_864 = arith.constant 96 : index
      %get3A_865 = tpu.vector_load %arg9[%get3A_863, %get3A_864] {strides = array<i32>} : memref<32x128xf32, #tpu.memory_space<vmem>>, vector<16xf32>,
      %broadcast_in_dim3A_866 = arith.constant 13 : i32
      %broadcast_in_dim3A_867 = vector.broadcast %broadcast_in_dim3A_866 : i32 to vector<16xi32>
      %add3A_868 = arith.constant 992 : i32
      %add3A_869 = vector.broadcast %add3A_868 : i32 to vector<16xi32>
      %add3A_870 = arith.addi %add3A_869, %iota3A : vector<16xi32>
      tpu.vector_store_idx %arg7[%broadcast_in_dim3A_867, %add3A_870], %get3A_865 masked %lt3A_75 : memref<32x1000xf32, #tpu.memory_space<vmem>>[vector<16xi32>, vector<16xi32>], vector<16xf32>, vector<16xi1>
      %get3A_871 = arith.constant 14 : i32
      %get3A_872 = arith.index_cast %get3A_871 : i32 to index
      %get3A_873 = arith.constant 0 : index
      %get3A_874 = tpu.vector_load %arg9[%get3A_872, %get3A_873] {strides = array<i32>} : memref<32x128xf32, #tpu.memory_space<vmem>>, vector<16xf32>,
      %swap3A_875 = arith.constant 14 : i32
      %swap3A_876 = arith.index_cast %swap3A_875 : i32 to index
      %swap3A_877 = arith.constant 896 : index
      %swap3A_878 = tpu.vector_load %arg7[%swap3A_876, %swap3A_877] {strides = array<i32>} : memref<32x1000xf32, #tpu.memory_space<vmem>>, vector<16xf32>,
      tpu.vector_store %arg7[%swap3A_876, %swap3A_877], %get3A_874 {strides = array<i32>} : memref<32x1000xf32, #tpu.memory_space<vmem>>, vector<16xf32>,
      %get3A_879 = arith.constant 14 : i32
      %get3A_880 = arith.index_cast %get3A_879 : i32 to index
      %get3A_881 = arith.constant 16 : index
      %get3A_882 = tpu.vector_load %arg9[%get3A_880, %get3A_881] {strides = array<i32>} : memref<32x128xf32, #tpu.memory_space<vmem>>, vector<16xf32>,
      %swap3A_883 = arith.constant 14 : i32
      %swap3A_884 = arith.index_cast %swap3A_883 : i32 to index
      %swap3A_885 = arith.constant 912 : index
      %swap3A_886 = tpu.vector_load %arg7[%swap3A_884, %swap3A_885] {strides = array<i32>} : memref<32x1000xf32, #tpu.memory_space<vmem>>, vector<16xf32>,
      tpu.vector_store %arg7[%swap3A_884, %swap3A_885], %get3A_882 {strides = array<i32>} : memref<32x1000xf32, #tpu.memory_space<vmem>>, vector<16xf32>,
      %get3A_887 = arith.constant 14 : i32
      %get3A_888 = arith.index_cast %get3A_887 : i32 to index
      %get3A_889 = arith.constant 32 : index
      %get3A_890 = tpu.vector_load %arg9[%get3A_888, %get3A_889] {strides = array<i32>} : memref<32x128xf32, #tpu.memory_space<vmem>>, vector<16xf32>,
      %swap3A_891 = arith.constant 14 : i32
      %swap3A_892 = arith.index_cast %swap3A_891 : i32 to index
      %swap3A_893 = arith.constant 928 : index
      %swap3A_894 = tpu.vector_load %arg7[%swap3A_892, %swap3A_893] {strides = array<i32>} : memref<32x1000xf32, #tpu.memory_space<vmem>>, vector<16xf32>,
      tpu.vector_store %arg7[%swap3A_892, %swap3A_893], %get3A_890 {strides = array<i32>} : memref<32x1000xf32, #tpu.memory_space<vmem>>, vector<16xf32>,
      %get3A_895 = arith.constant 14 : i32
      %get3A_896 = arith.index_cast %get3A_895 : i32 to index
      %get3A_897 = arith.constant 48 : index
      %get3A_898 = tpu.vector_load %arg9[%get3A_896, %get3A_897] {strides = array<i32>} : memref<32x128xf32, #tpu.memory_space<vmem>>, vector<16xf32>,
      %swap3A_899 = arith.constant 14 : i32
      %swap3A_900 = arith.index_cast %swap3A_899 : i32 to index
      %swap3A_901 = arith.constant 944 : index
      %swap3A_902 = tpu.vector_load %arg7[%swap3A_900, %swap3A_901] {strides = array<i32>} : memref<32x1000xf32, #tpu.memory_space<vmem>>, vector<16xf32>,
      tpu.vector_store %arg7[%swap3A_900, %swap3A_901], %get3A_898 {strides = array<i32>} : memref<32x1000xf32, #tpu.memory_space<vmem>>, vector<16xf32>,
      %get3A_903 = arith.constant 14 : i32
      %get3A_904 = arith.index_cast %get3A_903 : i32 to index
      %get3A_905 = arith.constant 64 : index
      %get3A_906 = tpu.vector_load %arg9[%get3A_904, %get3A_905] {strides = array<i32>} : memref<32x128xf32, #tpu.memory_space<vmem>>, vector<16xf32>,
      %swap3A_907 = arith.constant 14 : i32
      %swap3A_908 = arith.index_cast %swap3A_907 : i32 to index
      %swap3A_909 = arith.constant 960 : index
      %swap3A_910 = tpu.vector_load %arg7[%swap3A_908, %swap3A_909] {strides = array<i32>} : memref<32x1000xf32, #tpu.memory_space<vmem>>, vector<16xf32>,
      tpu.vector_store %arg7[%swap3A_908, %swap3A_909], %get3A_906 {strides = array<i32>} : memref<32x1000xf32, #tpu.memory_space<vmem>>, vector<16xf32>,
      %get3A_911 = arith.constant 14 : i32
      %get3A_912 = arith.index_cast %get3A_911 : i32 to index
      %get3A_913 = arith.constant 80 : index
      %get3A_914 = tpu.vector_load %arg9[%get3A_912, %get3A_913] {strides = array<i32>} : memref<32x128xf32, #tpu.memory_space<vmem>>, vector<16xf32>,
      %swap3A_915 = arith.constant 14 : i32
      %swap3A_916 = arith.index_cast %swap3A_915 : i32 to index
      %swap3A_917 = arith.constant 976 : index
      %swap3A_918 = tpu.vector_load %arg7[%swap3A_916, %swap3A_917] {strides = array<i32>} : memref<32x1000xf32, #tpu.memory_space<vmem>>, vector<16xf32>,
      tpu.vector_store %arg7[%swap3A_916, %swap3A_917], %get3A_914 {strides = array<i32>} : memref<32x1000xf32, #tpu.memory_space<vmem>>, vector<16xf32>,
      %get3A_919 = arith.constant 14 : i32
      %get3A_920 = arith.index_cast %get3A_919 : i32 to index
      %get3A_921 = arith.constant 96 : index
      %get3A_922 = tpu.vector_load %arg9[%get3A_920, %get3A_921] {strides = array<i32>} : memref<32x128xf32, #tpu.memory_space<vmem>>, vector<16xf32>,
      %broadcast_in_dim3A_923 = arith.constant 14 : i32
      %broadcast_in_dim3A_924 = vector.broadcast %broadcast_in_dim3A_923 : i32 to vector<16xi32>
      %add3A_925 = arith.constant 992 : i32
      %add3A_926 = vector.broadcast %add3A_925 : i32 to vector<16xi32>
      %add3A_927 = arith.addi %add3A_926, %iota3A : vector<16xi32>
      tpu.vector_store_idx %arg7[%broadcast_in_dim3A_924, %add3A_927], %get3A_922 masked %lt3A_75 : memref<32x1000xf32, #tpu.memory_space<vmem>>[vector<16xi32>, vector<16xi32>], vector<16xf32>, vector<16xi1>
      %get3A_928 = arith.constant 15 : i32
      %get3A_929 = arith.index_cast %get3A_928 : i32 to index
      %get3A_930 = arith.constant 0 : index
      %get3A_931 = tpu.vector_load %arg9[%get3A_929, %get3A_930] {strides = array<i32>} : memref<32x128xf32, #tpu.memory_space<vmem>>, vector<16xf32>,
      %swap3A_932 = arith.constant 15 : i32
      %swap3A_933 = arith.index_cast %swap3A_932 : i32 to index
      %swap3A_934 = arith.constant 896 : index
      %swap3A_935 = tpu.vector_load %arg7[%swap3A_933, %swap3A_934] {strides = array<i32>} : memref<32x1000xf32, #tpu.memory_space<vmem>>, vector<16xf32>,
      tpu.vector_store %arg7[%swap3A_933, %swap3A_934], %get3A_931 {strides = array<i32>} : memref<32x1000xf32, #tpu.memory_space<vmem>>, vector<16xf32>,
      %get3A_936 = arith.constant 15 : i32
      %get3A_937 = arith.index_cast %get3A_936 : i32 to index
      %get3A_938 = arith.constant 16 : index
      %get3A_939 = tpu.vector_load %arg9[%get3A_937, %get3A_938] {strides = array<i32>} : memref<32x128xf32, #tpu.memory_space<vmem>>, vector<16xf32>,
      %swap3A_940 = arith.constant 15 : i32
      %swap3A_941 = arith.index_cast %swap3A_940 : i32 to index
      %swap3A_942 = arith.constant 912 : index
      %swap3A_943 = tpu.vector_load %arg7[%swap3A_941, %swap3A_942] {strides = array<i32>} : memref<32x1000xf32, #tpu.memory_space<vmem>>, vector<16xf32>,
      tpu.vector_store %arg7[%swap3A_941, %swap3A_942], %get3A_939 {strides = array<i32>} : memref<32x1000xf32, #tpu.memory_space<vmem>>, vector<16xf32>,
      %get3A_944 = arith.constant 15 : i32
      %get3A_945 = arith.index_cast %get3A_944 : i32 to index
      %get3A_946 = arith.constant 32 : index
      %get3A_947 = tpu.vector_load %arg9[%get3A_945, %get3A_946] {strides = array<i32>} : memref<32x128xf32, #tpu.memory_space<vmem>>, vector<16xf32>,
      %swap3A_948 = arith.constant 15 : i32
      %swap3A_949 = arith.index_cast %swap3A_948 : i32 to index
      %swap3A_950 = arith.constant 928 : index
      %swap3A_951 = tpu.vector_load %arg7[%swap3A_949, %swap3A_950] {strides = array<i32>} : memref<32x1000xf32, #tpu.memory_space<vmem>>, vector<16xf32>,
      tpu.vector_store %arg7[%swap3A_949, %swap3A_950], %get3A_947 {strides = array<i32>} : memref<32x1000xf32, #tpu.memory_space<vmem>>, vector<16xf32>,
      %get3A_952 = arith.constant 15 : i32
      %get3A_953 = arith.index_cast %get3A_952 : i32 to index
      %get3A_954 = arith.constant 48 : index
      %get3A_955 = tpu.vector_load %arg9[%get3A_953, %get3A_954] {strides = array<i32>} : memref<32x128xf32, #tpu.memory_space<vmem>>, vector<16xf32>,
      %swap3A_956 = arith.constant 15 : i32
      %swap3A_957 = arith.index_cast %swap3A_956 : i32 to index
      %swap3A_958 = arith.constant 944 : index
      %swap3A_959 = tpu.vector_load %arg7[%swap3A_957, %swap3A_958] {strides = array<i32>} : memref<32x1000xf32, #tpu.memory_space<vmem>>, vector<16xf32>,
      tpu.vector_store %arg7[%swap3A_957, %swap3A_958], %get3A_955 {strides = array<i32>} : memref<32x1000xf32, #tpu.memory_space<vmem>>, vector<16xf32>,
      %get3A_960 = arith.constant 15 : i32
      %get3A_961 = arith.index_cast %get3A_960 : i32 to index
      %get3A_962 = arith.constant 64 : index
      %get3A_963 = tpu.vector_load %arg9[%get3A_961, %get3A_962] {strides = array<i32>} : memref<32x128xf32, #tpu.memory_space<vmem>>, vector<16xf32>,
      %swap3A_964 = arith.constant 15 : i32
      %swap3A_965 = arith.index_cast %swap3A_964 : i32 to index
      %swap3A_966 = arith.constant 960 : index
      %swap3A_967 = tpu.vector_load %arg7[%swap3A_965, %swap3A_966] {strides = array<i32>} : memref<32x1000xf32, #tpu.memory_space<vmem>>, vector<16xf32>,
      tpu.vector_store %arg7[%swap3A_965, %swap3A_966], %get3A_963 {strides = array<i32>} : memref<32x1000xf32, #tpu.memory_space<vmem>>, vector<16xf32>,
      %get3A_968 = arith.constant 15 : i32
      %get3A_969 = arith.index_cast %get3A_968 : i32 to index
      %get3A_970 = arith.constant 80 : index
      %get3A_971 = tpu.vector_load %arg9[%get3A_969, %get3A_970] {strides = array<i32>} : memref<32x128xf32, #tpu.memory_space<vmem>>, vector<16xf32>,
      %swap3A_972 = arith.constant 15 : i32
      %swap3A_973 = arith.index_cast %swap3A_972 : i32 to index
      %swap3A_974 = arith.constant 976 : index
      %swap3A_975 = tpu.vector_load %arg7[%swap3A_973, %swap3A_974] {strides = array<i32>} : memref<32x1000xf32, #tpu.memory_space<vmem>>, vector<16xf32>,
      tpu.vector_store %arg7[%swap3A_973, %swap3A_974], %get3A_971 {strides = array<i32>} : memref<32x1000xf32, #tpu.memory_space<vmem>>, vector<16xf32>,
      %get3A_976 = arith.constant 15 : i32
      %get3A_977 = arith.index_cast %get3A_976 : i32 to index
      %get3A_978 = arith.constant 96 : index
      %get3A_979 = tpu.vector_load %arg9[%get3A_977, %get3A_978] {strides = array<i32>} : memref<32x128xf32, #tpu.memory_space<vmem>>, vector<16xf32>,
      %broadcast_in_dim3A_980 = arith.constant 15 : i32
      %broadcast_in_dim3A_981 = vector.broadcast %broadcast_in_dim3A_980 : i32 to vector<16xi32>
      %add3A_982 = arith.constant 992 : i32
      %add3A_983 = vector.broadcast %add3A_982 : i32 to vector<16xi32>
      %add3A_984 = arith.addi %add3A_983, %iota3A : vector<16xi32>
      tpu.vector_store_idx %arg7[%broadcast_in_dim3A_981, %add3A_984], %get3A_979 masked %lt3A_75 : memref<32x1000xf32, #tpu.memory_space<vmem>>[vector<16xi32>, vector<16xi32>], vector<16xf32>, vector<16xi1>
      %get3A_985 = arith.constant 16 : i32
      %get3A_986 = arith.index_cast %get3A_985 : i32 to index
      %get3A_987 = arith.constant 0 : index
      %get3A_988 = tpu.vector_load %arg9[%get3A_986, %get3A_987] {strides = array<i32>} : memref<32x128xf32, #tpu.memory_space<vmem>>, vector<16xf32>,
      %swap3A_989 = arith.constant 16 : i32
      %swap3A_990 = arith.index_cast %swap3A_989 : i32 to index
      %swap3A_991 = arith.constant 896 : index
      %swap3A_992 = tpu.vector_load %arg7[%swap3A_990, %swap3A_991] {strides = array<i32>} : memref<32x1000xf32, #tpu.memory_space<vmem>>, vector<16xf32>,
      tpu.vector_store %arg7[%swap3A_990, %swap3A_991], %get3A_988 {strides = array<i32>} : memref<32x1000xf32, #tpu.memory_space<vmem>>, vector<16xf32>,
      %get3A_993 = arith.constant 16 : i32
      %get3A_994 = arith.index_cast %get3A_993 : i32 to index
      %get3A_995 = arith.constant 16 : index
      %get3A_996 = tpu.vector_load %arg9[%get3A_994, %get3A_995] {strides = array<i32>} : memref<32x128xf32, #tpu.memory_space<vmem>>, vector<16xf32>,
      %swap3A_997 = arith.constant 16 : i32
      %swap3A_998 = arith.index_cast %swap3A_997 : i32 to index
      %swap3A_999 = arith.constant 912 : index
      %swap3A_1000 = tpu.vector_load %arg7[%swap3A_998, %swap3A_999] {strides = array<i32>} : memref<32x1000xf32, #tpu.memory_space<vmem>>, vector<16xf32>,
      tpu.vector_store %arg7[%swap3A_998, %swap3A_999], %get3A_996 {strides = array<i32>} : memref<32x1000xf32, #tpu.memory_space<vmem>>, vector<16xf32>,
      %get3A_1001 = arith.constant 16 : i32
      %get3A_1002 = arith.index_cast %get3A_1001 : i32 to index
      %get3A_1003 = arith.constant 32 : index
      %get3A_1004 = tpu.vector_load %arg9[%get3A_1002, %get3A_1003] {strides = array<i32>} : memref<32x128xf32, #tpu.memory_space<vmem>>, vector<16xf32>,
      %swap3A_1005 = arith.constant 16 : i32
      %swap3A_1006 = arith.index_cast %swap3A_1005 : i32 to index
      %swap3A_1007 = arith.constant 928 : index
      %swap3A_1008 = tpu.vector_load %arg7[%swap3A_1006, %swap3A_1007] {strides = array<i32>} : memref<32x1000xf32, #tpu.memory_space<vmem>>, vector<16xf32>,
      tpu.vector_store %arg7[%swap3A_1006, %swap3A_1007], %get3A_1004 {strides = array<i32>} : memref<32x1000xf32, #tpu.memory_space<vmem>>, vector<16xf32>,
      %get3A_1009 = arith.constant 16 : i32
      %get3A_1010 = arith.index_cast %get3A_1009 : i32 to index
      %get3A_1011 = arith.constant 48 : index
      %get3A_1012 = tpu.vector_load %arg9[%get3A_1010, %get3A_1011] {strides = array<i32>} : memref<32x128xf32, #tpu.memory_space<vmem>>, vector<16xf32>,
      %swap3A_1013 = arith.constant 16 : i32
      %swap3A_1014 = arith.index_cast %swap3A_1013 : i32 to index
      %swap3A_1015 = arith.constant 944 : index
      %swap3A_1016 = tpu.vector_load %arg7[%swap3A_1014, %swap3A_1015] {strides = array<i32>} : memref<32x1000xf32, #tpu.memory_space<vmem>>, vector<16xf32>,
      tpu.vector_store %arg7[%swap3A_1014, %swap3A_1015], %get3A_1012 {strides = array<i32>} : memref<32x1000xf32, #tpu.memory_space<vmem>>, vector<16xf32>,
      %get3A_1017 = arith.constant 16 : i32
      %get3A_1018 = arith.index_cast %get3A_1017 : i32 to index
      %get3A_1019 = arith.constant 64 : index
      %get3A_1020 = tpu.vector_load %arg9[%get3A_1018, %get3A_1019] {strides = array<i32>} : memref<32x128xf32, #tpu.memory_space<vmem>>, vector<16xf32>,
      %swap3A_1021 = arith.constant 16 : i32
      %swap3A_1022 = arith.index_cast %swap3A_1021 : i32 to index
      %swap3A_1023 = arith.constant 960 : index
      %swap3A_1024 = tpu.vector_load %arg7[%swap3A_1022, %swap3A_1023] {strides = array<i32>} : memref<32x1000xf32, #tpu.memory_space<vmem>>, vector<16xf32>,
      tpu.vector_store %arg7[%swap3A_1022, %swap3A_1023], %get3A_1020 {strides = array<i32>} : memref<32x1000xf32, #tpu.memory_space<vmem>>, vector<16xf32>,
      %get3A_1025 = arith.constant 16 : i32
      %get3A_1026 = arith.index_cast %get3A_1025 : i32 to index
      %get3A_1027 = arith.constant 80 : index
      %get3A_1028 = tpu.vector_load %arg9[%get3A_1026, %get3A_1027] {strides = array<i32>} : memref<32x128xf32, #tpu.memory_space<vmem>>, vector<16xf32>,
      %swap3A_1029 = arith.constant 16 : i32
      %swap3A_1030 = arith.index_cast %swap3A_1029 : i32 to index
      %swap3A_1031 = arith.constant 976 : index
      %swap3A_1032 = tpu.vector_load %arg7[%swap3A_1030, %swap3A_1031] {strides = array<i32>} : memref<32x1000xf32, #tpu.memory_space<vmem>>, vector<16xf32>,
      tpu.vector_store %arg7[%swap3A_1030, %swap3A_1031], %get3A_1028 {strides = array<i32>} : memref<32x1000xf32, #tpu.memory_space<vmem>>, vector<16xf32>,
      %get3A_1033 = arith.constant 16 : i32
      %get3A_1034 = arith.index_cast %get3A_1033 : i32 to index
      %get3A_1035 = arith.constant 96 : index
      %get3A_1036 = tpu.vector_load %arg9[%get3A_1034, %get3A_1035] {strides = array<i32>} : memref<32x128xf32, #tpu.memory_space<vmem>>, vector<16xf32>,
      %broadcast_in_dim3A_1037 = arith.constant 16 : i32
      %broadcast_in_dim3A_1038 = vector.broadcast %broadcast_in_dim3A_1037 : i32 to vector<16xi32>
      %add3A_1039 = arith.constant 992 : i32
      %add3A_1040 = vector.broadcast %add3A_1039 : i32 to vector<16xi32>
      %add3A_1041 = arith.addi %add3A_1040, %iota3A : vector<16xi32>
      tpu.vector_store_idx %arg7[%broadcast_in_dim3A_1038, %add3A_1041], %get3A_1036 masked %lt3A_75 : memref<32x1000xf32, #tpu.memory_space<vmem>>[vector<16xi32>, vector<16xi32>], vector<16xf32>, vector<16xi1>
      %get3A_1042 = arith.constant 17 : i32
      %get3A_1043 = arith.index_cast %get3A_1042 : i32 to index
      %get3A_1044 = arith.constant 0 : index
      %get3A_1045 = tpu.vector_load %arg9[%get3A_1043, %get3A_1044] {strides = array<i32>} : memref<32x128xf32, #tpu.memory_space<vmem>>, vector<16xf32>,
      %swap3A_1046 = arith.constant 17 : i32
      %swap3A_1047 = arith.index_cast %swap3A_1046 : i32 to index
      %swap3A_1048 = arith.constant 896 : index
      %swap3A_1049 = tpu.vector_load %arg7[%swap3A_1047, %swap3A_1048] {strides = array<i32>} : memref<32x1000xf32, #tpu.memory_space<vmem>>, vector<16xf32>,
      tpu.vector_store %arg7[%swap3A_1047, %swap3A_1048], %get3A_1045 {strides = array<i32>} : memref<32x1000xf32, #tpu.memory_space<vmem>>, vector<16xf32>,
      %get3A_1050 = arith.constant 17 : i32
      %get3A_1051 = arith.index_cast %get3A_1050 : i32 to index
      %get3A_1052 = arith.constant 16 : index
      %get3A_1053 = tpu.vector_load %arg9[%get3A_1051, %get3A_1052] {strides = array<i32>} : memref<32x128xf32, #tpu.memory_space<vmem>>, vector<16xf32>,
      %swap3A_1054 = arith.constant 17 : i32
      %swap3A_1055 = arith.index_cast %swap3A_1054 : i32 to index
      %swap3A_1056 = arith.constant 912 : index
      %swap3A_1057 = tpu.vector_load %arg7[%swap3A_1055, %swap3A_1056] {strides = array<i32>} : memref<32x1000xf32, #tpu.memory_space<vmem>>, vector<16xf32>,
      tpu.vector_store %arg7[%swap3A_1055, %swap3A_1056], %get3A_1053 {strides = array<i32>} : memref<32x1000xf32, #tpu.memory_space<vmem>>, vector<16xf32>,
      %get3A_1058 = arith.constant 17 : i32
      %get3A_1059 = arith.index_cast %get3A_1058 : i32 to index
      %get3A_1060 = arith.constant 32 : index
      %get3A_1061 = tpu.vector_load %arg9[%get3A_1059, %get3A_1060] {strides = array<i32>} : memref<32x128xf32, #tpu.memory_space<vmem>>, vector<16xf32>,
      %swap3A_1062 = arith.constant 17 : i32
      %swap3A_1063 = arith.index_cast %swap3A_1062 : i32 to index
      %swap3A_1064 = arith.constant 928 : index
      %swap3A_1065 = tpu.vector_load %arg7[%swap3A_1063, %swap3A_1064] {strides = array<i32>} : memref<32x1000xf32, #tpu.memory_space<vmem>>, vector<16xf32>,
      tpu.vector_store %arg7[%swap3A_1063, %swap3A_1064], %get3A_1061 {strides = array<i32>} : memref<32x1000xf32, #tpu.memory_space<vmem>>, vector<16xf32>,
      %get3A_1066 = arith.constant 17 : i32
      %get3A_1067 = arith.index_cast %get3A_1066 : i32 to index
      %get3A_1068 = arith.constant 48 : index
      %get3A_1069 = tpu.vector_load %arg9[%get3A_1067, %get3A_1068] {strides = array<i32>} : memref<32x128xf32, #tpu.memory_space<vmem>>, vector<16xf32>,
      %swap3A_1070 = arith.constant 17 : i32
      %swap3A_1071 = arith.index_cast %swap3A_1070 : i32 to index
      %swap3A_1072 = arith.constant 944 : index
      %swap3A_1073 = tpu.vector_load %arg7[%swap3A_1071, %swap3A_1072] {strides = array<i32>} : memref<32x1000xf32, #tpu.memory_space<vmem>>, vector<16xf32>,
      tpu.vector_store %arg7[%swap3A_1071, %swap3A_1072], %get3A_1069 {strides = array<i32>} : memref<32x1000xf32, #tpu.memory_space<vmem>>, vector<16xf32>,
      %get3A_1074 = arith.constant 17 : i32
      %get3A_1075 = arith.index_cast %get3A_1074 : i32 to index
      %get3A_1076 = arith.constant 64 : index
      %get3A_1077 = tpu.vector_load %arg9[%get3A_1075, %get3A_1076] {strides = array<i32>} : memref<32x128xf32, #tpu.memory_space<vmem>>, vector<16xf32>,
      %swap3A_1078 = arith.constant 17 : i32
      %swap3A_1079 = arith.index_cast %swap3A_1078 : i32 to index
      %swap3A_1080 = arith.constant 960 : index
      %swap3A_1081 = tpu.vector_load %arg7[%swap3A_1079, %swap3A_1080] {strides = array<i32>} : memref<32x1000xf32, #tpu.memory_space<vmem>>, vector<16xf32>,
      tpu.vector_store %arg7[%swap3A_1079, %swap3A_1080], %get3A_1077 {strides = array<i32>} : memref<32x1000xf32, #tpu.memory_space<vmem>>, vector<16xf32>,
      %get3A_1082 = arith.constant 17 : i32
      %get3A_1083 = arith.index_cast %get3A_1082 : i32 to index
      %get3A_1084 = arith.constant 80 : index
      %get3A_1085 = tpu.vector_load %arg9[%get3A_1083, %get3A_1084] {strides = array<i32>} : memref<32x128xf32, #tpu.memory_space<vmem>>, vector<16xf32>,
      %swap3A_1086 = arith.constant 17 : i32
      %swap3A_1087 = arith.index_cast %swap3A_1086 : i32 to index
      %swap3A_1088 = arith.constant 976 : index
      %swap3A_1089 = tpu.vector_load %arg7[%swap3A_1087, %swap3A_1088] {strides = array<i32>} : memref<32x1000xf32, #tpu.memory_space<vmem>>, vector<16xf32>,
      tpu.vector_store %arg7[%swap3A_1087, %swap3A_1088], %get3A_1085 {strides = array<i32>} : memref<32x1000xf32, #tpu.memory_space<vmem>>, vector<16xf32>,
      %get3A_1090 = arith.constant 17 : i32
      %get3A_1091 = arith.index_cast %get3A_1090 : i32 to index
      %get3A_1092 = arith.constant 96 : index
      %get3A_1093 = tpu.vector_load %arg9[%get3A_1091, %get3A_1092] {strides = array<i32>} : memref<32x128xf32, #tpu.memory_space<vmem>>, vector<16xf32>,
      %broadcast_in_dim3A_1094 = arith.constant 17 : i32
      %broadcast_in_dim3A_1095 = vector.broadcast %broadcast_in_dim3A_1094 : i32 to vector<16xi32>
      %add3A_1096 = arith.constant 992 : i32
      %add3A_1097 = vector.broadcast %add3A_1096 : i32 to vector<16xi32>
      %add3A_1098 = arith.addi %add3A_1097, %iota3A : vector<16xi32>
      tpu.vector_store_idx %arg7[%broadcast_in_dim3A_1095, %add3A_1098], %get3A_1093 masked %lt3A_75 : memref<32x1000xf32, #tpu.memory_space<vmem>>[vector<16xi32>, vector<16xi32>], vector<16xf32>, vector<16xi1>
      %get3A_1099 = arith.constant 18 : i32
      %get3A_1100 = arith.index_cast %get3A_1099 : i32 to index
      %get3A_1101 = arith.constant 0 : index
      %get3A_1102 = tpu.vector_load %arg9[%get3A_1100, %get3A_1101] {strides = array<i32>} : memref<32x128xf32, #tpu.memory_space<vmem>>, vector<16xf32>,
      %swap3A_1103 = arith.constant 18 : i32
      %swap3A_1104 = arith.index_cast %swap3A_1103 : i32 to index
      %swap3A_1105 = arith.constant 896 : index
      %swap3A_1106 = tpu.vector_load %arg7[%swap3A_1104, %swap3A_1105] {strides = array<i32>} : memref<32x1000xf32, #tpu.memory_space<vmem>>, vector<16xf32>,
      tpu.vector_store %arg7[%swap3A_1104, %swap3A_1105], %get3A_1102 {strides = array<i32>} : memref<32x1000xf32, #tpu.memory_space<vmem>>, vector<16xf32>,
      %get3A_1107 = arith.constant 18 : i32
      %get3A_1108 = arith.index_cast %get3A_1107 : i32 to index
      %get3A_1109 = arith.constant 16 : index
      %get3A_1110 = tpu.vector_load %arg9[%get3A_1108, %get3A_1109] {strides = array<i32>} : memref<32x128xf32, #tpu.memory_space<vmem>>, vector<16xf32>,
      %swap3A_1111 = arith.constant 18 : i32
      %swap3A_1112 = arith.index_cast %swap3A_1111 : i32 to index
      %swap3A_1113 = arith.constant 912 : index
      %swap3A_1114 = tpu.vector_load %arg7[%swap3A_1112, %swap3A_1113] {strides = array<i32>} : memref<32x1000xf32, #tpu.memory_space<vmem>>, vector<16xf32>,
      tpu.vector_store %arg7[%swap3A_1112, %swap3A_1113], %get3A_1110 {strides = array<i32>} : memref<32x1000xf32, #tpu.memory_space<vmem>>, vector<16xf32>,
      %get3A_1115 = arith.constant 18 : i32
      %get3A_1116 = arith.index_cast %get3A_1115 : i32 to index
      %get3A_1117 = arith.constant 32 : index
      %get3A_1118 = tpu.vector_load %arg9[%get3A_1116, %get3A_1117] {strides = array<i32>} : memref<32x128xf32, #tpu.memory_space<vmem>>, vector<16xf32>,
      %swap3A_1119 = arith.constant 18 : i32
      %swap3A_1120 = arith.index_cast %swap3A_1119 : i32 to index
      %swap3A_1121 = arith.constant 928 : index
      %swap3A_1122 = tpu.vector_load %arg7[%swap3A_1120, %swap3A_1121] {strides = array<i32>} : memref<32x1000xf32, #tpu.memory_space<vmem>>, vector<16xf32>,
      tpu.vector_store %arg7[%swap3A_1120, %swap3A_1121], %get3A_1118 {strides = array<i32>} : memref<32x1000xf32, #tpu.memory_space<vmem>>, vector<16xf32>,
      %get3A_1123 = arith.constant 18 : i32
      %get3A_1124 = arith.index_cast %get3A_1123 : i32 to index
      %get3A_1125 = arith.constant 48 : index
      %get3A_1126 = tpu.vector_load %arg9[%get3A_1124, %get3A_1125] {strides = array<i32>} : memref<32x128xf32, #tpu.memory_space<vmem>>, vector<16xf32>,
      %swap3A_1127 = arith.constant 18 : i32
      %swap3A_1128 = arith.index_cast %swap3A_1127 : i32 to index
      %swap3A_1129 = arith.constant 944 : index
      %swap3A_1130 = tpu.vector_load %arg7[%swap3A_1128, %swap3A_1129] {strides = array<i32>} : memref<32x1000xf32, #tpu.memory_space<vmem>>, vector<16xf32>,
      tpu.vector_store %arg7[%swap3A_1128, %swap3A_1129], %get3A_1126 {strides = array<i32>} : memref<32x1000xf32, #tpu.memory_space<vmem>>, vector<16xf32>,
      %get3A_1131 = arith.constant 18 : i32
      %get3A_1132 = arith.index_cast %get3A_1131 : i32 to index
      %get3A_1133 = arith.constant 64 : index
      %get3A_1134 = tpu.vector_load %arg9[%get3A_1132, %get3A_1133] {strides = array<i32>} : memref<32x128xf32, #tpu.memory_space<vmem>>, vector<16xf32>,
      %swap3A_1135 = arith.constant 18 : i32
      %swap3A_1136 = arith.index_cast %swap3A_1135 : i32 to index
      %swap3A_1137 = arith.constant 960 : index
      %swap3A_1138 = tpu.vector_load %arg7[%swap3A_1136, %swap3A_1137] {strides = array<i32>} : memref<32x1000xf32, #tpu.memory_space<vmem>>, vector<16xf32>,
      tpu.vector_store %arg7[%swap3A_1136, %swap3A_1137], %get3A_1134 {strides = array<i32>} : memref<32x1000xf32, #tpu.memory_space<vmem>>, vector<16xf32>,
      %get3A_1139 = arith.constant 18 : i32
      %get3A_1140 = arith.index_cast %get3A_1139 : i32 to index
      %get3A_1141 = arith.constant 80 : index
      %get3A_1142 = tpu.vector_load %arg9[%get3A_1140, %get3A_1141] {strides = array<i32>} : memref<32x128xf32, #tpu.memory_space<vmem>>, vector<16xf32>,
      %swap3A_1143 = arith.constant 18 : i32
      %swap3A_1144 = arith.index_cast %swap3A_1143 : i32 to index
      %swap3A_1145 = arith.constant 976 : index
      %swap3A_1146 = tpu.vector_load %arg7[%swap3A_1144, %swap3A_1145] {strides = array<i32>} : memref<32x1000xf32, #tpu.memory_space<vmem>>, vector<16xf32>,
      tpu.vector_store %arg7[%swap3A_1144, %swap3A_1145], %get3A_1142 {strides = array<i32>} : memref<32x1000xf32, #tpu.memory_space<vmem>>, vector<16xf32>,
      %get3A_1147 = arith.constant 18 : i32
      %get3A_1148 = arith.index_cast %get3A_1147 : i32 to index
      %get3A_1149 = arith.constant 96 : index
      %get3A_1150 = tpu.vector_load %arg9[%get3A_1148, %get3A_1149] {strides = array<i32>} : memref<32x128xf32, #tpu.memory_space<vmem>>, vector<16xf32>,
      %broadcast_in_dim3A_1151 = arith.constant 18 : i32
      %broadcast_in_dim3A_1152 = vector.broadcast %broadcast_in_dim3A_1151 : i32 to vector<16xi32>
      %add3A_1153 = arith.constant 992 : i32
      %add3A_1154 = vector.broadcast %add3A_1153 : i32 to vector<16xi32>
      %add3A_1155 = arith.addi %add3A_1154, %iota3A : vector<16xi32>
      tpu.vector_store_idx %arg7[%broadcast_in_dim3A_1152, %add3A_1155], %get3A_1150 masked %lt3A_75 : memref<32x1000xf32, #tpu.memory_space<vmem>>[vector<16xi32>, vector<16xi32>], vector<16xf32>, vector<16xi1>
      %get3A_1156 = arith.constant 19 : i32
      %get3A_1157 = arith.index_cast %get3A_1156 : i32 to index
      %get3A_1158 = arith.constant 0 : index
      %get3A_1159 = tpu.vector_load %arg9[%get3A_1157, %get3A_1158] {strides = array<i32>} : memref<32x128xf32, #tpu.memory_space<vmem>>, vector<16xf32>,
      %swap3A_1160 = arith.constant 19 : i32
      %swap3A_1161 = arith.index_cast %swap3A_1160 : i32 to index
      %swap3A_1162 = arith.constant 896 : index
      %swap3A_1163 = tpu.vector_load %arg7[%swap3A_1161, %swap3A_1162] {strides = array<i32>} : memref<32x1000xf32, #tpu.memory_space<vmem>>, vector<16xf32>,
      tpu.vector_store %arg7[%swap3A_1161, %swap3A_1162], %get3A_1159 {strides = array<i32>} : memref<32x1000xf32, #tpu.memory_space<vmem>>, vector<16xf32>,
      %get3A_1164 = arith.constant 19 : i32
      %get3A_1165 = arith.index_cast %get3A_1164 : i32 to index
      %get3A_1166 = arith.constant 16 : index
      %get3A_1167 = tpu.vector_load %arg9[%get3A_1165, %get3A_1166] {strides = array<i32>} : memref<32x128xf32, #tpu.memory_space<vmem>>, vector<16xf32>,
      %swap3A_1168 = arith.constant 19 : i32
      %swap3A_1169 = arith.index_cast %swap3A_1168 : i32 to index
      %swap3A_1170 = arith.constant 912 : index
      %swap3A_1171 = tpu.vector_load %arg7[%swap3A_1169, %swap3A_1170] {strides = array<i32>} : memref<32x1000xf32, #tpu.memory_space<vmem>>, vector<16xf32>,
      tpu.vector_store %arg7[%swap3A_1169, %swap3A_1170], %get3A_1167 {strides = array<i32>} : memref<32x1000xf32, #tpu.memory_space<vmem>>, vector<16xf32>,
      %get3A_1172 = arith.constant 19 : i32
      %get3A_1173 = arith.index_cast %get3A_1172 : i32 to index
      %get3A_1174 = arith.constant 32 : index
      %get3A_1175 = tpu.vector_load %arg9[%get3A_1173, %get3A_1174] {strides = array<i32>} : memref<32x128xf32, #tpu.memory_space<vmem>>, vector<16xf32>,
      %swap3A_1176 = arith.constant 19 : i32
      %swap3A_1177 = arith.index_cast %swap3A_1176 : i32 to index
      %swap3A_1178 = arith.constant 928 : index
      %swap3A_1179 = tpu.vector_load %arg7[%swap3A_1177, %swap3A_1178] {strides = array<i32>} : memref<32x1000xf32, #tpu.memory_space<vmem>>, vector<16xf32>,
      tpu.vector_store %arg7[%swap3A_1177, %swap3A_1178], %get3A_1175 {strides = array<i32>} : memref<32x1000xf32, #tpu.memory_space<vmem>>, vector<16xf32>,
      %get3A_1180 = arith.constant 19 : i32
      %get3A_1181 = arith.index_cast %get3A_1180 : i32 to index
      %get3A_1182 = arith.constant 48 : index
      %get3A_1183 = tpu.vector_load %arg9[%get3A_1181, %get3A_1182] {strides = array<i32>} : memref<32x128xf32, #tpu.memory_space<vmem>>, vector<16xf32>,
      %swap3A_1184 = arith.constant 19 : i32
      %swap3A_1185 = arith.index_cast %swap3A_1184 : i32 to index
      %swap3A_1186 = arith.constant 944 : index
      %swap3A_1187 = tpu.vector_load %arg7[%swap3A_1185, %swap3A_1186] {strides = array<i32>} : memref<32x1000xf32, #tpu.memory_space<vmem>>, vector<16xf32>,
      tpu.vector_store %arg7[%swap3A_1185, %swap3A_1186], %get3A_1183 {strides = array<i32>} : memref<32x1000xf32, #tpu.memory_space<vmem>>, vector<16xf32>,
      %get3A_1188 = arith.constant 19 : i32
      %get3A_1189 = arith.index_cast %get3A_1188 : i32 to index
      %get3A_1190 = arith.constant 64 : index
      %get3A_1191 = tpu.vector_load %arg9[%get3A_1189, %get3A_1190] {strides = array<i32>} : memref<32x128xf32, #tpu.memory_space<vmem>>, vector<16xf32>,
      %swap3A_1192 = arith.constant 19 : i32
      %swap3A_1193 = arith.index_cast %swap3A_1192 : i32 to index
      %swap3A_1194 = arith.constant 960 : index
      %swap3A_1195 = tpu.vector_load %arg7[%swap3A_1193, %swap3A_1194] {strides = array<i32>} : memref<32x1000xf32, #tpu.memory_space<vmem>>, vector<16xf32>,
      tpu.vector_store %arg7[%swap3A_1193, %swap3A_1194], %get3A_1191 {strides = array<i32>} : memref<32x1000xf32, #tpu.memory_space<vmem>>, vector<16xf32>,
      %get3A_1196 = arith.constant 19 : i32
      %get3A_1197 = arith.index_cast %get3A_1196 : i32 to index
      %get3A_1198 = arith.constant 80 : index
      %get3A_1199 = tpu.vector_load %arg9[%get3A_1197, %get3A_1198] {strides = array<i32>} : memref<32x128xf32, #tpu.memory_space<vmem>>, vector<16xf32>,
      %swap3A_1200 = arith.constant 19 : i32
      %swap3A_1201 = arith.index_cast %swap3A_1200 : i32 to index
      %swap3A_1202 = arith.constant 976 : index
      %swap3A_1203 = tpu.vector_load %arg7[%swap3A_1201, %swap3A_1202] {strides = array<i32>} : memref<32x1000xf32, #tpu.memory_space<vmem>>, vector<16xf32>,
      tpu.vector_store %arg7[%swap3A_1201, %swap3A_1202], %get3A_1199 {strides = array<i32>} : memref<32x1000xf32, #tpu.memory_space<vmem>>, vector<16xf32>,
      %get3A_1204 = arith.constant 19 : i32
      %get3A_1205 = arith.index_cast %get3A_1204 : i32 to index
      %get3A_1206 = arith.constant 96 : index
      %get3A_1207 = tpu.vector_load %arg9[%get3A_1205, %get3A_1206] {strides = array<i32>} : memref<32x128xf32, #tpu.memory_space<vmem>>, vector<16xf32>,
      %broadcast_in_dim3A_1208 = arith.constant 19 : i32
      %broadcast_in_dim3A_1209 = vector.broadcast %broadcast_in_dim3A_1208 : i32 to vector<16xi32>
      %add3A_1210 = arith.constant 992 : i32
      %add3A_1211 = vector.broadcast %add3A_1210 : i32 to vector<16xi32>
      %add3A_1212 = arith.addi %add3A_1211, %iota3A : vector<16xi32>
      tpu.vector_store_idx %arg7[%broadcast_in_dim3A_1209, %add3A_1212], %get3A_1207 masked %lt3A_75 : memref<32x1000xf32, #tpu.memory_space<vmem>>[vector<16xi32>, vector<16xi32>], vector<16xf32>, vector<16xi1>
      %get3A_1213 = arith.constant 20 : i32
      %get3A_1214 = arith.index_cast %get3A_1213 : i32 to index
      %get3A_1215 = arith.constant 0 : index
      %get3A_1216 = tpu.vector_load %arg9[%get3A_1214, %get3A_1215] {strides = array<i32>} : memref<32x128xf32, #tpu.memory_space<vmem>>, vector<16xf32>,
      %swap3A_1217 = arith.constant 20 : i32
      %swap3A_1218 = arith.index_cast %swap3A_1217 : i32 to index
      %swap3A_1219 = arith.constant 896 : index
      %swap3A_1220 = tpu.vector_load %arg7[%swap3A_1218, %swap3A_1219] {strides = array<i32>} : memref<32x1000xf32, #tpu.memory_space<vmem>>, vector<16xf32>,
      tpu.vector_store %arg7[%swap3A_1218, %swap3A_1219], %get3A_1216 {strides = array<i32>} : memref<32x1000xf32, #tpu.memory_space<vmem>>, vector<16xf32>,
      %get3A_1221 = arith.constant 20 : i32
      %get3A_1222 = arith.index_cast %get3A_1221 : i32 to index
      %get3A_1223 = arith.constant 16 : index
      %get3A_1224 = tpu.vector_load %arg9[%get3A_1222, %get3A_1223] {strides = array<i32>} : memref<32x128xf32, #tpu.memory_space<vmem>>, vector<16xf32>,
      %swap3A_1225 = arith.constant 20 : i32
      %swap3A_1226 = arith.index_cast %swap3A_1225 : i32 to index
      %swap3A_1227 = arith.constant 912 : index
      %swap3A_1228 = tpu.vector_load %arg7[%swap3A_1226, %swap3A_1227] {strides = array<i32>} : memref<32x1000xf32, #tpu.memory_space<vmem>>, vector<16xf32>,
      tpu.vector_store %arg7[%swap3A_1226, %swap3A_1227], %get3A_1224 {strides = array<i32>} : memref<32x1000xf32, #tpu.memory_space<vmem>>, vector<16xf32>,
      %get3A_1229 = arith.constant 20 : i32
      %get3A_1230 = arith.index_cast %get3A_1229 : i32 to index
      %get3A_1231 = arith.constant 32 : index
      %get3A_1232 = tpu.vector_load %arg9[%get3A_1230, %get3A_1231] {strides = array<i32>} : memref<32x128xf32, #tpu.memory_space<vmem>>, vector<16xf32>,
      %swap3A_1233 = arith.constant 20 : i32
      %swap3A_1234 = arith.index_cast %swap3A_1233 : i32 to index
      %swap3A_1235 = arith.constant 928 : index
      %swap3A_1236 = tpu.vector_load %arg7[%swap3A_1234, %swap3A_1235] {strides = array<i32>} : memref<32x1000xf32, #tpu.memory_space<vmem>>, vector<16xf32>,
      tpu.vector_store %arg7[%swap3A_1234, %swap3A_1235], %get3A_1232 {strides = array<i32>} : memref<32x1000xf32, #tpu.memory_space<vmem>>, vector<16xf32>,
      %get3A_1237 = arith.constant 20 : i32
      %get3A_1238 = arith.index_cast %get3A_1237 : i32 to index
      %get3A_1239 = arith.constant 48 : index
      %get3A_1240 = tpu.vector_load %arg9[%get3A_1238, %get3A_1239] {strides = array<i32>} : memref<32x128xf32, #tpu.memory_space<vmem>>, vector<16xf32>,
      %swap3A_1241 = arith.constant 20 : i32
      %swap3A_1242 = arith.index_cast %swap3A_1241 : i32 to index
      %swap3A_1243 = arith.constant 944 : index
      %swap3A_1244 = tpu.vector_load %arg7[%swap3A_1242, %swap3A_1243] {strides = array<i32>} : memref<32x1000xf32, #tpu.memory_space<vmem>>, vector<16xf32>,
      tpu.vector_store %arg7[%swap3A_1242, %swap3A_1243], %get3A_1240 {strides = array<i32>} : memref<32x1000xf32, #tpu.memory_space<vmem>>, vector<16xf32>,
      %get3A_1245 = arith.constant 20 : i32
      %get3A_1246 = arith.index_cast %get3A_1245 : i32 to index
      %get3A_1247 = arith.constant 64 : index
      %get3A_1248 = tpu.vector_load %arg9[%get3A_1246, %get3A_1247] {strides = array<i32>} : memref<32x128xf32, #tpu.memory_space<vmem>>, vector<16xf32>,
      %swap3A_1249 = arith.constant 20 : i32
      %swap3A_1250 = arith.index_cast %swap3A_1249 : i32 to index
      %swap3A_1251 = arith.constant 960 : index
      %swap3A_1252 = tpu.vector_load %arg7[%swap3A_1250, %swap3A_1251] {strides = array<i32>} : memref<32x1000xf32, #tpu.memory_space<vmem>>, vector<16xf32>,
      tpu.vector_store %arg7[%swap3A_1250, %swap3A_1251], %get3A_1248 {strides = array<i32>} : memref<32x1000xf32, #tpu.memory_space<vmem>>, vector<16xf32>,
      %get3A_1253 = arith.constant 20 : i32
      %get3A_1254 = arith.index_cast %get3A_1253 : i32 to index
      %get3A_1255 = arith.constant 80 : index
      %get3A_1256 = tpu.vector_load %arg9[%get3A_1254, %get3A_1255] {strides = array<i32>} : memref<32x128xf32, #tpu.memory_space<vmem>>, vector<16xf32>,
      %swap3A_1257 = arith.constant 20 : i32
      %swap3A_1258 = arith.index_cast %swap3A_1257 : i32 to index
      %swap3A_1259 = arith.constant 976 : index
      %swap3A_1260 = tpu.vector_load %arg7[%swap3A_1258, %swap3A_1259] {strides = array<i32>} : memref<32x1000xf32, #tpu.memory_space<vmem>>, vector<16xf32>,
      tpu.vector_store %arg7[%swap3A_1258, %swap3A_1259], %get3A_1256 {strides = array<i32>} : memref<32x1000xf32, #tpu.memory_space<vmem>>, vector<16xf32>,
      %get3A_1261 = arith.constant 20 : i32
      %get3A_1262 = arith.index_cast %get3A_1261 : i32 to index
      %get3A_1263 = arith.constant 96 : index
      %get3A_1264 = tpu.vector_load %arg9[%get3A_1262, %get3A_1263] {strides = array<i32>} : memref<32x128xf32, #tpu.memory_space<vmem>>, vector<16xf32>,
      %broadcast_in_dim3A_1265 = arith.constant 20 : i32
      %broadcast_in_dim3A_1266 = vector.broadcast %broadcast_in_dim3A_1265 : i32 to vector<16xi32>
      %add3A_1267 = arith.constant 992 : i32
      %add3A_1268 = vector.broadcast %add3A_1267 : i32 to vector<16xi32>
      %add3A_1269 = arith.addi %add3A_1268, %iota3A : vector<16xi32>
      tpu.vector_store_idx %arg7[%broadcast_in_dim3A_1266, %add3A_1269], %get3A_1264 masked %lt3A_75 : memref<32x1000xf32, #tpu.memory_space<vmem>>[vector<16xi32>, vector<16xi32>], vector<16xf32>, vector<16xi1>
      %get3A_1270 = arith.constant 21 : i32
      %get3A_1271 = arith.index_cast %get3A_1270 : i32 to index
      %get3A_1272 = arith.constant 0 : index
      %get3A_1273 = tpu.vector_load %arg9[%get3A_1271, %get3A_1272] {strides = array<i32>} : memref<32x128xf32, #tpu.memory_space<vmem>>, vector<16xf32>,
      %swap3A_1274 = arith.constant 21 : i32
      %swap3A_1275 = arith.index_cast %swap3A_1274 : i32 to index
      %swap3A_1276 = arith.constant 896 : index
      %swap3A_1277 = tpu.vector_load %arg7[%swap3A_1275, %swap3A_1276] {strides = array<i32>} : memref<32x1000xf32, #tpu.memory_space<vmem>>, vector<16xf32>,
      tpu.vector_store %arg7[%swap3A_1275, %swap3A_1276], %get3A_1273 {strides = array<i32>} : memref<32x1000xf32, #tpu.memory_space<vmem>>, vector<16xf32>,
      %get3A_1278 = arith.constant 21 : i32
      %get3A_1279 = arith.index_cast %get3A_1278 : i32 to index
      %get3A_1280 = arith.constant 16 : index
      %get3A_1281 = tpu.vector_load %arg9[%get3A_1279, %get3A_1280] {strides = array<i32>} : memref<32x128xf32, #tpu.memory_space<vmem>>, vector<16xf32>,
      %swap3A_1282 = arith.constant 21 : i32
      %swap3A_1283 = arith.index_cast %swap3A_1282 : i32 to index
      %swap3A_1284 = arith.constant 912 : index
      %swap3A_1285 = tpu.vector_load %arg7[%swap3A_1283, %swap3A_1284] {strides = array<i32>} : memref<32x1000xf32, #tpu.memory_space<vmem>>, vector<16xf32>,
      tpu.vector_store %arg7[%swap3A_1283, %swap3A_1284], %get3A_1281 {strides = array<i32>} : memref<32x1000xf32, #tpu.memory_space<vmem>>, vector<16xf32>,
      %get3A_1286 = arith.constant 21 : i32
      %get3A_1287 = arith.index_cast %get3A_1286 : i32 to index
      %get3A_1288 = arith.constant 32 : index
      %get3A_1289 = tpu.vector_load %arg9[%get3A_1287, %get3A_1288] {strides = array<i32>} : memref<32x128xf32, #tpu.memory_space<vmem>>, vector<16xf32>,
      %swap3A_1290 = arith.constant 21 : i32
      %swap3A_1291 = arith.index_cast %swap3A_1290 : i32 to index
      %swap3A_1292 = arith.constant 928 : index
      %swap3A_1293 = tpu.vector_load %arg7[%swap3A_1291, %swap3A_1292] {strides = array<i32>} : memref<32x1000xf32, #tpu.memory_space<vmem>>, vector<16xf32>,
      tpu.vector_store %arg7[%swap3A_1291, %swap3A_1292], %get3A_1289 {strides = array<i32>} : memref<32x1000xf32, #tpu.memory_space<vmem>>, vector<16xf32>,
      %get3A_1294 = arith.constant 21 : i32
      %get3A_1295 = arith.index_cast %get3A_1294 : i32 to index
      %get3A_1296 = arith.constant 48 : index
      %get3A_1297 = tpu.vector_load %arg9[%get3A_1295, %get3A_1296] {strides = array<i32>} : memref<32x128xf32, #tpu.memory_space<vmem>>, vector<16xf32>,
      %swap3A_1298 = arith.constant 21 : i32
      %swap3A_1299 = arith.index_cast %swap3A_1298 : i32 to index
      %swap3A_1300 = arith.constant 944 : index
      %swap3A_1301 = tpu.vector_load %arg7[%swap3A_1299, %swap3A_1300] {strides = array<i32>} : memref<32x1000xf32, #tpu.memory_space<vmem>>, vector<16xf32>,
      tpu.vector_store %arg7[%swap3A_1299, %swap3A_1300], %get3A_1297 {strides = array<i32>} : memref<32x1000xf32, #tpu.memory_space<vmem>>, vector<16xf32>,
      %get3A_1302 = arith.constant 21 : i32
      %get3A_1303 = arith.index_cast %get3A_1302 : i32 to index
      %get3A_1304 = arith.constant 64 : index
      %get3A_1305 = tpu.vector_load %arg9[%get3A_1303, %get3A_1304] {strides = array<i32>} : memref<32x128xf32, #tpu.memory_space<vmem>>, vector<16xf32>,
      %swap3A_1306 = arith.constant 21 : i32
      %swap3A_1307 = arith.index_cast %swap3A_1306 : i32 to index
      %swap3A_1308 = arith.constant 960 : index
      %swap3A_1309 = tpu.vector_load %arg7[%swap3A_1307, %swap3A_1308] {strides = array<i32>} : memref<32x1000xf32, #tpu.memory_space<vmem>>, vector<16xf32>,
      tpu.vector_store %arg7[%swap3A_1307, %swap3A_1308], %get3A_1305 {strides = array<i32>} : memref<32x1000xf32, #tpu.memory_space<vmem>>, vector<16xf32>,
      %get3A_1310 = arith.constant 21 : i32
      %get3A_1311 = arith.index_cast %get3A_1310 : i32 to index
      %get3A_1312 = arith.constant 80 : index
      %get3A_1313 = tpu.vector_load %arg9[%get3A_1311, %get3A_1312] {strides = array<i32>} : memref<32x128xf32, #tpu.memory_space<vmem>>, vector<16xf32>,
      %swap3A_1314 = arith.constant 21 : i32
      %swap3A_1315 = arith.index_cast %swap3A_1314 : i32 to index
      %swap3A_1316 = arith.constant 976 : index
      %swap3A_1317 = tpu.vector_load %arg7[%swap3A_1315, %swap3A_1316] {strides = array<i32>} : memref<32x1000xf32, #tpu.memory_space<vmem>>, vector<16xf32>,
      tpu.vector_store %arg7[%swap3A_1315, %swap3A_1316], %get3A_1313 {strides = array<i32>} : memref<32x1000xf32, #tpu.memory_space<vmem>>, vector<16xf32>,
      %get3A_1318 = arith.constant 21 : i32
      %get3A_1319 = arith.index_cast %get3A_1318 : i32 to index
      %get3A_1320 = arith.constant 96 : index
      %get3A_1321 = tpu.vector_load %arg9[%get3A_1319, %get3A_1320] {strides = array<i32>} : memref<32x128xf32, #tpu.memory_space<vmem>>, vector<16xf32>,
      %broadcast_in_dim3A_1322 = arith.constant 21 : i32
      %broadcast_in_dim3A_1323 = vector.broadcast %broadcast_in_dim3A_1322 : i32 to vector<16xi32>
      %add3A_1324 = arith.constant 992 : i32
      %add3A_1325 = vector.broadcast %add3A_1324 : i32 to vector<16xi32>
      %add3A_1326 = arith.addi %add3A_1325, %iota3A : vector<16xi32>
      tpu.vector_store_idx %arg7[%broadcast_in_dim3A_1323, %add3A_1326], %get3A_1321 masked %lt3A_75 : memref<32x1000xf32, #tpu.memory_space<vmem>>[vector<16xi32>, vector<16xi32>], vector<16xf32>, vector<16xi1>
      %get3A_1327 = arith.constant 22 : i32
      %get3A_1328 = arith.index_cast %get3A_1327 : i32 to index
      %get3A_1329 = arith.constant 0 : index
      %get3A_1330 = tpu.vector_load %arg9[%get3A_1328, %get3A_1329] {strides = array<i32>} : memref<32x128xf32, #tpu.memory_space<vmem>>, vector<16xf32>,
      %swap3A_1331 = arith.constant 22 : i32
      %swap3A_1332 = arith.index_cast %swap3A_1331 : i32 to index
      %swap3A_1333 = arith.constant 896 : index
      %swap3A_1334 = tpu.vector_load %arg7[%swap3A_1332, %swap3A_1333] {strides = array<i32>} : memref<32x1000xf32, #tpu.memory_space<vmem>>, vector<16xf32>,
      tpu.vector_store %arg7[%swap3A_1332, %swap3A_1333], %get3A_1330 {strides = array<i32>} : memref<32x1000xf32, #tpu.memory_space<vmem>>, vector<16xf32>,
      %get3A_1335 = arith.constant 22 : i32
      %get3A_1336 = arith.index_cast %get3A_1335 : i32 to index
      %get3A_1337 = arith.constant 16 : index
      %get3A_1338 = tpu.vector_load %arg9[%get3A_1336, %get3A_1337] {strides = array<i32>} : memref<32x128xf32, #tpu.memory_space<vmem>>, vector<16xf32>,
      %swap3A_1339 = arith.constant 22 : i32
      %swap3A_1340 = arith.index_cast %swap3A_1339 : i32 to index
      %swap3A_1341 = arith.constant 912 : index
      %swap3A_1342 = tpu.vector_load %arg7[%swap3A_1340, %swap3A_1341] {strides = array<i32>} : memref<32x1000xf32, #tpu.memory_space<vmem>>, vector<16xf32>,
      tpu.vector_store %arg7[%swap3A_1340, %swap3A_1341], %get3A_1338 {strides = array<i32>} : memref<32x1000xf32, #tpu.memory_space<vmem>>, vector<16xf32>,
      %get3A_1343 = arith.constant 22 : i32
      %get3A_1344 = arith.index_cast %get3A_1343 : i32 to index
      %get3A_1345 = arith.constant 32 : index
      %get3A_1346 = tpu.vector_load %arg9[%get3A_1344, %get3A_1345] {strides = array<i32>} : memref<32x128xf32, #tpu.memory_space<vmem>>, vector<16xf32>,
      %swap3A_1347 = arith.constant 22 : i32
      %swap3A_1348 = arith.index_cast %swap3A_1347 : i32 to index
      %swap3A_1349 = arith.constant 928 : index
      %swap3A_1350 = tpu.vector_load %arg7[%swap3A_1348, %swap3A_1349] {strides = array<i32>} : memref<32x1000xf32, #tpu.memory_space<vmem>>, vector<16xf32>,
      tpu.vector_store %arg7[%swap3A_1348, %swap3A_1349], %get3A_1346 {strides = array<i32>} : memref<32x1000xf32, #tpu.memory_space<vmem>>, vector<16xf32>,
      %get3A_1351 = arith.constant 22 : i32
      %get3A_1352 = arith.index_cast %get3A_1351 : i32 to index
      %get3A_1353 = arith.constant 48 : index
      %get3A_1354 = tpu.vector_load %arg9[%get3A_1352, %get3A_1353] {strides = array<i32>} : memref<32x128xf32, #tpu.memory_space<vmem>>, vector<16xf32>,
      %swap3A_1355 = arith.constant 22 : i32
      %swap3A_1356 = arith.index_cast %swap3A_1355 : i32 to index
      %swap3A_1357 = arith.constant 944 : index
      %swap3A_1358 = tpu.vector_load %arg7[%swap3A_1356, %swap3A_1357] {strides = array<i32>} : memref<32x1000xf32, #tpu.memory_space<vmem>>, vector<16xf32>,
      tpu.vector_store %arg7[%swap3A_1356, %swap3A_1357], %get3A_1354 {strides = array<i32>} : memref<32x1000xf32, #tpu.memory_space<vmem>>, vector<16xf32>,
      %get3A_1359 = arith.constant 22 : i32
      %get3A_1360 = arith.index_cast %get3A_1359 : i32 to index
      %get3A_1361 = arith.constant 64 : index
      %get3A_1362 = tpu.vector_load %arg9[%get3A_1360, %get3A_1361] {strides = array<i32>} : memref<32x128xf32, #tpu.memory_space<vmem>>, vector<16xf32>,
      %swap3A_1363 = arith.constant 22 : i32
      %swap3A_1364 = arith.index_cast %swap3A_1363 : i32 to index
      %swap3A_1365 = arith.constant 960 : index
      %swap3A_1366 = tpu.vector_load %arg7[%swap3A_1364, %swap3A_1365] {strides = array<i32>} : memref<32x1000xf32, #tpu.memory_space<vmem>>, vector<16xf32>,
      tpu.vector_store %arg7[%swap3A_1364, %swap3A_1365], %get3A_1362 {strides = array<i32>} : memref<32x1000xf32, #tpu.memory_space<vmem>>, vector<16xf32>,
      %get3A_1367 = arith.constant 22 : i32
      %get3A_1368 = arith.index_cast %get3A_1367 : i32 to index
      %get3A_1369 = arith.constant 80 : index
      %get3A_1370 = tpu.vector_load %arg9[%get3A_1368, %get3A_1369] {strides = array<i32>} : memref<32x128xf32, #tpu.memory_space<vmem>>, vector<16xf32>,
      %swap3A_1371 = arith.constant 22 : i32
      %swap3A_1372 = arith.index_cast %swap3A_1371 : i32 to index
      %swap3A_1373 = arith.constant 976 : index
      %swap3A_1374 = tpu.vector_load %arg7[%swap3A_1372, %swap3A_1373] {strides = array<i32>} : memref<32x1000xf32, #tpu.memory_space<vmem>>, vector<16xf32>,
      tpu.vector_store %arg7[%swap3A_1372, %swap3A_1373], %get3A_1370 {strides = array<i32>} : memref<32x1000xf32, #tpu.memory_space<vmem>>, vector<16xf32>,
      %get3A_1375 = arith.constant 22 : i32
      %get3A_1376 = arith.index_cast %get3A_1375 : i32 to index
      %get3A_1377 = arith.constant 96 : index
      %get3A_1378 = tpu.vector_load %arg9[%get3A_1376, %get3A_1377] {strides = array<i32>} : memref<32x128xf32, #tpu.memory_space<vmem>>, vector<16xf32>,
      %broadcast_in_dim3A_1379 = arith.constant 22 : i32
      %broadcast_in_dim3A_1380 = vector.broadcast %broadcast_in_dim3A_1379 : i32 to vector<16xi32>
      %add3A_1381 = arith.constant 992 : i32
      %add3A_1382 = vector.broadcast %add3A_1381 : i32 to vector<16xi32>
      %add3A_1383 = arith.addi %add3A_1382, %iota3A : vector<16xi32>
      tpu.vector_store_idx %arg7[%broadcast_in_dim3A_1380, %add3A_1383], %get3A_1378 masked %lt3A_75 : memref<32x1000xf32, #tpu.memory_space<vmem>>[vector<16xi32>, vector<16xi32>], vector<16xf32>, vector<16xi1>
      %get3A_1384 = arith.constant 23 : i32
      %get3A_1385 = arith.index_cast %get3A_1384 : i32 to index
      %get3A_1386 = arith.constant 0 : index
      %get3A_1387 = tpu.vector_load %arg9[%get3A_1385, %get3A_1386] {strides = array<i32>} : memref<32x128xf32, #tpu.memory_space<vmem>>, vector<16xf32>,
      %swap3A_1388 = arith.constant 23 : i32
      %swap3A_1389 = arith.index_cast %swap3A_1388 : i32 to index
      %swap3A_1390 = arith.constant 896 : index
      %swap3A_1391 = tpu.vector_load %arg7[%swap3A_1389, %swap3A_1390] {strides = array<i32>} : memref<32x1000xf32, #tpu.memory_space<vmem>>, vector<16xf32>,
      tpu.vector_store %arg7[%swap3A_1389, %swap3A_1390], %get3A_1387 {strides = array<i32>} : memref<32x1000xf32, #tpu.memory_space<vmem>>, vector<16xf32>,
      %get3A_1392 = arith.constant 23 : i32
      %get3A_1393 = arith.index_cast %get3A_1392 : i32 to index
      %get3A_1394 = arith.constant 16 : index
      %get3A_1395 = tpu.vector_load %arg9[%get3A_1393, %get3A_1394] {strides = array<i32>} : memref<32x128xf32, #tpu.memory_space<vmem>>, vector<16xf32>,
      %swap3A_1396 = arith.constant 23 : i32
      %swap3A_1397 = arith.index_cast %swap3A_1396 : i32 to index
      %swap3A_1398 = arith.constant 912 : index
      %swap3A_1399 = tpu.vector_load %arg7[%swap3A_1397, %swap3A_1398] {strides = array<i32>} : memref<32x1000xf32, #tpu.memory_space<vmem>>, vector<16xf32>,
      tpu.vector_store %arg7[%swap3A_1397, %swap3A_1398], %get3A_1395 {strides = array<i32>} : memref<32x1000xf32, #tpu.memory_space<vmem>>, vector<16xf32>,
      %get3A_1400 = arith.constant 23 : i32
      %get3A_1401 = arith.index_cast %get3A_1400 : i32 to index
      %get3A_1402 = arith.constant 32 : index
      %get3A_1403 = tpu.vector_load %arg9[%get3A_1401, %get3A_1402] {strides = array<i32>} : memref<32x128xf32, #tpu.memory_space<vmem>>, vector<16xf32>,
      %swap3A_1404 = arith.constant 23 : i32
      %swap3A_1405 = arith.index_cast %swap3A_1404 : i32 to index
      %swap3A_1406 = arith.constant 928 : index
      %swap3A_1407 = tpu.vector_load %arg7[%swap3A_1405, %swap3A_1406] {strides = array<i32>} : memref<32x1000xf32, #tpu.memory_space<vmem>>, vector<16xf32>,
      tpu.vector_store %arg7[%swap3A_1405, %swap3A_1406], %get3A_1403 {strides = array<i32>} : memref<32x1000xf32, #tpu.memory_space<vmem>>, vector<16xf32>,
      %get3A_1408 = arith.constant 23 : i32
      %get3A_1409 = arith.index_cast %get3A_1408 : i32 to index
      %get3A_1410 = arith.constant 48 : index
      %get3A_1411 = tpu.vector_load %arg9[%get3A_1409, %get3A_1410] {strides = array<i32>} : memref<32x128xf32, #tpu.memory_space<vmem>>, vector<16xf32>,
      %swap3A_1412 = arith.constant 23 : i32
      %swap3A_1413 = arith.index_cast %swap3A_1412 : i32 to index
      %swap3A_1414 = arith.constant 944 : index
      %swap3A_1415 = tpu.vector_load %arg7[%swap3A_1413, %swap3A_1414] {strides = array<i32>} : memref<32x1000xf32, #tpu.memory_space<vmem>>, vector<16xf32>,
      tpu.vector_store %arg7[%swap3A_1413, %swap3A_1414], %get3A_1411 {strides = array<i32>} : memref<32x1000xf32, #tpu.memory_space<vmem>>, vector<16xf32>,
      %get3A_1416 = arith.constant 23 : i32
      %get3A_1417 = arith.index_cast %get3A_1416 : i32 to index
      %get3A_1418 = arith.constant 64 : index
      %get3A_1419 = tpu.vector_load %arg9[%get3A_1417, %get3A_1418] {strides = array<i32>} : memref<32x128xf32, #tpu.memory_space<vmem>>, vector<16xf32>,
      %swap3A_1420 = arith.constant 23 : i32
      %swap3A_1421 = arith.index_cast %swap3A_1420 : i32 to index
      %swap3A_1422 = arith.constant 960 : index
      %swap3A_1423 = tpu.vector_load %arg7[%swap3A_1421, %swap3A_1422] {strides = array<i32>} : memref<32x1000xf32, #tpu.memory_space<vmem>>, vector<16xf32>,
      tpu.vector_store %arg7[%swap3A_1421, %swap3A_1422], %get3A_1419 {strides = array<i32>} : memref<32x1000xf32, #tpu.memory_space<vmem>>, vector<16xf32>,
      %get3A_1424 = arith.constant 23 : i32
      %get3A_1425 = arith.index_cast %get3A_1424 : i32 to index
      %get3A_1426 = arith.constant 80 : index
      %get3A_1427 = tpu.vector_load %arg9[%get3A_1425, %get3A_1426] {strides = array<i32>} : memref<32x128xf32, #tpu.memory_space<vmem>>, vector<16xf32>,
      %swap3A_1428 = arith.constant 23 : i32
      %swap3A_1429 = arith.index_cast %swap3A_1428 : i32 to index
      %swap3A_1430 = arith.constant 976 : index
      %swap3A_1431 = tpu.vector_load %arg7[%swap3A_1429, %swap3A_1430] {strides = array<i32>} : memref<32x1000xf32, #tpu.memory_space<vmem>>, vector<16xf32>,
      tpu.vector_store %arg7[%swap3A_1429, %swap3A_1430], %get3A_1427 {strides = array<i32>} : memref<32x1000xf32, #tpu.memory_space<vmem>>, vector<16xf32>,
      %get3A_1432 = arith.constant 23 : i32
      %get3A_1433 = arith.index_cast %get3A_1432 : i32 to index
      %get3A_1434 = arith.constant 96 : index
      %get3A_1435 = tpu.vector_load %arg9[%get3A_1433, %get3A_1434] {strides = array<i32>} : memref<32x128xf32, #tpu.memory_space<vmem>>, vector<16xf32>,
      %broadcast_in_dim3A_1436 = arith.constant 23 : i32
      %broadcast_in_dim3A_1437 = vector.broadcast %broadcast_in_dim3A_1436 : i32 to vector<16xi32>
      %add3A_1438 = arith.constant 992 : i32
      %add3A_1439 = vector.broadcast %add3A_1438 : i32 to vector<16xi32>
      %add3A_1440 = arith.addi %add3A_1439, %iota3A : vector<16xi32>
      tpu.vector_store_idx %arg7[%broadcast_in_dim3A_1437, %add3A_1440], %get3A_1435 masked %lt3A_75 : memref<32x1000xf32, #tpu.memory_space<vmem>>[vector<16xi32>, vector<16xi32>], vector<16xf32>, vector<16xi1>
      %get3A_1441 = arith.constant 24 : i32
      %get3A_1442 = arith.index_cast %get3A_1441 : i32 to index
      %get3A_1443 = arith.constant 0 : index
      %get3A_1444 = tpu.vector_load %arg9[%get3A_1442, %get3A_1443] {strides = array<i32>} : memref<32x128xf32, #tpu.memory_space<vmem>>, vector<16xf32>,
      %swap3A_1445 = arith.constant 24 : i32
      %swap3A_1446 = arith.index_cast %swap3A_1445 : i32 to index
      %swap3A_1447 = arith.constant 896 : index
      %swap3A_1448 = tpu.vector_load %arg7[%swap3A_1446, %swap3A_1447] {strides = array<i32>} : memref<32x1000xf32, #tpu.memory_space<vmem>>, vector<16xf32>,
      tpu.vector_store %arg7[%swap3A_1446, %swap3A_1447], %get3A_1444 {strides = array<i32>} : memref<32x1000xf32, #tpu.memory_space<vmem>>, vector<16xf32>,
      %get3A_1449 = arith.constant 24 : i32
      %get3A_1450 = arith.index_cast %get3A_1449 : i32 to index
      %get3A_1451 = arith.constant 16 : index
      %get3A_1452 = tpu.vector_load %arg9[%get3A_1450, %get3A_1451] {strides = array<i32>} : memref<32x128xf32, #tpu.memory_space<vmem>>, vector<16xf32>,
      %swap3A_1453 = arith.constant 24 : i32
      %swap3A_1454 = arith.index_cast %swap3A_1453 : i32 to index
      %swap3A_1455 = arith.constant 912 : index
      %swap3A_1456 = tpu.vector_load %arg7[%swap3A_1454, %swap3A_1455] {strides = array<i32>} : memref<32x1000xf32, #tpu.memory_space<vmem>>, vector<16xf32>,
      tpu.vector_store %arg7[%swap3A_1454, %swap3A_1455], %get3A_1452 {strides = array<i32>} : memref<32x1000xf32, #tpu.memory_space<vmem>>, vector<16xf32>,
      %get3A_1457 = arith.constant 24 : i32
      %get3A_1458 = arith.index_cast %get3A_1457 : i32 to index
      %get3A_1459 = arith.constant 32 : index
      %get3A_1460 = tpu.vector_load %arg9[%get3A_1458, %get3A_1459] {strides = array<i32>} : memref<32x128xf32, #tpu.memory_space<vmem>>, vector<16xf32>,
      %swap3A_1461 = arith.constant 24 : i32
      %swap3A_1462 = arith.index_cast %swap3A_1461 : i32 to index
      %swap3A_1463 = arith.constant 928 : index
      %swap3A_1464 = tpu.vector_load %arg7[%swap3A_1462, %swap3A_1463] {strides = array<i32>} : memref<32x1000xf32, #tpu.memory_space<vmem>>, vector<16xf32>,
      tpu.vector_store %arg7[%swap3A_1462, %swap3A_1463], %get3A_1460 {strides = array<i32>} : memref<32x1000xf32, #tpu.memory_space<vmem>>, vector<16xf32>,
      %get3A_1465 = arith.constant 24 : i32
      %get3A_1466 = arith.index_cast %get3A_1465 : i32 to index
      %get3A_1467 = arith.constant 48 : index
      %get3A_1468 = tpu.vector_load %arg9[%get3A_1466, %get3A_1467] {strides = array<i32>} : memref<32x128xf32, #tpu.memory_space<vmem>>, vector<16xf32>,
      %swap3A_1469 = arith.constant 24 : i32
      %swap3A_1470 = arith.index_cast %swap3A_1469 : i32 to index
      %swap3A_1471 = arith.constant 944 : index
      %swap3A_1472 = tpu.vector_load %arg7[%swap3A_1470, %swap3A_1471] {strides = array<i32>} : memref<32x1000xf32, #tpu.memory_space<vmem>>, vector<16xf32>,
      tpu.vector_store %arg7[%swap3A_1470, %swap3A_1471], %get3A_1468 {strides = array<i32>} : memref<32x1000xf32, #tpu.memory_space<vmem>>, vector<16xf32>,
      %get3A_1473 = arith.constant 24 : i32
      %get3A_1474 = arith.index_cast %get3A_1473 : i32 to index
      %get3A_1475 = arith.constant 64 : index
      %get3A_1476 = tpu.vector_load %arg9[%get3A_1474, %get3A_1475] {strides = array<i32>} : memref<32x128xf32, #tpu.memory_space<vmem>>, vector<16xf32>,
      %swap3A_1477 = arith.constant 24 : i32
      %swap3A_1478 = arith.index_cast %swap3A_1477 : i32 to index
      %swap3A_1479 = arith.constant 960 : index
      %swap3A_1480 = tpu.vector_load %arg7[%swap3A_1478, %swap3A_1479] {strides = array<i32>} : memref<32x1000xf32, #tpu.memory_space<vmem>>, vector<16xf32>,
      tpu.vector_store %arg7[%swap3A_1478, %swap3A_1479], %get3A_1476 {strides = array<i32>} : memref<32x1000xf32, #tpu.memory_space<vmem>>, vector<16xf32>,
      %get3A_1481 = arith.constant 24 : i32
      %get3A_1482 = arith.index_cast %get3A_1481 : i32 to index
      %get3A_1483 = arith.constant 80 : index
      %get3A_1484 = tpu.vector_load %arg9[%get3A_1482, %get3A_1483] {strides = array<i32>} : memref<32x128xf32, #tpu.memory_space<vmem>>, vector<16xf32>,
      %swap3A_1485 = arith.constant 24 : i32
      %swap3A_1486 = arith.index_cast %swap3A_1485 : i32 to index
      %swap3A_1487 = arith.constant 976 : index
      %swap3A_1488 = tpu.vector_load %arg7[%swap3A_1486, %swap3A_1487] {strides = array<i32>} : memref<32x1000xf32, #tpu.memory_space<vmem>>, vector<16xf32>,
      tpu.vector_store %arg7[%swap3A_1486, %swap3A_1487], %get3A_1484 {strides = array<i32>} : memref<32x1000xf32, #tpu.memory_space<vmem>>, vector<16xf32>,
      %get3A_1489 = arith.constant 24 : i32
      %get3A_1490 = arith.index_cast %get3A_1489 : i32 to index
      %get3A_1491 = arith.constant 96 : index
      %get3A_1492 = tpu.vector_load %arg9[%get3A_1490, %get3A_1491] {strides = array<i32>} : memref<32x128xf32, #tpu.memory_space<vmem>>, vector<16xf32>,
      %broadcast_in_dim3A_1493 = arith.constant 24 : i32
      %broadcast_in_dim3A_1494 = vector.broadcast %broadcast_in_dim3A_1493 : i32 to vector<16xi32>
      %add3A_1495 = arith.constant 992 : i32
      %add3A_1496 = vector.broadcast %add3A_1495 : i32 to vector<16xi32>
      %add3A_1497 = arith.addi %add3A_1496, %iota3A : vector<16xi32>
      tpu.vector_store_idx %arg7[%broadcast_in_dim3A_1494, %add3A_1497], %get3A_1492 masked %lt3A_75 : memref<32x1000xf32, #tpu.memory_space<vmem>>[vector<16xi32>, vector<16xi32>], vector<16xf32>, vector<16xi1>
      %get3A_1498 = arith.constant 25 : i32
      %get3A_1499 = arith.index_cast %get3A_1498 : i32 to index
      %get3A_1500 = arith.constant 0 : index
      %get3A_1501 = tpu.vector_load %arg9[%get3A_1499, %get3A_1500] {strides = array<i32>} : memref<32x128xf32, #tpu.memory_space<vmem>>, vector<16xf32>,
      %swap3A_1502 = arith.constant 25 : i32
      %swap3A_1503 = arith.index_cast %swap3A_1502 : i32 to index
      %swap3A_1504 = arith.constant 896 : index
      %swap3A_1505 = tpu.vector_load %arg7[%swap3A_1503, %swap3A_1504] {strides = array<i32>} : memref<32x1000xf32, #tpu.memory_space<vmem>>, vector<16xf32>,
      tpu.vector_store %arg7[%swap3A_1503, %swap3A_1504], %get3A_1501 {strides = array<i32>} : memref<32x1000xf32, #tpu.memory_space<vmem>>, vector<16xf32>,
      %get3A_1506 = arith.constant 25 : i32
      %get3A_1507 = arith.index_cast %get3A_1506 : i32 to index
      %get3A_1508 = arith.constant 16 : index
      %get3A_1509 = tpu.vector_load %arg9[%get3A_1507, %get3A_1508] {strides = array<i32>} : memref<32x128xf32, #tpu.memory_space<vmem>>, vector<16xf32>,
      %swap3A_1510 = arith.constant 25 : i32
      %swap3A_1511 = arith.index_cast %swap3A_1510 : i32 to index
      %swap3A_1512 = arith.constant 912 : index
      %swap3A_1513 = tpu.vector_load %arg7[%swap3A_1511, %swap3A_1512] {strides = array<i32>} : memref<32x1000xf32, #tpu.memory_space<vmem>>, vector<16xf32>,
      tpu.vector_store %arg7[%swap3A_1511, %swap3A_1512], %get3A_1509 {strides = array<i32>} : memref<32x1000xf32, #tpu.memory_space<vmem>>, vector<16xf32>,
      %get3A_1514 = arith.constant 25 : i32
      %get3A_1515 = arith.index_cast %get3A_1514 : i32 to index
      %get3A_1516 = arith.constant 32 : index
      %get3A_1517 = tpu.vector_load %arg9[%get3A_1515, %get3A_1516] {strides = array<i32>} : memref<32x128xf32, #tpu.memory_space<vmem>>, vector<16xf32>,
      %swap3A_1518 = arith.constant 25 : i32
      %swap3A_1519 = arith.index_cast %swap3A_1518 : i32 to index
      %swap3A_1520 = arith.constant 928 : index
      %swap3A_1521 = tpu.vector_load %arg7[%swap3A_1519, %swap3A_1520] {strides = array<i32>} : memref<32x1000xf32, #tpu.memory_space<vmem>>, vector<16xf32>,
      tpu.vector_store %arg7[%swap3A_1519, %swap3A_1520], %get3A_1517 {strides = array<i32>} : memref<32x1000xf32, #tpu.memory_space<vmem>>, vector<16xf32>,
      %get3A_1522 = arith.constant 25 : i32
      %get3A_1523 = arith.index_cast %get3A_1522 : i32 to index
      %get3A_1524 = arith.constant 48 : index
      %get3A_1525 = tpu.vector_load %arg9[%get3A_1523, %get3A_1524] {strides = array<i32>} : memref<32x128xf32, #tpu.memory_space<vmem>>, vector<16xf32>,
      %swap3A_1526 = arith.constant 25 : i32
      %swap3A_1527 = arith.index_cast %swap3A_1526 : i32 to index
      %swap3A_1528 = arith.constant 944 : index
      %swap3A_1529 = tpu.vector_load %arg7[%swap3A_1527, %swap3A_1528] {strides = array<i32>} : memref<32x1000xf32, #tpu.memory_space<vmem>>, vector<16xf32>,
      tpu.vector_store %arg7[%swap3A_1527, %swap3A_1528], %get3A_1525 {strides = array<i32>} : memref<32x1000xf32, #tpu.memory_space<vmem>>, vector<16xf32>,
      %get3A_1530 = arith.constant 25 : i32
      %get3A_1531 = arith.index_cast %get3A_1530 : i32 to index
      %get3A_1532 = arith.constant 64 : index
      %get3A_1533 = tpu.vector_load %arg9[%get3A_1531, %get3A_1532] {strides = array<i32>} : memref<32x128xf32, #tpu.memory_space<vmem>>, vector<16xf32>,
      %swap3A_1534 = arith.constant 25 : i32
      %swap3A_1535 = arith.index_cast %swap3A_1534 : i32 to index
      %swap3A_1536 = arith.constant 960 : index
      %swap3A_1537 = tpu.vector_load %arg7[%swap3A_1535, %swap3A_1536] {strides = array<i32>} : memref<32x1000xf32, #tpu.memory_space<vmem>>, vector<16xf32>,
      tpu.vector_store %arg7[%swap3A_1535, %swap3A_1536], %get3A_1533 {strides = array<i32>} : memref<32x1000xf32, #tpu.memory_space<vmem>>, vector<16xf32>,
      %get3A_1538 = arith.constant 25 : i32
      %get3A_1539 = arith.index_cast %get3A_1538 : i32 to index
      %get3A_1540 = arith.constant 80 : index
      %get3A_1541 = tpu.vector_load %arg9[%get3A_1539, %get3A_1540] {strides = array<i32>} : memref<32x128xf32, #tpu.memory_space<vmem>>, vector<16xf32>,
      %swap3A_1542 = arith.constant 25 : i32
      %swap3A_1543 = arith.index_cast %swap3A_1542 : i32 to index
      %swap3A_1544 = arith.constant 976 : index
      %swap3A_1545 = tpu.vector_load %arg7[%swap3A_1543, %swap3A_1544] {strides = array<i32>} : memref<32x1000xf32, #tpu.memory_space<vmem>>, vector<16xf32>,
      tpu.vector_store %arg7[%swap3A_1543, %swap3A_1544], %get3A_1541 {strides = array<i32>} : memref<32x1000xf32, #tpu.memory_space<vmem>>, vector<16xf32>,
      %get3A_1546 = arith.constant 25 : i32
      %get3A_1547 = arith.index_cast %get3A_1546 : i32 to index
      %get3A_1548 = arith.constant 96 : index
      %get3A_1549 = tpu.vector_load %arg9[%get3A_1547, %get3A_1548] {strides = array<i32>} : memref<32x128xf32, #tpu.memory_space<vmem>>, vector<16xf32>,
      %broadcast_in_dim3A_1550 = arith.constant 25 : i32
      %broadcast_in_dim3A_1551 = vector.broadcast %broadcast_in_dim3A_1550 : i32 to vector<16xi32>
      %add3A_1552 = arith.constant 992 : i32
      %add3A_1553 = vector.broadcast %add3A_1552 : i32 to vector<16xi32>
      %add3A_1554 = arith.addi %add3A_1553, %iota3A : vector<16xi32>
      tpu.vector_store_idx %arg7[%broadcast_in_dim3A_1551, %add3A_1554], %get3A_1549 masked %lt3A_75 : memref<32x1000xf32, #tpu.memory_space<vmem>>[vector<16xi32>, vector<16xi32>], vector<16xf32>, vector<16xi1>
      %get3A_1555 = arith.constant 26 : i32
      %get3A_1556 = arith.index_cast %get3A_1555 : i32 to index
      %get3A_1557 = arith.constant 0 : index
      %get3A_1558 = tpu.vector_load %arg9[%get3A_1556, %get3A_1557] {strides = array<i32>} : memref<32x128xf32, #tpu.memory_space<vmem>>, vector<16xf32>,
      %swap3A_1559 = arith.constant 26 : i32
      %swap3A_1560 = arith.index_cast %swap3A_1559 : i32 to index
      %swap3A_1561 = arith.constant 896 : index
      %swap3A_1562 = tpu.vector_load %arg7[%swap3A_1560, %swap3A_1561] {strides = array<i32>} : memref<32x1000xf32, #tpu.memory_space<vmem>>, vector<16xf32>,
      tpu.vector_store %arg7[%swap3A_1560, %swap3A_1561], %get3A_1558 {strides = array<i32>} : memref<32x1000xf32, #tpu.memory_space<vmem>>, vector<16xf32>,
      %get3A_1563 = arith.constant 26 : i32
      %get3A_1564 = arith.index_cast %get3A_1563 : i32 to index
      %get3A_1565 = arith.constant 16 : index
      %get3A_1566 = tpu.vector_load %arg9[%get3A_1564, %get3A_1565] {strides = array<i32>} : memref<32x128xf32, #tpu.memory_space<vmem>>, vector<16xf32>,
      %swap3A_1567 = arith.constant 26 : i32
      %swap3A_1568 = arith.index_cast %swap3A_1567 : i32 to index
      %swap3A_1569 = arith.constant 912 : index
      %swap3A_1570 = tpu.vector_load %arg7[%swap3A_1568, %swap3A_1569] {strides = array<i32>} : memref<32x1000xf32, #tpu.memory_space<vmem>>, vector<16xf32>,
      tpu.vector_store %arg7[%swap3A_1568, %swap3A_1569], %get3A_1566 {strides = array<i32>} : memref<32x1000xf32, #tpu.memory_space<vmem>>, vector<16xf32>,
      %get3A_1571 = arith.constant 26 : i32
      %get3A_1572 = arith.index_cast %get3A_1571 : i32 to index
      %get3A_1573 = arith.constant 32 : index
      %get3A_1574 = tpu.vector_load %arg9[%get3A_1572, %get3A_1573] {strides = array<i32>} : memref<32x128xf32, #tpu.memory_space<vmem>>, vector<16xf32>,
      %swap3A_1575 = arith.constant 26 : i32
      %swap3A_1576 = arith.index_cast %swap3A_1575 : i32 to index
      %swap3A_1577 = arith.constant 928 : index
      %swap3A_1578 = tpu.vector_load %arg7[%swap3A_1576, %swap3A_1577] {strides = array<i32>} : memref<32x1000xf32, #tpu.memory_space<vmem>>, vector<16xf32>,
      tpu.vector_store %arg7[%swap3A_1576, %swap3A_1577], %get3A_1574 {strides = array<i32>} : memref<32x1000xf32, #tpu.memory_space<vmem>>, vector<16xf32>,
      %get3A_1579 = arith.constant 26 : i32
      %get3A_1580 = arith.index_cast %get3A_1579 : i32 to index
      %get3A_1581 = arith.constant 48 : index
      %get3A_1582 = tpu.vector_load %arg9[%get3A_1580, %get3A_1581] {strides = array<i32>} : memref<32x128xf32, #tpu.memory_space<vmem>>, vector<16xf32>,
      %swap3A_1583 = arith.constant 26 : i32
      %swap3A_1584 = arith.index_cast %swap3A_1583 : i32 to index
      %swap3A_1585 = arith.constant 944 : index
      %swap3A_1586 = tpu.vector_load %arg7[%swap3A_1584, %swap3A_1585] {strides = array<i32>} : memref<32x1000xf32, #tpu.memory_space<vmem>>, vector<16xf32>,
      tpu.vector_store %arg7[%swap3A_1584, %swap3A_1585], %get3A_1582 {strides = array<i32>} : memref<32x1000xf32, #tpu.memory_space<vmem>>, vector<16xf32>,
      %get3A_1587 = arith.constant 26 : i32
      %get3A_1588 = arith.index_cast %get3A_1587 : i32 to index
      %get3A_1589 = arith.constant 64 : index
      %get3A_1590 = tpu.vector_load %arg9[%get3A_1588, %get3A_1589] {strides = array<i32>} : memref<32x128xf32, #tpu.memory_space<vmem>>, vector<16xf32>,
      %swap3A_1591 = arith.constant 26 : i32
      %swap3A_1592 = arith.index_cast %swap3A_1591 : i32 to index
      %swap3A_1593 = arith.constant 960 : index
      %swap3A_1594 = tpu.vector_load %arg7[%swap3A_1592, %swap3A_1593] {strides = array<i32>} : memref<32x1000xf32, #tpu.memory_space<vmem>>, vector<16xf32>,
      tpu.vector_store %arg7[%swap3A_1592, %swap3A_1593], %get3A_1590 {strides = array<i32>} : memref<32x1000xf32, #tpu.memory_space<vmem>>, vector<16xf32>,
      %get3A_1595 = arith.constant 26 : i32
      %get3A_1596 = arith.index_cast %get3A_1595 : i32 to index
      %get3A_1597 = arith.constant 80 : index
      %get3A_1598 = tpu.vector_load %arg9[%get3A_1596, %get3A_1597] {strides = array<i32>} : memref<32x128xf32, #tpu.memory_space<vmem>>, vector<16xf32>,
      %swap3A_1599 = arith.constant 26 : i32
      %swap3A_1600 = arith.index_cast %swap3A_1599 : i32 to index
      %swap3A_1601 = arith.constant 976 : index
      %swap3A_1602 = tpu.vector_load %arg7[%swap3A_1600, %swap3A_1601] {strides = array<i32>} : memref<32x1000xf32, #tpu.memory_space<vmem>>, vector<16xf32>,
      tpu.vector_store %arg7[%swap3A_1600, %swap3A_1601], %get3A_1598 {strides = array<i32>} : memref<32x1000xf32, #tpu.memory_space<vmem>>, vector<16xf32>,
      %get3A_1603 = arith.constant 26 : i32
      %get3A_1604 = arith.index_cast %get3A_1603 : i32 to index
      %get3A_1605 = arith.constant 96 : index
      %get3A_1606 = tpu.vector_load %arg9[%get3A_1604, %get3A_1605] {strides = array<i32>} : memref<32x128xf32, #tpu.memory_space<vmem>>, vector<16xf32>,
      %broadcast_in_dim3A_1607 = arith.constant 26 : i32
      %broadcast_in_dim3A_1608 = vector.broadcast %broadcast_in_dim3A_1607 : i32 to vector<16xi32>
      %add3A_1609 = arith.constant 992 : i32
      %add3A_1610 = vector.broadcast %add3A_1609 : i32 to vector<16xi32>
      %add3A_1611 = arith.addi %add3A_1610, %iota3A : vector<16xi32>
      tpu.vector_store_idx %arg7[%broadcast_in_dim3A_1608, %add3A_1611], %get3A_1606 masked %lt3A_75 : memref<32x1000xf32, #tpu.memory_space<vmem>>[vector<16xi32>, vector<16xi32>], vector<16xf32>, vector<16xi1>
      %get3A_1612 = arith.constant 27 : i32
      %get3A_1613 = arith.index_cast %get3A_1612 : i32 to index
      %get3A_1614 = arith.constant 0 : index
      %get3A_1615 = tpu.vector_load %arg9[%get3A_1613, %get3A_1614] {strides = array<i32>} : memref<32x128xf32, #tpu.memory_space<vmem>>, vector<16xf32>,
      %swap3A_1616 = arith.constant 27 : i32
      %swap3A_1617 = arith.index_cast %swap3A_1616 : i32 to index
      %swap3A_1618 = arith.constant 896 : index
      %swap3A_1619 = tpu.vector_load %arg7[%swap3A_1617, %swap3A_1618] {strides = array<i32>} : memref<32x1000xf32, #tpu.memory_space<vmem>>, vector<16xf32>,
      tpu.vector_store %arg7[%swap3A_1617, %swap3A_1618], %get3A_1615 {strides = array<i32>} : memref<32x1000xf32, #tpu.memory_space<vmem>>, vector<16xf32>,
      %get3A_1620 = arith.constant 27 : i32
      %get3A_1621 = arith.index_cast %get3A_1620 : i32 to index
      %get3A_1622 = arith.constant 16 : index
      %get3A_1623 = tpu.vector_load %arg9[%get3A_1621, %get3A_1622] {strides = array<i32>} : memref<32x128xf32, #tpu.memory_space<vmem>>, vector<16xf32>,
      %swap3A_1624 = arith.constant 27 : i32
      %swap3A_1625 = arith.index_cast %swap3A_1624 : i32 to index
      %swap3A_1626 = arith.constant 912 : index
      %swap3A_1627 = tpu.vector_load %arg7[%swap3A_1625, %swap3A_1626] {strides = array<i32>} : memref<32x1000xf32, #tpu.memory_space<vmem>>, vector<16xf32>,
      tpu.vector_store %arg7[%swap3A_1625, %swap3A_1626], %get3A_1623 {strides = array<i32>} : memref<32x1000xf32, #tpu.memory_space<vmem>>, vector<16xf32>,
      %get3A_1628 = arith.constant 27 : i32
      %get3A_1629 = arith.index_cast %get3A_1628 : i32 to index
      %get3A_1630 = arith.constant 32 : index
      %get3A_1631 = tpu.vector_load %arg9[%get3A_1629, %get3A_1630] {strides = array<i32>} : memref<32x128xf32, #tpu.memory_space<vmem>>, vector<16xf32>,
      %swap3A_1632 = arith.constant 27 : i32
      %swap3A_1633 = arith.index_cast %swap3A_1632 : i32 to index
      %swap3A_1634 = arith.constant 928 : index
      %swap3A_1635 = tpu.vector_load %arg7[%swap3A_1633, %swap3A_1634] {strides = array<i32>} : memref<32x1000xf32, #tpu.memory_space<vmem>>, vector<16xf32>,
      tpu.vector_store %arg7[%swap3A_1633, %swap3A_1634], %get3A_1631 {strides = array<i32>} : memref<32x1000xf32, #tpu.memory_space<vmem>>, vector<16xf32>,
      %get3A_1636 = arith.constant 27 : i32
      %get3A_1637 = arith.index_cast %get3A_1636 : i32 to index
      %get3A_1638 = arith.constant 48 : index
      %get3A_1639 = tpu.vector_load %arg9[%get3A_1637, %get3A_1638] {strides = array<i32>} : memref<32x128xf32, #tpu.memory_space<vmem>>, vector<16xf32>,
      %swap3A_1640 = arith.constant 27 : i32
      %swap3A_1641 = arith.index_cast %swap3A_1640 : i32 to index
      %swap3A_1642 = arith.constant 944 : index
      %swap3A_1643 = tpu.vector_load %arg7[%swap3A_1641, %swap3A_1642] {strides = array<i32>} : memref<32x1000xf32, #tpu.memory_space<vmem>>, vector<16xf32>,
      tpu.vector_store %arg7[%swap3A_1641, %swap3A_1642], %get3A_1639 {strides = array<i32>} : memref<32x1000xf32, #tpu.memory_space<vmem>>, vector<16xf32>,
      %get3A_1644 = arith.constant 27 : i32
      %get3A_1645 = arith.index_cast %get3A_1644 : i32 to index
      %get3A_1646 = arith.constant 64 : index
      %get3A_1647 = tpu.vector_load %arg9[%get3A_1645, %get3A_1646] {strides = array<i32>} : memref<32x128xf32, #tpu.memory_space<vmem>>, vector<16xf32>,
      %swap3A_1648 = arith.constant 27 : i32
      %swap3A_1649 = arith.index_cast %swap3A_1648 : i32 to index
      %swap3A_1650 = arith.constant 960 : index
      %swap3A_1651 = tpu.vector_load %arg7[%swap3A_1649, %swap3A_1650] {strides = array<i32>} : memref<32x1000xf32, #tpu.memory_space<vmem>>, vector<16xf32>,
      tpu.vector_store %arg7[%swap3A_1649, %swap3A_1650], %get3A_1647 {strides = array<i32>} : memref<32x1000xf32, #tpu.memory_space<vmem>>, vector<16xf32>,
      %get3A_1652 = arith.constant 27 : i32
      %get3A_1653 = arith.index_cast %get3A_1652 : i32 to index
      %get3A_1654 = arith.constant 80 : index
      %get3A_1655 = tpu.vector_load %arg9[%get3A_1653, %get3A_1654] {strides = array<i32>} : memref<32x128xf32, #tpu.memory_space<vmem>>, vector<16xf32>,
      %swap3A_1656 = arith.constant 27 : i32
      %swap3A_1657 = arith.index_cast %swap3A_1656 : i32 to index
      %swap3A_1658 = arith.constant 976 : index
      %swap3A_1659 = tpu.vector_load %arg7[%swap3A_1657, %swap3A_1658] {strides = array<i32>} : memref<32x1000xf32, #tpu.memory_space<vmem>>, vector<16xf32>,
      tpu.vector_store %arg7[%swap3A_1657, %swap3A_1658], %get3A_1655 {strides = array<i32>} : memref<32x1000xf32, #tpu.memory_space<vmem>>, vector<16xf32>,
      %get3A_1660 = arith.constant 27 : i32
      %get3A_1661 = arith.index_cast %get3A_1660 : i32 to index
      %get3A_1662 = arith.constant 96 : index
      %get3A_1663 = tpu.vector_load %arg9[%get3A_1661, %get3A_1662] {strides = array<i32>} : memref<32x128xf32, #tpu.memory_space<vmem>>, vector<16xf32>,
      %broadcast_in_dim3A_1664 = arith.constant 27 : i32
      %broadcast_in_dim3A_1665 = vector.broadcast %broadcast_in_dim3A_1664 : i32 to vector<16xi32>
      %add3A_1666 = arith.constant 992 : i32
      %add3A_1667 = vector.broadcast %add3A_1666 : i32 to vector<16xi32>
      %add3A_1668 = arith.addi %add3A_1667, %iota3A : vector<16xi32>
      tpu.vector_store_idx %arg7[%broadcast_in_dim3A_1665, %add3A_1668], %get3A_1663 masked %lt3A_75 : memref<32x1000xf32, #tpu.memory_space<vmem>>[vector<16xi32>, vector<16xi32>], vector<16xf32>, vector<16xi1>
      %get3A_1669 = arith.constant 28 : i32
      %get3A_1670 = arith.index_cast %get3A_1669 : i32 to index
      %get3A_1671 = arith.constant 0 : index
      %get3A_1672 = tpu.vector_load %arg9[%get3A_1670, %get3A_1671] {strides = array<i32>} : memref<32x128xf32, #tpu.memory_space<vmem>>, vector<16xf32>,
      %swap3A_1673 = arith.constant 28 : i32
      %swap3A_1674 = arith.index_cast %swap3A_1673 : i32 to index
      %swap3A_1675 = arith.constant 896 : index
      %swap3A_1676 = tpu.vector_load %arg7[%swap3A_1674, %swap3A_1675] {strides = array<i32>} : memref<32x1000xf32, #tpu.memory_space<vmem>>, vector<16xf32>,
      tpu.vector_store %arg7[%swap3A_1674, %swap3A_1675], %get3A_1672 {strides = array<i32>} : memref<32x1000xf32, #tpu.memory_space<vmem>>, vector<16xf32>,
      %get3A_1677 = arith.constant 28 : i32
      %get3A_1678 = arith.index_cast %get3A_1677 : i32 to index
      %get3A_1679 = arith.constant 16 : index
      %get3A_1680 = tpu.vector_load %arg9[%get3A_1678, %get3A_1679] {strides = array<i32>} : memref<32x128xf32, #tpu.memory_space<vmem>>, vector<16xf32>,
      %swap3A_1681 = arith.constant 28 : i32
      %swap3A_1682 = arith.index_cast %swap3A_1681 : i32 to index
      %swap3A_1683 = arith.constant 912 : index
      %swap3A_1684 = tpu.vector_load %arg7[%swap3A_1682, %swap3A_1683] {strides = array<i32>} : memref<32x1000xf32, #tpu.memory_space<vmem>>, vector<16xf32>,
      tpu.vector_store %arg7[%swap3A_1682, %swap3A_1683], %get3A_1680 {strides = array<i32>} : memref<32x1000xf32, #tpu.memory_space<vmem>>, vector<16xf32>,
      %get3A_1685 = arith.constant 28 : i32
      %get3A_1686 = arith.index_cast %get3A_1685 : i32 to index
      %get3A_1687 = arith.constant 32 : index
      %get3A_1688 = tpu.vector_load %arg9[%get3A_1686, %get3A_1687] {strides = array<i32>} : memref<32x128xf32, #tpu.memory_space<vmem>>, vector<16xf32>,
      %swap3A_1689 = arith.constant 28 : i32
      %swap3A_1690 = arith.index_cast %swap3A_1689 : i32 to index
      %swap3A_1691 = arith.constant 928 : index
      %swap3A_1692 = tpu.vector_load %arg7[%swap3A_1690, %swap3A_1691] {strides = array<i32>} : memref<32x1000xf32, #tpu.memory_space<vmem>>, vector<16xf32>,
      tpu.vector_store %arg7[%swap3A_1690, %swap3A_1691], %get3A_1688 {strides = array<i32>} : memref<32x1000xf32, #tpu.memory_space<vmem>>, vector<16xf32>,
      %get3A_1693 = arith.constant 28 : i32
      %get3A_1694 = arith.index_cast %get3A_1693 : i32 to index
      %get3A_1695 = arith.constant 48 : index
      %get3A_1696 = tpu.vector_load %arg9[%get3A_1694, %get3A_1695] {strides = array<i32>} : memref<32x128xf32, #tpu.memory_space<vmem>>, vector<16xf32>,
      %swap3A_1697 = arith.constant 28 : i32
      %swap3A_1698 = arith.index_cast %swap3A_1697 : i32 to index
      %swap3A_1699 = arith.constant 944 : index
      %swap3A_1700 = tpu.vector_load %arg7[%swap3A_1698, %swap3A_1699] {strides = array<i32>} : memref<32x1000xf32, #tpu.memory_space<vmem>>, vector<16xf32>,
      tpu.vector_store %arg7[%swap3A_1698, %swap3A_1699], %get3A_1696 {strides = array<i32>} : memref<32x1000xf32, #tpu.memory_space<vmem>>, vector<16xf32>,
      %get3A_1701 = arith.constant 28 : i32
      %get3A_1702 = arith.index_cast %get3A_1701 : i32 to index
      %get3A_1703 = arith.constant 64 : index
      %get3A_1704 = tpu.vector_load %arg9[%get3A_1702, %get3A_1703] {strides = array<i32>} : memref<32x128xf32, #tpu.memory_space<vmem>>, vector<16xf32>,
      %swap3A_1705 = arith.constant 28 : i32
      %swap3A_1706 = arith.index_cast %swap3A_1705 : i32 to index
      %swap3A_1707 = arith.constant 960 : index
      %swap3A_1708 = tpu.vector_load %arg7[%swap3A_1706, %swap3A_1707] {strides = array<i32>} : memref<32x1000xf32, #tpu.memory_space<vmem>>, vector<16xf32>,
      tpu.vector_store %arg7[%swap3A_1706, %swap3A_1707], %get3A_1704 {strides = array<i32>} : memref<32x1000xf32, #tpu.memory_space<vmem>>, vector<16xf32>,
      %get3A_1709 = arith.constant 28 : i32
      %get3A_1710 = arith.index_cast %get3A_1709 : i32 to index
      %get3A_1711 = arith.constant 80 : index
      %get3A_1712 = tpu.vector_load %arg9[%get3A_1710, %get3A_1711] {strides = array<i32>} : memref<32x128xf32, #tpu.memory_space<vmem>>, vector<16xf32>,
      %swap3A_1713 = arith.constant 28 : i32
      %swap3A_1714 = arith.index_cast %swap3A_1713 : i32 to index
      %swap3A_1715 = arith.constant 976 : index
      %swap3A_1716 = tpu.vector_load %arg7[%swap3A_1714, %swap3A_1715] {strides = array<i32>} : memref<32x1000xf32, #tpu.memory_space<vmem>>, vector<16xf32>,
      tpu.vector_store %arg7[%swap3A_1714, %swap3A_1715], %get3A_1712 {strides = array<i32>} : memref<32x1000xf32, #tpu.memory_space<vmem>>, vector<16xf32>,
      %get3A_1717 = arith.constant 28 : i32
      %get3A_1718 = arith.index_cast %get3A_1717 : i32 to index
      %get3A_1719 = arith.constant 96 : index
      %get3A_1720 = tpu.vector_load %arg9[%get3A_1718, %get3A_1719] {strides = array<i32>} : memref<32x128xf32, #tpu.memory_space<vmem>>, vector<16xf32>,
      %broadcast_in_dim3A_1721 = arith.constant 28 : i32
      %broadcast_in_dim3A_1722 = vector.broadcast %broadcast_in_dim3A_1721 : i32 to vector<16xi32>
      %add3A_1723 = arith.constant 992 : i32
      %add3A_1724 = vector.broadcast %add3A_1723 : i32 to vector<16xi32>
      %add3A_1725 = arith.addi %add3A_1724, %iota3A : vector<16xi32>
      tpu.vector_store_idx %arg7[%broadcast_in_dim3A_1722, %add3A_1725], %get3A_1720 masked %lt3A_75 : memref<32x1000xf32, #tpu.memory_space<vmem>>[vector<16xi32>, vector<16xi32>], vector<16xf32>, vector<16xi1>
      %get3A_1726 = arith.constant 29 : i32
      %get3A_1727 = arith.index_cast %get3A_1726 : i32 to index
      %get3A_1728 = arith.constant 0 : index
      %get3A_1729 = tpu.vector_load %arg9[%get3A_1727, %get3A_1728] {strides = array<i32>} : memref<32x128xf32, #tpu.memory_space<vmem>>, vector<16xf32>,
      %swap3A_1730 = arith.constant 29 : i32
      %swap3A_1731 = arith.index_cast %swap3A_1730 : i32 to index
      %swap3A_1732 = arith.constant 896 : index
      %swap3A_1733 = tpu.vector_load %arg7[%swap3A_1731, %swap3A_1732] {strides = array<i32>} : memref<32x1000xf32, #tpu.memory_space<vmem>>, vector<16xf32>,
      tpu.vector_store %arg7[%swap3A_1731, %swap3A_1732], %get3A_1729 {strides = array<i32>} : memref<32x1000xf32, #tpu.memory_space<vmem>>, vector<16xf32>,
      %get3A_1734 = arith.constant 29 : i32
      %get3A_1735 = arith.index_cast %get3A_1734 : i32 to index
      %get3A_1736 = arith.constant 16 : index
      %get3A_1737 = tpu.vector_load %arg9[%get3A_1735, %get3A_1736] {strides = array<i32>} : memref<32x128xf32, #tpu.memory_space<vmem>>, vector<16xf32>,
      %swap3A_1738 = arith.constant 29 : i32
      %swap3A_1739 = arith.index_cast %swap3A_1738 : i32 to index
      %swap3A_1740 = arith.constant 912 : index
      %swap3A_1741 = tpu.vector_load %arg7[%swap3A_1739, %swap3A_1740] {strides = array<i32>} : memref<32x1000xf32, #tpu.memory_space<vmem>>, vector<16xf32>,
      tpu.vector_store %arg7[%swap3A_1739, %swap3A_1740], %get3A_1737 {strides = array<i32>} : memref<32x1000xf32, #tpu.memory_space<vmem>>, vector<16xf32>,
      %get3A_1742 = arith.constant 29 : i32
      %get3A_1743 = arith.index_cast %get3A_1742 : i32 to index
      %get3A_1744 = arith.constant 32 : index
      %get3A_1745 = tpu.vector_load %arg9[%get3A_1743, %get3A_1744] {strides = array<i32>} : memref<32x128xf32, #tpu.memory_space<vmem>>, vector<16xf32>,
      %swap3A_1746 = arith.constant 29 : i32
      %swap3A_1747 = arith.index_cast %swap3A_1746 : i32 to index
      %swap3A_1748 = arith.constant 928 : index
      %swap3A_1749 = tpu.vector_load %arg7[%swap3A_1747, %swap3A_1748] {strides = array<i32>} : memref<32x1000xf32, #tpu.memory_space<vmem>>, vector<16xf32>,
      tpu.vector_store %arg7[%swap3A_1747, %swap3A_1748], %get3A_1745 {strides = array<i32>} : memref<32x1000xf32, #tpu.memory_space<vmem>>, vector<16xf32>,
      %get3A_1750 = arith.constant 29 : i32
      %get3A_1751 = arith.index_cast %get3A_1750 : i32 to index
      %get3A_1752 = arith.constant 48 : index
      %get3A_1753 = tpu.vector_load %arg9[%get3A_1751, %get3A_1752] {strides = array<i32>} : memref<32x128xf32, #tpu.memory_space<vmem>>, vector<16xf32>,
      %swap3A_1754 = arith.constant 29 : i32
      %swap3A_1755 = arith.index_cast %swap3A_1754 : i32 to index
      %swap3A_1756 = arith.constant 944 : index
      %swap3A_1757 = tpu.vector_load %arg7[%swap3A_1755, %swap3A_1756] {strides = array<i32>} : memref<32x1000xf32, #tpu.memory_space<vmem>>, vector<16xf32>,
      tpu.vector_store %arg7[%swap3A_1755, %swap3A_1756], %get3A_1753 {strides = array<i32>} : memref<32x1000xf32, #tpu.memory_space<vmem>>, vector<16xf32>,
      %get3A_1758 = arith.constant 29 : i32
      %get3A_1759 = arith.index_cast %get3A_1758 : i32 to index
      %get3A_1760 = arith.constant 64 : index
      %get3A_1761 = tpu.vector_load %arg9[%get3A_1759, %get3A_1760] {strides = array<i32>} : memref<32x128xf32, #tpu.memory_space<vmem>>, vector<16xf32>,
      %swap3A_1762 = arith.constant 29 : i32
      %swap3A_1763 = arith.index_cast %swap3A_1762 : i32 to index
      %swap3A_1764 = arith.constant 960 : index
      %swap3A_1765 = tpu.vector_load %arg7[%swap3A_1763, %swap3A_1764] {strides = array<i32>} : memref<32x1000xf32, #tpu.memory_space<vmem>>, vector<16xf32>,
      tpu.vector_store %arg7[%swap3A_1763, %swap3A_1764], %get3A_1761 {strides = array<i32>} : memref<32x1000xf32, #tpu.memory_space<vmem>>, vector<16xf32>,
      %get3A_1766 = arith.constant 29 : i32
      %get3A_1767 = arith.index_cast %get3A_1766 : i32 to index
      %get3A_1768 = arith.constant 80 : index
      %get3A_1769 = tpu.vector_load %arg9[%get3A_1767, %get3A_1768] {strides = array<i32>} : memref<32x128xf32, #tpu.memory_space<vmem>>, vector<16xf32>,
      %swap3A_1770 = arith.constant 29 : i32
      %swap3A_1771 = arith.index_cast %swap3A_1770 : i32 to index
      %swap3A_1772 = arith.constant 976 : index
      %swap3A_1773 = tpu.vector_load %arg7[%swap3A_1771, %swap3A_1772] {strides = array<i32>} : memref<32x1000xf32, #tpu.memory_space<vmem>>, vector<16xf32>,
      tpu.vector_store %arg7[%swap3A_1771, %swap3A_1772], %get3A_1769 {strides = array<i32>} : memref<32x1000xf32, #tpu.memory_space<vmem>>, vector<16xf32>,
      %get3A_1774 = arith.constant 29 : i32
      %get3A_1775 = arith.index_cast %get3A_1774 : i32 to index
      %get3A_1776 = arith.constant 96 : index
      %get3A_1777 = tpu.vector_load %arg9[%get3A_1775, %get3A_1776] {strides = array<i32>} : memref<32x128xf32, #tpu.memory_space<vmem>>, vector<16xf32>,
      %broadcast_in_dim3A_1778 = arith.constant 29 : i32
      %broadcast_in_dim3A_1779 = vector.broadcast %broadcast_in_dim3A_1778 : i32 to vector<16xi32>
      %add3A_1780 = arith.constant 992 : i32
      %add3A_1781 = vector.broadcast %add3A_1780 : i32 to vector<16xi32>
      %add3A_1782 = arith.addi %add3A_1781, %iota3A : vector<16xi32>
      tpu.vector_store_idx %arg7[%broadcast_in_dim3A_1779, %add3A_1782], %get3A_1777 masked %lt3A_75 : memref<32x1000xf32, #tpu.memory_space<vmem>>[vector<16xi32>, vector<16xi32>], vector<16xf32>, vector<16xi1>
      %get3A_1783 = arith.constant 30 : i32
      %get3A_1784 = arith.index_cast %get3A_1783 : i32 to index
      %get3A_1785 = arith.constant 0 : index
      %get3A_1786 = tpu.vector_load %arg9[%get3A_1784, %get3A_1785] {strides = array<i32>} : memref<32x128xf32, #tpu.memory_space<vmem>>, vector<16xf32>,
      %swap3A_1787 = arith.constant 30 : i32
      %swap3A_1788 = arith.index_cast %swap3A_1787 : i32 to index
      %swap3A_1789 = arith.constant 896 : index
      %swap3A_1790 = tpu.vector_load %arg7[%swap3A_1788, %swap3A_1789] {strides = array<i32>} : memref<32x1000xf32, #tpu.memory_space<vmem>>, vector<16xf32>,
      tpu.vector_store %arg7[%swap3A_1788, %swap3A_1789], %get3A_1786 {strides = array<i32>} : memref<32x1000xf32, #tpu.memory_space<vmem>>, vector<16xf32>,
      %get3A_1791 = arith.constant 30 : i32
      %get3A_1792 = arith.index_cast %get3A_1791 : i32 to index
      %get3A_1793 = arith.constant 16 : index
      %get3A_1794 = tpu.vector_load %arg9[%get3A_1792, %get3A_1793] {strides = array<i32>} : memref<32x128xf32, #tpu.memory_space<vmem>>, vector<16xf32>,
      %swap3A_1795 = arith.constant 30 : i32
      %swap3A_1796 = arith.index_cast %swap3A_1795 : i32 to index
      %swap3A_1797 = arith.constant 912 : index
      %swap3A_1798 = tpu.vector_load %arg7[%swap3A_1796, %swap3A_1797] {strides = array<i32>} : memref<32x1000xf32, #tpu.memory_space<vmem>>, vector<16xf32>,
      tpu.vector_store %arg7[%swap3A_1796, %swap3A_1797], %get3A_1794 {strides = array<i32>} : memref<32x1000xf32, #tpu.memory_space<vmem>>, vector<16xf32>,
      %get3A_1799 = arith.constant 30 : i32
      %get3A_1800 = arith.index_cast %get3A_1799 : i32 to index
      %get3A_1801 = arith.constant 32 : index
      %get3A_1802 = tpu.vector_load %arg9[%get3A_1800, %get3A_1801] {strides = array<i32>} : memref<32x128xf32, #tpu.memory_space<vmem>>, vector<16xf32>,
      %swap3A_1803 = arith.constant 30 : i32
      %swap3A_1804 = arith.index_cast %swap3A_1803 : i32 to index
      %swap3A_1805 = arith.constant 928 : index
      %swap3A_1806 = tpu.vector_load %arg7[%swap3A_1804, %swap3A_1805] {strides = array<i32>} : memref<32x1000xf32, #tpu.memory_space<vmem>>, vector<16xf32>,
      tpu.vector_store %arg7[%swap3A_1804, %swap3A_1805], %get3A_1802 {strides = array<i32>} : memref<32x1000xf32, #tpu.memory_space<vmem>>, vector<16xf32>,
      %get3A_1807 = arith.constant 30 : i32
      %get3A_1808 = arith.index_cast %get3A_1807 : i32 to index
      %get3A_1809 = arith.constant 48 : index
      %get3A_1810 = tpu.vector_load %arg9[%get3A_1808, %get3A_1809] {strides = array<i32>} : memref<32x128xf32, #tpu.memory_space<vmem>>, vector<16xf32>,
      %swap3A_1811 = arith.constant 30 : i32
      %swap3A_1812 = arith.index_cast %swap3A_1811 : i32 to index
      %swap3A_1813 = arith.constant 944 : index
      %swap3A_1814 = tpu.vector_load %arg7[%swap3A_1812, %swap3A_1813] {strides = array<i32>} : memref<32x1000xf32, #tpu.memory_space<vmem>>, vector<16xf32>,
      tpu.vector_store %arg7[%swap3A_1812, %swap3A_1813], %get3A_1810 {strides = array<i32>} : memref<32x1000xf32, #tpu.memory_space<vmem>>, vector<16xf32>,
      %get3A_1815 = arith.constant 30 : i32
      %get3A_1816 = arith.index_cast %get3A_1815 : i32 to index
      %get3A_1817 = arith.constant 64 : index
      %get3A_1818 = tpu.vector_load %arg9[%get3A_1816, %get3A_1817] {strides = array<i32>} : memref<32x128xf32, #tpu.memory_space<vmem>>, vector<16xf32>,
      %swap3A_1819 = arith.constant 30 : i32
      %swap3A_1820 = arith.index_cast %swap3A_1819 : i32 to index
      %swap3A_1821 = arith.constant 960 : index
      %swap3A_1822 = tpu.vector_load %arg7[%swap3A_1820, %swap3A_1821] {strides = array<i32>} : memref<32x1000xf32, #tpu.memory_space<vmem>>, vector<16xf32>,
      tpu.vector_store %arg7[%swap3A_1820, %swap3A_1821], %get3A_1818 {strides = array<i32>} : memref<32x1000xf32, #tpu.memory_space<vmem>>, vector<16xf32>,
      %get3A_1823 = arith.constant 30 : i32
      %get3A_1824 = arith.index_cast %get3A_1823 : i32 to index
      %get3A_1825 = arith.constant 80 : index
      %get3A_1826 = tpu.vector_load %arg9[%get3A_1824, %get3A_1825] {strides = array<i32>} : memref<32x128xf32, #tpu.memory_space<vmem>>, vector<16xf32>,
      %swap3A_1827 = arith.constant 30 : i32
      %swap3A_1828 = arith.index_cast %swap3A_1827 : i32 to index
      %swap3A_1829 = arith.constant 976 : index
      %swap3A_1830 = tpu.vector_load %arg7[%swap3A_1828, %swap3A_1829] {strides = array<i32>} : memref<32x1000xf32, #tpu.memory_space<vmem>>, vector<16xf32>,
      tpu.vector_store %arg7[%swap3A_1828, %swap3A_1829], %get3A_1826 {strides = array<i32>} : memref<32x1000xf32, #tpu.memory_space<vmem>>, vector<16xf32>,
      %get3A_1831 = arith.constant 30 : i32
      %get3A_1832 = arith.index_cast %get3A_1831 : i32 to index
      %get3A_1833 = arith.constant 96 : index
      %get3A_1834 = tpu.vector_load %arg9[%get3A_1832, %get3A_1833] {strides = array<i32>} : memref<32x128xf32, #tpu.memory_space<vmem>>, vector<16xf32>,
      %broadcast_in_dim3A_1835 = arith.constant 30 : i32
      %broadcast_in_dim3A_1836 = vector.broadcast %broadcast_in_dim3A_1835 : i32 to vector<16xi32>
      %add3A_1837 = arith.constant 992 : i32
      %add3A_1838 = vector.broadcast %add3A_1837 : i32 to vector<16xi32>
      %add3A_1839 = arith.addi %add3A_1838, %iota3A : vector<16xi32>
      tpu.vector_store_idx %arg7[%broadcast_in_dim3A_1836, %add3A_1839], %get3A_1834 masked %lt3A_75 : memref<32x1000xf32, #tpu.memory_space<vmem>>[vector<16xi32>, vector<16xi32>], vector<16xf32>, vector<16xi1>
      %get3A_1840 = arith.constant 31 : i32
      %get3A_1841 = arith.index_cast %get3A_1840 : i32 to index
      %get3A_1842 = arith.constant 0 : index
      %get3A_1843 = tpu.vector_load %arg9[%get3A_1841, %get3A_1842] {strides = array<i32>} : memref<32x128xf32, #tpu.memory_space<vmem>>, vector<16xf32>,
      %swap3A_1844 = arith.constant 31 : i32
      %swap3A_1845 = arith.index_cast %swap3A_1844 : i32 to index
      %swap3A_1846 = arith.constant 896 : index
      %swap3A_1847 = tpu.vector_load %arg7[%swap3A_1845, %swap3A_1846] {strides = array<i32>} : memref<32x1000xf32, #tpu.memory_space<vmem>>, vector<16xf32>,
      tpu.vector_store %arg7[%swap3A_1845, %swap3A_1846], %get3A_1843 {strides = array<i32>} : memref<32x1000xf32, #tpu.memory_space<vmem>>, vector<16xf32>,
      %get3A_1848 = arith.constant 31 : i32
      %get3A_1849 = arith.index_cast %get3A_1848 : i32 to index
      %get3A_1850 = arith.constant 16 : index
      %get3A_1851 = tpu.vector_load %arg9[%get3A_1849, %get3A_1850] {strides = array<i32>} : memref<32x128xf32, #tpu.memory_space<vmem>>, vector<16xf32>,
      %swap3A_1852 = arith.constant 31 : i32
      %swap3A_1853 = arith.index_cast %swap3A_1852 : i32 to index
      %swap3A_1854 = arith.constant 912 : index
      %swap3A_1855 = tpu.vector_load %arg7[%swap3A_1853, %swap3A_1854] {strides = array<i32>} : memref<32x1000xf32, #tpu.memory_space<vmem>>, vector<16xf32>,
      tpu.vector_store %arg7[%swap3A_1853, %swap3A_1854], %get3A_1851 {strides = array<i32>} : memref<32x1000xf32, #tpu.memory_space<vmem>>, vector<16xf32>,
      %get3A_1856 = arith.constant 31 : i32
      %get3A_1857 = arith.index_cast %get3A_1856 : i32 to index
      %get3A_1858 = arith.constant 32 : index
      %get3A_1859 = tpu.vector_load %arg9[%get3A_1857, %get3A_1858] {strides = array<i32>} : memref<32x128xf32, #tpu.memory_space<vmem>>, vector<16xf32>,
      %swap3A_1860 = arith.constant 31 : i32
      %swap3A_1861 = arith.index_cast %swap3A_1860 : i32 to index
      %swap3A_1862 = arith.constant 928 : index
      %swap3A_1863 = tpu.vector_load %arg7[%swap3A_1861, %swap3A_1862] {strides = array<i32>} : memref<32x1000xf32, #tpu.memory_space<vmem>>, vector<16xf32>,
      tpu.vector_store %arg7[%swap3A_1861, %swap3A_1862], %get3A_1859 {strides = array<i32>} : memref<32x1000xf32, #tpu.memory_space<vmem>>, vector<16xf32>,
      %get3A_1864 = arith.constant 31 : i32
      %get3A_1865 = arith.index_cast %get3A_1864 : i32 to index
      %get3A_1866 = arith.constant 48 : index
      %get3A_1867 = tpu.vector_load %arg9[%get3A_1865, %get3A_1866] {strides = array<i32>} : memref<32x128xf32, #tpu.memory_space<vmem>>, vector<16xf32>,
      %swap3A_1868 = arith.constant 31 : i32
      %swap3A_1869 = arith.index_cast %swap3A_1868 : i32 to index
      %swap3A_1870 = arith.constant 944 : index
      %swap3A_1871 = tpu.vector_load %arg7[%swap3A_1869, %swap3A_1870] {strides = array<i32>} : memref<32x1000xf32, #tpu.memory_space<vmem>>, vector<16xf32>,
      tpu.vector_store %arg7[%swap3A_1869, %swap3A_1870], %get3A_1867 {strides = array<i32>} : memref<32x1000xf32, #tpu.memory_space<vmem>>, vector<16xf32>,
      %get3A_1872 = arith.constant 31 : i32
      %get3A_1873 = arith.index_cast %get3A_1872 : i32 to index
      %get3A_1874 = arith.constant 64 : index
      %get3A_1875 = tpu.vector_load %arg9[%get3A_1873, %get3A_1874] {strides = array<i32>} : memref<32x128xf32, #tpu.memory_space<vmem>>, vector<16xf32>,
      %swap3A_1876 = arith.constant 31 : i32
      %swap3A_1877 = arith.index_cast %swap3A_1876 : i32 to index
      %swap3A_1878 = arith.constant 960 : index
      %swap3A_1879 = tpu.vector_load %arg7[%swap3A_1877, %swap3A_1878] {strides = array<i32>} : memref<32x1000xf32, #tpu.memory_space<vmem>>, vector<16xf32>,
      tpu.vector_store %arg7[%swap3A_1877, %swap3A_1878], %get3A_1875 {strides = array<i32>} : memref<32x1000xf32, #tpu.memory_space<vmem>>, vector<16xf32>,
      %get3A_1880 = arith.constant 31 : i32
      %get3A_1881 = arith.index_cast %get3A_1880 : i32 to index
      %get3A_1882 = arith.constant 80 : index
      %get3A_1883 = tpu.vector_load %arg9[%get3A_1881, %get3A_1882] {strides = array<i32>} : memref<32x128xf32, #tpu.memory_space<vmem>>, vector<16xf32>,
      %swap3A_1884 = arith.constant 31 : i32
      %swap3A_1885 = arith.index_cast %swap3A_1884 : i32 to index
      %swap3A_1886 = arith.constant 976 : index
      %swap3A_1887 = tpu.vector_load %arg7[%swap3A_1885, %swap3A_1886] {strides = array<i32>} : memref<32x1000xf32, #tpu.memory_space<vmem>>, vector<16xf32>,
      tpu.vector_store %arg7[%swap3A_1885, %swap3A_1886], %get3A_1883 {strides = array<i32>} : memref<32x1000xf32, #tpu.memory_space<vmem>>, vector<16xf32>,
      %get3A_1888 = arith.constant 31 : i32
      %get3A_1889 = arith.index_cast %get3A_1888 : i32 to index
      %get3A_1890 = arith.constant 96 : index
      %get3A_1891 = tpu.vector_load %arg9[%get3A_1889, %get3A_1890] {strides = array<i32>} : memref<32x128xf32, #tpu.memory_space<vmem>>, vector<16xf32>,
      %broadcast_in_dim3A_1892 = arith.constant 31 : i32
      %broadcast_in_dim3A_1893 = vector.broadcast %broadcast_in_dim3A_1892 : i32 to vector<16xi32>
      %add3A_1894 = arith.constant 992 : i32
      %add3A_1895 = vector.broadcast %add3A_1894 : i32 to vector<16xi32>
      %add3A_1896 = arith.addi %add3A_1895, %iota3A : vector<16xi32>
      tpu.vector_store_idx %arg7[%broadcast_in_dim3A_1893, %add3A_1896], %get3A_1891 masked %lt3A_75 : memref<32x1000xf32, #tpu.memory_space<vmem>>[vector<16xi32>, vector<16xi32>], vector<16xf32>, vector<16xi1>
      %mul3A_1897 = arith.constant 32 : i32
      %mul3A_1898 = arith.muli %mul3A_60, %mul3A_1897 : i32
      %add3A_1899 = arith.addi %mul3A_2, %mul3A_1898 : i32
      %dma_start3A_1900 = arith.constant 0 : i32
      %dma_start3A_1901 = tpu.memref_slice %arg5[%add3A_1899, %dma_start3A_1900] : memref<204800x1000xf32, #tpu.memory_space<hbm>> -> memref<32x1000xf32, #tpu.memory_space<hbm>>
      %dma_start3A_1902 = arith.constant 0 : i32
      %dma_start3A_1903 = tpu.memref_slice %arg5[%add3A_1899, %dma_start3A_1902] : memref<204800x1000xf32, #tpu.memory_space<hbm>> -> memref<32x1000xf32, #tpu.memory_space<hbm>>
      tpu.enqueue_dma source(%arg7 : memref<32x1000xf32, #tpu.memory_space<vmem>>) target(%dma_start3A_1903 : memref<32x1000xf32, #tpu.memory_space<hbm>>) target_semaphore(%arg13 : memref<!tpu.dma_semaphore, #tpu.memory_space<semaphore_mem>>)
      %dma_wait3A_1904 = arith.constant 0 : i32
      %dma_wait3A_1905 = arith.constant 0 : i32
      %dma_wait3A_1906 = tpu.memref_slice %arg8[%dma_wait3A_1904, %dma_wait3A_1905] : memref<32x1000xf32, #tpu.memory_space<vmem>> -> memref<32x896xf32, #tpu.memory_space<vmem>>
      %dma_wait3A_1907 = arith.constant 0 : i32
      %dma_wait3A_1908 = tpu.memref_slice %arg6[%dma_wait3A_1907] : memref<6400xi32, #tpu.memory_space<vmem>> -> memref<32xi32, #tpu.memory_space<vmem>>
      %dma_wait3A_1909 = arith.constant 0 : i32
      %dma_wait3A_1910 = arith.constant 0 : i32
      %dma_wait3A_1911 = tpu.memref_slice %arg2[%dma_wait3A_1909, %dma_wait3A_1910] : memref<1000x896xf32, #tpu.memory_space<hbm>> -> memref<1000x896xf32, #tpu.memory_space<hbm>>
      tpu.wait_indirect_dma semaphore(%arg12 : memref<!tpu.dma_semaphore, #tpu.memory_space<semaphore_mem>>) src(%dma_wait3A_1911 : memref<1000x896xf32, #tpu.memory_space<hbm>>) dst(%dma_wait3A_1906 : memref<32x896xf32, #tpu.memory_space<vmem>>)
      %dma_wait3A_1912 = arith.constant 0 : i32
      %dma_wait3A_1913 = tpu.memref_slice %arg6[%dma_wait3A_1912] : memref<6400xi32, #tpu.memory_space<vmem>> -> memref<32xi32, #tpu.memory_space<vmem>>
      %dma_wait3A_1914 = arith.constant 0 : i32
      %dma_wait3A_1915 = arith.constant 0 : i32
      %dma_wait3A_1916 = tpu.memref_slice %arg3[%dma_wait3A_1914, %dma_wait3A_1915] : memref<1000x128xf32, #tpu.memory_space<hbm>> -> memref<1000x128xf32, #tpu.memory_space<hbm>>
      tpu.wait_indirect_dma semaphore(%arg12 : memref<!tpu.dma_semaphore, #tpu.memory_space<semaphore_mem>>) src(%dma_wait3A_1916 : memref<1000x128xf32, #tpu.memory_space<hbm>>) dst(%arg10 : memref<32x128xf32, #tpu.memory_space<vmem>>)
      %iota3A_1917 = tpu.iota {dimensions = array<i32: 0>} : vector<16xi32>
      %lt3A_1918 = arith.constant 8 : i32
      %lt3A_1919 = vector.broadcast %lt3A_1918 : i32 to vector<16xi32>
      %lt3A_1920 = arith.cmpi slt, %iota3A_1917, %lt3A_1919 : vector<16xi32>
      %get3A_1921 = arith.constant 0 : i32
      %get3A_1922 = arith.index_cast %get3A_1921 : i32 to index
      %get3A_1923 = arith.constant 0 : index
      %get3A_1924 = tpu.vector_load %arg10[%get3A_1922, %get3A_1923] {strides = array<i32>} : memref<32x128xf32, #tpu.memory_space<vmem>>, vector<16xf32>,
      %swap3A_1925 = arith.constant 0 : i32
      %swap3A_1926 = arith.index_cast %swap3A_1925 : i32 to index
      %swap3A_1927 = arith.constant 896 : index
      %swap3A_1928 = tpu.vector_load %arg8[%swap3A_1926, %swap3A_1927] {strides = array<i32>} : memref<32x1000xf32, #tpu.memory_space<vmem>>, vector<16xf32>,
      tpu.vector_store %arg8[%swap3A_1926, %swap3A_1927], %get3A_1924 {strides = array<i32>} : memref<32x1000xf32, #tpu.memory_space<vmem>>, vector<16xf32>,
      %get3A_1929 = arith.constant 0 : i32
      %get3A_1930 = arith.index_cast %get3A_1929 : i32 to index
      %get3A_1931 = arith.constant 16 : index
      %get3A_1932 = tpu.vector_load %arg10[%get3A_1930, %get3A_1931] {strides = array<i32>} : memref<32x128xf32, #tpu.memory_space<vmem>>, vector<16xf32>,
      %swap3A_1933 = arith.constant 0 : i32
      %swap3A_1934 = arith.index_cast %swap3A_1933 : i32 to index
      %swap3A_1935 = arith.constant 912 : index
      %swap3A_1936 = tpu.vector_load %arg8[%swap3A_1934, %swap3A_1935] {strides = array<i32>} : memref<32x1000xf32, #tpu.memory_space<vmem>>, vector<16xf32>,
      tpu.vector_store %arg8[%swap3A_1934, %swap3A_1935], %get3A_1932 {strides = array<i32>} : memref<32x1000xf32, #tpu.memory_space<vmem>>, vector<16xf32>,
      %get3A_1937 = arith.constant 0 : i32
      %get3A_1938 = arith.index_cast %get3A_1937 : i32 to index
      %get3A_1939 = arith.constant 32 : index
      %get3A_1940 = tpu.vector_load %arg10[%get3A_1938, %get3A_1939] {strides = array<i32>} : memref<32x128xf32, #tpu.memory_space<vmem>>, vector<16xf32>,
      %swap3A_1941 = arith.constant 0 : i32
      %swap3A_1942 = arith.index_cast %swap3A_1941 : i32 to index
      %swap3A_1943 = arith.constant 928 : index
      %swap3A_1944 = tpu.vector_load %arg8[%swap3A_1942, %swap3A_1943] {strides = array<i32>} : memref<32x1000xf32, #tpu.memory_space<vmem>>, vector<16xf32>,
      tpu.vector_store %arg8[%swap3A_1942, %swap3A_1943], %get3A_1940 {strides = array<i32>} : memref<32x1000xf32, #tpu.memory_space<vmem>>, vector<16xf32>,
      %get3A_1945 = arith.constant 0 : i32
      %get3A_1946 = arith.index_cast %get3A_1945 : i32 to index
      %get3A_1947 = arith.constant 48 : index
      %get3A_1948 = tpu.vector_load %arg10[%get3A_1946, %get3A_1947] {strides = array<i32>} : memref<32x128xf32, #tpu.memory_space<vmem>>, vector<16xf32>,
      %swap3A_1949 = arith.constant 0 : i32
      %swap3A_1950 = arith.index_cast %swap3A_1949 : i32 to index
      %swap3A_1951 = arith.constant 944 : index
      %swap3A_1952 = tpu.vector_load %arg8[%swap3A_1950, %swap3A_1951] {strides = array<i32>} : memref<32x1000xf32, #tpu.memory_space<vmem>>, vector<16xf32>,
      tpu.vector_store %arg8[%swap3A_1950, %swap3A_1951], %get3A_1948 {strides = array<i32>} : memref<32x1000xf32, #tpu.memory_space<vmem>>, vector<16xf32>,
      %get3A_1953 = arith.constant 0 : i32
      %get3A_1954 = arith.index_cast %get3A_1953 : i32 to index
      %get3A_1955 = arith.constant 64 : index
      %get3A_1956 = tpu.vector_load %arg10[%get3A_1954, %get3A_1955] {strides = array<i32>} : memref<32x128xf32, #tpu.memory_space<vmem>>, vector<16xf32>,
      %swap3A_1957 = arith.constant 0 : i32
      %swap3A_1958 = arith.index_cast %swap3A_1957 : i32 to index
      %swap3A_1959 = arith.constant 960 : index
      %swap3A_1960 = tpu.vector_load %arg8[%swap3A_1958, %swap3A_1959] {strides = array<i32>} : memref<32x1000xf32, #tpu.memory_space<vmem>>, vector<16xf32>,
      tpu.vector_store %arg8[%swap3A_1958, %swap3A_1959], %get3A_1956 {strides = array<i32>} : memref<32x1000xf32, #tpu.memory_space<vmem>>, vector<16xf32>,
      %get3A_1961 = arith.constant 0 : i32
      %get3A_1962 = arith.index_cast %get3A_1961 : i32 to index
      %get3A_1963 = arith.constant 80 : index
      %get3A_1964 = tpu.vector_load %arg10[%get3A_1962, %get3A_1963] {strides = array<i32>} : memref<32x128xf32, #tpu.memory_space<vmem>>, vector<16xf32>,
      %swap3A_1965 = arith.constant 0 : i32
      %swap3A_1966 = arith.index_cast %swap3A_1965 : i32 to index
      %swap3A_1967 = arith.constant 976 : index
      %swap3A_1968 = tpu.vector_load %arg8[%swap3A_1966, %swap3A_1967] {strides = array<i32>} : memref<32x1000xf32, #tpu.memory_space<vmem>>, vector<16xf32>,
      tpu.vector_store %arg8[%swap3A_1966, %swap3A_1967], %get3A_1964 {strides = array<i32>} : memref<32x1000xf32, #tpu.memory_space<vmem>>, vector<16xf32>,
      %get3A_1969 = arith.constant 0 : i32
      %get3A_1970 = arith.index_cast %get3A_1969 : i32 to index
      %get3A_1971 = arith.constant 96 : index
      %get3A_1972 = tpu.vector_load %arg10[%get3A_1970, %get3A_1971] {strides = array<i32>} : memref<32x128xf32, #tpu.memory_space<vmem>>, vector<16xf32>,
      %broadcast_in_dim3A_1973 = arith.constant 0 : i32
      %broadcast_in_dim3A_1974 = vector.broadcast %broadcast_in_dim3A_1973 : i32 to vector<16xi32>
      %add3A_1975 = arith.constant 992 : i32
      %add3A_1976 = vector.broadcast %add3A_1975 : i32 to vector<16xi32>
      %add3A_1977 = arith.addi %add3A_1976, %iota3A_1917 : vector<16xi32>
      tpu.vector_store_idx %arg8[%broadcast_in_dim3A_1974, %add3A_1977], %get3A_1972 masked %lt3A_1920 : memref<32x1000xf32, #tpu.memory_space<vmem>>[vector<16xi32>, vector<16xi32>], vector<16xf32>, vector<16xi1>
      %get3A_1978 = arith.constant 1 : i32
      %get3A_1979 = arith.index_cast %get3A_1978 : i32 to index
      %get3A_1980 = arith.constant 0 : index
      %get3A_1981 = tpu.vector_load %arg10[%get3A_1979, %get3A_1980] {strides = array<i32>} : memref<32x128xf32, #tpu.memory_space<vmem>>, vector<16xf32>,
      %swap3A_1982 = arith.constant 1 : i32
      %swap3A_1983 = arith.index_cast %swap3A_1982 : i32 to index
      %swap3A_1984 = arith.constant 896 : index
      %swap3A_1985 = tpu.vector_load %arg8[%swap3A_1983, %swap3A_1984] {strides = array<i32>} : memref<32x1000xf32, #tpu.memory_space<vmem>>, vector<16xf32>,
      tpu.vector_store %arg8[%swap3A_1983, %swap3A_1984], %get3A_1981 {strides = array<i32>} : memref<32x1000xf32, #tpu.memory_space<vmem>>, vector<16xf32>,
      %get3A_1986 = arith.constant 1 : i32
      %get3A_1987 = arith.index_cast %get3A_1986 : i32 to index
      %get3A_1988 = arith.constant 16 : index
      %get3A_1989 = tpu.vector_load %arg10[%get3A_1987, %get3A_1988] {strides = array<i32>} : memref<32x128xf32, #tpu.memory_space<vmem>>, vector<16xf32>,
      %swap3A_1990 = arith.constant 1 : i32
      %swap3A_1991 = arith.index_cast %swap3A_1990 : i32 to index
      %swap3A_1992 = arith.constant 912 : index
      %swap3A_1993 = tpu.vector_load %arg8[%swap3A_1991, %swap3A_1992] {strides = array<i32>} : memref<32x1000xf32, #tpu.memory_space<vmem>>, vector<16xf32>,
      tpu.vector_store %arg8[%swap3A_1991, %swap3A_1992], %get3A_1989 {strides = array<i32>} : memref<32x1000xf32, #tpu.memory_space<vmem>>, vector<16xf32>,
      %get3A_1994 = arith.constant 1 : i32
      %get3A_1995 = arith.index_cast %get3A_1994 : i32 to index
      %get3A_1996 = arith.constant 32 : index
      %get3A_1997 = tpu.vector_load %arg10[%get3A_1995, %get3A_1996] {strides = array<i32>} : memref<32x128xf32, #tpu.memory_space<vmem>>, vector<16xf32>,
      %swap3A_1998 = arith.constant 1 : i32
      %swap3A_1999 = arith.index_cast %swap3A_1998 : i32 to index
      %swap3A_2000 = arith.constant 928 : index
      %swap3A_2001 = tpu.vector_load %arg8[%swap3A_1999, %swap3A_2000] {strides = array<i32>} : memref<32x1000xf32, #tpu.memory_space<vmem>>, vector<16xf32>,
      tpu.vector_store %arg8[%swap3A_1999, %swap3A_2000], %get3A_1997 {strides = array<i32>} : memref<32x1000xf32, #tpu.memory_space<vmem>>, vector<16xf32>,
      %get3A_2002 = arith.constant 1 : i32
      %get3A_2003 = arith.index_cast %get3A_2002 : i32 to index
      %get3A_2004 = arith.constant 48 : index
      %get3A_2005 = tpu.vector_load %arg10[%get3A_2003, %get3A_2004] {strides = array<i32>} : memref<32x128xf32, #tpu.memory_space<vmem>>, vector<16xf32>,
      %swap3A_2006 = arith.constant 1 : i32
      %swap3A_2007 = arith.index_cast %swap3A_2006 : i32 to index
      %swap3A_2008 = arith.constant 944 : index
      %swap3A_2009 = tpu.vector_load %arg8[%swap3A_2007, %swap3A_2008] {strides = array<i32>} : memref<32x1000xf32, #tpu.memory_space<vmem>>, vector<16xf32>,
      tpu.vector_store %arg8[%swap3A_2007, %swap3A_2008], %get3A_2005 {strides = array<i32>} : memref<32x1000xf32, #tpu.memory_space<vmem>>, vector<16xf32>,
      %get3A_2010 = arith.constant 1 : i32
      %get3A_2011 = arith.index_cast %get3A_2010 : i32 to index
      %get3A_2012 = arith.constant 64 : index
      %get3A_2013 = tpu.vector_load %arg10[%get3A_2011, %get3A_2012] {strides = array<i32>} : memref<32x128xf32, #tpu.memory_space<vmem>>, vector<16xf32>,
      %swap3A_2014 = arith.constant 1 : i32
      %swap3A_2015 = arith.index_cast %swap3A_2014 : i32 to index
      %swap3A_2016 = arith.constant 960 : index
      %swap3A_2017 = tpu.vector_load %arg8[%swap3A_2015, %swap3A_2016] {strides = array<i32>} : memref<32x1000xf32, #tpu.memory_space<vmem>>, vector<16xf32>,
      tpu.vector_store %arg8[%swap3A_2015, %swap3A_2016], %get3A_2013 {strides = array<i32>} : memref<32x1000xf32, #tpu.memory_space<vmem>>, vector<16xf32>,
      %get3A_2018 = arith.constant 1 : i32
      %get3A_2019 = arith.index_cast %get3A_2018 : i32 to index
      %get3A_2020 = arith.constant 80 : index
      %get3A_2021 = tpu.vector_load %arg10[%get3A_2019, %get3A_2020] {strides = array<i32>} : memref<32x128xf32, #tpu.memory_space<vmem>>, vector<16xf32>,
      %swap3A_2022 = arith.constant 1 : i32
      %swap3A_2023 = arith.index_cast %swap3A_2022 : i32 to index
      %swap3A_2024 = arith.constant 976 : index
      %swap3A_2025 = tpu.vector_load %arg8[%swap3A_2023, %swap3A_2024] {strides = array<i32>} : memref<32x1000xf32, #tpu.memory_space<vmem>>, vector<16xf32>,
      tpu.vector_store %arg8[%swap3A_2023, %swap3A_2024], %get3A_2021 {strides = array<i32>} : memref<32x1000xf32, #tpu.memory_space<vmem>>, vector<16xf32>,
      %get3A_2026 = arith.constant 1 : i32
      %get3A_2027 = arith.index_cast %get3A_2026 : i32 to index
      %get3A_2028 = arith.constant 96 : index
      %get3A_2029 = tpu.vector_load %arg10[%get3A_2027, %get3A_2028] {strides = array<i32>} : memref<32x128xf32, #tpu.memory_space<vmem>>, vector<16xf32>,
      %broadcast_in_dim3A_2030 = arith.constant 1 : i32
      %broadcast_in_dim3A_2031 = vector.broadcast %broadcast_in_dim3A_2030 : i32 to vector<16xi32>
      %add3A_2032 = arith.constant 992 : i32
      %add3A_2033 = vector.broadcast %add3A_2032 : i32 to vector<16xi32>
      %add3A_2034 = arith.addi %add3A_2033, %iota3A_1917 : vector<16xi32>
      tpu.vector_store_idx %arg8[%broadcast_in_dim3A_2031, %add3A_2034], %get3A_2029 masked %lt3A_1920 : memref<32x1000xf32, #tpu.memory_space<vmem>>[vector<16xi32>, vector<16xi32>], vector<16xf32>, vector<16xi1>
      %get3A_2035 = arith.constant 2 : i32
      %get3A_2036 = arith.index_cast %get3A_2035 : i32 to index
      %get3A_2037 = arith.constant 0 : index
      %get3A_2038 = tpu.vector_load %arg10[%get3A_2036, %get3A_2037] {strides = array<i32>} : memref<32x128xf32, #tpu.memory_space<vmem>>, vector<16xf32>,
      %swap3A_2039 = arith.constant 2 : i32
      %swap3A_2040 = arith.index_cast %swap3A_2039 : i32 to index
      %swap3A_2041 = arith.constant 896 : index
      %swap3A_2042 = tpu.vector_load %arg8[%swap3A_2040, %swap3A_2041] {strides = array<i32>} : memref<32x1000xf32, #tpu.memory_space<vmem>>, vector<16xf32>,
      tpu.vector_store %arg8[%swap3A_2040, %swap3A_2041], %get3A_2038 {strides = array<i32>} : memref<32x1000xf32, #tpu.memory_space<vmem>>, vector<16xf32>,
      %get3A_2043 = arith.constant 2 : i32
      %get3A_2044 = arith.index_cast %get3A_2043 : i32 to index
      %get3A_2045 = arith.constant 16 : index
      %get3A_2046 = tpu.vector_load %arg10[%get3A_2044, %get3A_2045] {strides = array<i32>} : memref<32x128xf32, #tpu.memory_space<vmem>>, vector<16xf32>,
      %swap3A_2047 = arith.constant 2 : i32
      %swap3A_2048 = arith.index_cast %swap3A_2047 : i32 to index
      %swap3A_2049 = arith.constant 912 : index
      %swap3A_2050 = tpu.vector_load %arg8[%swap3A_2048, %swap3A_2049] {strides = array<i32>} : memref<32x1000xf32, #tpu.memory_space<vmem>>, vector<16xf32>,
      tpu.vector_store %arg8[%swap3A_2048, %swap3A_2049], %get3A_2046 {strides = array<i32>} : memref<32x1000xf32, #tpu.memory_space<vmem>>, vector<16xf32>,
      %get3A_2051 = arith.constant 2 : i32
      %get3A_2052 = arith.index_cast %get3A_2051 : i32 to index
      %get3A_2053 = arith.constant 32 : index
      %get3A_2054 = tpu.vector_load %arg10[%get3A_2052, %get3A_2053] {strides = array<i32>} : memref<32x128xf32, #tpu.memory_space<vmem>>, vector<16xf32>,
      %swap3A_2055 = arith.constant 2 : i32
      %swap3A_2056 = arith.index_cast %swap3A_2055 : i32 to index
      %swap3A_2057 = arith.constant 928 : index
      %swap3A_2058 = tpu.vector_load %arg8[%swap3A_2056, %swap3A_2057] {strides = array<i32>} : memref<32x1000xf32, #tpu.memory_space<vmem>>, vector<16xf32>,
      tpu.vector_store %arg8[%swap3A_2056, %swap3A_2057], %get3A_2054 {strides = array<i32>} : memref<32x1000xf32, #tpu.memory_space<vmem>>, vector<16xf32>,
      %get3A_2059 = arith.constant 2 : i32
      %get3A_2060 = arith.index_cast %get3A_2059 : i32 to index
      %get3A_2061 = arith.constant 48 : index
      %get3A_2062 = tpu.vector_load %arg10[%get3A_2060, %get3A_2061] {strides = array<i32>} : memref<32x128xf32, #tpu.memory_space<vmem>>, vector<16xf32>,
      %swap3A_2063 = arith.constant 2 : i32
      %swap3A_2064 = arith.index_cast %swap3A_2063 : i32 to index
      %swap3A_2065 = arith.constant 944 : index
      %swap3A_2066 = tpu.vector_load %arg8[%swap3A_2064, %swap3A_2065] {strides = array<i32>} : memref<32x1000xf32, #tpu.memory_space<vmem>>, vector<16xf32>,
      tpu.vector_store %arg8[%swap3A_2064, %swap3A_2065], %get3A_2062 {strides = array<i32>} : memref<32x1000xf32, #tpu.memory_space<vmem>>, vector<16xf32>,
      %get3A_2067 = arith.constant 2 : i32
      %get3A_2068 = arith.index_cast %get3A_2067 : i32 to index
      %get3A_2069 = arith.constant 64 : index
      %get3A_2070 = tpu.vector_load %arg10[%get3A_2068, %get3A_2069] {strides = array<i32>} : memref<32x128xf32, #tpu.memory_space<vmem>>, vector<16xf32>,
      %swap3A_2071 = arith.constant 2 : i32
      %swap3A_2072 = arith.index_cast %swap3A_2071 : i32 to index
      %swap3A_2073 = arith.constant 960 : index
      %swap3A_2074 = tpu.vector_load %arg8[%swap3A_2072, %swap3A_2073] {strides = array<i32>} : memref<32x1000xf32, #tpu.memory_space<vmem>>, vector<16xf32>,
      tpu.vector_store %arg8[%swap3A_2072, %swap3A_2073], %get3A_2070 {strides = array<i32>} : memref<32x1000xf32, #tpu.memory_space<vmem>>, vector<16xf32>,
      %get3A_2075 = arith.constant 2 : i32
      %get3A_2076 = arith.index_cast %get3A_2075 : i32 to index
      %get3A_2077 = arith.constant 80 : index
      %get3A_2078 = tpu.vector_load %arg10[%get3A_2076, %get3A_2077] {strides = array<i32>} : memref<32x128xf32, #tpu.memory_space<vmem>>, vector<16xf32>,
      %swap3A_2079 = arith.constant 2 : i32
      %swap3A_2080 = arith.index_cast %swap3A_2079 : i32 to index
      %swap3A_2081 = arith.constant 976 : index
      %swap3A_2082 = tpu.vector_load %arg8[%swap3A_2080, %swap3A_2081] {strides = array<i32>} : memref<32x1000xf32, #tpu.memory_space<vmem>>, vector<16xf32>,
      tpu.vector_store %arg8[%swap3A_2080, %swap3A_2081], %get3A_2078 {strides = array<i32>} : memref<32x1000xf32, #tpu.memory_space<vmem>>, vector<16xf32>,
      %get3A_2083 = arith.constant 2 : i32
      %get3A_2084 = arith.index_cast %get3A_2083 : i32 to index
      %get3A_2085 = arith.constant 96 : index
      %get3A_2086 = tpu.vector_load %arg10[%get3A_2084, %get3A_2085] {strides = array<i32>} : memref<32x128xf32, #tpu.memory_space<vmem>>, vector<16xf32>,
      %broadcast_in_dim3A_2087 = arith.constant 2 : i32
      %broadcast_in_dim3A_2088 = vector.broadcast %broadcast_in_dim3A_2087 : i32 to vector<16xi32>
      %add3A_2089 = arith.constant 992 : i32
      %add3A_2090 = vector.broadcast %add3A_2089 : i32 to vector<16xi32>
      %add3A_2091 = arith.addi %add3A_2090, %iota3A_1917 : vector<16xi32>
      tpu.vector_store_idx %arg8[%broadcast_in_dim3A_2088, %add3A_2091], %get3A_2086 masked %lt3A_1920 : memref<32x1000xf32, #tpu.memory_space<vmem>>[vector<16xi32>, vector<16xi32>], vector<16xf32>, vector<16xi1>
      %get3A_2092 = arith.constant 3 : i32
      %get3A_2093 = arith.index_cast %get3A_2092 : i32 to index
      %get3A_2094 = arith.constant 0 : index
      %get3A_2095 = tpu.vector_load %arg10[%get3A_2093, %get3A_2094] {strides = array<i32>} : memref<32x128xf32, #tpu.memory_space<vmem>>, vector<16xf32>,
      %swap3A_2096 = arith.constant 3 : i32
      %swap3A_2097 = arith.index_cast %swap3A_2096 : i32 to index
      %swap3A_2098 = arith.constant 896 : index
      %swap3A_2099 = tpu.vector_load %arg8[%swap3A_2097, %swap3A_2098] {strides = array<i32>} : memref<32x1000xf32, #tpu.memory_space<vmem>>, vector<16xf32>,
      tpu.vector_store %arg8[%swap3A_2097, %swap3A_2098], %get3A_2095 {strides = array<i32>} : memref<32x1000xf32, #tpu.memory_space<vmem>>, vector<16xf32>,
      %get3A_2100 = arith.constant 3 : i32
      %get3A_2101 = arith.index_cast %get3A_2100 : i32 to index
      %get3A_2102 = arith.constant 16 : index
      %get3A_2103 = tpu.vector_load %arg10[%get3A_2101, %get3A_2102] {strides = array<i32>} : memref<32x128xf32, #tpu.memory_space<vmem>>, vector<16xf32>,
      %swap3A_2104 = arith.constant 3 : i32
      %swap3A_2105 = arith.index_cast %swap3A_2104 : i32 to index
      %swap3A_2106 = arith.constant 912 : index
      %swap3A_2107 = tpu.vector_load %arg8[%swap3A_2105, %swap3A_2106] {strides = array<i32>} : memref<32x1000xf32, #tpu.memory_space<vmem>>, vector<16xf32>,
      tpu.vector_store %arg8[%swap3A_2105, %swap3A_2106], %get3A_2103 {strides = array<i32>} : memref<32x1000xf32, #tpu.memory_space<vmem>>, vector<16xf32>,
      %get3A_2108 = arith.constant 3 : i32
      %get3A_2109 = arith.index_cast %get3A_2108 : i32 to index
      %get3A_2110 = arith.constant 32 : index
      %get3A_2111 = tpu.vector_load %arg10[%get3A_2109, %get3A_2110] {strides = array<i32>} : memref<32x128xf32, #tpu.memory_space<vmem>>, vector<16xf32>,
      %swap3A_2112 = arith.constant 3 : i32
      %swap3A_2113 = arith.index_cast %swap3A_2112 : i32 to index
      %swap3A_2114 = arith.constant 928 : index
      %swap3A_2115 = tpu.vector_load %arg8[%swap3A_2113, %swap3A_2114] {strides = array<i32>} : memref<32x1000xf32, #tpu.memory_space<vmem>>, vector<16xf32>,
      tpu.vector_store %arg8[%swap3A_2113, %swap3A_2114], %get3A_2111 {strides = array<i32>} : memref<32x1000xf32, #tpu.memory_space<vmem>>, vector<16xf32>,
      %get3A_2116 = arith.constant 3 : i32
      %get3A_2117 = arith.index_cast %get3A_2116 : i32 to index
      %get3A_2118 = arith.constant 48 : index
      %get3A_2119 = tpu.vector_load %arg10[%get3A_2117, %get3A_2118] {strides = array<i32>} : memref<32x128xf32, #tpu.memory_space<vmem>>, vector<16xf32>,
      %swap3A_2120 = arith.constant 3 : i32
      %swap3A_2121 = arith.index_cast %swap3A_2120 : i32 to index
      %swap3A_2122 = arith.constant 944 : index
      %swap3A_2123 = tpu.vector_load %arg8[%swap3A_2121, %swap3A_2122] {strides = array<i32>} : memref<32x1000xf32, #tpu.memory_space<vmem>>, vector<16xf32>,
      tpu.vector_store %arg8[%swap3A_2121, %swap3A_2122], %get3A_2119 {strides = array<i32>} : memref<32x1000xf32, #tpu.memory_space<vmem>>, vector<16xf32>,
      %get3A_2124 = arith.constant 3 : i32
      %get3A_2125 = arith.index_cast %get3A_2124 : i32 to index
      %get3A_2126 = arith.constant 64 : index
      %get3A_2127 = tpu.vector_load %arg10[%get3A_2125, %get3A_2126] {strides = array<i32>} : memref<32x128xf32, #tpu.memory_space<vmem>>, vector<16xf32>,
      %swap3A_2128 = arith.constant 3 : i32
      %swap3A_2129 = arith.index_cast %swap3A_2128 : i32 to index
      %swap3A_2130 = arith.constant 960 : index
      %swap3A_2131 = tpu.vector_load %arg8[%swap3A_2129, %swap3A_2130] {strides = array<i32>} : memref<32x1000xf32, #tpu.memory_space<vmem>>, vector<16xf32>,
      tpu.vector_store %arg8[%swap3A_2129, %swap3A_2130], %get3A_2127 {strides = array<i32>} : memref<32x1000xf32, #tpu.memory_space<vmem>>, vector<16xf32>,
      %get3A_2132 = arith.constant 3 : i32
      %get3A_2133 = arith.index_cast %get3A_2132 : i32 to index
      %get3A_2134 = arith.constant 80 : index
      %get3A_2135 = tpu.vector_load %arg10[%get3A_2133, %get3A_2134] {strides = array<i32>} : memref<32x128xf32, #tpu.memory_space<vmem>>, vector<16xf32>,
      %swap3A_2136 = arith.constant 3 : i32
      %swap3A_2137 = arith.index_cast %swap3A_2136 : i32 to index
      %swap3A_2138 = arith.constant 976 : index
      %swap3A_2139 = tpu.vector_load %arg8[%swap3A_2137, %swap3A_2138] {strides = array<i32>} : memref<32x1000xf32, #tpu.memory_space<vmem>>, vector<16xf32>,
      tpu.vector_store %arg8[%swap3A_2137, %swap3A_2138], %get3A_2135 {strides = array<i32>} : memref<32x1000xf32, #tpu.memory_space<vmem>>, vector<16xf32>,
      %get3A_2140 = arith.constant 3 : i32
      %get3A_2141 = arith.index_cast %get3A_2140 : i32 to index
      %get3A_2142 = arith.constant 96 : index
      %get3A_2143 = tpu.vector_load %arg10[%get3A_2141, %get3A_2142] {strides = array<i32>} : memref<32x128xf32, #tpu.memory_space<vmem>>, vector<16xf32>,
      %broadcast_in_dim3A_2144 = arith.constant 3 : i32
      %broadcast_in_dim3A_2145 = vector.broadcast %broadcast_in_dim3A_2144 : i32 to vector<16xi32>
      %add3A_2146 = arith.constant 992 : i32
      %add3A_2147 = vector.broadcast %add3A_2146 : i32 to vector<16xi32>
      %add3A_2148 = arith.addi %add3A_2147, %iota3A_1917 : vector<16xi32>
      tpu.vector_store_idx %arg8[%broadcast_in_dim3A_2145, %add3A_2148], %get3A_2143 masked %lt3A_1920 : memref<32x1000xf32, #tpu.memory_space<vmem>>[vector<16xi32>, vector<16xi32>], vector<16xf32>, vector<16xi1>
      %get3A_2149 = arith.constant 4 : i32
      %get3A_2150 = arith.index_cast %get3A_2149 : i32 to index
      %get3A_2151 = arith.constant 0 : index
      %get3A_2152 = tpu.vector_load %arg10[%get3A_2150, %get3A_2151] {strides = array<i32>} : memref<32x128xf32, #tpu.memory_space<vmem>>, vector<16xf32>,
      %swap3A_2153 = arith.constant 4 : i32
      %swap3A_2154 = arith.index_cast %swap3A_2153 : i32 to index
      %swap3A_2155 = arith.constant 896 : index
      %swap3A_2156 = tpu.vector_load %arg8[%swap3A_2154, %swap3A_2155] {strides = array<i32>} : memref<32x1000xf32, #tpu.memory_space<vmem>>, vector<16xf32>,
      tpu.vector_store %arg8[%swap3A_2154, %swap3A_2155], %get3A_2152 {strides = array<i32>} : memref<32x1000xf32, #tpu.memory_space<vmem>>, vector<16xf32>,
      %get3A_2157 = arith.constant 4 : i32
      %get3A_2158 = arith.index_cast %get3A_2157 : i32 to index
      %get3A_2159 = arith.constant 16 : index
      %get3A_2160 = tpu.vector_load %arg10[%get3A_2158, %get3A_2159] {strides = array<i32>} : memref<32x128xf32, #tpu.memory_space<vmem>>, vector<16xf32>,
      %swap3A_2161 = arith.constant 4 : i32
      %swap3A_2162 = arith.index_cast %swap3A_2161 : i32 to index
      %swap3A_2163 = arith.constant 912 : index
      %swap3A_2164 = tpu.vector_load %arg8[%swap3A_2162, %swap3A_2163] {strides = array<i32>} : memref<32x1000xf32, #tpu.memory_space<vmem>>, vector<16xf32>,
      tpu.vector_store %arg8[%swap3A_2162, %swap3A_2163], %get3A_2160 {strides = array<i32>} : memref<32x1000xf32, #tpu.memory_space<vmem>>, vector<16xf32>,
      %get3A_2165 = arith.constant 4 : i32
      %get3A_2166 = arith.index_cast %get3A_2165 : i32 to index
      %get3A_2167 = arith.constant 32 : index
      %get3A_2168 = tpu.vector_load %arg10[%get3A_2166, %get3A_2167] {strides = array<i32>} : memref<32x128xf32, #tpu.memory_space<vmem>>, vector<16xf32>,
      %swap3A_2169 = arith.constant 4 : i32
      %swap3A_2170 = arith.index_cast %swap3A_2169 : i32 to index
      %swap3A_2171 = arith.constant 928 : index
      %swap3A_2172 = tpu.vector_load %arg8[%swap3A_2170, %swap3A_2171] {strides = array<i32>} : memref<32x1000xf32, #tpu.memory_space<vmem>>, vector<16xf32>,
      tpu.vector_store %arg8[%swap3A_2170, %swap3A_2171], %get3A_2168 {strides = array<i32>} : memref<32x1000xf32, #tpu.memory_space<vmem>>, vector<16xf32>,
      %get3A_2173 = arith.constant 4 : i32
      %get3A_2174 = arith.index_cast %get3A_2173 : i32 to index
      %get3A_2175 = arith.constant 48 : index
      %get3A_2176 = tpu.vector_load %arg10[%get3A_2174, %get3A_2175] {strides = array<i32>} : memref<32x128xf32, #tpu.memory_space<vmem>>, vector<16xf32>,
      %swap3A_2177 = arith.constant 4 : i32
      %swap3A_2178 = arith.index_cast %swap3A_2177 : i32 to index
      %swap3A_2179 = arith.constant 944 : index
      %swap3A_2180 = tpu.vector_load %arg8[%swap3A_2178, %swap3A_2179] {strides = array<i32>} : memref<32x1000xf32, #tpu.memory_space<vmem>>, vector<16xf32>,
      tpu.vector_store %arg8[%swap3A_2178, %swap3A_2179], %get3A_2176 {strides = array<i32>} : memref<32x1000xf32, #tpu.memory_space<vmem>>, vector<16xf32>,
      %get3A_2181 = arith.constant 4 : i32
      %get3A_2182 = arith.index_cast %get3A_2181 : i32 to index
      %get3A_2183 = arith.constant 64 : index
      %get3A_2184 = tpu.vector_load %arg10[%get3A_2182, %get3A_2183] {strides = array<i32>} : memref<32x128xf32, #tpu.memory_space<vmem>>, vector<16xf32>,
      %swap3A_2185 = arith.constant 4 : i32
      %swap3A_2186 = arith.index_cast %swap3A_2185 : i32 to index
      %swap3A_2187 = arith.constant 960 : index
      %swap3A_2188 = tpu.vector_load %arg8[%swap3A_2186, %swap3A_2187] {strides = array<i32>} : memref<32x1000xf32, #tpu.memory_space<vmem>>, vector<16xf32>,
      tpu.vector_store %arg8[%swap3A_2186, %swap3A_2187], %get3A_2184 {strides = array<i32>} : memref<32x1000xf32, #tpu.memory_space<vmem>>, vector<16xf32>,
      %get3A_2189 = arith.constant 4 : i32
      %get3A_2190 = arith.index_cast %get3A_2189 : i32 to index
      %get3A_2191 = arith.constant 80 : index
      %get3A_2192 = tpu.vector_load %arg10[%get3A_2190, %get3A_2191] {strides = array<i32>} : memref<32x128xf32, #tpu.memory_space<vmem>>, vector<16xf32>,
      %swap3A_2193 = arith.constant 4 : i32
      %swap3A_2194 = arith.index_cast %swap3A_2193 : i32 to index
      %swap3A_2195 = arith.constant 976 : index
      %swap3A_2196 = tpu.vector_load %arg8[%swap3A_2194, %swap3A_2195] {strides = array<i32>} : memref<32x1000xf32, #tpu.memory_space<vmem>>, vector<16xf32>,
      tpu.vector_store %arg8[%swap3A_2194, %swap3A_2195], %get3A_2192 {strides = array<i32>} : memref<32x1000xf32, #tpu.memory_space<vmem>>, vector<16xf32>,
      %get3A_2197 = arith.constant 4 : i32
      %get3A_2198 = arith.index_cast %get3A_2197 : i32 to index
      %get3A_2199 = arith.constant 96 : index
      %get3A_2200 = tpu.vector_load %arg10[%get3A_2198, %get3A_2199] {strides = array<i32>} : memref<32x128xf32, #tpu.memory_space<vmem>>, vector<16xf32>,
      %broadcast_in_dim3A_2201 = arith.constant 4 : i32
      %broadcast_in_dim3A_2202 = vector.broadcast %broadcast_in_dim3A_2201 : i32 to vector<16xi32>
      %add3A_2203 = arith.constant 992 : i32
      %add3A_2204 = vector.broadcast %add3A_2203 : i32 to vector<16xi32>
      %add3A_2205 = arith.addi %add3A_2204, %iota3A_1917 : vector<16xi32>
      tpu.vector_store_idx %arg8[%broadcast_in_dim3A_2202, %add3A_2205], %get3A_2200 masked %lt3A_1920 : memref<32x1000xf32, #tpu.memory_space<vmem>>[vector<16xi32>, vector<16xi32>], vector<16xf32>, vector<16xi1>
      %get3A_2206 = arith.constant 5 : i32
      %get3A_2207 = arith.index_cast %get3A_2206 : i32 to index
      %get3A_2208 = arith.constant 0 : index
      %get3A_2209 = tpu.vector_load %arg10[%get3A_2207, %get3A_2208] {strides = array<i32>} : memref<32x128xf32, #tpu.memory_space<vmem>>, vector<16xf32>,
      %swap3A_2210 = arith.constant 5 : i32
      %swap3A_2211 = arith.index_cast %swap3A_2210 : i32 to index
      %swap3A_2212 = arith.constant 896 : index
      %swap3A_2213 = tpu.vector_load %arg8[%swap3A_2211, %swap3A_2212] {strides = array<i32>} : memref<32x1000xf32, #tpu.memory_space<vmem>>, vector<16xf32>,
      tpu.vector_store %arg8[%swap3A_2211, %swap3A_2212], %get3A_2209 {strides = array<i32>} : memref<32x1000xf32, #tpu.memory_space<vmem>>, vector<16xf32>,
      %get3A_2214 = arith.constant 5 : i32
      %get3A_2215 = arith.index_cast %get3A_2214 : i32 to index
      %get3A_2216 = arith.constant 16 : index
      %get3A_2217 = tpu.vector_load %arg10[%get3A_2215, %get3A_2216] {strides = array<i32>} : memref<32x128xf32, #tpu.memory_space<vmem>>, vector<16xf32>,
      %swap3A_2218 = arith.constant 5 : i32
      %swap3A_2219 = arith.index_cast %swap3A_2218 : i32 to index
      %swap3A_2220 = arith.constant 912 : index
      %swap3A_2221 = tpu.vector_load %arg8[%swap3A_2219, %swap3A_2220] {strides = array<i32>} : memref<32x1000xf32, #tpu.memory_space<vmem>>, vector<16xf32>,
      tpu.vector_store %arg8[%swap3A_2219, %swap3A_2220], %get3A_2217 {strides = array<i32>} : memref<32x1000xf32, #tpu.memory_space<vmem>>, vector<16xf32>,
      %get3A_2222 = arith.constant 5 : i32
      %get3A_2223 = arith.index_cast %get3A_2222 : i32 to index
      %get3A_2224 = arith.constant 32 : index
      %get3A_2225 = tpu.vector_load %arg10[%get3A_2223, %get3A_2224] {strides = array<i32>} : memref<32x128xf32, #tpu.memory_space<vmem>>, vector<16xf32>,
      %swap3A_2226 = arith.constant 5 : i32
      %swap3A_2227 = arith.index_cast %swap3A_2226 : i32 to index
      %swap3A_2228 = arith.constant 928 : index
      %swap3A_2229 = tpu.vector_load %arg8[%swap3A_2227, %swap3A_2228] {strides = array<i32>} : memref<32x1000xf32, #tpu.memory_space<vmem>>, vector<16xf32>,
      tpu.vector_store %arg8[%swap3A_2227, %swap3A_2228], %get3A_2225 {strides = array<i32>} : memref<32x1000xf32, #tpu.memory_space<vmem>>, vector<16xf32>,
      %get3A_2230 = arith.constant 5 : i32
      %get3A_2231 = arith.index_cast %get3A_2230 : i32 to index
      %get3A_2232 = arith.constant 48 : index
      %get3A_2233 = tpu.vector_load %arg10[%get3A_2231, %get3A_2232] {strides = array<i32>} : memref<32x128xf32, #tpu.memory_space<vmem>>, vector<16xf32>,
      %swap3A_2234 = arith.constant 5 : i32
      %swap3A_2235 = arith.index_cast %swap3A_2234 : i32 to index
      %swap3A_2236 = arith.constant 944 : index
      %swap3A_2237 = tpu.vector_load %arg8[%swap3A_2235, %swap3A_2236] {strides = array<i32>} : memref<32x1000xf32, #tpu.memory_space<vmem>>, vector<16xf32>,
      tpu.vector_store %arg8[%swap3A_2235, %swap3A_2236], %get3A_2233 {strides = array<i32>} : memref<32x1000xf32, #tpu.memory_space<vmem>>, vector<16xf32>,
      %get3A_2238 = arith.constant 5 : i32
      %get3A_2239 = arith.index_cast %get3A_2238 : i32 to index
      %get3A_2240 = arith.constant 64 : index
      %get3A_2241 = tpu.vector_load %arg10[%get3A_2239, %get3A_2240] {strides = array<i32>} : memref<32x128xf32, #tpu.memory_space<vmem>>, vector<16xf32>,
      %swap3A_2242 = arith.constant 5 : i32
      %swap3A_2243 = arith.index_cast %swap3A_2242 : i32 to index
      %swap3A_2244 = arith.constant 960 : index
      %swap3A_2245 = tpu.vector_load %arg8[%swap3A_2243, %swap3A_2244] {strides = array<i32>} : memref<32x1000xf32, #tpu.memory_space<vmem>>, vector<16xf32>,
      tpu.vector_store %arg8[%swap3A_2243, %swap3A_2244], %get3A_2241 {strides = array<i32>} : memref<32x1000xf32, #tpu.memory_space<vmem>>, vector<16xf32>,
      %get3A_2246 = arith.constant 5 : i32
      %get3A_2247 = arith.index_cast %get3A_2246 : i32 to index
      %get3A_2248 = arith.constant 80 : index
      %get3A_2249 = tpu.vector_load %arg10[%get3A_2247, %get3A_2248] {strides = array<i32>} : memref<32x128xf32, #tpu.memory_space<vmem>>, vector<16xf32>,
      %swap3A_2250 = arith.constant 5 : i32
      %swap3A_2251 = arith.index_cast %swap3A_2250 : i32 to index
      %swap3A_2252 = arith.constant 976 : index
      %swap3A_2253 = tpu.vector_load %arg8[%swap3A_2251, %swap3A_2252] {strides = array<i32>} : memref<32x1000xf32, #tpu.memory_space<vmem>>, vector<16xf32>,
      tpu.vector_store %arg8[%swap3A_2251, %swap3A_2252], %get3A_2249 {strides = array<i32>} : memref<32x1000xf32, #tpu.memory_space<vmem>>, vector<16xf32>,
      %get3A_2254 = arith.constant 5 : i32
      %get3A_2255 = arith.index_cast %get3A_2254 : i32 to index
      %get3A_2256 = arith.constant 96 : index
      %get3A_2257 = tpu.vector_load %arg10[%get3A_2255, %get3A_2256] {strides = array<i32>} : memref<32x128xf32, #tpu.memory_space<vmem>>, vector<16xf32>,
      %broadcast_in_dim3A_2258 = arith.constant 5 : i32
      %broadcast_in_dim3A_2259 = vector.broadcast %broadcast_in_dim3A_2258 : i32 to vector<16xi32>
      %add3A_2260 = arith.constant 992 : i32
      %add3A_2261 = vector.broadcast %add3A_2260 : i32 to vector<16xi32>
      %add3A_2262 = arith.addi %add3A_2261, %iota3A_1917 : vector<16xi32>
      tpu.vector_store_idx %arg8[%broadcast_in_dim3A_2259, %add3A_2262], %get3A_2257 masked %lt3A_1920 : memref<32x1000xf32, #tpu.memory_space<vmem>>[vector<16xi32>, vector<16xi32>], vector<16xf32>, vector<16xi1>
      %get3A_2263 = arith.constant 6 : i32
      %get3A_2264 = arith.index_cast %get3A_2263 : i32 to index
      %get3A_2265 = arith.constant 0 : index
      %get3A_2266 = tpu.vector_load %arg10[%get3A_2264, %get3A_2265] {strides = array<i32>} : memref<32x128xf32, #tpu.memory_space<vmem>>, vector<16xf32>,
      %swap3A_2267 = arith.constant 6 : i32
      %swap3A_2268 = arith.index_cast %swap3A_2267 : i32 to index
      %swap3A_2269 = arith.constant 896 : index
      %swap3A_2270 = tpu.vector_load %arg8[%swap3A_2268, %swap3A_2269] {strides = array<i32>} : memref<32x1000xf32, #tpu.memory_space<vmem>>, vector<16xf32>,
      tpu.vector_store %arg8[%swap3A_2268, %swap3A_2269], %get3A_2266 {strides = array<i32>} : memref<32x1000xf32, #tpu.memory_space<vmem>>, vector<16xf32>,
      %get3A_2271 = arith.constant 6 : i32
      %get3A_2272 = arith.index_cast %get3A_2271 : i32 to index
      %get3A_2273 = arith.constant 16 : index
      %get3A_2274 = tpu.vector_load %arg10[%get3A_2272, %get3A_2273] {strides = array<i32>} : memref<32x128xf32, #tpu.memory_space<vmem>>, vector<16xf32>,
      %swap3A_2275 = arith.constant 6 : i32
      %swap3A_2276 = arith.index_cast %swap3A_2275 : i32 to index
      %swap3A_2277 = arith.constant 912 : index
      %swap3A_2278 = tpu.vector_load %arg8[%swap3A_2276, %swap3A_2277] {strides = array<i32>} : memref<32x1000xf32, #tpu.memory_space<vmem>>, vector<16xf32>,
      tpu.vector_store %arg8[%swap3A_2276, %swap3A_2277], %get3A_2274 {strides = array<i32>} : memref<32x1000xf32, #tpu.memory_space<vmem>>, vector<16xf32>,
      %get3A_2279 = arith.constant 6 : i32
      %get3A_2280 = arith.index_cast %get3A_2279 : i32 to index
      %get3A_2281 = arith.constant 32 : index
      %get3A_2282 = tpu.vector_load %arg10[%get3A_2280, %get3A_2281] {strides = array<i32>} : memref<32x128xf32, #tpu.memory_space<vmem>>, vector<16xf32>,
      %swap3A_2283 = arith.constant 6 : i32
      %swap3A_2284 = arith.index_cast %swap3A_2283 : i32 to index
      %swap3A_2285 = arith.constant 928 : index
      %swap3A_2286 = tpu.vector_load %arg8[%swap3A_2284, %swap3A_2285] {strides = array<i32>} : memref<32x1000xf32, #tpu.memory_space<vmem>>, vector<16xf32>,
      tpu.vector_store %arg8[%swap3A_2284, %swap3A_2285], %get3A_2282 {strides = array<i32>} : memref<32x1000xf32, #tpu.memory_space<vmem>>, vector<16xf32>,
      %get3A_2287 = arith.constant 6 : i32
      %get3A_2288 = arith.index_cast %get3A_2287 : i32 to index
      %get3A_2289 = arith.constant 48 : index
      %get3A_2290 = tpu.vector_load %arg10[%get3A_2288, %get3A_2289] {strides = array<i32>} : memref<32x128xf32, #tpu.memory_space<vmem>>, vector<16xf32>,
      %swap3A_2291 = arith.constant 6 : i32
      %swap3A_2292 = arith.index_cast %swap3A_2291 : i32 to index
      %swap3A_2293 = arith.constant 944 : index
      %swap3A_2294 = tpu.vector_load %arg8[%swap3A_2292, %swap3A_2293] {strides = array<i32>} : memref<32x1000xf32, #tpu.memory_space<vmem>>, vector<16xf32>,
      tpu.vector_store %arg8[%swap3A_2292, %swap3A_2293], %get3A_2290 {strides = array<i32>} : memref<32x1000xf32, #tpu.memory_space<vmem>>, vector<16xf32>,
      %get3A_2295 = arith.constant 6 : i32
      %get3A_2296 = arith.index_cast %get3A_2295 : i32 to index
      %get3A_2297 = arith.constant 64 : index
      %get3A_2298 = tpu.vector_load %arg10[%get3A_2296, %get3A_2297] {strides = array<i32>} : memref<32x128xf32, #tpu.memory_space<vmem>>, vector<16xf32>,
      %swap3A_2299 = arith.constant 6 : i32
      %swap3A_2300 = arith.index_cast %swap3A_2299 : i32 to index
      %swap3A_2301 = arith.constant 960 : index
      %swap3A_2302 = tpu.vector_load %arg8[%swap3A_2300, %swap3A_2301] {strides = array<i32>} : memref<32x1000xf32, #tpu.memory_space<vmem>>, vector<16xf32>,
      tpu.vector_store %arg8[%swap3A_2300, %swap3A_2301], %get3A_2298 {strides = array<i32>} : memref<32x1000xf32, #tpu.memory_space<vmem>>, vector<16xf32>,
      %get3A_2303 = arith.constant 6 : i32
      %get3A_2304 = arith.index_cast %get3A_2303 : i32 to index
      %get3A_2305 = arith.constant 80 : index
      %get3A_2306 = tpu.vector_load %arg10[%get3A_2304, %get3A_2305] {strides = array<i32>} : memref<32x128xf32, #tpu.memory_space<vmem>>, vector<16xf32>,
      %swap3A_2307 = arith.constant 6 : i32
      %swap3A_2308 = arith.index_cast %swap3A_2307 : i32 to index
      %swap3A_2309 = arith.constant 976 : index
      %swap3A_2310 = tpu.vector_load %arg8[%swap3A_2308, %swap3A_2309] {strides = array<i32>} : memref<32x1000xf32, #tpu.memory_space<vmem>>, vector<16xf32>,
      tpu.vector_store %arg8[%swap3A_2308, %swap3A_2309], %get3A_2306 {strides = array<i32>} : memref<32x1000xf32, #tpu.memory_space<vmem>>, vector<16xf32>,
      %get3A_2311 = arith.constant 6 : i32
      %get3A_2312 = arith.index_cast %get3A_2311 : i32 to index
      %get3A_2313 = arith.constant 96 : index
      %get3A_2314 = tpu.vector_load %arg10[%get3A_2312, %get3A_2313] {strides = array<i32>} : memref<32x128xf32, #tpu.memory_space<vmem>>, vector<16xf32>,
      %broadcast_in_dim3A_2315 = arith.constant 6 : i32
      %broadcast_in_dim3A_2316 = vector.broadcast %broadcast_in_dim3A_2315 : i32 to vector<16xi32>
      %add3A_2317 = arith.constant 992 : i32
      %add3A_2318 = vector.broadcast %add3A_2317 : i32 to vector<16xi32>
      %add3A_2319 = arith.addi %add3A_2318, %iota3A_1917 : vector<16xi32>
      tpu.vector_store_idx %arg8[%broadcast_in_dim3A_2316, %add3A_2319], %get3A_2314 masked %lt3A_1920 : memref<32x1000xf32, #tpu.memory_space<vmem>>[vector<16xi32>, vector<16xi32>], vector<16xf32>, vector<16xi1>
      %get3A_2320 = arith.constant 7 : i32
      %get3A_2321 = arith.index_cast %get3A_2320 : i32 to index
      %get3A_2322 = arith.constant 0 : index
      %get3A_2323 = tpu.vector_load %arg10[%get3A_2321, %get3A_2322] {strides = array<i32>} : memref<32x128xf32, #tpu.memory_space<vmem>>, vector<16xf32>,
      %swap3A_2324 = arith.constant 7 : i32
      %swap3A_2325 = arith.index_cast %swap3A_2324 : i32 to index
      %swap3A_2326 = arith.constant 896 : index
      %swap3A_2327 = tpu.vector_load %arg8[%swap3A_2325, %swap3A_2326] {strides = array<i32>} : memref<32x1000xf32, #tpu.memory_space<vmem>>, vector<16xf32>,
      tpu.vector_store %arg8[%swap3A_2325, %swap3A_2326], %get3A_2323 {strides = array<i32>} : memref<32x1000xf32, #tpu.memory_space<vmem>>, vector<16xf32>,
      %get3A_2328 = arith.constant 7 : i32
      %get3A_2329 = arith.index_cast %get3A_2328 : i32 to index
      %get3A_2330 = arith.constant 16 : index
      %get3A_2331 = tpu.vector_load %arg10[%get3A_2329, %get3A_2330] {strides = array<i32>} : memref<32x128xf32, #tpu.memory_space<vmem>>, vector<16xf32>,
      %swap3A_2332 = arith.constant 7 : i32
      %swap3A_2333 = arith.index_cast %swap3A_2332 : i32 to index
      %swap3A_2334 = arith.constant 912 : index
      %swap3A_2335 = tpu.vector_load %arg8[%swap3A_2333, %swap3A_2334] {strides = array<i32>} : memref<32x1000xf32, #tpu.memory_space<vmem>>, vector<16xf32>,
      tpu.vector_store %arg8[%swap3A_2333, %swap3A_2334], %get3A_2331 {strides = array<i32>} : memref<32x1000xf32, #tpu.memory_space<vmem>>, vector<16xf32>,
      %get3A_2336 = arith.constant 7 : i32
      %get3A_2337 = arith.index_cast %get3A_2336 : i32 to index
      %get3A_2338 = arith.constant 32 : index
      %get3A_2339 = tpu.vector_load %arg10[%get3A_2337, %get3A_2338] {strides = array<i32>} : memref<32x128xf32, #tpu.memory_space<vmem>>, vector<16xf32>,
      %swap3A_2340 = arith.constant 7 : i32
      %swap3A_2341 = arith.index_cast %swap3A_2340 : i32 to index
      %swap3A_2342 = arith.constant 928 : index
      %swap3A_2343 = tpu.vector_load %arg8[%swap3A_2341, %swap3A_2342] {strides = array<i32>} : memref<32x1000xf32, #tpu.memory_space<vmem>>, vector<16xf32>,
      tpu.vector_store %arg8[%swap3A_2341, %swap3A_2342], %get3A_2339 {strides = array<i32>} : memref<32x1000xf32, #tpu.memory_space<vmem>>, vector<16xf32>,
      %get3A_2344 = arith.constant 7 : i32
      %get3A_2345 = arith.index_cast %get3A_2344 : i32 to index
      %get3A_2346 = arith.constant 48 : index
      %get3A_2347 = tpu.vector_load %arg10[%get3A_2345, %get3A_2346] {strides = array<i32>} : memref<32x128xf32, #tpu.memory_space<vmem>>, vector<16xf32>,
      %swap3A_2348 = arith.constant 7 : i32
      %swap3A_2349 = arith.index_cast %swap3A_2348 : i32 to index
      %swap3A_2350 = arith.constant 944 : index
      %swap3A_2351 = tpu.vector_load %arg8[%swap3A_2349, %swap3A_2350] {strides = array<i32>} : memref<32x1000xf32, #tpu.memory_space<vmem>>, vector<16xf32>,
      tpu.vector_store %arg8[%swap3A_2349, %swap3A_2350], %get3A_2347 {strides = array<i32>} : memref<32x1000xf32, #tpu.memory_space<vmem>>, vector<16xf32>,
      %get3A_2352 = arith.constant 7 : i32
      %get3A_2353 = arith.index_cast %get3A_2352 : i32 to index
      %get3A_2354 = arith.constant 64 : index
      %get3A_2355 = tpu.vector_load %arg10[%get3A_2353, %get3A_2354] {strides = array<i32>} : memref<32x128xf32, #tpu.memory_space<vmem>>, vector<16xf32>,
      %swap3A_2356 = arith.constant 7 : i32
      %swap3A_2357 = arith.index_cast %swap3A_2356 : i32 to index
      %swap3A_2358 = arith.constant 960 : index
      %swap3A_2359 = tpu.vector_load %arg8[%swap3A_2357, %swap3A_2358] {strides = array<i32>} : memref<32x1000xf32, #tpu.memory_space<vmem>>, vector<16xf32>,
      tpu.vector_store %arg8[%swap3A_2357, %swap3A_2358], %get3A_2355 {strides = array<i32>} : memref<32x1000xf32, #tpu.memory_space<vmem>>, vector<16xf32>,
      %get3A_2360 = arith.constant 7 : i32
      %get3A_2361 = arith.index_cast %get3A_2360 : i32 to index
      %get3A_2362 = arith.constant 80 : index
      %get3A_2363 = tpu.vector_load %arg10[%get3A_2361, %get3A_2362] {strides = array<i32>} : memref<32x128xf32, #tpu.memory_space<vmem>>, vector<16xf32>,
      %swap3A_2364 = arith.constant 7 : i32
      %swap3A_2365 = arith.index_cast %swap3A_2364 : i32 to index
      %swap3A_2366 = arith.constant 976 : index
      %swap3A_2367 = tpu.vector_load %arg8[%swap3A_2365, %swap3A_2366] {strides = array<i32>} : memref<32x1000xf32, #tpu.memory_space<vmem>>, vector<16xf32>,
      tpu.vector_store %arg8[%swap3A_2365, %swap3A_2366], %get3A_2363 {strides = array<i32>} : memref<32x1000xf32, #tpu.memory_space<vmem>>, vector<16xf32>,
      %get3A_2368 = arith.constant 7 : i32
      %get3A_2369 = arith.index_cast %get3A_2368 : i32 to index
      %get3A_2370 = arith.constant 96 : index
      %get3A_2371 = tpu.vector_load %arg10[%get3A_2369, %get3A_2370] {strides = array<i32>} : memref<32x128xf32, #tpu.memory_space<vmem>>, vector<16xf32>,
      %broadcast_in_dim3A_2372 = arith.constant 7 : i32
      %broadcast_in_dim3A_2373 = vector.broadcast %broadcast_in_dim3A_2372 : i32 to vector<16xi32>
      %add3A_2374 = arith.constant 992 : i32
      %add3A_2375 = vector.broadcast %add3A_2374 : i32 to vector<16xi32>
      %add3A_2376 = arith.addi %add3A_2375, %iota3A_1917 : vector<16xi32>
      tpu.vector_store_idx %arg8[%broadcast_in_dim3A_2373, %add3A_2376], %get3A_2371 masked %lt3A_1920 : memref<32x1000xf32, #tpu.memory_space<vmem>>[vector<16xi32>, vector<16xi32>], vector<16xf32>, vector<16xi1>
      %get3A_2377 = arith.constant 8 : i32
      %get3A_2378 = arith.index_cast %get3A_2377 : i32 to index
      %get3A_2379 = arith.constant 0 : index
      %get3A_2380 = tpu.vector_load %arg10[%get3A_2378, %get3A_2379] {strides = array<i32>} : memref<32x128xf32, #tpu.memory_space<vmem>>, vector<16xf32>,
      %swap3A_2381 = arith.constant 8 : i32
      %swap3A_2382 = arith.index_cast %swap3A_2381 : i32 to index
      %swap3A_2383 = arith.constant 896 : index
      %swap3A_2384 = tpu.vector_load %arg8[%swap3A_2382, %swap3A_2383] {strides = array<i32>} : memref<32x1000xf32, #tpu.memory_space<vmem>>, vector<16xf32>,
      tpu.vector_store %arg8[%swap3A_2382, %swap3A_2383], %get3A_2380 {strides = array<i32>} : memref<32x1000xf32, #tpu.memory_space<vmem>>, vector<16xf32>,
      %get3A_2385 = arith.constant 8 : i32
      %get3A_2386 = arith.index_cast %get3A_2385 : i32 to index
      %get3A_2387 = arith.constant 16 : index
      %get3A_2388 = tpu.vector_load %arg10[%get3A_2386, %get3A_2387] {strides = array<i32>} : memref<32x128xf32, #tpu.memory_space<vmem>>, vector<16xf32>,
      %swap3A_2389 = arith.constant 8 : i32
      %swap3A_2390 = arith.index_cast %swap3A_2389 : i32 to index
      %swap3A_2391 = arith.constant 912 : index
      %swap3A_2392 = tpu.vector_load %arg8[%swap3A_2390, %swap3A_2391] {strides = array<i32>} : memref<32x1000xf32, #tpu.memory_space<vmem>>, vector<16xf32>,
      tpu.vector_store %arg8[%swap3A_2390, %swap3A_2391], %get3A_2388 {strides = array<i32>} : memref<32x1000xf32, #tpu.memory_space<vmem>>, vector<16xf32>,
      %get3A_2393 = arith.constant 8 : i32
      %get3A_2394 = arith.index_cast %get3A_2393 : i32 to index
      %get3A_2395 = arith.constant 32 : index
      %get3A_2396 = tpu.vector_load %arg10[%get3A_2394, %get3A_2395] {strides = array<i32>} : memref<32x128xf32, #tpu.memory_space<vmem>>, vector<16xf32>,
      %swap3A_2397 = arith.constant 8 : i32
      %swap3A_2398 = arith.index_cast %swap3A_2397 : i32 to index
      %swap3A_2399 = arith.constant 928 : index
      %swap3A_2400 = tpu.vector_load %arg8[%swap3A_2398, %swap3A_2399] {strides = array<i32>} : memref<32x1000xf32, #tpu.memory_space<vmem>>, vector<16xf32>,
      tpu.vector_store %arg8[%swap3A_2398, %swap3A_2399], %get3A_2396 {strides = array<i32>} : memref<32x1000xf32, #tpu.memory_space<vmem>>, vector<16xf32>,
      %get3A_2401 = arith.constant 8 : i32
      %get3A_2402 = arith.index_cast %get3A_2401 : i32 to index
      %get3A_2403 = arith.constant 48 : index
      %get3A_2404 = tpu.vector_load %arg10[%get3A_2402, %get3A_2403] {strides = array<i32>} : memref<32x128xf32, #tpu.memory_space<vmem>>, vector<16xf32>,
      %swap3A_2405 = arith.constant 8 : i32
      %swap3A_2406 = arith.index_cast %swap3A_2405 : i32 to index
      %swap3A_2407 = arith.constant 944 : index
      %swap3A_2408 = tpu.vector_load %arg8[%swap3A_2406, %swap3A_2407] {strides = array<i32>} : memref<32x1000xf32, #tpu.memory_space<vmem>>, vector<16xf32>,
      tpu.vector_store %arg8[%swap3A_2406, %swap3A_2407], %get3A_2404 {strides = array<i32>} : memref<32x1000xf32, #tpu.memory_space<vmem>>, vector<16xf32>,
      %get3A_2409 = arith.constant 8 : i32
      %get3A_2410 = arith.index_cast %get3A_2409 : i32 to index
      %get3A_2411 = arith.constant 64 : index
      %get3A_2412 = tpu.vector_load %arg10[%get3A_2410, %get3A_2411] {strides = array<i32>} : memref<32x128xf32, #tpu.memory_space<vmem>>, vector<16xf32>,
      %swap3A_2413 = arith.constant 8 : i32
      %swap3A_2414 = arith.index_cast %swap3A_2413 : i32 to index
      %swap3A_2415 = arith.constant 960 : index
      %swap3A_2416 = tpu.vector_load %arg8[%swap3A_2414, %swap3A_2415] {strides = array<i32>} : memref<32x1000xf32, #tpu.memory_space<vmem>>, vector<16xf32>,
      tpu.vector_store %arg8[%swap3A_2414, %swap3A_2415], %get3A_2412 {strides = array<i32>} : memref<32x1000xf32, #tpu.memory_space<vmem>>, vector<16xf32>,
      %get3A_2417 = arith.constant 8 : i32
      %get3A_2418 = arith.index_cast %get3A_2417 : i32 to index
      %get3A_2419 = arith.constant 80 : index
      %get3A_2420 = tpu.vector_load %arg10[%get3A_2418, %get3A_2419] {strides = array<i32>} : memref<32x128xf32, #tpu.memory_space<vmem>>, vector<16xf32>,
      %swap3A_2421 = arith.constant 8 : i32
      %swap3A_2422 = arith.index_cast %swap3A_2421 : i32 to index
      %swap3A_2423 = arith.constant 976 : index
      %swap3A_2424 = tpu.vector_load %arg8[%swap3A_2422, %swap3A_2423] {strides = array<i32>} : memref<32x1000xf32, #tpu.memory_space<vmem>>, vector<16xf32>,
      tpu.vector_store %arg8[%swap3A_2422, %swap3A_2423], %get3A_2420 {strides = array<i32>} : memref<32x1000xf32, #tpu.memory_space<vmem>>, vector<16xf32>,
      %get3A_2425 = arith.constant 8 : i32
      %get3A_2426 = arith.index_cast %get3A_2425 : i32 to index
      %get3A_2427 = arith.constant 96 : index
      %get3A_2428 = tpu.vector_load %arg10[%get3A_2426, %get3A_2427] {strides = array<i32>} : memref<32x128xf32, #tpu.memory_space<vmem>>, vector<16xf32>,
      %broadcast_in_dim3A_2429 = arith.constant 8 : i32
      %broadcast_in_dim3A_2430 = vector.broadcast %broadcast_in_dim3A_2429 : i32 to vector<16xi32>
      %add3A_2431 = arith.constant 992 : i32
      %add3A_2432 = vector.broadcast %add3A_2431 : i32 to vector<16xi32>
      %add3A_2433 = arith.addi %add3A_2432, %iota3A_1917 : vector<16xi32>
      tpu.vector_store_idx %arg8[%broadcast_in_dim3A_2430, %add3A_2433], %get3A_2428 masked %lt3A_1920 : memref<32x1000xf32, #tpu.memory_space<vmem>>[vector<16xi32>, vector<16xi32>], vector<16xf32>, vector<16xi1>
      %get3A_2434 = arith.constant 9 : i32
      %get3A_2435 = arith.index_cast %get3A_2434 : i32 to index
      %get3A_2436 = arith.constant 0 : index
      %get3A_2437 = tpu.vector_load %arg10[%get3A_2435, %get3A_2436] {strides = array<i32>} : memref<32x128xf32, #tpu.memory_space<vmem>>, vector<16xf32>,
      %swap3A_2438 = arith.constant 9 : i32
      %swap3A_2439 = arith.index_cast %swap3A_2438 : i32 to index
      %swap3A_2440 = arith.constant 896 : index
      %swap3A_2441 = tpu.vector_load %arg8[%swap3A_2439, %swap3A_2440] {strides = array<i32>} : memref<32x1000xf32, #tpu.memory_space<vmem>>, vector<16xf32>,
      tpu.vector_store %arg8[%swap3A_2439, %swap3A_2440], %get3A_2437 {strides = array<i32>} : memref<32x1000xf32, #tpu.memory_space<vmem>>, vector<16xf32>,
      %get3A_2442 = arith.constant 9 : i32
      %get3A_2443 = arith.index_cast %get3A_2442 : i32 to index
      %get3A_2444 = arith.constant 16 : index
      %get3A_2445 = tpu.vector_load %arg10[%get3A_2443, %get3A_2444] {strides = array<i32>} : memref<32x128xf32, #tpu.memory_space<vmem>>, vector<16xf32>,
      %swap3A_2446 = arith.constant 9 : i32
      %swap3A_2447 = arith.index_cast %swap3A_2446 : i32 to index
      %swap3A_2448 = arith.constant 912 : index
      %swap3A_2449 = tpu.vector_load %arg8[%swap3A_2447, %swap3A_2448] {strides = array<i32>} : memref<32x1000xf32, #tpu.memory_space<vmem>>, vector<16xf32>,
      tpu.vector_store %arg8[%swap3A_2447, %swap3A_2448], %get3A_2445 {strides = array<i32>} : memref<32x1000xf32, #tpu.memory_space<vmem>>, vector<16xf32>,
      %get3A_2450 = arith.constant 9 : i32
      %get3A_2451 = arith.index_cast %get3A_2450 : i32 to index
      %get3A_2452 = arith.constant 32 : index
      %get3A_2453 = tpu.vector_load %arg10[%get3A_2451, %get3A_2452] {strides = array<i32>} : memref<32x128xf32, #tpu.memory_space<vmem>>, vector<16xf32>,
      %swap3A_2454 = arith.constant 9 : i32
      %swap3A_2455 = arith.index_cast %swap3A_2454 : i32 to index
      %swap3A_2456 = arith.constant 928 : index
      %swap3A_2457 = tpu.vector_load %arg8[%swap3A_2455, %swap3A_2456] {strides = array<i32>} : memref<32x1000xf32, #tpu.memory_space<vmem>>, vector<16xf32>,
      tpu.vector_store %arg8[%swap3A_2455, %swap3A_2456], %get3A_2453 {strides = array<i32>} : memref<32x1000xf32, #tpu.memory_space<vmem>>, vector<16xf32>,
      %get3A_2458 = arith.constant 9 : i32
      %get3A_2459 = arith.index_cast %get3A_2458 : i32 to index
      %get3A_2460 = arith.constant 48 : index
      %get3A_2461 = tpu.vector_load %arg10[%get3A_2459, %get3A_2460] {strides = array<i32>} : memref<32x128xf32, #tpu.memory_space<vmem>>, vector<16xf32>,
      %swap3A_2462 = arith.constant 9 : i32
      %swap3A_2463 = arith.index_cast %swap3A_2462 : i32 to index
      %swap3A_2464 = arith.constant 944 : index
      %swap3A_2465 = tpu.vector_load %arg8[%swap3A_2463, %swap3A_2464] {strides = array<i32>} : memref<32x1000xf32, #tpu.memory_space<vmem>>, vector<16xf32>,
      tpu.vector_store %arg8[%swap3A_2463, %swap3A_2464], %get3A_2461 {strides = array<i32>} : memref<32x1000xf32, #tpu.memory_space<vmem>>, vector<16xf32>,
      %get3A_2466 = arith.constant 9 : i32
      %get3A_2467 = arith.index_cast %get3A_2466 : i32 to index
      %get3A_2468 = arith.constant 64 : index
      %get3A_2469 = tpu.vector_load %arg10[%get3A_2467, %get3A_2468] {strides = array<i32>} : memref<32x128xf32, #tpu.memory_space<vmem>>, vector<16xf32>,
      %swap3A_2470 = arith.constant 9 : i32
      %swap3A_2471 = arith.index_cast %swap3A_2470 : i32 to index
      %swap3A_2472 = arith.constant 960 : index
      %swap3A_2473 = tpu.vector_load %arg8[%swap3A_2471, %swap3A_2472] {strides = array<i32>} : memref<32x1000xf32, #tpu.memory_space<vmem>>, vector<16xf32>,
      tpu.vector_store %arg8[%swap3A_2471, %swap3A_2472], %get3A_2469 {strides = array<i32>} : memref<32x1000xf32, #tpu.memory_space<vmem>>, vector<16xf32>,
      %get3A_2474 = arith.constant 9 : i32
      %get3A_2475 = arith.index_cast %get3A_2474 : i32 to index
      %get3A_2476 = arith.constant 80 : index
      %get3A_2477 = tpu.vector_load %arg10[%get3A_2475, %get3A_2476] {strides = array<i32>} : memref<32x128xf32, #tpu.memory_space<vmem>>, vector<16xf32>,
      %swap3A_2478 = arith.constant 9 : i32
      %swap3A_2479 = arith.index_cast %swap3A_2478 : i32 to index
      %swap3A_2480 = arith.constant 976 : index
      %swap3A_2481 = tpu.vector_load %arg8[%swap3A_2479, %swap3A_2480] {strides = array<i32>} : memref<32x1000xf32, #tpu.memory_space<vmem>>, vector<16xf32>,
      tpu.vector_store %arg8[%swap3A_2479, %swap3A_2480], %get3A_2477 {strides = array<i32>} : memref<32x1000xf32, #tpu.memory_space<vmem>>, vector<16xf32>,
      %get3A_2482 = arith.constant 9 : i32
      %get3A_2483 = arith.index_cast %get3A_2482 : i32 to index
      %get3A_2484 = arith.constant 96 : index
      %get3A_2485 = tpu.vector_load %arg10[%get3A_2483, %get3A_2484] {strides = array<i32>} : memref<32x128xf32, #tpu.memory_space<vmem>>, vector<16xf32>,
      %broadcast_in_dim3A_2486 = arith.constant 9 : i32
      %broadcast_in_dim3A_2487 = vector.broadcast %broadcast_in_dim3A_2486 : i32 to vector<16xi32>
      %add3A_2488 = arith.constant 992 : i32
      %add3A_2489 = vector.broadcast %add3A_2488 : i32 to vector<16xi32>
      %add3A_2490 = arith.addi %add3A_2489, %iota3A_1917 : vector<16xi32>
      tpu.vector_store_idx %arg8[%broadcast_in_dim3A_2487, %add3A_2490], %get3A_2485 masked %lt3A_1920 : memref<32x1000xf32, #tpu.memory_space<vmem>>[vector<16xi32>, vector<16xi32>], vector<16xf32>, vector<16xi1>
      %get3A_2491 = arith.constant 10 : i32
      %get3A_2492 = arith.index_cast %get3A_2491 : i32 to index
      %get3A_2493 = arith.constant 0 : index
      %get3A_2494 = tpu.vector_load %arg10[%get3A_2492, %get3A_2493] {strides = array<i32>} : memref<32x128xf32, #tpu.memory_space<vmem>>, vector<16xf32>,
      %swap3A_2495 = arith.constant 10 : i32
      %swap3A_2496 = arith.index_cast %swap3A_2495 : i32 to index
      %swap3A_2497 = arith.constant 896 : index
      %swap3A_2498 = tpu.vector_load %arg8[%swap3A_2496, %swap3A_2497] {strides = array<i32>} : memref<32x1000xf32, #tpu.memory_space<vmem>>, vector<16xf32>,
      tpu.vector_store %arg8[%swap3A_2496, %swap3A_2497], %get3A_2494 {strides = array<i32>} : memref<32x1000xf32, #tpu.memory_space<vmem>>, vector<16xf32>,
      %get3A_2499 = arith.constant 10 : i32
      %get3A_2500 = arith.index_cast %get3A_2499 : i32 to index
      %get3A_2501 = arith.constant 16 : index
      %get3A_2502 = tpu.vector_load %arg10[%get3A_2500, %get3A_2501] {strides = array<i32>} : memref<32x128xf32, #tpu.memory_space<vmem>>, vector<16xf32>,
      %swap3A_2503 = arith.constant 10 : i32
      %swap3A_2504 = arith.index_cast %swap3A_2503 : i32 to index
      %swap3A_2505 = arith.constant 912 : index
      %swap3A_2506 = tpu.vector_load %arg8[%swap3A_2504, %swap3A_2505] {strides = array<i32>} : memref<32x1000xf32, #tpu.memory_space<vmem>>, vector<16xf32>,
      tpu.vector_store %arg8[%swap3A_2504, %swap3A_2505], %get3A_2502 {strides = array<i32>} : memref<32x1000xf32, #tpu.memory_space<vmem>>, vector<16xf32>,
      %get3A_2507 = arith.constant 10 : i32
      %get3A_2508 = arith.index_cast %get3A_2507 : i32 to index
      %get3A_2509 = arith.constant 32 : index
      %get3A_2510 = tpu.vector_load %arg10[%get3A_2508, %get3A_2509] {strides = array<i32>} : memref<32x128xf32, #tpu.memory_space<vmem>>, vector<16xf32>,
      %swap3A_2511 = arith.constant 10 : i32
      %swap3A_2512 = arith.index_cast %swap3A_2511 : i32 to index
      %swap3A_2513 = arith.constant 928 : index
      %swap3A_2514 = tpu.vector_load %arg8[%swap3A_2512, %swap3A_2513] {strides = array<i32>} : memref<32x1000xf32, #tpu.memory_space<vmem>>, vector<16xf32>,
      tpu.vector_store %arg8[%swap3A_2512, %swap3A_2513], %get3A_2510 {strides = array<i32>} : memref<32x1000xf32, #tpu.memory_space<vmem>>, vector<16xf32>,
      %get3A_2515 = arith.constant 10 : i32
      %get3A_2516 = arith.index_cast %get3A_2515 : i32 to index
      %get3A_2517 = arith.constant 48 : index
      %get3A_2518 = tpu.vector_load %arg10[%get3A_2516, %get3A_2517] {strides = array<i32>} : memref<32x128xf32, #tpu.memory_space<vmem>>, vector<16xf32>,
      %swap3A_2519 = arith.constant 10 : i32
      %swap3A_2520 = arith.index_cast %swap3A_2519 : i32 to index
      %swap3A_2521 = arith.constant 944 : index
      %swap3A_2522 = tpu.vector_load %arg8[%swap3A_2520, %swap3A_2521] {strides = array<i32>} : memref<32x1000xf32, #tpu.memory_space<vmem>>, vector<16xf32>,
      tpu.vector_store %arg8[%swap3A_2520, %swap3A_2521], %get3A_2518 {strides = array<i32>} : memref<32x1000xf32, #tpu.memory_space<vmem>>, vector<16xf32>,
      %get3A_2523 = arith.constant 10 : i32
      %get3A_2524 = arith.index_cast %get3A_2523 : i32 to index
      %get3A_2525 = arith.constant 64 : index
      %get3A_2526 = tpu.vector_load %arg10[%get3A_2524, %get3A_2525] {strides = array<i32>} : memref<32x128xf32, #tpu.memory_space<vmem>>, vector<16xf32>,
      %swap3A_2527 = arith.constant 10 : i32
      %swap3A_2528 = arith.index_cast %swap3A_2527 : i32 to index
      %swap3A_2529 = arith.constant 960 : index
      %swap3A_2530 = tpu.vector_load %arg8[%swap3A_2528, %swap3A_2529] {strides = array<i32>} : memref<32x1000xf32, #tpu.memory_space<vmem>>, vector<16xf32>,
      tpu.vector_store %arg8[%swap3A_2528, %swap3A_2529], %get3A_2526 {strides = array<i32>} : memref<32x1000xf32, #tpu.memory_space<vmem>>, vector<16xf32>,
      %get3A_2531 = arith.constant 10 : i32
      %get3A_2532 = arith.index_cast %get3A_2531 : i32 to index
      %get3A_2533 = arith.constant 80 : index
      %get3A_2534 = tpu.vector_load %arg10[%get3A_2532, %get3A_2533] {strides = array<i32>} : memref<32x128xf32, #tpu.memory_space<vmem>>, vector<16xf32>,
      %swap3A_2535 = arith.constant 10 : i32
      %swap3A_2536 = arith.index_cast %swap3A_2535 : i32 to index
      %swap3A_2537 = arith.constant 976 : index
      %swap3A_2538 = tpu.vector_load %arg8[%swap3A_2536, %swap3A_2537] {strides = array<i32>} : memref<32x1000xf32, #tpu.memory_space<vmem>>, vector<16xf32>,
      tpu.vector_store %arg8[%swap3A_2536, %swap3A_2537], %get3A_2534 {strides = array<i32>} : memref<32x1000xf32, #tpu.memory_space<vmem>>, vector<16xf32>,
      %get3A_2539 = arith.constant 10 : i32
      %get3A_2540 = arith.index_cast %get3A_2539 : i32 to index
      %get3A_2541 = arith.constant 96 : index
      %get3A_2542 = tpu.vector_load %arg10[%get3A_2540, %get3A_2541] {strides = array<i32>} : memref<32x128xf32, #tpu.memory_space<vmem>>, vector<16xf32>,
      %broadcast_in_dim3A_2543 = arith.constant 10 : i32
      %broadcast_in_dim3A_2544 = vector.broadcast %broadcast_in_dim3A_2543 : i32 to vector<16xi32>
      %add3A_2545 = arith.constant 992 : i32
      %add3A_2546 = vector.broadcast %add3A_2545 : i32 to vector<16xi32>
      %add3A_2547 = arith.addi %add3A_2546, %iota3A_1917 : vector<16xi32>
      tpu.vector_store_idx %arg8[%broadcast_in_dim3A_2544, %add3A_2547], %get3A_2542 masked %lt3A_1920 : memref<32x1000xf32, #tpu.memory_space<vmem>>[vector<16xi32>, vector<16xi32>], vector<16xf32>, vector<16xi1>
      %get3A_2548 = arith.constant 11 : i32
      %get3A_2549 = arith.index_cast %get3A_2548 : i32 to index
      %get3A_2550 = arith.constant 0 : index
      %get3A_2551 = tpu.vector_load %arg10[%get3A_2549, %get3A_2550] {strides = array<i32>} : memref<32x128xf32, #tpu.memory_space<vmem>>, vector<16xf32>,
      %swap3A_2552 = arith.constant 11 : i32
      %swap3A_2553 = arith.index_cast %swap3A_2552 : i32 to index
      %swap3A_2554 = arith.constant 896 : index
      %swap3A_2555 = tpu.vector_load %arg8[%swap3A_2553, %swap3A_2554] {strides = array<i32>} : memref<32x1000xf32, #tpu.memory_space<vmem>>, vector<16xf32>,
      tpu.vector_store %arg8[%swap3A_2553, %swap3A_2554], %get3A_2551 {strides = array<i32>} : memref<32x1000xf32, #tpu.memory_space<vmem>>, vector<16xf32>,
      %get3A_2556 = arith.constant 11 : i32
      %get3A_2557 = arith.index_cast %get3A_2556 : i32 to index
      %get3A_2558 = arith.constant 16 : index
      %get3A_2559 = tpu.vector_load %arg10[%get3A_2557, %get3A_2558] {strides = array<i32>} : memref<32x128xf32, #tpu.memory_space<vmem>>, vector<16xf32>,
      %swap3A_2560 = arith.constant 11 : i32
      %swap3A_2561 = arith.index_cast %swap3A_2560 : i32 to index
      %swap3A_2562 = arith.constant 912 : index
      %swap3A_2563 = tpu.vector_load %arg8[%swap3A_2561, %swap3A_2562] {strides = array<i32>} : memref<32x1000xf32, #tpu.memory_space<vmem>>, vector<16xf32>,
      tpu.vector_store %arg8[%swap3A_2561, %swap3A_2562], %get3A_2559 {strides = array<i32>} : memref<32x1000xf32, #tpu.memory_space<vmem>>, vector<16xf32>,
      %get3A_2564 = arith.constant 11 : i32
      %get3A_2565 = arith.index_cast %get3A_2564 : i32 to index
      %get3A_2566 = arith.constant 32 : index
      %get3A_2567 = tpu.vector_load %arg10[%get3A_2565, %get3A_2566] {strides = array<i32>} : memref<32x128xf32, #tpu.memory_space<vmem>>, vector<16xf32>,
      %swap3A_2568 = arith.constant 11 : i32
      %swap3A_2569 = arith.index_cast %swap3A_2568 : i32 to index
      %swap3A_2570 = arith.constant 928 : index
      %swap3A_2571 = tpu.vector_load %arg8[%swap3A_2569, %swap3A_2570] {strides = array<i32>} : memref<32x1000xf32, #tpu.memory_space<vmem>>, vector<16xf32>,
      tpu.vector_store %arg8[%swap3A_2569, %swap3A_2570], %get3A_2567 {strides = array<i32>} : memref<32x1000xf32, #tpu.memory_space<vmem>>, vector<16xf32>,
      %get3A_2572 = arith.constant 11 : i32
      %get3A_2573 = arith.index_cast %get3A_2572 : i32 to index
      %get3A_2574 = arith.constant 48 : index
      %get3A_2575 = tpu.vector_load %arg10[%get3A_2573, %get3A_2574] {strides = array<i32>} : memref<32x128xf32, #tpu.memory_space<vmem>>, vector<16xf32>,
      %swap3A_2576 = arith.constant 11 : i32
      %swap3A_2577 = arith.index_cast %swap3A_2576 : i32 to index
      %swap3A_2578 = arith.constant 944 : index
      %swap3A_2579 = tpu.vector_load %arg8[%swap3A_2577, %swap3A_2578] {strides = array<i32>} : memref<32x1000xf32, #tpu.memory_space<vmem>>, vector<16xf32>,
      tpu.vector_store %arg8[%swap3A_2577, %swap3A_2578], %get3A_2575 {strides = array<i32>} : memref<32x1000xf32, #tpu.memory_space<vmem>>, vector<16xf32>,
      %get3A_2580 = arith.constant 11 : i32
      %get3A_2581 = arith.index_cast %get3A_2580 : i32 to index
      %get3A_2582 = arith.constant 64 : index
      %get3A_2583 = tpu.vector_load %arg10[%get3A_2581, %get3A_2582] {strides = array<i32>} : memref<32x128xf32, #tpu.memory_space<vmem>>, vector<16xf32>,
      %swap3A_2584 = arith.constant 11 : i32
      %swap3A_2585 = arith.index_cast %swap3A_2584 : i32 to index
      %swap3A_2586 = arith.constant 960 : index
      %swap3A_2587 = tpu.vector_load %arg8[%swap3A_2585, %swap3A_2586] {strides = array<i32>} : memref<32x1000xf32, #tpu.memory_space<vmem>>, vector<16xf32>,
      tpu.vector_store %arg8[%swap3A_2585, %swap3A_2586], %get3A_2583 {strides = array<i32>} : memref<32x1000xf32, #tpu.memory_space<vmem>>, vector<16xf32>,
      %get3A_2588 = arith.constant 11 : i32
      %get3A_2589 = arith.index_cast %get3A_2588 : i32 to index
      %get3A_2590 = arith.constant 80 : index
      %get3A_2591 = tpu.vector_load %arg10[%get3A_2589, %get3A_2590] {strides = array<i32>} : memref<32x128xf32, #tpu.memory_space<vmem>>, vector<16xf32>,
      %swap3A_2592 = arith.constant 11 : i32
      %swap3A_2593 = arith.index_cast %swap3A_2592 : i32 to index
      %swap3A_2594 = arith.constant 976 : index
      %swap3A_2595 = tpu.vector_load %arg8[%swap3A_2593, %swap3A_2594] {strides = array<i32>} : memref<32x1000xf32, #tpu.memory_space<vmem>>, vector<16xf32>,
      tpu.vector_store %arg8[%swap3A_2593, %swap3A_2594], %get3A_2591 {strides = array<i32>} : memref<32x1000xf32, #tpu.memory_space<vmem>>, vector<16xf32>,
      %get3A_2596 = arith.constant 11 : i32
      %get3A_2597 = arith.index_cast %get3A_2596 : i32 to index
      %get3A_2598 = arith.constant 96 : index
      %get3A_2599 = tpu.vector_load %arg10[%get3A_2597, %get3A_2598] {strides = array<i32>} : memref<32x128xf32, #tpu.memory_space<vmem>>, vector<16xf32>,
      %broadcast_in_dim3A_2600 = arith.constant 11 : i32
      %broadcast_in_dim3A_2601 = vector.broadcast %broadcast_in_dim3A_2600 : i32 to vector<16xi32>
      %add3A_2602 = arith.constant 992 : i32
      %add3A_2603 = vector.broadcast %add3A_2602 : i32 to vector<16xi32>
      %add3A_2604 = arith.addi %add3A_2603, %iota3A_1917 : vector<16xi32>
      tpu.vector_store_idx %arg8[%broadcast_in_dim3A_2601, %add3A_2604], %get3A_2599 masked %lt3A_1920 : memref<32x1000xf32, #tpu.memory_space<vmem>>[vector<16xi32>, vector<16xi32>], vector<16xf32>, vector<16xi1>
      %get3A_2605 = arith.constant 12 : i32
      %get3A_2606 = arith.index_cast %get3A_2605 : i32 to index
      %get3A_2607 = arith.constant 0 : index
      %get3A_2608 = tpu.vector_load %arg10[%get3A_2606, %get3A_2607] {strides = array<i32>} : memref<32x128xf32, #tpu.memory_space<vmem>>, vector<16xf32>,
      %swap3A_2609 = arith.constant 12 : i32
      %swap3A_2610 = arith.index_cast %swap3A_2609 : i32 to index
      %swap3A_2611 = arith.constant 896 : index
      %swap3A_2612 = tpu.vector_load %arg8[%swap3A_2610, %swap3A_2611] {strides = array<i32>} : memref<32x1000xf32, #tpu.memory_space<vmem>>, vector<16xf32>,
      tpu.vector_store %arg8[%swap3A_2610, %swap3A_2611], %get3A_2608 {strides = array<i32>} : memref<32x1000xf32, #tpu.memory_space<vmem>>, vector<16xf32>,
      %get3A_2613 = arith.constant 12 : i32
      %get3A_2614 = arith.index_cast %get3A_2613 : i32 to index
      %get3A_2615 = arith.constant 16 : index
      %get3A_2616 = tpu.vector_load %arg10[%get3A_2614, %get3A_2615] {strides = array<i32>} : memref<32x128xf32, #tpu.memory_space<vmem>>, vector<16xf32>,
      %swap3A_2617 = arith.constant 12 : i32
      %swap3A_2618 = arith.index_cast %swap3A_2617 : i32 to index
      %swap3A_2619 = arith.constant 912 : index
      %swap3A_2620 = tpu.vector_load %arg8[%swap3A_2618, %swap3A_2619] {strides = array<i32>} : memref<32x1000xf32, #tpu.memory_space<vmem>>, vector<16xf32>,
      tpu.vector_store %arg8[%swap3A_2618, %swap3A_2619], %get3A_2616 {strides = array<i32>} : memref<32x1000xf32, #tpu.memory_space<vmem>>, vector<16xf32>,
      %get3A_2621 = arith.constant 12 : i32
      %get3A_2622 = arith.index_cast %get3A_2621 : i32 to index
      %get3A_2623 = arith.constant 32 : index
      %get3A_2624 = tpu.vector_load %arg10[%get3A_2622, %get3A_2623] {strides = array<i32>} : memref<32x128xf32, #tpu.memory_space<vmem>>, vector<16xf32>,
      %swap3A_2625 = arith.constant 12 : i32
      %swap3A_2626 = arith.index_cast %swap3A_2625 : i32 to index
      %swap3A_2627 = arith.constant 928 : index
      %swap3A_2628 = tpu.vector_load %arg8[%swap3A_2626, %swap3A_2627] {strides = array<i32>} : memref<32x1000xf32, #tpu.memory_space<vmem>>, vector<16xf32>,
      tpu.vector_store %arg8[%swap3A_2626, %swap3A_2627], %get3A_2624 {strides = array<i32>} : memref<32x1000xf32, #tpu.memory_space<vmem>>, vector<16xf32>,
      %get3A_2629 = arith.constant 12 : i32
      %get3A_2630 = arith.index_cast %get3A_2629 : i32 to index
      %get3A_2631 = arith.constant 48 : index
      %get3A_2632 = tpu.vector_load %arg10[%get3A_2630, %get3A_2631] {strides = array<i32>} : memref<32x128xf32, #tpu.memory_space<vmem>>, vector<16xf32>,
      %swap3A_2633 = arith.constant 12 : i32
      %swap3A_2634 = arith.index_cast %swap3A_2633 : i32 to index
      %swap3A_2635 = arith.constant 944 : index
      %swap3A_2636 = tpu.vector_load %arg8[%swap3A_2634, %swap3A_2635] {strides = array<i32>} : memref<32x1000xf32, #tpu.memory_space<vmem>>, vector<16xf32>,
      tpu.vector_store %arg8[%swap3A_2634, %swap3A_2635], %get3A_2632 {strides = array<i32>} : memref<32x1000xf32, #tpu.memory_space<vmem>>, vector<16xf32>,
      %get3A_2637 = arith.constant 12 : i32
      %get3A_2638 = arith.index_cast %get3A_2637 : i32 to index
      %get3A_2639 = arith.constant 64 : index
      %get3A_2640 = tpu.vector_load %arg10[%get3A_2638, %get3A_2639] {strides = array<i32>} : memref<32x128xf32, #tpu.memory_space<vmem>>, vector<16xf32>,
      %swap3A_2641 = arith.constant 12 : i32
      %swap3A_2642 = arith.index_cast %swap3A_2641 : i32 to index
      %swap3A_2643 = arith.constant 960 : index
      %swap3A_2644 = tpu.vector_load %arg8[%swap3A_2642, %swap3A_2643] {strides = array<i32>} : memref<32x1000xf32, #tpu.memory_space<vmem>>, vector<16xf32>,
      tpu.vector_store %arg8[%swap3A_2642, %swap3A_2643], %get3A_2640 {strides = array<i32>} : memref<32x1000xf32, #tpu.memory_space<vmem>>, vector<16xf32>,
      %get3A_2645 = arith.constant 12 : i32
      %get3A_2646 = arith.index_cast %get3A_2645 : i32 to index
      %get3A_2647 = arith.constant 80 : index
      %get3A_2648 = tpu.vector_load %arg10[%get3A_2646, %get3A_2647] {strides = array<i32>} : memref<32x128xf32, #tpu.memory_space<vmem>>, vector<16xf32>,
      %swap3A_2649 = arith.constant 12 : i32
      %swap3A_2650 = arith.index_cast %swap3A_2649 : i32 to index
      %swap3A_2651 = arith.constant 976 : index
      %swap3A_2652 = tpu.vector_load %arg8[%swap3A_2650, %swap3A_2651] {strides = array<i32>} : memref<32x1000xf32, #tpu.memory_space<vmem>>, vector<16xf32>,
      tpu.vector_store %arg8[%swap3A_2650, %swap3A_2651], %get3A_2648 {strides = array<i32>} : memref<32x1000xf32, #tpu.memory_space<vmem>>, vector<16xf32>,
      %get3A_2653 = arith.constant 12 : i32
      %get3A_2654 = arith.index_cast %get3A_2653 : i32 to index
      %get3A_2655 = arith.constant 96 : index
      %get3A_2656 = tpu.vector_load %arg10[%get3A_2654, %get3A_2655] {strides = array<i32>} : memref<32x128xf32, #tpu.memory_space<vmem>>, vector<16xf32>,
      %broadcast_in_dim3A_2657 = arith.constant 12 : i32
      %broadcast_in_dim3A_2658 = vector.broadcast %broadcast_in_dim3A_2657 : i32 to vector<16xi32>
      %add3A_2659 = arith.constant 992 : i32
      %add3A_2660 = vector.broadcast %add3A_2659 : i32 to vector<16xi32>
      %add3A_2661 = arith.addi %add3A_2660, %iota3A_1917 : vector<16xi32>
      tpu.vector_store_idx %arg8[%broadcast_in_dim3A_2658, %add3A_2661], %get3A_2656 masked %lt3A_1920 : memref<32x1000xf32, #tpu.memory_space<vmem>>[vector<16xi32>, vector<16xi32>], vector<16xf32>, vector<16xi1>
      %get3A_2662 = arith.constant 13 : i32
      %get3A_2663 = arith.index_cast %get3A_2662 : i32 to index
      %get3A_2664 = arith.constant 0 : index
      %get3A_2665 = tpu.vector_load %arg10[%get3A_2663, %get3A_2664] {strides = array<i32>} : memref<32x128xf32, #tpu.memory_space<vmem>>, vector<16xf32>,
      %swap3A_2666 = arith.constant 13 : i32
      %swap3A_2667 = arith.index_cast %swap3A_2666 : i32 to index
      %swap3A_2668 = arith.constant 896 : index
      %swap3A_2669 = tpu.vector_load %arg8[%swap3A_2667, %swap3A_2668] {strides = array<i32>} : memref<32x1000xf32, #tpu.memory_space<vmem>>, vector<16xf32>,
      tpu.vector_store %arg8[%swap3A_2667, %swap3A_2668], %get3A_2665 {strides = array<i32>} : memref<32x1000xf32, #tpu.memory_space<vmem>>, vector<16xf32>,
      %get3A_2670 = arith.constant 13 : i32
      %get3A_2671 = arith.index_cast %get3A_2670 : i32 to index
      %get3A_2672 = arith.constant 16 : index
      %get3A_2673 = tpu.vector_load %arg10[%get3A_2671, %get3A_2672] {strides = array<i32>} : memref<32x128xf32, #tpu.memory_space<vmem>>, vector<16xf32>,
      %swap3A_2674 = arith.constant 13 : i32
      %swap3A_2675 = arith.index_cast %swap3A_2674 : i32 to index
      %swap3A_2676 = arith.constant 912 : index
      %swap3A_2677 = tpu.vector_load %arg8[%swap3A_2675, %swap3A_2676] {strides = array<i32>} : memref<32x1000xf32, #tpu.memory_space<vmem>>, vector<16xf32>,
      tpu.vector_store %arg8[%swap3A_2675, %swap3A_2676], %get3A_2673 {strides = array<i32>} : memref<32x1000xf32, #tpu.memory_space<vmem>>, vector<16xf32>,
      %get3A_2678 = arith.constant 13 : i32
      %get3A_2679 = arith.index_cast %get3A_2678 : i32 to index
      %get3A_2680 = arith.constant 32 : index
      %get3A_2681 = tpu.vector_load %arg10[%get3A_2679, %get3A_2680] {strides = array<i32>} : memref<32x128xf32, #tpu.memory_space<vmem>>, vector<16xf32>,
      %swap3A_2682 = arith.constant 13 : i32
      %swap3A_2683 = arith.index_cast %swap3A_2682 : i32 to index
      %swap3A_2684 = arith.constant 928 : index
      %swap3A_2685 = tpu.vector_load %arg8[%swap3A_2683, %swap3A_2684] {strides = array<i32>} : memref<32x1000xf32, #tpu.memory_space<vmem>>, vector<16xf32>,
      tpu.vector_store %arg8[%swap3A_2683, %swap3A_2684], %get3A_2681 {strides = array<i32>} : memref<32x1000xf32, #tpu.memory_space<vmem>>, vector<16xf32>,
      %get3A_2686 = arith.constant 13 : i32
      %get3A_2687 = arith.index_cast %get3A_2686 : i32 to index
      %get3A_2688 = arith.constant 48 : index
      %get3A_2689 = tpu.vector_load %arg10[%get3A_2687, %get3A_2688] {strides = array<i32>} : memref<32x128xf32, #tpu.memory_space<vmem>>, vector<16xf32>,
      %swap3A_2690 = arith.constant 13 : i32
      %swap3A_2691 = arith.index_cast %swap3A_2690 : i32 to index
      %swap3A_2692 = arith.constant 944 : index
      %swap3A_2693 = tpu.vector_load %arg8[%swap3A_2691, %swap3A_2692] {strides = array<i32>} : memref<32x1000xf32, #tpu.memory_space<vmem>>, vector<16xf32>,
      tpu.vector_store %arg8[%swap3A_2691, %swap3A_2692], %get3A_2689 {strides = array<i32>} : memref<32x1000xf32, #tpu.memory_space<vmem>>, vector<16xf32>,
      %get3A_2694 = arith.constant 13 : i32
      %get3A_2695 = arith.index_cast %get3A_2694 : i32 to index
      %get3A_2696 = arith.constant 64 : index
      %get3A_2697 = tpu.vector_load %arg10[%get3A_2695, %get3A_2696] {strides = array<i32>} : memref<32x128xf32, #tpu.memory_space<vmem>>, vector<16xf32>,
      %swap3A_2698 = arith.constant 13 : i32
      %swap3A_2699 = arith.index_cast %swap3A_2698 : i32 to index
      %swap3A_2700 = arith.constant 960 : index
      %swap3A_2701 = tpu.vector_load %arg8[%swap3A_2699, %swap3A_2700] {strides = array<i32>} : memref<32x1000xf32, #tpu.memory_space<vmem>>, vector<16xf32>,
      tpu.vector_store %arg8[%swap3A_2699, %swap3A_2700], %get3A_2697 {strides = array<i32>} : memref<32x1000xf32, #tpu.memory_space<vmem>>, vector<16xf32>,
      %get3A_2702 = arith.constant 13 : i32
      %get3A_2703 = arith.index_cast %get3A_2702 : i32 to index
      %get3A_2704 = arith.constant 80 : index
      %get3A_2705 = tpu.vector_load %arg10[%get3A_2703, %get3A_2704] {strides = array<i32>} : memref<32x128xf32, #tpu.memory_space<vmem>>, vector<16xf32>,
      %swap3A_2706 = arith.constant 13 : i32
      %swap3A_2707 = arith.index_cast %swap3A_2706 : i32 to index
      %swap3A_2708 = arith.constant 976 : index
      %swap3A_2709 = tpu.vector_load %arg8[%swap3A_2707, %swap3A_2708] {strides = array<i32>} : memref<32x1000xf32, #tpu.memory_space<vmem>>, vector<16xf32>,
      tpu.vector_store %arg8[%swap3A_2707, %swap3A_2708], %get3A_2705 {strides = array<i32>} : memref<32x1000xf32, #tpu.memory_space<vmem>>, vector<16xf32>,
      %get3A_2710 = arith.constant 13 : i32
      %get3A_2711 = arith.index_cast %get3A_2710 : i32 to index
      %get3A_2712 = arith.constant 96 : index
      %get3A_2713 = tpu.vector_load %arg10[%get3A_2711, %get3A_2712] {strides = array<i32>} : memref<32x128xf32, #tpu.memory_space<vmem>>, vector<16xf32>,
      %broadcast_in_dim3A_2714 = arith.constant 13 : i32
      %broadcast_in_dim3A_2715 = vector.broadcast %broadcast_in_dim3A_2714 : i32 to vector<16xi32>
      %add3A_2716 = arith.constant 992 : i32
      %add3A_2717 = vector.broadcast %add3A_2716 : i32 to vector<16xi32>
      %add3A_2718 = arith.addi %add3A_2717, %iota3A_1917 : vector<16xi32>
      tpu.vector_store_idx %arg8[%broadcast_in_dim3A_2715, %add3A_2718], %get3A_2713 masked %lt3A_1920 : memref<32x1000xf32, #tpu.memory_space<vmem>>[vector<16xi32>, vector<16xi32>], vector<16xf32>, vector<16xi1>
      %get3A_2719 = arith.constant 14 : i32
      %get3A_2720 = arith.index_cast %get3A_2719 : i32 to index
      %get3A_2721 = arith.constant 0 : index
      %get3A_2722 = tpu.vector_load %arg10[%get3A_2720, %get3A_2721] {strides = array<i32>} : memref<32x128xf32, #tpu.memory_space<vmem>>, vector<16xf32>,
      %swap3A_2723 = arith.constant 14 : i32
      %swap3A_2724 = arith.index_cast %swap3A_2723 : i32 to index
      %swap3A_2725 = arith.constant 896 : index
      %swap3A_2726 = tpu.vector_load %arg8[%swap3A_2724, %swap3A_2725] {strides = array<i32>} : memref<32x1000xf32, #tpu.memory_space<vmem>>, vector<16xf32>,
      tpu.vector_store %arg8[%swap3A_2724, %swap3A_2725], %get3A_2722 {strides = array<i32>} : memref<32x1000xf32, #tpu.memory_space<vmem>>, vector<16xf32>,
      %get3A_2727 = arith.constant 14 : i32
      %get3A_2728 = arith.index_cast %get3A_2727 : i32 to index
      %get3A_2729 = arith.constant 16 : index
      %get3A_2730 = tpu.vector_load %arg10[%get3A_2728, %get3A_2729] {strides = array<i32>} : memref<32x128xf32, #tpu.memory_space<vmem>>, vector<16xf32>,
      %swap3A_2731 = arith.constant 14 : i32
      %swap3A_2732 = arith.index_cast %swap3A_2731 : i32 to index
      %swap3A_2733 = arith.constant 912 : index
      %swap3A_2734 = tpu.vector_load %arg8[%swap3A_2732, %swap3A_2733] {strides = array<i32>} : memref<32x1000xf32, #tpu.memory_space<vmem>>, vector<16xf32>,
      tpu.vector_store %arg8[%swap3A_2732, %swap3A_2733], %get3A_2730 {strides = array<i32>} : memref<32x1000xf32, #tpu.memory_space<vmem>>, vector<16xf32>,
      %get3A_2735 = arith.constant 14 : i32
      %get3A_2736 = arith.index_cast %get3A_2735 : i32 to index
      %get3A_2737 = arith.constant 32 : index
      %get3A_2738 = tpu.vector_load %arg10[%get3A_2736, %get3A_2737] {strides = array<i32>} : memref<32x128xf32, #tpu.memory_space<vmem>>, vector<16xf32>,
      %swap3A_2739 = arith.constant 14 : i32
      %swap3A_2740 = arith.index_cast %swap3A_2739 : i32 to index
      %swap3A_2741 = arith.constant 928 : index
      %swap3A_2742 = tpu.vector_load %arg8[%swap3A_2740, %swap3A_2741] {strides = array<i32>} : memref<32x1000xf32, #tpu.memory_space<vmem>>, vector<16xf32>,
      tpu.vector_store %arg8[%swap3A_2740, %swap3A_2741], %get3A_2738 {strides = array<i32>} : memref<32x1000xf32, #tpu.memory_space<vmem>>, vector<16xf32>,
      %get3A_2743 = arith.constant 14 : i32
      %get3A_2744 = arith.index_cast %get3A_2743 : i32 to index
      %get3A_2745 = arith.constant 48 : index
      %get3A_2746 = tpu.vector_load %arg10[%get3A_2744, %get3A_2745] {strides = array<i32>} : memref<32x128xf32, #tpu.memory_space<vmem>>, vector<16xf32>,
      %swap3A_2747 = arith.constant 14 : i32
      %swap3A_2748 = arith.index_cast %swap3A_2747 : i32 to index
      %swap3A_2749 = arith.constant 944 : index
      %swap3A_2750 = tpu.vector_load %arg8[%swap3A_2748, %swap3A_2749] {strides = array<i32>} : memref<32x1000xf32, #tpu.memory_space<vmem>>, vector<16xf32>,
      tpu.vector_store %arg8[%swap3A_2748, %swap3A_2749], %get3A_2746 {strides = array<i32>} : memref<32x1000xf32, #tpu.memory_space<vmem>>, vector<16xf32>,
      %get3A_2751 = arith.constant 14 : i32
      %get3A_2752 = arith.index_cast %get3A_2751 : i32 to index
      %get3A_2753 = arith.constant 64 : index
      %get3A_2754 = tpu.vector_load %arg10[%get3A_2752, %get3A_2753] {strides = array<i32>} : memref<32x128xf32, #tpu.memory_space<vmem>>, vector<16xf32>,
      %swap3A_2755 = arith.constant 14 : i32
      %swap3A_2756 = arith.index_cast %swap3A_2755 : i32 to index
      %swap3A_2757 = arith.constant 960 : index
      %swap3A_2758 = tpu.vector_load %arg8[%swap3A_2756, %swap3A_2757] {strides = array<i32>} : memref<32x1000xf32, #tpu.memory_space<vmem>>, vector<16xf32>,
      tpu.vector_store %arg8[%swap3A_2756, %swap3A_2757], %get3A_2754 {strides = array<i32>} : memref<32x1000xf32, #tpu.memory_space<vmem>>, vector<16xf32>,
      %get3A_2759 = arith.constant 14 : i32
      %get3A_2760 = arith.index_cast %get3A_2759 : i32 to index
      %get3A_2761 = arith.constant 80 : index
      %get3A_2762 = tpu.vector_load %arg10[%get3A_2760, %get3A_2761] {strides = array<i32>} : memref<32x128xf32, #tpu.memory_space<vmem>>, vector<16xf32>,
      %swap3A_2763 = arith.constant 14 : i32
      %swap3A_2764 = arith.index_cast %swap3A_2763 : i32 to index
      %swap3A_2765 = arith.constant 976 : index
      %swap3A_2766 = tpu.vector_load %arg8[%swap3A_2764, %swap3A_2765] {strides = array<i32>} : memref<32x1000xf32, #tpu.memory_space<vmem>>, vector<16xf32>,
      tpu.vector_store %arg8[%swap3A_2764, %swap3A_2765], %get3A_2762 {strides = array<i32>} : memref<32x1000xf32, #tpu.memory_space<vmem>>, vector<16xf32>,
      %get3A_2767 = arith.constant 14 : i32
      %get3A_2768 = arith.index_cast %get3A_2767 : i32 to index
      %get3A_2769 = arith.constant 96 : index
      %get3A_2770 = tpu.vector_load %arg10[%get3A_2768, %get3A_2769] {strides = array<i32>} : memref<32x128xf32, #tpu.memory_space<vmem>>, vector<16xf32>,
      %broadcast_in_dim3A_2771 = arith.constant 14 : i32
      %broadcast_in_dim3A_2772 = vector.broadcast %broadcast_in_dim3A_2771 : i32 to vector<16xi32>
      %add3A_2773 = arith.constant 992 : i32
      %add3A_2774 = vector.broadcast %add3A_2773 : i32 to vector<16xi32>
      %add3A_2775 = arith.addi %add3A_2774, %iota3A_1917 : vector<16xi32>
      tpu.vector_store_idx %arg8[%broadcast_in_dim3A_2772, %add3A_2775], %get3A_2770 masked %lt3A_1920 : memref<32x1000xf32, #tpu.memory_space<vmem>>[vector<16xi32>, vector<16xi32>], vector<16xf32>, vector<16xi1>
      %get3A_2776 = arith.constant 15 : i32
      %get3A_2777 = arith.index_cast %get3A_2776 : i32 to index
      %get3A_2778 = arith.constant 0 : index
      %get3A_2779 = tpu.vector_load %arg10[%get3A_2777, %get3A_2778] {strides = array<i32>} : memref<32x128xf32, #tpu.memory_space<vmem>>, vector<16xf32>,
      %swap3A_2780 = arith.constant 15 : i32
      %swap3A_2781 = arith.index_cast %swap3A_2780 : i32 to index
      %swap3A_2782 = arith.constant 896 : index
      %swap3A_2783 = tpu.vector_load %arg8[%swap3A_2781, %swap3A_2782] {strides = array<i32>} : memref<32x1000xf32, #tpu.memory_space<vmem>>, vector<16xf32>,
      tpu.vector_store %arg8[%swap3A_2781, %swap3A_2782], %get3A_2779 {strides = array<i32>} : memref<32x1000xf32, #tpu.memory_space<vmem>>, vector<16xf32>,
      %get3A_2784 = arith.constant 15 : i32
      %get3A_2785 = arith.index_cast %get3A_2784 : i32 to index
      %get3A_2786 = arith.constant 16 : index
      %get3A_2787 = tpu.vector_load %arg10[%get3A_2785, %get3A_2786] {strides = array<i32>} : memref<32x128xf32, #tpu.memory_space<vmem>>, vector<16xf32>,
      %swap3A_2788 = arith.constant 15 : i32
      %swap3A_2789 = arith.index_cast %swap3A_2788 : i32 to index
      %swap3A_2790 = arith.constant 912 : index
      %swap3A_2791 = tpu.vector_load %arg8[%swap3A_2789, %swap3A_2790] {strides = array<i32>} : memref<32x1000xf32, #tpu.memory_space<vmem>>, vector<16xf32>,
      tpu.vector_store %arg8[%swap3A_2789, %swap3A_2790], %get3A_2787 {strides = array<i32>} : memref<32x1000xf32, #tpu.memory_space<vmem>>, vector<16xf32>,
      %get3A_2792 = arith.constant 15 : i32
      %get3A_2793 = arith.index_cast %get3A_2792 : i32 to index
      %get3A_2794 = arith.constant 32 : index
      %get3A_2795 = tpu.vector_load %arg10[%get3A_2793, %get3A_2794] {strides = array<i32>} : memref<32x128xf32, #tpu.memory_space<vmem>>, vector<16xf32>,
      %swap3A_2796 = arith.constant 15 : i32
      %swap3A_2797 = arith.index_cast %swap3A_2796 : i32 to index
      %swap3A_2798 = arith.constant 928 : index
      %swap3A_2799 = tpu.vector_load %arg8[%swap3A_2797, %swap3A_2798] {strides = array<i32>} : memref<32x1000xf32, #tpu.memory_space<vmem>>, vector<16xf32>,
      tpu.vector_store %arg8[%swap3A_2797, %swap3A_2798], %get3A_2795 {strides = array<i32>} : memref<32x1000xf32, #tpu.memory_space<vmem>>, vector<16xf32>,
      %get3A_2800 = arith.constant 15 : i32
      %get3A_2801 = arith.index_cast %get3A_2800 : i32 to index
      %get3A_2802 = arith.constant 48 : index
      %get3A_2803 = tpu.vector_load %arg10[%get3A_2801, %get3A_2802] {strides = array<i32>} : memref<32x128xf32, #tpu.memory_space<vmem>>, vector<16xf32>,
      %swap3A_2804 = arith.constant 15 : i32
      %swap3A_2805 = arith.index_cast %swap3A_2804 : i32 to index
      %swap3A_2806 = arith.constant 944 : index
      %swap3A_2807 = tpu.vector_load %arg8[%swap3A_2805, %swap3A_2806] {strides = array<i32>} : memref<32x1000xf32, #tpu.memory_space<vmem>>, vector<16xf32>,
      tpu.vector_store %arg8[%swap3A_2805, %swap3A_2806], %get3A_2803 {strides = array<i32>} : memref<32x1000xf32, #tpu.memory_space<vmem>>, vector<16xf32>,
      %get3A_2808 = arith.constant 15 : i32
      %get3A_2809 = arith.index_cast %get3A_2808 : i32 to index
      %get3A_2810 = arith.constant 64 : index
      %get3A_2811 = tpu.vector_load %arg10[%get3A_2809, %get3A_2810] {strides = array<i32>} : memref<32x128xf32, #tpu.memory_space<vmem>>, vector<16xf32>,
      %swap3A_2812 = arith.constant 15 : i32
      %swap3A_2813 = arith.index_cast %swap3A_2812 : i32 to index
      %swap3A_2814 = arith.constant 960 : index
      %swap3A_2815 = tpu.vector_load %arg8[%swap3A_2813, %swap3A_2814] {strides = array<i32>} : memref<32x1000xf32, #tpu.memory_space<vmem>>, vector<16xf32>,
      tpu.vector_store %arg8[%swap3A_2813, %swap3A_2814], %get3A_2811 {strides = array<i32>} : memref<32x1000xf32, #tpu.memory_space<vmem>>, vector<16xf32>,
      %get3A_2816 = arith.constant 15 : i32
      %get3A_2817 = arith.index_cast %get3A_2816 : i32 to index
      %get3A_2818 = arith.constant 80 : index
      %get3A_2819 = tpu.vector_load %arg10[%get3A_2817, %get3A_2818] {strides = array<i32>} : memref<32x128xf32, #tpu.memory_space<vmem>>, vector<16xf32>,
      %swap3A_2820 = arith.constant 15 : i32
      %swap3A_2821 = arith.index_cast %swap3A_2820 : i32 to index
      %swap3A_2822 = arith.constant 976 : index
      %swap3A_2823 = tpu.vector_load %arg8[%swap3A_2821, %swap3A_2822] {strides = array<i32>} : memref<32x1000xf32, #tpu.memory_space<vmem>>, vector<16xf32>,
      tpu.vector_store %arg8[%swap3A_2821, %swap3A_2822], %get3A_2819 {strides = array<i32>} : memref<32x1000xf32, #tpu.memory_space<vmem>>, vector<16xf32>,
      %get3A_2824 = arith.constant 15 : i32
      %get3A_2825 = arith.index_cast %get3A_2824 : i32 to index
      %get3A_2826 = arith.constant 96 : index
      %get3A_2827 = tpu.vector_load %arg10[%get3A_2825, %get3A_2826] {strides = array<i32>} : memref<32x128xf32, #tpu.memory_space<vmem>>, vector<16xf32>,
      %broadcast_in_dim3A_2828 = arith.constant 15 : i32
      %broadcast_in_dim3A_2829 = vector.broadcast %broadcast_in_dim3A_2828 : i32 to vector<16xi32>
      %add3A_2830 = arith.constant 992 : i32
      %add3A_2831 = vector.broadcast %add3A_2830 : i32 to vector<16xi32>
      %add3A_2832 = arith.addi %add3A_2831, %iota3A_1917 : vector<16xi32>
      tpu.vector_store_idx %arg8[%broadcast_in_dim3A_2829, %add3A_2832], %get3A_2827 masked %lt3A_1920 : memref<32x1000xf32, #tpu.memory_space<vmem>>[vector<16xi32>, vector<16xi32>], vector<16xf32>, vector<16xi1>
      %get3A_2833 = arith.constant 16 : i32
      %get3A_2834 = arith.index_cast %get3A_2833 : i32 to index
      %get3A_2835 = arith.constant 0 : index
      %get3A_2836 = tpu.vector_load %arg10[%get3A_2834, %get3A_2835] {strides = array<i32>} : memref<32x128xf32, #tpu.memory_space<vmem>>, vector<16xf32>,
      %swap3A_2837 = arith.constant 16 : i32
      %swap3A_2838 = arith.index_cast %swap3A_2837 : i32 to index
      %swap3A_2839 = arith.constant 896 : index
      %swap3A_2840 = tpu.vector_load %arg8[%swap3A_2838, %swap3A_2839] {strides = array<i32>} : memref<32x1000xf32, #tpu.memory_space<vmem>>, vector<16xf32>,
      tpu.vector_store %arg8[%swap3A_2838, %swap3A_2839], %get3A_2836 {strides = array<i32>} : memref<32x1000xf32, #tpu.memory_space<vmem>>, vector<16xf32>,
      %get3A_2841 = arith.constant 16 : i32
      %get3A_2842 = arith.index_cast %get3A_2841 : i32 to index
      %get3A_2843 = arith.constant 16 : index
      %get3A_2844 = tpu.vector_load %arg10[%get3A_2842, %get3A_2843] {strides = array<i32>} : memref<32x128xf32, #tpu.memory_space<vmem>>, vector<16xf32>,
      %swap3A_2845 = arith.constant 16 : i32
      %swap3A_2846 = arith.index_cast %swap3A_2845 : i32 to index
      %swap3A_2847 = arith.constant 912 : index
      %swap3A_2848 = tpu.vector_load %arg8[%swap3A_2846, %swap3A_2847] {strides = array<i32>} : memref<32x1000xf32, #tpu.memory_space<vmem>>, vector<16xf32>,
      tpu.vector_store %arg8[%swap3A_2846, %swap3A_2847], %get3A_2844 {strides = array<i32>} : memref<32x1000xf32, #tpu.memory_space<vmem>>, vector<16xf32>,
      %get3A_2849 = arith.constant 16 : i32
      %get3A_2850 = arith.index_cast %get3A_2849 : i32 to index
      %get3A_2851 = arith.constant 32 : index
      %get3A_2852 = tpu.vector_load %arg10[%get3A_2850, %get3A_2851] {strides = array<i32>} : memref<32x128xf32, #tpu.memory_space<vmem>>, vector<16xf32>,
      %swap3A_2853 = arith.constant 16 : i32
      %swap3A_2854 = arith.index_cast %swap3A_2853 : i32 to index
      %swap3A_2855 = arith.constant 928 : index
      %swap3A_2856 = tpu.vector_load %arg8[%swap3A_2854, %swap3A_2855] {strides = array<i32>} : memref<32x1000xf32, #tpu.memory_space<vmem>>, vector<16xf32>,
      tpu.vector_store %arg8[%swap3A_2854, %swap3A_2855], %get3A_2852 {strides = array<i32>} : memref<32x1000xf32, #tpu.memory_space<vmem>>, vector<16xf32>,
      %get3A_2857 = arith.constant 16 : i32
      %get3A_2858 = arith.index_cast %get3A_2857 : i32 to index
      %get3A_2859 = arith.constant 48 : index
      %get3A_2860 = tpu.vector_load %arg10[%get3A_2858, %get3A_2859] {strides = array<i32>} : memref<32x128xf32, #tpu.memory_space<vmem>>, vector<16xf32>,
      %swap3A_2861 = arith.constant 16 : i32
      %swap3A_2862 = arith.index_cast %swap3A_2861 : i32 to index
      %swap3A_2863 = arith.constant 944 : index
      %swap3A_2864 = tpu.vector_load %arg8[%swap3A_2862, %swap3A_2863] {strides = array<i32>} : memref<32x1000xf32, #tpu.memory_space<vmem>>, vector<16xf32>,
      tpu.vector_store %arg8[%swap3A_2862, %swap3A_2863], %get3A_2860 {strides = array<i32>} : memref<32x1000xf32, #tpu.memory_space<vmem>>, vector<16xf32>,
      %get3A_2865 = arith.constant 16 : i32
      %get3A_2866 = arith.index_cast %get3A_2865 : i32 to index
      %get3A_2867 = arith.constant 64 : index
      %get3A_2868 = tpu.vector_load %arg10[%get3A_2866, %get3A_2867] {strides = array<i32>} : memref<32x128xf32, #tpu.memory_space<vmem>>, vector<16xf32>,
      %swap3A_2869 = arith.constant 16 : i32
      %swap3A_2870 = arith.index_cast %swap3A_2869 : i32 to index
      %swap3A_2871 = arith.constant 960 : index
      %swap3A_2872 = tpu.vector_load %arg8[%swap3A_2870, %swap3A_2871] {strides = array<i32>} : memref<32x1000xf32, #tpu.memory_space<vmem>>, vector<16xf32>,
      tpu.vector_store %arg8[%swap3A_2870, %swap3A_2871], %get3A_2868 {strides = array<i32>} : memref<32x1000xf32, #tpu.memory_space<vmem>>, vector<16xf32>,
      %get3A_2873 = arith.constant 16 : i32
      %get3A_2874 = arith.index_cast %get3A_2873 : i32 to index
      %get3A_2875 = arith.constant 80 : index
      %get3A_2876 = tpu.vector_load %arg10[%get3A_2874, %get3A_2875] {strides = array<i32>} : memref<32x128xf32, #tpu.memory_space<vmem>>, vector<16xf32>,
      %swap3A_2877 = arith.constant 16 : i32
      %swap3A_2878 = arith.index_cast %swap3A_2877 : i32 to index
      %swap3A_2879 = arith.constant 976 : index
      %swap3A_2880 = tpu.vector_load %arg8[%swap3A_2878, %swap3A_2879] {strides = array<i32>} : memref<32x1000xf32, #tpu.memory_space<vmem>>, vector<16xf32>,
      tpu.vector_store %arg8[%swap3A_2878, %swap3A_2879], %get3A_2876 {strides = array<i32>} : memref<32x1000xf32, #tpu.memory_space<vmem>>, vector<16xf32>,
      %get3A_2881 = arith.constant 16 : i32
      %get3A_2882 = arith.index_cast %get3A_2881 : i32 to index
      %get3A_2883 = arith.constant 96 : index
      %get3A_2884 = tpu.vector_load %arg10[%get3A_2882, %get3A_2883] {strides = array<i32>} : memref<32x128xf32, #tpu.memory_space<vmem>>, vector<16xf32>,
      %broadcast_in_dim3A_2885 = arith.constant 16 : i32
      %broadcast_in_dim3A_2886 = vector.broadcast %broadcast_in_dim3A_2885 : i32 to vector<16xi32>
      %add3A_2887 = arith.constant 992 : i32
      %add3A_2888 = vector.broadcast %add3A_2887 : i32 to vector<16xi32>
      %add3A_2889 = arith.addi %add3A_2888, %iota3A_1917 : vector<16xi32>
      tpu.vector_store_idx %arg8[%broadcast_in_dim3A_2886, %add3A_2889], %get3A_2884 masked %lt3A_1920 : memref<32x1000xf32, #tpu.memory_space<vmem>>[vector<16xi32>, vector<16xi32>], vector<16xf32>, vector<16xi1>
      %get3A_2890 = arith.constant 17 : i32
      %get3A_2891 = arith.index_cast %get3A_2890 : i32 to index
      %get3A_2892 = arith.constant 0 : index
      %get3A_2893 = tpu.vector_load %arg10[%get3A_2891, %get3A_2892] {strides = array<i32>} : memref<32x128xf32, #tpu.memory_space<vmem>>, vector<16xf32>,
      %swap3A_2894 = arith.constant 17 : i32
      %swap3A_2895 = arith.index_cast %swap3A_2894 : i32 to index
      %swap3A_2896 = arith.constant 896 : index
      %swap3A_2897 = tpu.vector_load %arg8[%swap3A_2895, %swap3A_2896] {strides = array<i32>} : memref<32x1000xf32, #tpu.memory_space<vmem>>, vector<16xf32>,
      tpu.vector_store %arg8[%swap3A_2895, %swap3A_2896], %get3A_2893 {strides = array<i32>} : memref<32x1000xf32, #tpu.memory_space<vmem>>, vector<16xf32>,
      %get3A_2898 = arith.constant 17 : i32
      %get3A_2899 = arith.index_cast %get3A_2898 : i32 to index
      %get3A_2900 = arith.constant 16 : index
      %get3A_2901 = tpu.vector_load %arg10[%get3A_2899, %get3A_2900] {strides = array<i32>} : memref<32x128xf32, #tpu.memory_space<vmem>>, vector<16xf32>,
      %swap3A_2902 = arith.constant 17 : i32
      %swap3A_2903 = arith.index_cast %swap3A_2902 : i32 to index
      %swap3A_2904 = arith.constant 912 : index
      %swap3A_2905 = tpu.vector_load %arg8[%swap3A_2903, %swap3A_2904] {strides = array<i32>} : memref<32x1000xf32, #tpu.memory_space<vmem>>, vector<16xf32>,
      tpu.vector_store %arg8[%swap3A_2903, %swap3A_2904], %get3A_2901 {strides = array<i32>} : memref<32x1000xf32, #tpu.memory_space<vmem>>, vector<16xf32>,
      %get3A_2906 = arith.constant 17 : i32
      %get3A_2907 = arith.index_cast %get3A_2906 : i32 to index
      %get3A_2908 = arith.constant 32 : index
      %get3A_2909 = tpu.vector_load %arg10[%get3A_2907, %get3A_2908] {strides = array<i32>} : memref<32x128xf32, #tpu.memory_space<vmem>>, vector<16xf32>,
      %swap3A_2910 = arith.constant 17 : i32
      %swap3A_2911 = arith.index_cast %swap3A_2910 : i32 to index
      %swap3A_2912 = arith.constant 928 : index
      %swap3A_2913 = tpu.vector_load %arg8[%swap3A_2911, %swap3A_2912] {strides = array<i32>} : memref<32x1000xf32, #tpu.memory_space<vmem>>, vector<16xf32>,
      tpu.vector_store %arg8[%swap3A_2911, %swap3A_2912], %get3A_2909 {strides = array<i32>} : memref<32x1000xf32, #tpu.memory_space<vmem>>, vector<16xf32>,
      %get3A_2914 = arith.constant 17 : i32
      %get3A_2915 = arith.index_cast %get3A_2914 : i32 to index
      %get3A_2916 = arith.constant 48 : index
      %get3A_2917 = tpu.vector_load %arg10[%get3A_2915, %get3A_2916] {strides = array<i32>} : memref<32x128xf32, #tpu.memory_space<vmem>>, vector<16xf32>,
      %swap3A_2918 = arith.constant 17 : i32
      %swap3A_2919 = arith.index_cast %swap3A_2918 : i32 to index
      %swap3A_2920 = arith.constant 944 : index
      %swap3A_2921 = tpu.vector_load %arg8[%swap3A_2919, %swap3A_2920] {strides = array<i32>} : memref<32x1000xf32, #tpu.memory_space<vmem>>, vector<16xf32>,
      tpu.vector_store %arg8[%swap3A_2919, %swap3A_2920], %get3A_2917 {strides = array<i32>} : memref<32x1000xf32, #tpu.memory_space<vmem>>, vector<16xf32>,
      %get3A_2922 = arith.constant 17 : i32
      %get3A_2923 = arith.index_cast %get3A_2922 : i32 to index
      %get3A_2924 = arith.constant 64 : index
      %get3A_2925 = tpu.vector_load %arg10[%get3A_2923, %get3A_2924] {strides = array<i32>} : memref<32x128xf32, #tpu.memory_space<vmem>>, vector<16xf32>,
      %swap3A_2926 = arith.constant 17 : i32
      %swap3A_2927 = arith.index_cast %swap3A_2926 : i32 to index
      %swap3A_2928 = arith.constant 960 : index
      %swap3A_2929 = tpu.vector_load %arg8[%swap3A_2927, %swap3A_2928] {strides = array<i32>} : memref<32x1000xf32, #tpu.memory_space<vmem>>, vector<16xf32>,
      tpu.vector_store %arg8[%swap3A_2927, %swap3A_2928], %get3A_2925 {strides = array<i32>} : memref<32x1000xf32, #tpu.memory_space<vmem>>, vector<16xf32>,
      %get3A_2930 = arith.constant 17 : i32
      %get3A_2931 = arith.index_cast %get3A_2930 : i32 to index
      %get3A_2932 = arith.constant 80 : index
      %get3A_2933 = tpu.vector_load %arg10[%get3A_2931, %get3A_2932] {strides = array<i32>} : memref<32x128xf32, #tpu.memory_space<vmem>>, vector<16xf32>,
      %swap3A_2934 = arith.constant 17 : i32
      %swap3A_2935 = arith.index_cast %swap3A_2934 : i32 to index
      %swap3A_2936 = arith.constant 976 : index
      %swap3A_2937 = tpu.vector_load %arg8[%swap3A_2935, %swap3A_2936] {strides = array<i32>} : memref<32x1000xf32, #tpu.memory_space<vmem>>, vector<16xf32>,
      tpu.vector_store %arg8[%swap3A_2935, %swap3A_2936], %get3A_2933 {strides = array<i32>} : memref<32x1000xf32, #tpu.memory_space<vmem>>, vector<16xf32>,
      %get3A_2938 = arith.constant 17 : i32
      %get3A_2939 = arith.index_cast %get3A_2938 : i32 to index
      %get3A_2940 = arith.constant 96 : index
      %get3A_2941 = tpu.vector_load %arg10[%get3A_2939, %get3A_2940] {strides = array<i32>} : memref<32x128xf32, #tpu.memory_space<vmem>>, vector<16xf32>,
      %broadcast_in_dim3A_2942 = arith.constant 17 : i32
      %broadcast_in_dim3A_2943 = vector.broadcast %broadcast_in_dim3A_2942 : i32 to vector<16xi32>
      %add3A_2944 = arith.constant 992 : i32
      %add3A_2945 = vector.broadcast %add3A_2944 : i32 to vector<16xi32>
      %add3A_2946 = arith.addi %add3A_2945, %iota3A_1917 : vector<16xi32>
      tpu.vector_store_idx %arg8[%broadcast_in_dim3A_2943, %add3A_2946], %get3A_2941 masked %lt3A_1920 : memref<32x1000xf32, #tpu.memory_space<vmem>>[vector<16xi32>, vector<16xi32>], vector<16xf32>, vector<16xi1>
      %get3A_2947 = arith.constant 18 : i32
      %get3A_2948 = arith.index_cast %get3A_2947 : i32 to index
      %get3A_2949 = arith.constant 0 : index
      %get3A_2950 = tpu.vector_load %arg10[%get3A_2948, %get3A_2949] {strides = array<i32>} : memref<32x128xf32, #tpu.memory_space<vmem>>, vector<16xf32>,
      %swap3A_2951 = arith.constant 18 : i32
      %swap3A_2952 = arith.index_cast %swap3A_2951 : i32 to index
      %swap3A_2953 = arith.constant 896 : index
      %swap3A_2954 = tpu.vector_load %arg8[%swap3A_2952, %swap3A_2953] {strides = array<i32>} : memref<32x1000xf32, #tpu.memory_space<vmem>>, vector<16xf32>,
      tpu.vector_store %arg8[%swap3A_2952, %swap3A_2953], %get3A_2950 {strides = array<i32>} : memref<32x1000xf32, #tpu.memory_space<vmem>>, vector<16xf32>,
      %get3A_2955 = arith.constant 18 : i32
      %get3A_2956 = arith.index_cast %get3A_2955 : i32 to index
      %get3A_2957 = arith.constant 16 : index
      %get3A_2958 = tpu.vector_load %arg10[%get3A_2956, %get3A_2957] {strides = array<i32>} : memref<32x128xf32, #tpu.memory_space<vmem>>, vector<16xf32>,
      %swap3A_2959 = arith.constant 18 : i32
      %swap3A_2960 = arith.index_cast %swap3A_2959 : i32 to index
      %swap3A_2961 = arith.constant 912 : index
      %swap3A_2962 = tpu.vector_load %arg8[%swap3A_2960, %swap3A_2961] {strides = array<i32>} : memref<32x1000xf32, #tpu.memory_space<vmem>>, vector<16xf32>,
      tpu.vector_store %arg8[%swap3A_2960, %swap3A_2961], %get3A_2958 {strides = array<i32>} : memref<32x1000xf32, #tpu.memory_space<vmem>>, vector<16xf32>,
      %get3A_2963 = arith.constant 18 : i32
      %get3A_2964 = arith.index_cast %get3A_2963 : i32 to index
      %get3A_2965 = arith.constant 32 : index
      %get3A_2966 = tpu.vector_load %arg10[%get3A_2964, %get3A_2965] {strides = array<i32>} : memref<32x128xf32, #tpu.memory_space<vmem>>, vector<16xf32>,
      %swap3A_2967 = arith.constant 18 : i32
      %swap3A_2968 = arith.index_cast %swap3A_2967 : i32 to index
      %swap3A_2969 = arith.constant 928 : index
      %swap3A_2970 = tpu.vector_load %arg8[%swap3A_2968, %swap3A_2969] {strides = array<i32>} : memref<32x1000xf32, #tpu.memory_space<vmem>>, vector<16xf32>,
      tpu.vector_store %arg8[%swap3A_2968, %swap3A_2969], %get3A_2966 {strides = array<i32>} : memref<32x1000xf32, #tpu.memory_space<vmem>>, vector<16xf32>,
      %get3A_2971 = arith.constant 18 : i32
      %get3A_2972 = arith.index_cast %get3A_2971 : i32 to index
      %get3A_2973 = arith.constant 48 : index
      %get3A_2974 = tpu.vector_load %arg10[%get3A_2972, %get3A_2973] {strides = array<i32>} : memref<32x128xf32, #tpu.memory_space<vmem>>, vector<16xf32>,
      %swap3A_2975 = arith.constant 18 : i32
      %swap3A_2976 = arith.index_cast %swap3A_2975 : i32 to index
      %swap3A_2977 = arith.constant 944 : index
      %swap3A_2978 = tpu.vector_load %arg8[%swap3A_2976, %swap3A_2977] {strides = array<i32>} : memref<32x1000xf32, #tpu.memory_space<vmem>>, vector<16xf32>,
      tpu.vector_store %arg8[%swap3A_2976, %swap3A_2977], %get3A_2974 {strides = array<i32>} : memref<32x1000xf32, #tpu.memory_space<vmem>>, vector<16xf32>,
      %get3A_2979 = arith.constant 18 : i32
      %get3A_2980 = arith.index_cast %get3A_2979 : i32 to index
      %get3A_2981 = arith.constant 64 : index
      %get3A_2982 = tpu.vector_load %arg10[%get3A_2980, %get3A_2981] {strides = array<i32>} : memref<32x128xf32, #tpu.memory_space<vmem>>, vector<16xf32>,
      %swap3A_2983 = arith.constant 18 : i32
      %swap3A_2984 = arith.index_cast %swap3A_2983 : i32 to index
      %swap3A_2985 = arith.constant 960 : index
      %swap3A_2986 = tpu.vector_load %arg8[%swap3A_2984, %swap3A_2985] {strides = array<i32>} : memref<32x1000xf32, #tpu.memory_space<vmem>>, vector<16xf32>,
      tpu.vector_store %arg8[%swap3A_2984, %swap3A_2985], %get3A_2982 {strides = array<i32>} : memref<32x1000xf32, #tpu.memory_space<vmem>>, vector<16xf32>,
      %get3A_2987 = arith.constant 18 : i32
      %get3A_2988 = arith.index_cast %get3A_2987 : i32 to index
      %get3A_2989 = arith.constant 80 : index
      %get3A_2990 = tpu.vector_load %arg10[%get3A_2988, %get3A_2989] {strides = array<i32>} : memref<32x128xf32, #tpu.memory_space<vmem>>, vector<16xf32>,
      %swap3A_2991 = arith.constant 18 : i32
      %swap3A_2992 = arith.index_cast %swap3A_2991 : i32 to index
      %swap3A_2993 = arith.constant 976 : index
      %swap3A_2994 = tpu.vector_load %arg8[%swap3A_2992, %swap3A_2993] {strides = array<i32>} : memref<32x1000xf32, #tpu.memory_space<vmem>>, vector<16xf32>,
      tpu.vector_store %arg8[%swap3A_2992, %swap3A_2993], %get3A_2990 {strides = array<i32>} : memref<32x1000xf32, #tpu.memory_space<vmem>>, vector<16xf32>,
      %get3A_2995 = arith.constant 18 : i32
      %get3A_2996 = arith.index_cast %get3A_2995 : i32 to index
      %get3A_2997 = arith.constant 96 : index
      %get3A_2998 = tpu.vector_load %arg10[%get3A_2996, %get3A_2997] {strides = array<i32>} : memref<32x128xf32, #tpu.memory_space<vmem>>, vector<16xf32>,
      %broadcast_in_dim3A_2999 = arith.constant 18 : i32
      %broadcast_in_dim3A_3000 = vector.broadcast %broadcast_in_dim3A_2999 : i32 to vector<16xi32>
      %add3A_3001 = arith.constant 992 : i32
      %add3A_3002 = vector.broadcast %add3A_3001 : i32 to vector<16xi32>
      %add3A_3003 = arith.addi %add3A_3002, %iota3A_1917 : vector<16xi32>
      tpu.vector_store_idx %arg8[%broadcast_in_dim3A_3000, %add3A_3003], %get3A_2998 masked %lt3A_1920 : memref<32x1000xf32, #tpu.memory_space<vmem>>[vector<16xi32>, vector<16xi32>], vector<16xf32>, vector<16xi1>
      %get3A_3004 = arith.constant 19 : i32
      %get3A_3005 = arith.index_cast %get3A_3004 : i32 to index
      %get3A_3006 = arith.constant 0 : index
      %get3A_3007 = tpu.vector_load %arg10[%get3A_3005, %get3A_3006] {strides = array<i32>} : memref<32x128xf32, #tpu.memory_space<vmem>>, vector<16xf32>,
      %swap3A_3008 = arith.constant 19 : i32
      %swap3A_3009 = arith.index_cast %swap3A_3008 : i32 to index
      %swap3A_3010 = arith.constant 896 : index
      %swap3A_3011 = tpu.vector_load %arg8[%swap3A_3009, %swap3A_3010] {strides = array<i32>} : memref<32x1000xf32, #tpu.memory_space<vmem>>, vector<16xf32>,
      tpu.vector_store %arg8[%swap3A_3009, %swap3A_3010], %get3A_3007 {strides = array<i32>} : memref<32x1000xf32, #tpu.memory_space<vmem>>, vector<16xf32>,
      %get3A_3012 = arith.constant 19 : i32
      %get3A_3013 = arith.index_cast %get3A_3012 : i32 to index
      %get3A_3014 = arith.constant 16 : index
      %get3A_3015 = tpu.vector_load %arg10[%get3A_3013, %get3A_3014] {strides = array<i32>} : memref<32x128xf32, #tpu.memory_space<vmem>>, vector<16xf32>,
      %swap3A_3016 = arith.constant 19 : i32
      %swap3A_3017 = arith.index_cast %swap3A_3016 : i32 to index
      %swap3A_3018 = arith.constant 912 : index
      %swap3A_3019 = tpu.vector_load %arg8[%swap3A_3017, %swap3A_3018] {strides = array<i32>} : memref<32x1000xf32, #tpu.memory_space<vmem>>, vector<16xf32>,
      tpu.vector_store %arg8[%swap3A_3017, %swap3A_3018], %get3A_3015 {strides = array<i32>} : memref<32x1000xf32, #tpu.memory_space<vmem>>, vector<16xf32>,
      %get3A_3020 = arith.constant 19 : i32
      %get3A_3021 = arith.index_cast %get3A_3020 : i32 to index
      %get3A_3022 = arith.constant 32 : index
      %get3A_3023 = tpu.vector_load %arg10[%get3A_3021, %get3A_3022] {strides = array<i32>} : memref<32x128xf32, #tpu.memory_space<vmem>>, vector<16xf32>,
      %swap3A_3024 = arith.constant 19 : i32
      %swap3A_3025 = arith.index_cast %swap3A_3024 : i32 to index
      %swap3A_3026 = arith.constant 928 : index
      %swap3A_3027 = tpu.vector_load %arg8[%swap3A_3025, %swap3A_3026] {strides = array<i32>} : memref<32x1000xf32, #tpu.memory_space<vmem>>, vector<16xf32>,
      tpu.vector_store %arg8[%swap3A_3025, %swap3A_3026], %get3A_3023 {strides = array<i32>} : memref<32x1000xf32, #tpu.memory_space<vmem>>, vector<16xf32>,
      %get3A_3028 = arith.constant 19 : i32
      %get3A_3029 = arith.index_cast %get3A_3028 : i32 to index
      %get3A_3030 = arith.constant 48 : index
      %get3A_3031 = tpu.vector_load %arg10[%get3A_3029, %get3A_3030] {strides = array<i32>} : memref<32x128xf32, #tpu.memory_space<vmem>>, vector<16xf32>,
      %swap3A_3032 = arith.constant 19 : i32
      %swap3A_3033 = arith.index_cast %swap3A_3032 : i32 to index
      %swap3A_3034 = arith.constant 944 : index
      %swap3A_3035 = tpu.vector_load %arg8[%swap3A_3033, %swap3A_3034] {strides = array<i32>} : memref<32x1000xf32, #tpu.memory_space<vmem>>, vector<16xf32>,
      tpu.vector_store %arg8[%swap3A_3033, %swap3A_3034], %get3A_3031 {strides = array<i32>} : memref<32x1000xf32, #tpu.memory_space<vmem>>, vector<16xf32>,
      %get3A_3036 = arith.constant 19 : i32
      %get3A_3037 = arith.index_cast %get3A_3036 : i32 to index
      %get3A_3038 = arith.constant 64 : index
      %get3A_3039 = tpu.vector_load %arg10[%get3A_3037, %get3A_3038] {strides = array<i32>} : memref<32x128xf32, #tpu.memory_space<vmem>>, vector<16xf32>,
      %swap3A_3040 = arith.constant 19 : i32
      %swap3A_3041 = arith.index_cast %swap3A_3040 : i32 to index
      %swap3A_3042 = arith.constant 960 : index
      %swap3A_3043 = tpu.vector_load %arg8[%swap3A_3041, %swap3A_3042] {strides = array<i32>} : memref<32x1000xf32, #tpu.memory_space<vmem>>, vector<16xf32>,
      tpu.vector_store %arg8[%swap3A_3041, %swap3A_3042], %get3A_3039 {strides = array<i32>} : memref<32x1000xf32, #tpu.memory_space<vmem>>, vector<16xf32>,
      %get3A_3044 = arith.constant 19 : i32
      %get3A_3045 = arith.index_cast %get3A_3044 : i32 to index
      %get3A_3046 = arith.constant 80 : index
      %get3A_3047 = tpu.vector_load %arg10[%get3A_3045, %get3A_3046] {strides = array<i32>} : memref<32x128xf32, #tpu.memory_space<vmem>>, vector<16xf32>,
      %swap3A_3048 = arith.constant 19 : i32
      %swap3A_3049 = arith.index_cast %swap3A_3048 : i32 to index
      %swap3A_3050 = arith.constant 976 : index
      %swap3A_3051 = tpu.vector_load %arg8[%swap3A_3049, %swap3A_3050] {strides = array<i32>} : memref<32x1000xf32, #tpu.memory_space<vmem>>, vector<16xf32>,
      tpu.vector_store %arg8[%swap3A_3049, %swap3A_3050], %get3A_3047 {strides = array<i32>} : memref<32x1000xf32, #tpu.memory_space<vmem>>, vector<16xf32>,
      %get3A_3052 = arith.constant 19 : i32
      %get3A_3053 = arith.index_cast %get3A_3052 : i32 to index
      %get3A_3054 = arith.constant 96 : index
      %get3A_3055 = tpu.vector_load %arg10[%get3A_3053, %get3A_3054] {strides = array<i32>} : memref<32x128xf32, #tpu.memory_space<vmem>>, vector<16xf32>,
      %broadcast_in_dim3A_3056 = arith.constant 19 : i32
      %broadcast_in_dim3A_3057 = vector.broadcast %broadcast_in_dim3A_3056 : i32 to vector<16xi32>
      %add3A_3058 = arith.constant 992 : i32
      %add3A_3059 = vector.broadcast %add3A_3058 : i32 to vector<16xi32>
      %add3A_3060 = arith.addi %add3A_3059, %iota3A_1917 : vector<16xi32>
      tpu.vector_store_idx %arg8[%broadcast_in_dim3A_3057, %add3A_3060], %get3A_3055 masked %lt3A_1920 : memref<32x1000xf32, #tpu.memory_space<vmem>>[vector<16xi32>, vector<16xi32>], vector<16xf32>, vector<16xi1>
      %get3A_3061 = arith.constant 20 : i32
      %get3A_3062 = arith.index_cast %get3A_3061 : i32 to index
      %get3A_3063 = arith.constant 0 : index
      %get3A_3064 = tpu.vector_load %arg10[%get3A_3062, %get3A_3063] {strides = array<i32>} : memref<32x128xf32, #tpu.memory_space<vmem>>, vector<16xf32>,
      %swap3A_3065 = arith.constant 20 : i32
      %swap3A_3066 = arith.index_cast %swap3A_3065 : i32 to index
      %swap3A_3067 = arith.constant 896 : index
      %swap3A_3068 = tpu.vector_load %arg8[%swap3A_3066, %swap3A_3067] {strides = array<i32>} : memref<32x1000xf32, #tpu.memory_space<vmem>>, vector<16xf32>,
      tpu.vector_store %arg8[%swap3A_3066, %swap3A_3067], %get3A_3064 {strides = array<i32>} : memref<32x1000xf32, #tpu.memory_space<vmem>>, vector<16xf32>,
      %get3A_3069 = arith.constant 20 : i32
      %get3A_3070 = arith.index_cast %get3A_3069 : i32 to index
      %get3A_3071 = arith.constant 16 : index
      %get3A_3072 = tpu.vector_load %arg10[%get3A_3070, %get3A_3071] {strides = array<i32>} : memref<32x128xf32, #tpu.memory_space<vmem>>, vector<16xf32>,
      %swap3A_3073 = arith.constant 20 : i32
      %swap3A_3074 = arith.index_cast %swap3A_3073 : i32 to index
      %swap3A_3075 = arith.constant 912 : index
      %swap3A_3076 = tpu.vector_load %arg8[%swap3A_3074, %swap3A_3075] {strides = array<i32>} : memref<32x1000xf32, #tpu.memory_space<vmem>>, vector<16xf32>,
      tpu.vector_store %arg8[%swap3A_3074, %swap3A_3075], %get3A_3072 {strides = array<i32>} : memref<32x1000xf32, #tpu.memory_space<vmem>>, vector<16xf32>,
      %get3A_3077 = arith.constant 20 : i32
      %get3A_3078 = arith.index_cast %get3A_3077 : i32 to index
      %get3A_3079 = arith.constant 32 : index
      %get3A_3080 = tpu.vector_load %arg10[%get3A_3078, %get3A_3079] {strides = array<i32>} : memref<32x128xf32, #tpu.memory_space<vmem>>, vector<16xf32>,
      %swap3A_3081 = arith.constant 20 : i32
      %swap3A_3082 = arith.index_cast %swap3A_3081 : i32 to index
      %swap3A_3083 = arith.constant 928 : index
      %swap3A_3084 = tpu.vector_load %arg8[%swap3A_3082, %swap3A_3083] {strides = array<i32>} : memref<32x1000xf32, #tpu.memory_space<vmem>>, vector<16xf32>,
      tpu.vector_store %arg8[%swap3A_3082, %swap3A_3083], %get3A_3080 {strides = array<i32>} : memref<32x1000xf32, #tpu.memory_space<vmem>>, vector<16xf32>,
      %get3A_3085 = arith.constant 20 : i32
      %get3A_3086 = arith.index_cast %get3A_3085 : i32 to index
      %get3A_3087 = arith.constant 48 : index
      %get3A_3088 = tpu.vector_load %arg10[%get3A_3086, %get3A_3087] {strides = array<i32>} : memref<32x128xf32, #tpu.memory_space<vmem>>, vector<16xf32>,
      %swap3A_3089 = arith.constant 20 : i32
      %swap3A_3090 = arith.index_cast %swap3A_3089 : i32 to index
      %swap3A_3091 = arith.constant 944 : index
      %swap3A_3092 = tpu.vector_load %arg8[%swap3A_3090, %swap3A_3091] {strides = array<i32>} : memref<32x1000xf32, #tpu.memory_space<vmem>>, vector<16xf32>,
      tpu.vector_store %arg8[%swap3A_3090, %swap3A_3091], %get3A_3088 {strides = array<i32>} : memref<32x1000xf32, #tpu.memory_space<vmem>>, vector<16xf32>,
      %get3A_3093 = arith.constant 20 : i32
      %get3A_3094 = arith.index_cast %get3A_3093 : i32 to index
      %get3A_3095 = arith.constant 64 : index
      %get3A_3096 = tpu.vector_load %arg10[%get3A_3094, %get3A_3095] {strides = array<i32>} : memref<32x128xf32, #tpu.memory_space<vmem>>, vector<16xf32>,
      %swap3A_3097 = arith.constant 20 : i32
      %swap3A_3098 = arith.index_cast %swap3A_3097 : i32 to index
      %swap3A_3099 = arith.constant 960 : index
      %swap3A_3100 = tpu.vector_load %arg8[%swap3A_3098, %swap3A_3099] {strides = array<i32>} : memref<32x1000xf32, #tpu.memory_space<vmem>>, vector<16xf32>,
      tpu.vector_store %arg8[%swap3A_3098, %swap3A_3099], %get3A_3096 {strides = array<i32>} : memref<32x1000xf32, #tpu.memory_space<vmem>>, vector<16xf32>,
      %get3A_3101 = arith.constant 20 : i32
      %get3A_3102 = arith.index_cast %get3A_3101 : i32 to index
      %get3A_3103 = arith.constant 80 : index
      %get3A_3104 = tpu.vector_load %arg10[%get3A_3102, %get3A_3103] {strides = array<i32>} : memref<32x128xf32, #tpu.memory_space<vmem>>, vector<16xf32>,
      %swap3A_3105 = arith.constant 20 : i32
      %swap3A_3106 = arith.index_cast %swap3A_3105 : i32 to index
      %swap3A_3107 = arith.constant 976 : index
      %swap3A_3108 = tpu.vector_load %arg8[%swap3A_3106, %swap3A_3107] {strides = array<i32>} : memref<32x1000xf32, #tpu.memory_space<vmem>>, vector<16xf32>,
      tpu.vector_store %arg8[%swap3A_3106, %swap3A_3107], %get3A_3104 {strides = array<i32>} : memref<32x1000xf32, #tpu.memory_space<vmem>>, vector<16xf32>,
      %get3A_3109 = arith.constant 20 : i32
      %get3A_3110 = arith.index_cast %get3A_3109 : i32 to index
      %get3A_3111 = arith.constant 96 : index
      %get3A_3112 = tpu.vector_load %arg10[%get3A_3110, %get3A_3111] {strides = array<i32>} : memref<32x128xf32, #tpu.memory_space<vmem>>, vector<16xf32>,
      %broadcast_in_dim3A_3113 = arith.constant 20 : i32
      %broadcast_in_dim3A_3114 = vector.broadcast %broadcast_in_dim3A_3113 : i32 to vector<16xi32>
      %add3A_3115 = arith.constant 992 : i32
      %add3A_3116 = vector.broadcast %add3A_3115 : i32 to vector<16xi32>
      %add3A_3117 = arith.addi %add3A_3116, %iota3A_1917 : vector<16xi32>
      tpu.vector_store_idx %arg8[%broadcast_in_dim3A_3114, %add3A_3117], %get3A_3112 masked %lt3A_1920 : memref<32x1000xf32, #tpu.memory_space<vmem>>[vector<16xi32>, vector<16xi32>], vector<16xf32>, vector<16xi1>
      %get3A_3118 = arith.constant 21 : i32
      %get3A_3119 = arith.index_cast %get3A_3118 : i32 to index
      %get3A_3120 = arith.constant 0 : index
      %get3A_3121 = tpu.vector_load %arg10[%get3A_3119, %get3A_3120] {strides = array<i32>} : memref<32x128xf32, #tpu.memory_space<vmem>>, vector<16xf32>,
      %swap3A_3122 = arith.constant 21 : i32
      %swap3A_3123 = arith.index_cast %swap3A_3122 : i32 to index
      %swap3A_3124 = arith.constant 896 : index
      %swap3A_3125 = tpu.vector_load %arg8[%swap3A_3123, %swap3A_3124] {strides = array<i32>} : memref<32x1000xf32, #tpu.memory_space<vmem>>, vector<16xf32>,
      tpu.vector_store %arg8[%swap3A_3123, %swap3A_3124], %get3A_3121 {strides = array<i32>} : memref<32x1000xf32, #tpu.memory_space<vmem>>, vector<16xf32>,
      %get3A_3126 = arith.constant 21 : i32
      %get3A_3127 = arith.index_cast %get3A_3126 : i32 to index
      %get3A_3128 = arith.constant 16 : index
      %get3A_3129 = tpu.vector_load %arg10[%get3A_3127, %get3A_3128] {strides = array<i32>} : memref<32x128xf32, #tpu.memory_space<vmem>>, vector<16xf32>,
      %swap3A_3130 = arith.constant 21 : i32
      %swap3A_3131 = arith.index_cast %swap3A_3130 : i32 to index
      %swap3A_3132 = arith.constant 912 : index
      %swap3A_3133 = tpu.vector_load %arg8[%swap3A_3131, %swap3A_3132] {strides = array<i32>} : memref<32x1000xf32, #tpu.memory_space<vmem>>, vector<16xf32>,
      tpu.vector_store %arg8[%swap3A_3131, %swap3A_3132], %get3A_3129 {strides = array<i32>} : memref<32x1000xf32, #tpu.memory_space<vmem>>, vector<16xf32>,
      %get3A_3134 = arith.constant 21 : i32
      %get3A_3135 = arith.index_cast %get3A_3134 : i32 to index
      %get3A_3136 = arith.constant 32 : index
      %get3A_3137 = tpu.vector_load %arg10[%get3A_3135, %get3A_3136] {strides = array<i32>} : memref<32x128xf32, #tpu.memory_space<vmem>>, vector<16xf32>,
      %swap3A_3138 = arith.constant 21 : i32
      %swap3A_3139 = arith.index_cast %swap3A_3138 : i32 to index
      %swap3A_3140 = arith.constant 928 : index
      %swap3A_3141 = tpu.vector_load %arg8[%swap3A_3139, %swap3A_3140] {strides = array<i32>} : memref<32x1000xf32, #tpu.memory_space<vmem>>, vector<16xf32>,
      tpu.vector_store %arg8[%swap3A_3139, %swap3A_3140], %get3A_3137 {strides = array<i32>} : memref<32x1000xf32, #tpu.memory_space<vmem>>, vector<16xf32>,
      %get3A_3142 = arith.constant 21 : i32
      %get3A_3143 = arith.index_cast %get3A_3142 : i32 to index
      %get3A_3144 = arith.constant 48 : index
      %get3A_3145 = tpu.vector_load %arg10[%get3A_3143, %get3A_3144] {strides = array<i32>} : memref<32x128xf32, #tpu.memory_space<vmem>>, vector<16xf32>,
      %swap3A_3146 = arith.constant 21 : i32
      %swap3A_3147 = arith.index_cast %swap3A_3146 : i32 to index
      %swap3A_3148 = arith.constant 944 : index
      %swap3A_3149 = tpu.vector_load %arg8[%swap3A_3147, %swap3A_3148] {strides = array<i32>} : memref<32x1000xf32, #tpu.memory_space<vmem>>, vector<16xf32>,
      tpu.vector_store %arg8[%swap3A_3147, %swap3A_3148], %get3A_3145 {strides = array<i32>} : memref<32x1000xf32, #tpu.memory_space<vmem>>, vector<16xf32>,
      %get3A_3150 = arith.constant 21 : i32
      %get3A_3151 = arith.index_cast %get3A_3150 : i32 to index
      %get3A_3152 = arith.constant 64 : index
      %get3A_3153 = tpu.vector_load %arg10[%get3A_3151, %get3A_3152] {strides = array<i32>} : memref<32x128xf32, #tpu.memory_space<vmem>>, vector<16xf32>,
      %swap3A_3154 = arith.constant 21 : i32
      %swap3A_3155 = arith.index_cast %swap3A_3154 : i32 to index
      %swap3A_3156 = arith.constant 960 : index
      %swap3A_3157 = tpu.vector_load %arg8[%swap3A_3155, %swap3A_3156] {strides = array<i32>} : memref<32x1000xf32, #tpu.memory_space<vmem>>, vector<16xf32>,
      tpu.vector_store %arg8[%swap3A_3155, %swap3A_3156], %get3A_3153 {strides = array<i32>} : memref<32x1000xf32, #tpu.memory_space<vmem>>, vector<16xf32>,
      %get3A_3158 = arith.constant 21 : i32
      %get3A_3159 = arith.index_cast %get3A_3158 : i32 to index
      %get3A_3160 = arith.constant 80 : index
      %get3A_3161 = tpu.vector_load %arg10[%get3A_3159, %get3A_3160] {strides = array<i32>} : memref<32x128xf32, #tpu.memory_space<vmem>>, vector<16xf32>,
      %swap3A_3162 = arith.constant 21 : i32
      %swap3A_3163 = arith.index_cast %swap3A_3162 : i32 to index
      %swap3A_3164 = arith.constant 976 : index
      %swap3A_3165 = tpu.vector_load %arg8[%swap3A_3163, %swap3A_3164] {strides = array<i32>} : memref<32x1000xf32, #tpu.memory_space<vmem>>, vector<16xf32>,
      tpu.vector_store %arg8[%swap3A_3163, %swap3A_3164], %get3A_3161 {strides = array<i32>} : memref<32x1000xf32, #tpu.memory_space<vmem>>, vector<16xf32>,
      %get3A_3166 = arith.constant 21 : i32
      %get3A_3167 = arith.index_cast %get3A_3166 : i32 to index
      %get3A_3168 = arith.constant 96 : index
      %get3A_3169 = tpu.vector_load %arg10[%get3A_3167, %get3A_3168] {strides = array<i32>} : memref<32x128xf32, #tpu.memory_space<vmem>>, vector<16xf32>,
      %broadcast_in_dim3A_3170 = arith.constant 21 : i32
      %broadcast_in_dim3A_3171 = vector.broadcast %broadcast_in_dim3A_3170 : i32 to vector<16xi32>
      %add3A_3172 = arith.constant 992 : i32
      %add3A_3173 = vector.broadcast %add3A_3172 : i32 to vector<16xi32>
      %add3A_3174 = arith.addi %add3A_3173, %iota3A_1917 : vector<16xi32>
      tpu.vector_store_idx %arg8[%broadcast_in_dim3A_3171, %add3A_3174], %get3A_3169 masked %lt3A_1920 : memref<32x1000xf32, #tpu.memory_space<vmem>>[vector<16xi32>, vector<16xi32>], vector<16xf32>, vector<16xi1>
      %get3A_3175 = arith.constant 22 : i32
      %get3A_3176 = arith.index_cast %get3A_3175 : i32 to index
      %get3A_3177 = arith.constant 0 : index
      %get3A_3178 = tpu.vector_load %arg10[%get3A_3176, %get3A_3177] {strides = array<i32>} : memref<32x128xf32, #tpu.memory_space<vmem>>, vector<16xf32>,
      %swap3A_3179 = arith.constant 22 : i32
      %swap3A_3180 = arith.index_cast %swap3A_3179 : i32 to index
      %swap3A_3181 = arith.constant 896 : index
      %swap3A_3182 = tpu.vector_load %arg8[%swap3A_3180, %swap3A_3181] {strides = array<i32>} : memref<32x1000xf32, #tpu.memory_space<vmem>>, vector<16xf32>,
      tpu.vector_store %arg8[%swap3A_3180, %swap3A_3181], %get3A_3178 {strides = array<i32>} : memref<32x1000xf32, #tpu.memory_space<vmem>>, vector<16xf32>,
      %get3A_3183 = arith.constant 22 : i32
      %get3A_3184 = arith.index_cast %get3A_3183 : i32 to index
      %get3A_3185 = arith.constant 16 : index
      %get3A_3186 = tpu.vector_load %arg10[%get3A_3184, %get3A_3185] {strides = array<i32>} : memref<32x128xf32, #tpu.memory_space<vmem>>, vector<16xf32>,
      %swap3A_3187 = arith.constant 22 : i32
      %swap3A_3188 = arith.index_cast %swap3A_3187 : i32 to index
      %swap3A_3189 = arith.constant 912 : index
      %swap3A_3190 = tpu.vector_load %arg8[%swap3A_3188, %swap3A_3189] {strides = array<i32>} : memref<32x1000xf32, #tpu.memory_space<vmem>>, vector<16xf32>,
      tpu.vector_store %arg8[%swap3A_3188, %swap3A_3189], %get3A_3186 {strides = array<i32>} : memref<32x1000xf32, #tpu.memory_space<vmem>>, vector<16xf32>,
      %get3A_3191 = arith.constant 22 : i32
      %get3A_3192 = arith.index_cast %get3A_3191 : i32 to index
      %get3A_3193 = arith.constant 32 : index
      %get3A_3194 = tpu.vector_load %arg10[%get3A_3192, %get3A_3193] {strides = array<i32>} : memref<32x128xf32, #tpu.memory_space<vmem>>, vector<16xf32>,
      %swap3A_3195 = arith.constant 22 : i32
      %swap3A_3196 = arith.index_cast %swap3A_3195 : i32 to index
      %swap3A_3197 = arith.constant 928 : index
      %swap3A_3198 = tpu.vector_load %arg8[%swap3A_3196, %swap3A_3197] {strides = array<i32>} : memref<32x1000xf32, #tpu.memory_space<vmem>>, vector<16xf32>,
      tpu.vector_store %arg8[%swap3A_3196, %swap3A_3197], %get3A_3194 {strides = array<i32>} : memref<32x1000xf32, #tpu.memory_space<vmem>>, vector<16xf32>,
      %get3A_3199 = arith.constant 22 : i32
      %get3A_3200 = arith.index_cast %get3A_3199 : i32 to index
      %get3A_3201 = arith.constant 48 : index
      %get3A_3202 = tpu.vector_load %arg10[%get3A_3200, %get3A_3201] {strides = array<i32>} : memref<32x128xf32, #tpu.memory_space<vmem>>, vector<16xf32>,
      %swap3A_3203 = arith.constant 22 : i32
      %swap3A_3204 = arith.index_cast %swap3A_3203 : i32 to index
      %swap3A_3205 = arith.constant 944 : index
      %swap3A_3206 = tpu.vector_load %arg8[%swap3A_3204, %swap3A_3205] {strides = array<i32>} : memref<32x1000xf32, #tpu.memory_space<vmem>>, vector<16xf32>,
      tpu.vector_store %arg8[%swap3A_3204, %swap3A_3205], %get3A_3202 {strides = array<i32>} : memref<32x1000xf32, #tpu.memory_space<vmem>>, vector<16xf32>,
      %get3A_3207 = arith.constant 22 : i32
      %get3A_3208 = arith.index_cast %get3A_3207 : i32 to index
      %get3A_3209 = arith.constant 64 : index
      %get3A_3210 = tpu.vector_load %arg10[%get3A_3208, %get3A_3209] {strides = array<i32>} : memref<32x128xf32, #tpu.memory_space<vmem>>, vector<16xf32>,
      %swap3A_3211 = arith.constant 22 : i32
      %swap3A_3212 = arith.index_cast %swap3A_3211 : i32 to index
      %swap3A_3213 = arith.constant 960 : index
      %swap3A_3214 = tpu.vector_load %arg8[%swap3A_3212, %swap3A_3213] {strides = array<i32>} : memref<32x1000xf32, #tpu.memory_space<vmem>>, vector<16xf32>,
      tpu.vector_store %arg8[%swap3A_3212, %swap3A_3213], %get3A_3210 {strides = array<i32>} : memref<32x1000xf32, #tpu.memory_space<vmem>>, vector<16xf32>,
      %get3A_3215 = arith.constant 22 : i32
      %get3A_3216 = arith.index_cast %get3A_3215 : i32 to index
      %get3A_3217 = arith.constant 80 : index
      %get3A_3218 = tpu.vector_load %arg10[%get3A_3216, %get3A_3217] {strides = array<i32>} : memref<32x128xf32, #tpu.memory_space<vmem>>, vector<16xf32>,
      %swap3A_3219 = arith.constant 22 : i32
      %swap3A_3220 = arith.index_cast %swap3A_3219 : i32 to index
      %swap3A_3221 = arith.constant 976 : index
      %swap3A_3222 = tpu.vector_load %arg8[%swap3A_3220, %swap3A_3221] {strides = array<i32>} : memref<32x1000xf32, #tpu.memory_space<vmem>>, vector<16xf32>,
      tpu.vector_store %arg8[%swap3A_3220, %swap3A_3221], %get3A_3218 {strides = array<i32>} : memref<32x1000xf32, #tpu.memory_space<vmem>>, vector<16xf32>,
      %get3A_3223 = arith.constant 22 : i32
      %get3A_3224 = arith.index_cast %get3A_3223 : i32 to index
      %get3A_3225 = arith.constant 96 : index
      %get3A_3226 = tpu.vector_load %arg10[%get3A_3224, %get3A_3225] {strides = array<i32>} : memref<32x128xf32, #tpu.memory_space<vmem>>, vector<16xf32>,
      %broadcast_in_dim3A_3227 = arith.constant 22 : i32
      %broadcast_in_dim3A_3228 = vector.broadcast %broadcast_in_dim3A_3227 : i32 to vector<16xi32>
      %add3A_3229 = arith.constant 992 : i32
      %add3A_3230 = vector.broadcast %add3A_3229 : i32 to vector<16xi32>
      %add3A_3231 = arith.addi %add3A_3230, %iota3A_1917 : vector<16xi32>
      tpu.vector_store_idx %arg8[%broadcast_in_dim3A_3228, %add3A_3231], %get3A_3226 masked %lt3A_1920 : memref<32x1000xf32, #tpu.memory_space<vmem>>[vector<16xi32>, vector<16xi32>], vector<16xf32>, vector<16xi1>
      %get3A_3232 = arith.constant 23 : i32
      %get3A_3233 = arith.index_cast %get3A_3232 : i32 to index
      %get3A_3234 = arith.constant 0 : index
      %get3A_3235 = tpu.vector_load %arg10[%get3A_3233, %get3A_3234] {strides = array<i32>} : memref<32x128xf32, #tpu.memory_space<vmem>>, vector<16xf32>,
      %swap3A_3236 = arith.constant 23 : i32
      %swap3A_3237 = arith.index_cast %swap3A_3236 : i32 to index
      %swap3A_3238 = arith.constant 896 : index
      %swap3A_3239 = tpu.vector_load %arg8[%swap3A_3237, %swap3A_3238] {strides = array<i32>} : memref<32x1000xf32, #tpu.memory_space<vmem>>, vector<16xf32>,
      tpu.vector_store %arg8[%swap3A_3237, %swap3A_3238], %get3A_3235 {strides = array<i32>} : memref<32x1000xf32, #tpu.memory_space<vmem>>, vector<16xf32>,
      %get3A_3240 = arith.constant 23 : i32
      %get3A_3241 = arith.index_cast %get3A_3240 : i32 to index
      %get3A_3242 = arith.constant 16 : index
      %get3A_3243 = tpu.vector_load %arg10[%get3A_3241, %get3A_3242] {strides = array<i32>} : memref<32x128xf32, #tpu.memory_space<vmem>>, vector<16xf32>,
      %swap3A_3244 = arith.constant 23 : i32
      %swap3A_3245 = arith.index_cast %swap3A_3244 : i32 to index
      %swap3A_3246 = arith.constant 912 : index
      %swap3A_3247 = tpu.vector_load %arg8[%swap3A_3245, %swap3A_3246] {strides = array<i32>} : memref<32x1000xf32, #tpu.memory_space<vmem>>, vector<16xf32>,
      tpu.vector_store %arg8[%swap3A_3245, %swap3A_3246], %get3A_3243 {strides = array<i32>} : memref<32x1000xf32, #tpu.memory_space<vmem>>, vector<16xf32>,
      %get3A_3248 = arith.constant 23 : i32
      %get3A_3249 = arith.index_cast %get3A_3248 : i32 to index
      %get3A_3250 = arith.constant 32 : index
      %get3A_3251 = tpu.vector_load %arg10[%get3A_3249, %get3A_3250] {strides = array<i32>} : memref<32x128xf32, #tpu.memory_space<vmem>>, vector<16xf32>,
      %swap3A_3252 = arith.constant 23 : i32
      %swap3A_3253 = arith.index_cast %swap3A_3252 : i32 to index
      %swap3A_3254 = arith.constant 928 : index
      %swap3A_3255 = tpu.vector_load %arg8[%swap3A_3253, %swap3A_3254] {strides = array<i32>} : memref<32x1000xf32, #tpu.memory_space<vmem>>, vector<16xf32>,
      tpu.vector_store %arg8[%swap3A_3253, %swap3A_3254], %get3A_3251 {strides = array<i32>} : memref<32x1000xf32, #tpu.memory_space<vmem>>, vector<16xf32>,
      %get3A_3256 = arith.constant 23 : i32
      %get3A_3257 = arith.index_cast %get3A_3256 : i32 to index
      %get3A_3258 = arith.constant 48 : index
      %get3A_3259 = tpu.vector_load %arg10[%get3A_3257, %get3A_3258] {strides = array<i32>} : memref<32x128xf32, #tpu.memory_space<vmem>>, vector<16xf32>,
      %swap3A_3260 = arith.constant 23 : i32
      %swap3A_3261 = arith.index_cast %swap3A_3260 : i32 to index
      %swap3A_3262 = arith.constant 944 : index
      %swap3A_3263 = tpu.vector_load %arg8[%swap3A_3261, %swap3A_3262] {strides = array<i32>} : memref<32x1000xf32, #tpu.memory_space<vmem>>, vector<16xf32>,
      tpu.vector_store %arg8[%swap3A_3261, %swap3A_3262], %get3A_3259 {strides = array<i32>} : memref<32x1000xf32, #tpu.memory_space<vmem>>, vector<16xf32>,
      %get3A_3264 = arith.constant 23 : i32
      %get3A_3265 = arith.index_cast %get3A_3264 : i32 to index
      %get3A_3266 = arith.constant 64 : index
      %get3A_3267 = tpu.vector_load %arg10[%get3A_3265, %get3A_3266] {strides = array<i32>} : memref<32x128xf32, #tpu.memory_space<vmem>>, vector<16xf32>,
      %swap3A_3268 = arith.constant 23 : i32
      %swap3A_3269 = arith.index_cast %swap3A_3268 : i32 to index
      %swap3A_3270 = arith.constant 960 : index
      %swap3A_3271 = tpu.vector_load %arg8[%swap3A_3269, %swap3A_3270] {strides = array<i32>} : memref<32x1000xf32, #tpu.memory_space<vmem>>, vector<16xf32>,
      tpu.vector_store %arg8[%swap3A_3269, %swap3A_3270], %get3A_3267 {strides = array<i32>} : memref<32x1000xf32, #tpu.memory_space<vmem>>, vector<16xf32>,
      %get3A_3272 = arith.constant 23 : i32
      %get3A_3273 = arith.index_cast %get3A_3272 : i32 to index
      %get3A_3274 = arith.constant 80 : index
      %get3A_3275 = tpu.vector_load %arg10[%get3A_3273, %get3A_3274] {strides = array<i32>} : memref<32x128xf32, #tpu.memory_space<vmem>>, vector<16xf32>,
      %swap3A_3276 = arith.constant 23 : i32
      %swap3A_3277 = arith.index_cast %swap3A_3276 : i32 to index
      %swap3A_3278 = arith.constant 976 : index
      %swap3A_3279 = tpu.vector_load %arg8[%swap3A_3277, %swap3A_3278] {strides = array<i32>} : memref<32x1000xf32, #tpu.memory_space<vmem>>, vector<16xf32>,
      tpu.vector_store %arg8[%swap3A_3277, %swap3A_3278], %get3A_3275 {strides = array<i32>} : memref<32x1000xf32, #tpu.memory_space<vmem>>, vector<16xf32>,
      %get3A_3280 = arith.constant 23 : i32
      %get3A_3281 = arith.index_cast %get3A_3280 : i32 to index
      %get3A_3282 = arith.constant 96 : index
      %get3A_3283 = tpu.vector_load %arg10[%get3A_3281, %get3A_3282] {strides = array<i32>} : memref<32x128xf32, #tpu.memory_space<vmem>>, vector<16xf32>,
      %broadcast_in_dim3A_3284 = arith.constant 23 : i32
      %broadcast_in_dim3A_3285 = vector.broadcast %broadcast_in_dim3A_3284 : i32 to vector<16xi32>
      %add3A_3286 = arith.constant 992 : i32
      %add3A_3287 = vector.broadcast %add3A_3286 : i32 to vector<16xi32>
      %add3A_3288 = arith.addi %add3A_3287, %iota3A_1917 : vector<16xi32>
      tpu.vector_store_idx %arg8[%broadcast_in_dim3A_3285, %add3A_3288], %get3A_3283 masked %lt3A_1920 : memref<32x1000xf32, #tpu.memory_space<vmem>>[vector<16xi32>, vector<16xi32>], vector<16xf32>, vector<16xi1>
      %get3A_3289 = arith.constant 24 : i32
      %get3A_3290 = arith.index_cast %get3A_3289 : i32 to index
      %get3A_3291 = arith.constant 0 : index
      %get3A_3292 = tpu.vector_load %arg10[%get3A_3290, %get3A_3291] {strides = array<i32>} : memref<32x128xf32, #tpu.memory_space<vmem>>, vector<16xf32>,
      %swap3A_3293 = arith.constant 24 : i32
      %swap3A_3294 = arith.index_cast %swap3A_3293 : i32 to index
      %swap3A_3295 = arith.constant 896 : index
      %swap3A_3296 = tpu.vector_load %arg8[%swap3A_3294, %swap3A_3295] {strides = array<i32>} : memref<32x1000xf32, #tpu.memory_space<vmem>>, vector<16xf32>,
      tpu.vector_store %arg8[%swap3A_3294, %swap3A_3295], %get3A_3292 {strides = array<i32>} : memref<32x1000xf32, #tpu.memory_space<vmem>>, vector<16xf32>,
      %get3A_3297 = arith.constant 24 : i32
      %get3A_3298 = arith.index_cast %get3A_3297 : i32 to index
      %get3A_3299 = arith.constant 16 : index
      %get3A_3300 = tpu.vector_load %arg10[%get3A_3298, %get3A_3299] {strides = array<i32>} : memref<32x128xf32, #tpu.memory_space<vmem>>, vector<16xf32>,
      %swap3A_3301 = arith.constant 24 : i32
      %swap3A_3302 = arith.index_cast %swap3A_3301 : i32 to index
      %swap3A_3303 = arith.constant 912 : index
      %swap3A_3304 = tpu.vector_load %arg8[%swap3A_3302, %swap3A_3303] {strides = array<i32>} : memref<32x1000xf32, #tpu.memory_space<vmem>>, vector<16xf32>,
      tpu.vector_store %arg8[%swap3A_3302, %swap3A_3303], %get3A_3300 {strides = array<i32>} : memref<32x1000xf32, #tpu.memory_space<vmem>>, vector<16xf32>,
      %get3A_3305 = arith.constant 24 : i32
      %get3A_3306 = arith.index_cast %get3A_3305 : i32 to index
      %get3A_3307 = arith.constant 32 : index
      %get3A_3308 = tpu.vector_load %arg10[%get3A_3306, %get3A_3307] {strides = array<i32>} : memref<32x128xf32, #tpu.memory_space<vmem>>, vector<16xf32>,
      %swap3A_3309 = arith.constant 24 : i32
      %swap3A_3310 = arith.index_cast %swap3A_3309 : i32 to index
      %swap3A_3311 = arith.constant 928 : index
      %swap3A_3312 = tpu.vector_load %arg8[%swap3A_3310, %swap3A_3311] {strides = array<i32>} : memref<32x1000xf32, #tpu.memory_space<vmem>>, vector<16xf32>,
      tpu.vector_store %arg8[%swap3A_3310, %swap3A_3311], %get3A_3308 {strides = array<i32>} : memref<32x1000xf32, #tpu.memory_space<vmem>>, vector<16xf32>,
      %get3A_3313 = arith.constant 24 : i32
      %get3A_3314 = arith.index_cast %get3A_3313 : i32 to index
      %get3A_3315 = arith.constant 48 : index
      %get3A_3316 = tpu.vector_load %arg10[%get3A_3314, %get3A_3315] {strides = array<i32>} : memref<32x128xf32, #tpu.memory_space<vmem>>, vector<16xf32>,
      %swap3A_3317 = arith.constant 24 : i32
      %swap3A_3318 = arith.index_cast %swap3A_3317 : i32 to index
      %swap3A_3319 = arith.constant 944 : index
      %swap3A_3320 = tpu.vector_load %arg8[%swap3A_3318, %swap3A_3319] {strides = array<i32>} : memref<32x1000xf32, #tpu.memory_space<vmem>>, vector<16xf32>,
      tpu.vector_store %arg8[%swap3A_3318, %swap3A_3319], %get3A_3316 {strides = array<i32>} : memref<32x1000xf32, #tpu.memory_space<vmem>>, vector<16xf32>,
      %get3A_3321 = arith.constant 24 : i32
      %get3A_3322 = arith.index_cast %get3A_3321 : i32 to index
      %get3A_3323 = arith.constant 64 : index
      %get3A_3324 = tpu.vector_load %arg10[%get3A_3322, %get3A_3323] {strides = array<i32>} : memref<32x128xf32, #tpu.memory_space<vmem>>, vector<16xf32>,
      %swap3A_3325 = arith.constant 24 : i32
      %swap3A_3326 = arith.index_cast %swap3A_3325 : i32 to index
      %swap3A_3327 = arith.constant 960 : index
      %swap3A_3328 = tpu.vector_load %arg8[%swap3A_3326, %swap3A_3327] {strides = array<i32>} : memref<32x1000xf32, #tpu.memory_space<vmem>>, vector<16xf32>,
      tpu.vector_store %arg8[%swap3A_3326, %swap3A_3327], %get3A_3324 {strides = array<i32>} : memref<32x1000xf32, #tpu.memory_space<vmem>>, vector<16xf32>,
      %get3A_3329 = arith.constant 24 : i32
      %get3A_3330 = arith.index_cast %get3A_3329 : i32 to index
      %get3A_3331 = arith.constant 80 : index
      %get3A_3332 = tpu.vector_load %arg10[%get3A_3330, %get3A_3331] {strides = array<i32>} : memref<32x128xf32, #tpu.memory_space<vmem>>, vector<16xf32>,
      %swap3A_3333 = arith.constant 24 : i32
      %swap3A_3334 = arith.index_cast %swap3A_3333 : i32 to index
      %swap3A_3335 = arith.constant 976 : index
      %swap3A_3336 = tpu.vector_load %arg8[%swap3A_3334, %swap3A_3335] {strides = array<i32>} : memref<32x1000xf32, #tpu.memory_space<vmem>>, vector<16xf32>,
      tpu.vector_store %arg8[%swap3A_3334, %swap3A_3335], %get3A_3332 {strides = array<i32>} : memref<32x1000xf32, #tpu.memory_space<vmem>>, vector<16xf32>,
      %get3A_3337 = arith.constant 24 : i32
      %get3A_3338 = arith.index_cast %get3A_3337 : i32 to index
      %get3A_3339 = arith.constant 96 : index
      %get3A_3340 = tpu.vector_load %arg10[%get3A_3338, %get3A_3339] {strides = array<i32>} : memref<32x128xf32, #tpu.memory_space<vmem>>, vector<16xf32>,
      %broadcast_in_dim3A_3341 = arith.constant 24 : i32
      %broadcast_in_dim3A_3342 = vector.broadcast %broadcast_in_dim3A_3341 : i32 to vector<16xi32>
      %add3A_3343 = arith.constant 992 : i32
      %add3A_3344 = vector.broadcast %add3A_3343 : i32 to vector<16xi32>
      %add3A_3345 = arith.addi %add3A_3344, %iota3A_1917 : vector<16xi32>
      tpu.vector_store_idx %arg8[%broadcast_in_dim3A_3342, %add3A_3345], %get3A_3340 masked %lt3A_1920 : memref<32x1000xf32, #tpu.memory_space<vmem>>[vector<16xi32>, vector<16xi32>], vector<16xf32>, vector<16xi1>
      %get3A_3346 = arith.constant 25 : i32
      %get3A_3347 = arith.index_cast %get3A_3346 : i32 to index
      %get3A_3348 = arith.constant 0 : index
      %get3A_3349 = tpu.vector_load %arg10[%get3A_3347, %get3A_3348] {strides = array<i32>} : memref<32x128xf32, #tpu.memory_space<vmem>>, vector<16xf32>,
      %swap3A_3350 = arith.constant 25 : i32
      %swap3A_3351 = arith.index_cast %swap3A_3350 : i32 to index
      %swap3A_3352 = arith.constant 896 : index
      %swap3A_3353 = tpu.vector_load %arg8[%swap3A_3351, %swap3A_3352] {strides = array<i32>} : memref<32x1000xf32, #tpu.memory_space<vmem>>, vector<16xf32>,
      tpu.vector_store %arg8[%swap3A_3351, %swap3A_3352], %get3A_3349 {strides = array<i32>} : memref<32x1000xf32, #tpu.memory_space<vmem>>, vector<16xf32>,
      %get3A_3354 = arith.constant 25 : i32
      %get3A_3355 = arith.index_cast %get3A_3354 : i32 to index
      %get3A_3356 = arith.constant 16 : index
      %get3A_3357 = tpu.vector_load %arg10[%get3A_3355, %get3A_3356] {strides = array<i32>} : memref<32x128xf32, #tpu.memory_space<vmem>>, vector<16xf32>,
      %swap3A_3358 = arith.constant 25 : i32
      %swap3A_3359 = arith.index_cast %swap3A_3358 : i32 to index
      %swap3A_3360 = arith.constant 912 : index
      %swap3A_3361 = tpu.vector_load %arg8[%swap3A_3359, %swap3A_3360] {strides = array<i32>} : memref<32x1000xf32, #tpu.memory_space<vmem>>, vector<16xf32>,
      tpu.vector_store %arg8[%swap3A_3359, %swap3A_3360], %get3A_3357 {strides = array<i32>} : memref<32x1000xf32, #tpu.memory_space<vmem>>, vector<16xf32>,
      %get3A_3362 = arith.constant 25 : i32
      %get3A_3363 = arith.index_cast %get3A_3362 : i32 to index
      %get3A_3364 = arith.constant 32 : index
      %get3A_3365 = tpu.vector_load %arg10[%get3A_3363, %get3A_3364] {strides = array<i32>} : memref<32x128xf32, #tpu.memory_space<vmem>>, vector<16xf32>,
      %swap3A_3366 = arith.constant 25 : i32
      %swap3A_3367 = arith.index_cast %swap3A_3366 : i32 to index
      %swap3A_3368 = arith.constant 928 : index
      %swap3A_3369 = tpu.vector_load %arg8[%swap3A_3367, %swap3A_3368] {strides = array<i32>} : memref<32x1000xf32, #tpu.memory_space<vmem>>, vector<16xf32>,
      tpu.vector_store %arg8[%swap3A_3367, %swap3A_3368], %get3A_3365 {strides = array<i32>} : memref<32x1000xf32, #tpu.memory_space<vmem>>, vector<16xf32>,
      %get3A_3370 = arith.constant 25 : i32
      %get3A_3371 = arith.index_cast %get3A_3370 : i32 to index
      %get3A_3372 = arith.constant 48 : index
      %get3A_3373 = tpu.vector_load %arg10[%get3A_3371, %get3A_3372] {strides = array<i32>} : memref<32x128xf32, #tpu.memory_space<vmem>>, vector<16xf32>,
      %swap3A_3374 = arith.constant 25 : i32
      %swap3A_3375 = arith.index_cast %swap3A_3374 : i32 to index
      %swap3A_3376 = arith.constant 944 : index
      %swap3A_3377 = tpu.vector_load %arg8[%swap3A_3375, %swap3A_3376] {strides = array<i32>} : memref<32x1000xf32, #tpu.memory_space<vmem>>, vector<16xf32>,
      tpu.vector_store %arg8[%swap3A_3375, %swap3A_3376], %get3A_3373 {strides = array<i32>} : memref<32x1000xf32, #tpu.memory_space<vmem>>, vector<16xf32>,
      %get3A_3378 = arith.constant 25 : i32
      %get3A_3379 = arith.index_cast %get3A_3378 : i32 to index
      %get3A_3380 = arith.constant 64 : index
      %get3A_3381 = tpu.vector_load %arg10[%get3A_3379, %get3A_3380] {strides = array<i32>} : memref<32x128xf32, #tpu.memory_space<vmem>>, vector<16xf32>,
      %swap3A_3382 = arith.constant 25 : i32
      %swap3A_3383 = arith.index_cast %swap3A_3382 : i32 to index
      %swap3A_3384 = arith.constant 960 : index
      %swap3A_3385 = tpu.vector_load %arg8[%swap3A_3383, %swap3A_3384] {strides = array<i32>} : memref<32x1000xf32, #tpu.memory_space<vmem>>, vector<16xf32>,
      tpu.vector_store %arg8[%swap3A_3383, %swap3A_3384], %get3A_3381 {strides = array<i32>} : memref<32x1000xf32, #tpu.memory_space<vmem>>, vector<16xf32>,
      %get3A_3386 = arith.constant 25 : i32
      %get3A_3387 = arith.index_cast %get3A_3386 : i32 to index
      %get3A_3388 = arith.constant 80 : index
      %get3A_3389 = tpu.vector_load %arg10[%get3A_3387, %get3A_3388] {strides = array<i32>} : memref<32x128xf32, #tpu.memory_space<vmem>>, vector<16xf32>,
      %swap3A_3390 = arith.constant 25 : i32
      %swap3A_3391 = arith.index_cast %swap3A_3390 : i32 to index
      %swap3A_3392 = arith.constant 976 : index
      %swap3A_3393 = tpu.vector_load %arg8[%swap3A_3391, %swap3A_3392] {strides = array<i32>} : memref<32x1000xf32, #tpu.memory_space<vmem>>, vector<16xf32>,
      tpu.vector_store %arg8[%swap3A_3391, %swap3A_3392], %get3A_3389 {strides = array<i32>} : memref<32x1000xf32, #tpu.memory_space<vmem>>, vector<16xf32>,
      %get3A_3394 = arith.constant 25 : i32
      %get3A_3395 = arith.index_cast %get3A_3394 : i32 to index
      %get3A_3396 = arith.constant 96 : index
      %get3A_3397 = tpu.vector_load %arg10[%get3A_3395, %get3A_3396] {strides = array<i32>} : memref<32x128xf32, #tpu.memory_space<vmem>>, vector<16xf32>,
      %broadcast_in_dim3A_3398 = arith.constant 25 : i32
      %broadcast_in_dim3A_3399 = vector.broadcast %broadcast_in_dim3A_3398 : i32 to vector<16xi32>
      %add3A_3400 = arith.constant 992 : i32
      %add3A_3401 = vector.broadcast %add3A_3400 : i32 to vector<16xi32>
      %add3A_3402 = arith.addi %add3A_3401, %iota3A_1917 : vector<16xi32>
      tpu.vector_store_idx %arg8[%broadcast_in_dim3A_3399, %add3A_3402], %get3A_3397 masked %lt3A_1920 : memref<32x1000xf32, #tpu.memory_space<vmem>>[vector<16xi32>, vector<16xi32>], vector<16xf32>, vector<16xi1>
      %get3A_3403 = arith.constant 26 : i32
      %get3A_3404 = arith.index_cast %get3A_3403 : i32 to index
      %get3A_3405 = arith.constant 0 : index
      %get3A_3406 = tpu.vector_load %arg10[%get3A_3404, %get3A_3405] {strides = array<i32>} : memref<32x128xf32, #tpu.memory_space<vmem>>, vector<16xf32>,
      %swap3A_3407 = arith.constant 26 : i32
      %swap3A_3408 = arith.index_cast %swap3A_3407 : i32 to index
      %swap3A_3409 = arith.constant 896 : index
      %swap3A_3410 = tpu.vector_load %arg8[%swap3A_3408, %swap3A_3409] {strides = array<i32>} : memref<32x1000xf32, #tpu.memory_space<vmem>>, vector<16xf32>,
      tpu.vector_store %arg8[%swap3A_3408, %swap3A_3409], %get3A_3406 {strides = array<i32>} : memref<32x1000xf32, #tpu.memory_space<vmem>>, vector<16xf32>,
      %get3A_3411 = arith.constant 26 : i32
      %get3A_3412 = arith.index_cast %get3A_3411 : i32 to index
      %get3A_3413 = arith.constant 16 : index
      %get3A_3414 = tpu.vector_load %arg10[%get3A_3412, %get3A_3413] {strides = array<i32>} : memref<32x128xf32, #tpu.memory_space<vmem>>, vector<16xf32>,
      %swap3A_3415 = arith.constant 26 : i32
      %swap3A_3416 = arith.index_cast %swap3A_3415 : i32 to index
      %swap3A_3417 = arith.constant 912 : index
      %swap3A_3418 = tpu.vector_load %arg8[%swap3A_3416, %swap3A_3417] {strides = array<i32>} : memref<32x1000xf32, #tpu.memory_space<vmem>>, vector<16xf32>,
      tpu.vector_store %arg8[%swap3A_3416, %swap3A_3417], %get3A_3414 {strides = array<i32>} : memref<32x1000xf32, #tpu.memory_space<vmem>>, vector<16xf32>,
      %get3A_3419 = arith.constant 26 : i32
      %get3A_3420 = arith.index_cast %get3A_3419 : i32 to index
      %get3A_3421 = arith.constant 32 : index
      %get3A_3422 = tpu.vector_load %arg10[%get3A_3420, %get3A_3421] {strides = array<i32>} : memref<32x128xf32, #tpu.memory_space<vmem>>, vector<16xf32>,
      %swap3A_3423 = arith.constant 26 : i32
      %swap3A_3424 = arith.index_cast %swap3A_3423 : i32 to index
      %swap3A_3425 = arith.constant 928 : index
      %swap3A_3426 = tpu.vector_load %arg8[%swap3A_3424, %swap3A_3425] {strides = array<i32>} : memref<32x1000xf32, #tpu.memory_space<vmem>>, vector<16xf32>,
      tpu.vector_store %arg8[%swap3A_3424, %swap3A_3425], %get3A_3422 {strides = array<i32>} : memref<32x1000xf32, #tpu.memory_space<vmem>>, vector<16xf32>,
      %get3A_3427 = arith.constant 26 : i32
      %get3A_3428 = arith.index_cast %get3A_3427 : i32 to index
      %get3A_3429 = arith.constant 48 : index
      %get3A_3430 = tpu.vector_load %arg10[%get3A_3428, %get3A_3429] {strides = array<i32>} : memref<32x128xf32, #tpu.memory_space<vmem>>, vector<16xf32>,
      %swap3A_3431 = arith.constant 26 : i32
      %swap3A_3432 = arith.index_cast %swap3A_3431 : i32 to index
      %swap3A_3433 = arith.constant 944 : index
      %swap3A_3434 = tpu.vector_load %arg8[%swap3A_3432, %swap3A_3433] {strides = array<i32>} : memref<32x1000xf32, #tpu.memory_space<vmem>>, vector<16xf32>,
      tpu.vector_store %arg8[%swap3A_3432, %swap3A_3433], %get3A_3430 {strides = array<i32>} : memref<32x1000xf32, #tpu.memory_space<vmem>>, vector<16xf32>,
      %get3A_3435 = arith.constant 26 : i32
      %get3A_3436 = arith.index_cast %get3A_3435 : i32 to index
      %get3A_3437 = arith.constant 64 : index
      %get3A_3438 = tpu.vector_load %arg10[%get3A_3436, %get3A_3437] {strides = array<i32>} : memref<32x128xf32, #tpu.memory_space<vmem>>, vector<16xf32>,
      %swap3A_3439 = arith.constant 26 : i32
      %swap3A_3440 = arith.index_cast %swap3A_3439 : i32 to index
      %swap3A_3441 = arith.constant 960 : index
      %swap3A_3442 = tpu.vector_load %arg8[%swap3A_3440, %swap3A_3441] {strides = array<i32>} : memref<32x1000xf32, #tpu.memory_space<vmem>>, vector<16xf32>,
      tpu.vector_store %arg8[%swap3A_3440, %swap3A_3441], %get3A_3438 {strides = array<i32>} : memref<32x1000xf32, #tpu.memory_space<vmem>>, vector<16xf32>,
      %get3A_3443 = arith.constant 26 : i32
      %get3A_3444 = arith.index_cast %get3A_3443 : i32 to index
      %get3A_3445 = arith.constant 80 : index
      %get3A_3446 = tpu.vector_load %arg10[%get3A_3444, %get3A_3445] {strides = array<i32>} : memref<32x128xf32, #tpu.memory_space<vmem>>, vector<16xf32>,
      %swap3A_3447 = arith.constant 26 : i32
      %swap3A_3448 = arith.index_cast %swap3A_3447 : i32 to index
      %swap3A_3449 = arith.constant 976 : index
      %swap3A_3450 = tpu.vector_load %arg8[%swap3A_3448, %swap3A_3449] {strides = array<i32>} : memref<32x1000xf32, #tpu.memory_space<vmem>>, vector<16xf32>,
      tpu.vector_store %arg8[%swap3A_3448, %swap3A_3449], %get3A_3446 {strides = array<i32>} : memref<32x1000xf32, #tpu.memory_space<vmem>>, vector<16xf32>,
      %get3A_3451 = arith.constant 26 : i32
      %get3A_3452 = arith.index_cast %get3A_3451 : i32 to index
      %get3A_3453 = arith.constant 96 : index
      %get3A_3454 = tpu.vector_load %arg10[%get3A_3452, %get3A_3453] {strides = array<i32>} : memref<32x128xf32, #tpu.memory_space<vmem>>, vector<16xf32>,
      %broadcast_in_dim3A_3455 = arith.constant 26 : i32
      %broadcast_in_dim3A_3456 = vector.broadcast %broadcast_in_dim3A_3455 : i32 to vector<16xi32>
      %add3A_3457 = arith.constant 992 : i32
      %add3A_3458 = vector.broadcast %add3A_3457 : i32 to vector<16xi32>
      %add3A_3459 = arith.addi %add3A_3458, %iota3A_1917 : vector<16xi32>
      tpu.vector_store_idx %arg8[%broadcast_in_dim3A_3456, %add3A_3459], %get3A_3454 masked %lt3A_1920 : memref<32x1000xf32, #tpu.memory_space<vmem>>[vector<16xi32>, vector<16xi32>], vector<16xf32>, vector<16xi1>
      %get3A_3460 = arith.constant 27 : i32
      %get3A_3461 = arith.index_cast %get3A_3460 : i32 to index
      %get3A_3462 = arith.constant 0 : index
      %get3A_3463 = tpu.vector_load %arg10[%get3A_3461, %get3A_3462] {strides = array<i32>} : memref<32x128xf32, #tpu.memory_space<vmem>>, vector<16xf32>,
      %swap3A_3464 = arith.constant 27 : i32
      %swap3A_3465 = arith.index_cast %swap3A_3464 : i32 to index
      %swap3A_3466 = arith.constant 896 : index
      %swap3A_3467 = tpu.vector_load %arg8[%swap3A_3465, %swap3A_3466] {strides = array<i32>} : memref<32x1000xf32, #tpu.memory_space<vmem>>, vector<16xf32>,
      tpu.vector_store %arg8[%swap3A_3465, %swap3A_3466], %get3A_3463 {strides = array<i32>} : memref<32x1000xf32, #tpu.memory_space<vmem>>, vector<16xf32>,
      %get3A_3468 = arith.constant 27 : i32
      %get3A_3469 = arith.index_cast %get3A_3468 : i32 to index
      %get3A_3470 = arith.constant 16 : index
      %get3A_3471 = tpu.vector_load %arg10[%get3A_3469, %get3A_3470] {strides = array<i32>} : memref<32x128xf32, #tpu.memory_space<vmem>>, vector<16xf32>,
      %swap3A_3472 = arith.constant 27 : i32
      %swap3A_3473 = arith.index_cast %swap3A_3472 : i32 to index
      %swap3A_3474 = arith.constant 912 : index
      %swap3A_3475 = tpu.vector_load %arg8[%swap3A_3473, %swap3A_3474] {strides = array<i32>} : memref<32x1000xf32, #tpu.memory_space<vmem>>, vector<16xf32>,
      tpu.vector_store %arg8[%swap3A_3473, %swap3A_3474], %get3A_3471 {strides = array<i32>} : memref<32x1000xf32, #tpu.memory_space<vmem>>, vector<16xf32>,
      %get3A_3476 = arith.constant 27 : i32
      %get3A_3477 = arith.index_cast %get3A_3476 : i32 to index
      %get3A_3478 = arith.constant 32 : index
      %get3A_3479 = tpu.vector_load %arg10[%get3A_3477, %get3A_3478] {strides = array<i32>} : memref<32x128xf32, #tpu.memory_space<vmem>>, vector<16xf32>,
      %swap3A_3480 = arith.constant 27 : i32
      %swap3A_3481 = arith.index_cast %swap3A_3480 : i32 to index
      %swap3A_3482 = arith.constant 928 : index
      %swap3A_3483 = tpu.vector_load %arg8[%swap3A_3481, %swap3A_3482] {strides = array<i32>} : memref<32x1000xf32, #tpu.memory_space<vmem>>, vector<16xf32>,
      tpu.vector_store %arg8[%swap3A_3481, %swap3A_3482], %get3A_3479 {strides = array<i32>} : memref<32x1000xf32, #tpu.memory_space<vmem>>, vector<16xf32>,
      %get3A_3484 = arith.constant 27 : i32
      %get3A_3485 = arith.index_cast %get3A_3484 : i32 to index
      %get3A_3486 = arith.constant 48 : index
      %get3A_3487 = tpu.vector_load %arg10[%get3A_3485, %get3A_3486] {strides = array<i32>} : memref<32x128xf32, #tpu.memory_space<vmem>>, vector<16xf32>,
      %swap3A_3488 = arith.constant 27 : i32
      %swap3A_3489 = arith.index_cast %swap3A_3488 : i32 to index
      %swap3A_3490 = arith.constant 944 : index
      %swap3A_3491 = tpu.vector_load %arg8[%swap3A_3489, %swap3A_3490] {strides = array<i32>} : memref<32x1000xf32, #tpu.memory_space<vmem>>, vector<16xf32>,
      tpu.vector_store %arg8[%swap3A_3489, %swap3A_3490], %get3A_3487 {strides = array<i32>} : memref<32x1000xf32, #tpu.memory_space<vmem>>, vector<16xf32>,
      %get3A_3492 = arith.constant 27 : i32
      %get3A_3493 = arith.index_cast %get3A_3492 : i32 to index
      %get3A_3494 = arith.constant 64 : index
      %get3A_3495 = tpu.vector_load %arg10[%get3A_3493, %get3A_3494] {strides = array<i32>} : memref<32x128xf32, #tpu.memory_space<vmem>>, vector<16xf32>,
      %swap3A_3496 = arith.constant 27 : i32
      %swap3A_3497 = arith.index_cast %swap3A_3496 : i32 to index
      %swap3A_3498 = arith.constant 960 : index
      %swap3A_3499 = tpu.vector_load %arg8[%swap3A_3497, %swap3A_3498] {strides = array<i32>} : memref<32x1000xf32, #tpu.memory_space<vmem>>, vector<16xf32>,
      tpu.vector_store %arg8[%swap3A_3497, %swap3A_3498], %get3A_3495 {strides = array<i32>} : memref<32x1000xf32, #tpu.memory_space<vmem>>, vector<16xf32>,
      %get3A_3500 = arith.constant 27 : i32
      %get3A_3501 = arith.index_cast %get3A_3500 : i32 to index
      %get3A_3502 = arith.constant 80 : index
      %get3A_3503 = tpu.vector_load %arg10[%get3A_3501, %get3A_3502] {strides = array<i32>} : memref<32x128xf32, #tpu.memory_space<vmem>>, vector<16xf32>,
      %swap3A_3504 = arith.constant 27 : i32
      %swap3A_3505 = arith.index_cast %swap3A_3504 : i32 to index
      %swap3A_3506 = arith.constant 976 : index
      %swap3A_3507 = tpu.vector_load %arg8[%swap3A_3505, %swap3A_3506] {strides = array<i32>} : memref<32x1000xf32, #tpu.memory_space<vmem>>, vector<16xf32>,
      tpu.vector_store %arg8[%swap3A_3505, %swap3A_3506], %get3A_3503 {strides = array<i32>} : memref<32x1000xf32, #tpu.memory_space<vmem>>, vector<16xf32>,
      %get3A_3508 = arith.constant 27 : i32
      %get3A_3509 = arith.index_cast %get3A_3508 : i32 to index
      %get3A_3510 = arith.constant 96 : index
      %get3A_3511 = tpu.vector_load %arg10[%get3A_3509, %get3A_3510] {strides = array<i32>} : memref<32x128xf32, #tpu.memory_space<vmem>>, vector<16xf32>,
      %broadcast_in_dim3A_3512 = arith.constant 27 : i32
      %broadcast_in_dim3A_3513 = vector.broadcast %broadcast_in_dim3A_3512 : i32 to vector<16xi32>
      %add3A_3514 = arith.constant 992 : i32
      %add3A_3515 = vector.broadcast %add3A_3514 : i32 to vector<16xi32>
      %add3A_3516 = arith.addi %add3A_3515, %iota3A_1917 : vector<16xi32>
      tpu.vector_store_idx %arg8[%broadcast_in_dim3A_3513, %add3A_3516], %get3A_3511 masked %lt3A_1920 : memref<32x1000xf32, #tpu.memory_space<vmem>>[vector<16xi32>, vector<16xi32>], vector<16xf32>, vector<16xi1>
      %get3A_3517 = arith.constant 28 : i32
      %get3A_3518 = arith.index_cast %get3A_3517 : i32 to index
      %get3A_3519 = arith.constant 0 : index
      %get3A_3520 = tpu.vector_load %arg10[%get3A_3518, %get3A_3519] {strides = array<i32>} : memref<32x128xf32, #tpu.memory_space<vmem>>, vector<16xf32>,
      %swap3A_3521 = arith.constant 28 : i32
      %swap3A_3522 = arith.index_cast %swap3A_3521 : i32 to index
      %swap3A_3523 = arith.constant 896 : index
      %swap3A_3524 = tpu.vector_load %arg8[%swap3A_3522, %swap3A_3523] {strides = array<i32>} : memref<32x1000xf32, #tpu.memory_space<vmem>>, vector<16xf32>,
      tpu.vector_store %arg8[%swap3A_3522, %swap3A_3523], %get3A_3520 {strides = array<i32>} : memref<32x1000xf32, #tpu.memory_space<vmem>>, vector<16xf32>,
      %get3A_3525 = arith.constant 28 : i32
      %get3A_3526 = arith.index_cast %get3A_3525 : i32 to index
      %get3A_3527 = arith.constant 16 : index
      %get3A_3528 = tpu.vector_load %arg10[%get3A_3526, %get3A_3527] {strides = array<i32>} : memref<32x128xf32, #tpu.memory_space<vmem>>, vector<16xf32>,
      %swap3A_3529 = arith.constant 28 : i32
      %swap3A_3530 = arith.index_cast %swap3A_3529 : i32 to index
      %swap3A_3531 = arith.constant 912 : index
      %swap3A_3532 = tpu.vector_load %arg8[%swap3A_3530, %swap3A_3531] {strides = array<i32>} : memref<32x1000xf32, #tpu.memory_space<vmem>>, vector<16xf32>,
      tpu.vector_store %arg8[%swap3A_3530, %swap3A_3531], %get3A_3528 {strides = array<i32>} : memref<32x1000xf32, #tpu.memory_space<vmem>>, vector<16xf32>,
      %get3A_3533 = arith.constant 28 : i32
      %get3A_3534 = arith.index_cast %get3A_3533 : i32 to index
      %get3A_3535 = arith.constant 32 : index
      %get3A_3536 = tpu.vector_load %arg10[%get3A_3534, %get3A_3535] {strides = array<i32>} : memref<32x128xf32, #tpu.memory_space<vmem>>, vector<16xf32>,
      %swap3A_3537 = arith.constant 28 : i32
      %swap3A_3538 = arith.index_cast %swap3A_3537 : i32 to index
      %swap3A_3539 = arith.constant 928 : index
      %swap3A_3540 = tpu.vector_load %arg8[%swap3A_3538, %swap3A_3539] {strides = array<i32>} : memref<32x1000xf32, #tpu.memory_space<vmem>>, vector<16xf32>,
      tpu.vector_store %arg8[%swap3A_3538, %swap3A_3539], %get3A_3536 {strides = array<i32>} : memref<32x1000xf32, #tpu.memory_space<vmem>>, vector<16xf32>,
      %get3A_3541 = arith.constant 28 : i32
      %get3A_3542 = arith.index_cast %get3A_3541 : i32 to index
      %get3A_3543 = arith.constant 48 : index
      %get3A_3544 = tpu.vector_load %arg10[%get3A_3542, %get3A_3543] {strides = array<i32>} : memref<32x128xf32, #tpu.memory_space<vmem>>, vector<16xf32>,
      %swap3A_3545 = arith.constant 28 : i32
      %swap3A_3546 = arith.index_cast %swap3A_3545 : i32 to index
      %swap3A_3547 = arith.constant 944 : index
      %swap3A_3548 = tpu.vector_load %arg8[%swap3A_3546, %swap3A_3547] {strides = array<i32>} : memref<32x1000xf32, #tpu.memory_space<vmem>>, vector<16xf32>,
      tpu.vector_store %arg8[%swap3A_3546, %swap3A_3547], %get3A_3544 {strides = array<i32>} : memref<32x1000xf32, #tpu.memory_space<vmem>>, vector<16xf32>,
      %get3A_3549 = arith.constant 28 : i32
      %get3A_3550 = arith.index_cast %get3A_3549 : i32 to index
      %get3A_3551 = arith.constant 64 : index
      %get3A_3552 = tpu.vector_load %arg10[%get3A_3550, %get3A_3551] {strides = array<i32>} : memref<32x128xf32, #tpu.memory_space<vmem>>, vector<16xf32>,
      %swap3A_3553 = arith.constant 28 : i32
      %swap3A_3554 = arith.index_cast %swap3A_3553 : i32 to index
      %swap3A_3555 = arith.constant 960 : index
      %swap3A_3556 = tpu.vector_load %arg8[%swap3A_3554, %swap3A_3555] {strides = array<i32>} : memref<32x1000xf32, #tpu.memory_space<vmem>>, vector<16xf32>,
      tpu.vector_store %arg8[%swap3A_3554, %swap3A_3555], %get3A_3552 {strides = array<i32>} : memref<32x1000xf32, #tpu.memory_space<vmem>>, vector<16xf32>,
      %get3A_3557 = arith.constant 28 : i32
      %get3A_3558 = arith.index_cast %get3A_3557 : i32 to index
      %get3A_3559 = arith.constant 80 : index
      %get3A_3560 = tpu.vector_load %arg10[%get3A_3558, %get3A_3559] {strides = array<i32>} : memref<32x128xf32, #tpu.memory_space<vmem>>, vector<16xf32>,
      %swap3A_3561 = arith.constant 28 : i32
      %swap3A_3562 = arith.index_cast %swap3A_3561 : i32 to index
      %swap3A_3563 = arith.constant 976 : index
      %swap3A_3564 = tpu.vector_load %arg8[%swap3A_3562, %swap3A_3563] {strides = array<i32>} : memref<32x1000xf32, #tpu.memory_space<vmem>>, vector<16xf32>,
      tpu.vector_store %arg8[%swap3A_3562, %swap3A_3563], %get3A_3560 {strides = array<i32>} : memref<32x1000xf32, #tpu.memory_space<vmem>>, vector<16xf32>,
      %get3A_3565 = arith.constant 28 : i32
      %get3A_3566 = arith.index_cast %get3A_3565 : i32 to index
      %get3A_3567 = arith.constant 96 : index
      %get3A_3568 = tpu.vector_load %arg10[%get3A_3566, %get3A_3567] {strides = array<i32>} : memref<32x128xf32, #tpu.memory_space<vmem>>, vector<16xf32>,
      %broadcast_in_dim3A_3569 = arith.constant 28 : i32
      %broadcast_in_dim3A_3570 = vector.broadcast %broadcast_in_dim3A_3569 : i32 to vector<16xi32>
      %add3A_3571 = arith.constant 992 : i32
      %add3A_3572 = vector.broadcast %add3A_3571 : i32 to vector<16xi32>
      %add3A_3573 = arith.addi %add3A_3572, %iota3A_1917 : vector<16xi32>
      tpu.vector_store_idx %arg8[%broadcast_in_dim3A_3570, %add3A_3573], %get3A_3568 masked %lt3A_1920 : memref<32x1000xf32, #tpu.memory_space<vmem>>[vector<16xi32>, vector<16xi32>], vector<16xf32>, vector<16xi1>
      %get3A_3574 = arith.constant 29 : i32
      %get3A_3575 = arith.index_cast %get3A_3574 : i32 to index
      %get3A_3576 = arith.constant 0 : index
      %get3A_3577 = tpu.vector_load %arg10[%get3A_3575, %get3A_3576] {strides = array<i32>} : memref<32x128xf32, #tpu.memory_space<vmem>>, vector<16xf32>,
      %swap3A_3578 = arith.constant 29 : i32
      %swap3A_3579 = arith.index_cast %swap3A_3578 : i32 to index
      %swap3A_3580 = arith.constant 896 : index
      %swap3A_3581 = tpu.vector_load %arg8[%swap3A_3579, %swap3A_3580] {strides = array<i32>} : memref<32x1000xf32, #tpu.memory_space<vmem>>, vector<16xf32>,
      tpu.vector_store %arg8[%swap3A_3579, %swap3A_3580], %get3A_3577 {strides = array<i32>} : memref<32x1000xf32, #tpu.memory_space<vmem>>, vector<16xf32>,
      %get3A_3582 = arith.constant 29 : i32
      %get3A_3583 = arith.index_cast %get3A_3582 : i32 to index
      %get3A_3584 = arith.constant 16 : index
      %get3A_3585 = tpu.vector_load %arg10[%get3A_3583, %get3A_3584] {strides = array<i32>} : memref<32x128xf32, #tpu.memory_space<vmem>>, vector<16xf32>,
      %swap3A_3586 = arith.constant 29 : i32
      %swap3A_3587 = arith.index_cast %swap3A_3586 : i32 to index
      %swap3A_3588 = arith.constant 912 : index
      %swap3A_3589 = tpu.vector_load %arg8[%swap3A_3587, %swap3A_3588] {strides = array<i32>} : memref<32x1000xf32, #tpu.memory_space<vmem>>, vector<16xf32>,
      tpu.vector_store %arg8[%swap3A_3587, %swap3A_3588], %get3A_3585 {strides = array<i32>} : memref<32x1000xf32, #tpu.memory_space<vmem>>, vector<16xf32>,
      %get3A_3590 = arith.constant 29 : i32
      %get3A_3591 = arith.index_cast %get3A_3590 : i32 to index
      %get3A_3592 = arith.constant 32 : index
      %get3A_3593 = tpu.vector_load %arg10[%get3A_3591, %get3A_3592] {strides = array<i32>} : memref<32x128xf32, #tpu.memory_space<vmem>>, vector<16xf32>,
      %swap3A_3594 = arith.constant 29 : i32
      %swap3A_3595 = arith.index_cast %swap3A_3594 : i32 to index
      %swap3A_3596 = arith.constant 928 : index
      %swap3A_3597 = tpu.vector_load %arg8[%swap3A_3595, %swap3A_3596] {strides = array<i32>} : memref<32x1000xf32, #tpu.memory_space<vmem>>, vector<16xf32>,
      tpu.vector_store %arg8[%swap3A_3595, %swap3A_3596], %get3A_3593 {strides = array<i32>} : memref<32x1000xf32, #tpu.memory_space<vmem>>, vector<16xf32>,
      %get3A_3598 = arith.constant 29 : i32
      %get3A_3599 = arith.index_cast %get3A_3598 : i32 to index
      %get3A_3600 = arith.constant 48 : index
      %get3A_3601 = tpu.vector_load %arg10[%get3A_3599, %get3A_3600] {strides = array<i32>} : memref<32x128xf32, #tpu.memory_space<vmem>>, vector<16xf32>,
      %swap3A_3602 = arith.constant 29 : i32
      %swap3A_3603 = arith.index_cast %swap3A_3602 : i32 to index
      %swap3A_3604 = arith.constant 944 : index
      %swap3A_3605 = tpu.vector_load %arg8[%swap3A_3603, %swap3A_3604] {strides = array<i32>} : memref<32x1000xf32, #tpu.memory_space<vmem>>, vector<16xf32>,
      tpu.vector_store %arg8[%swap3A_3603, %swap3A_3604], %get3A_3601 {strides = array<i32>} : memref<32x1000xf32, #tpu.memory_space<vmem>>, vector<16xf32>,
      %get3A_3606 = arith.constant 29 : i32
      %get3A_3607 = arith.index_cast %get3A_3606 : i32 to index
      %get3A_3608 = arith.constant 64 : index
      %get3A_3609 = tpu.vector_load %arg10[%get3A_3607, %get3A_3608] {strides = array<i32>} : memref<32x128xf32, #tpu.memory_space<vmem>>, vector<16xf32>,
      %swap3A_3610 = arith.constant 29 : i32
      %swap3A_3611 = arith.index_cast %swap3A_3610 : i32 to index
      %swap3A_3612 = arith.constant 960 : index
      %swap3A_3613 = tpu.vector_load %arg8[%swap3A_3611, %swap3A_3612] {strides = array<i32>} : memref<32x1000xf32, #tpu.memory_space<vmem>>, vector<16xf32>,
      tpu.vector_store %arg8[%swap3A_3611, %swap3A_3612], %get3A_3609 {strides = array<i32>} : memref<32x1000xf32, #tpu.memory_space<vmem>>, vector<16xf32>,
      %get3A_3614 = arith.constant 29 : i32
      %get3A_3615 = arith.index_cast %get3A_3614 : i32 to index
      %get3A_3616 = arith.constant 80 : index
      %get3A_3617 = tpu.vector_load %arg10[%get3A_3615, %get3A_3616] {strides = array<i32>} : memref<32x128xf32, #tpu.memory_space<vmem>>, vector<16xf32>,
      %swap3A_3618 = arith.constant 29 : i32
      %swap3A_3619 = arith.index_cast %swap3A_3618 : i32 to index
      %swap3A_3620 = arith.constant 976 : index
      %swap3A_3621 = tpu.vector_load %arg8[%swap3A_3619, %swap3A_3620] {strides = array<i32>} : memref<32x1000xf32, #tpu.memory_space<vmem>>, vector<16xf32>,
      tpu.vector_store %arg8[%swap3A_3619, %swap3A_3620], %get3A_3617 {strides = array<i32>} : memref<32x1000xf32, #tpu.memory_space<vmem>>, vector<16xf32>,
      %get3A_3622 = arith.constant 29 : i32
      %get3A_3623 = arith.index_cast %get3A_3622 : i32 to index
      %get3A_3624 = arith.constant 96 : index
      %get3A_3625 = tpu.vector_load %arg10[%get3A_3623, %get3A_3624] {strides = array<i32>} : memref<32x128xf32, #tpu.memory_space<vmem>>, vector<16xf32>,
      %broadcast_in_dim3A_3626 = arith.constant 29 : i32
      %broadcast_in_dim3A_3627 = vector.broadcast %broadcast_in_dim3A_3626 : i32 to vector<16xi32>
      %add3A_3628 = arith.constant 992 : i32
      %add3A_3629 = vector.broadcast %add3A_3628 : i32 to vector<16xi32>
      %add3A_3630 = arith.addi %add3A_3629, %iota3A_1917 : vector<16xi32>
      tpu.vector_store_idx %arg8[%broadcast_in_dim3A_3627, %add3A_3630], %get3A_3625 masked %lt3A_1920 : memref<32x1000xf32, #tpu.memory_space<vmem>>[vector<16xi32>, vector<16xi32>], vector<16xf32>, vector<16xi1>
      %get3A_3631 = arith.constant 30 : i32
      %get3A_3632 = arith.index_cast %get3A_3631 : i32 to index
      %get3A_3633 = arith.constant 0 : index
      %get3A_3634 = tpu.vector_load %arg10[%get3A_3632, %get3A_3633] {strides = array<i32>} : memref<32x128xf32, #tpu.memory_space<vmem>>, vector<16xf32>,
      %swap3A_3635 = arith.constant 30 : i32
      %swap3A_3636 = arith.index_cast %swap3A_3635 : i32 to index
      %swap3A_3637 = arith.constant 896 : index
      %swap3A_3638 = tpu.vector_load %arg8[%swap3A_3636, %swap3A_3637] {strides = array<i32>} : memref<32x1000xf32, #tpu.memory_space<vmem>>, vector<16xf32>,
      tpu.vector_store %arg8[%swap3A_3636, %swap3A_3637], %get3A_3634 {strides = array<i32>} : memref<32x1000xf32, #tpu.memory_space<vmem>>, vector<16xf32>,
      %get3A_3639 = arith.constant 30 : i32
      %get3A_3640 = arith.index_cast %get3A_3639 : i32 to index
      %get3A_3641 = arith.constant 16 : index
      %get3A_3642 = tpu.vector_load %arg10[%get3A_3640, %get3A_3641] {strides = array<i32>} : memref<32x128xf32, #tpu.memory_space<vmem>>, vector<16xf32>,
      %swap3A_3643 = arith.constant 30 : i32
      %swap3A_3644 = arith.index_cast %swap3A_3643 : i32 to index
      %swap3A_3645 = arith.constant 912 : index
      %swap3A_3646 = tpu.vector_load %arg8[%swap3A_3644, %swap3A_3645] {strides = array<i32>} : memref<32x1000xf32, #tpu.memory_space<vmem>>, vector<16xf32>,
      tpu.vector_store %arg8[%swap3A_3644, %swap3A_3645], %get3A_3642 {strides = array<i32>} : memref<32x1000xf32, #tpu.memory_space<vmem>>, vector<16xf32>,
      %get3A_3647 = arith.constant 30 : i32
      %get3A_3648 = arith.index_cast %get3A_3647 : i32 to index
      %get3A_3649 = arith.constant 32 : index
      %get3A_3650 = tpu.vector_load %arg10[%get3A_3648, %get3A_3649] {strides = array<i32>} : memref<32x128xf32, #tpu.memory_space<vmem>>, vector<16xf32>,
      %swap3A_3651 = arith.constant 30 : i32
      %swap3A_3652 = arith.index_cast %swap3A_3651 : i32 to index
      %swap3A_3653 = arith.constant 928 : index
      %swap3A_3654 = tpu.vector_load %arg8[%swap3A_3652, %swap3A_3653] {strides = array<i32>} : memref<32x1000xf32, #tpu.memory_space<vmem>>, vector<16xf32>,
      tpu.vector_store %arg8[%swap3A_3652, %swap3A_3653], %get3A_3650 {strides = array<i32>} : memref<32x1000xf32, #tpu.memory_space<vmem>>, vector<16xf32>,
      %get3A_3655 = arith.constant 30 : i32
      %get3A_3656 = arith.index_cast %get3A_3655 : i32 to index
      %get3A_3657 = arith.constant 48 : index
      %get3A_3658 = tpu.vector_load %arg10[%get3A_3656, %get3A_3657] {strides = array<i32>} : memref<32x128xf32, #tpu.memory_space<vmem>>, vector<16xf32>,
      %swap3A_3659 = arith.constant 30 : i32
      %swap3A_3660 = arith.index_cast %swap3A_3659 : i32 to index
      %swap3A_3661 = arith.constant 944 : index
      %swap3A_3662 = tpu.vector_load %arg8[%swap3A_3660, %swap3A_3661] {strides = array<i32>} : memref<32x1000xf32, #tpu.memory_space<vmem>>, vector<16xf32>,
      tpu.vector_store %arg8[%swap3A_3660, %swap3A_3661], %get3A_3658 {strides = array<i32>} : memref<32x1000xf32, #tpu.memory_space<vmem>>, vector<16xf32>,
      %get3A_3663 = arith.constant 30 : i32
      %get3A_3664 = arith.index_cast %get3A_3663 : i32 to index
      %get3A_3665 = arith.constant 64 : index
      %get3A_3666 = tpu.vector_load %arg10[%get3A_3664, %get3A_3665] {strides = array<i32>} : memref<32x128xf32, #tpu.memory_space<vmem>>, vector<16xf32>,
      %swap3A_3667 = arith.constant 30 : i32
      %swap3A_3668 = arith.index_cast %swap3A_3667 : i32 to index
      %swap3A_3669 = arith.constant 960 : index
      %swap3A_3670 = tpu.vector_load %arg8[%swap3A_3668, %swap3A_3669] {strides = array<i32>} : memref<32x1000xf32, #tpu.memory_space<vmem>>, vector<16xf32>,
      tpu.vector_store %arg8[%swap3A_3668, %swap3A_3669], %get3A_3666 {strides = array<i32>} : memref<32x1000xf32, #tpu.memory_space<vmem>>, vector<16xf32>,
      %get3A_3671 = arith.constant 30 : i32
      %get3A_3672 = arith.index_cast %get3A_3671 : i32 to index
      %get3A_3673 = arith.constant 80 : index
      %get3A_3674 = tpu.vector_load %arg10[%get3A_3672, %get3A_3673] {strides = array<i32>} : memref<32x128xf32, #tpu.memory_space<vmem>>, vector<16xf32>,
      %swap3A_3675 = arith.constant 30 : i32
      %swap3A_3676 = arith.index_cast %swap3A_3675 : i32 to index
      %swap3A_3677 = arith.constant 976 : index
      %swap3A_3678 = tpu.vector_load %arg8[%swap3A_3676, %swap3A_3677] {strides = array<i32>} : memref<32x1000xf32, #tpu.memory_space<vmem>>, vector<16xf32>,
      tpu.vector_store %arg8[%swap3A_3676, %swap3A_3677], %get3A_3674 {strides = array<i32>} : memref<32x1000xf32, #tpu.memory_space<vmem>>, vector<16xf32>,
      %get3A_3679 = arith.constant 30 : i32
      %get3A_3680 = arith.index_cast %get3A_3679 : i32 to index
      %get3A_3681 = arith.constant 96 : index
      %get3A_3682 = tpu.vector_load %arg10[%get3A_3680, %get3A_3681] {strides = array<i32>} : memref<32x128xf32, #tpu.memory_space<vmem>>, vector<16xf32>,
      %broadcast_in_dim3A_3683 = arith.constant 30 : i32
      %broadcast_in_dim3A_3684 = vector.broadcast %broadcast_in_dim3A_3683 : i32 to vector<16xi32>
      %add3A_3685 = arith.constant 992 : i32
      %add3A_3686 = vector.broadcast %add3A_3685 : i32 to vector<16xi32>
      %add3A_3687 = arith.addi %add3A_3686, %iota3A_1917 : vector<16xi32>
      tpu.vector_store_idx %arg8[%broadcast_in_dim3A_3684, %add3A_3687], %get3A_3682 masked %lt3A_1920 : memref<32x1000xf32, #tpu.memory_space<vmem>>[vector<16xi32>, vector<16xi32>], vector<16xf32>, vector<16xi1>
      %get3A_3688 = arith.constant 31 : i32
      %get3A_3689 = arith.index_cast %get3A_3688 : i32 to index
      %get3A_3690 = arith.constant 0 : index
      %get3A_3691 = tpu.vector_load %arg10[%get3A_3689, %get3A_3690] {strides = array<i32>} : memref<32x128xf32, #tpu.memory_space<vmem>>, vector<16xf32>,
      %swap3A_3692 = arith.constant 31 : i32
      %swap3A_3693 = arith.index_cast %swap3A_3692 : i32 to index
      %swap3A_3694 = arith.constant 896 : index
      %swap3A_3695 = tpu.vector_load %arg8[%swap3A_3693, %swap3A_3694] {strides = array<i32>} : memref<32x1000xf32, #tpu.memory_space<vmem>>, vector<16xf32>,
      tpu.vector_store %arg8[%swap3A_3693, %swap3A_3694], %get3A_3691 {strides = array<i32>} : memref<32x1000xf32, #tpu.memory_space<vmem>>, vector<16xf32>,
      %get3A_3696 = arith.constant 31 : i32
      %get3A_3697 = arith.index_cast %get3A_3696 : i32 to index
      %get3A_3698 = arith.constant 16 : index
      %get3A_3699 = tpu.vector_load %arg10[%get3A_3697, %get3A_3698] {strides = array<i32>} : memref<32x128xf32, #tpu.memory_space<vmem>>, vector<16xf32>,
      %swap3A_3700 = arith.constant 31 : i32
      %swap3A_3701 = arith.index_cast %swap3A_3700 : i32 to index
      %swap3A_3702 = arith.constant 912 : index
      %swap3A_3703 = tpu.vector_load %arg8[%swap3A_3701, %swap3A_3702] {strides = array<i32>} : memref<32x1000xf32, #tpu.memory_space<vmem>>, vector<16xf32>,
      tpu.vector_store %arg8[%swap3A_3701, %swap3A_3702], %get3A_3699 {strides = array<i32>} : memref<32x1000xf32, #tpu.memory_space<vmem>>, vector<16xf32>,
      %get3A_3704 = arith.constant 31 : i32
      %get3A_3705 = arith.index_cast %get3A_3704 : i32 to index
      %get3A_3706 = arith.constant 32 : index
      %get3A_3707 = tpu.vector_load %arg10[%get3A_3705, %get3A_3706] {strides = array<i32>} : memref<32x128xf32, #tpu.memory_space<vmem>>, vector<16xf32>,
      %swap3A_3708 = arith.constant 31 : i32
      %swap3A_3709 = arith.index_cast %swap3A_3708 : i32 to index
      %swap3A_3710 = arith.constant 928 : index
      %swap3A_3711 = tpu.vector_load %arg8[%swap3A_3709, %swap3A_3710] {strides = array<i32>} : memref<32x1000xf32, #tpu.memory_space<vmem>>, vector<16xf32>,
      tpu.vector_store %arg8[%swap3A_3709, %swap3A_3710], %get3A_3707 {strides = array<i32>} : memref<32x1000xf32, #tpu.memory_space<vmem>>, vector<16xf32>,
      %get3A_3712 = arith.constant 31 : i32
      %get3A_3713 = arith.index_cast %get3A_3712 : i32 to index
      %get3A_3714 = arith.constant 48 : index
      %get3A_3715 = tpu.vector_load %arg10[%get3A_3713, %get3A_3714] {strides = array<i32>} : memref<32x128xf32, #tpu.memory_space<vmem>>, vector<16xf32>,
      %swap3A_3716 = arith.constant 31 : i32
      %swap3A_3717 = arith.index_cast %swap3A_3716 : i32 to index
      %swap3A_3718 = arith.constant 944 : index
      %swap3A_3719 = tpu.vector_load %arg8[%swap3A_3717, %swap3A_3718] {strides = array<i32>} : memref<32x1000xf32, #tpu.memory_space<vmem>>, vector<16xf32>,
      tpu.vector_store %arg8[%swap3A_3717, %swap3A_3718], %get3A_3715 {strides = array<i32>} : memref<32x1000xf32, #tpu.memory_space<vmem>>, vector<16xf32>,
      %get3A_3720 = arith.constant 31 : i32
      %get3A_3721 = arith.index_cast %get3A_3720 : i32 to index
      %get3A_3722 = arith.constant 64 : index
      %get3A_3723 = tpu.vector_load %arg10[%get3A_3721, %get3A_3722] {strides = array<i32>} : memref<32x128xf32, #tpu.memory_space<vmem>>, vector<16xf32>,
      %swap3A_3724 = arith.constant 31 : i32
      %swap3A_3725 = arith.index_cast %swap3A_3724 : i32 to index
      %swap3A_3726 = arith.constant 960 : index
      %swap3A_3727 = tpu.vector_load %arg8[%swap3A_3725, %swap3A_3726] {strides = array<i32>} : memref<32x1000xf32, #tpu.memory_space<vmem>>, vector<16xf32>,
      tpu.vector_store %arg8[%swap3A_3725, %swap3A_3726], %get3A_3723 {strides = array<i32>} : memref<32x1000xf32, #tpu.memory_space<vmem>>, vector<16xf32>,
      %get3A_3728 = arith.constant 31 : i32
      %get3A_3729 = arith.index_cast %get3A_3728 : i32 to index
      %get3A_3730 = arith.constant 80 : index
      %get3A_3731 = tpu.vector_load %arg10[%get3A_3729, %get3A_3730] {strides = array<i32>} : memref<32x128xf32, #tpu.memory_space<vmem>>, vector<16xf32>,
      %swap3A_3732 = arith.constant 31 : i32
      %swap3A_3733 = arith.index_cast %swap3A_3732 : i32 to index
      %swap3A_3734 = arith.constant 976 : index
      %swap3A_3735 = tpu.vector_load %arg8[%swap3A_3733, %swap3A_3734] {strides = array<i32>} : memref<32x1000xf32, #tpu.memory_space<vmem>>, vector<16xf32>,
      tpu.vector_store %arg8[%swap3A_3733, %swap3A_3734], %get3A_3731 {strides = array<i32>} : memref<32x1000xf32, #tpu.memory_space<vmem>>, vector<16xf32>,
      %get3A_3736 = arith.constant 31 : i32
      %get3A_3737 = arith.index_cast %get3A_3736 : i32 to index
      %get3A_3738 = arith.constant 96 : index
      %get3A_3739 = tpu.vector_load %arg10[%get3A_3737, %get3A_3738] {strides = array<i32>} : memref<32x128xf32, #tpu.memory_space<vmem>>, vector<16xf32>,
      %broadcast_in_dim3A_3740 = arith.constant 31 : i32
      %broadcast_in_dim3A_3741 = vector.broadcast %broadcast_in_dim3A_3740 : i32 to vector<16xi32>
      %add3A_3742 = arith.constant 992 : i32
      %add3A_3743 = vector.broadcast %add3A_3742 : i32 to vector<16xi32>
      %add3A_3744 = arith.addi %add3A_3743, %iota3A_1917 : vector<16xi32>
      tpu.vector_store_idx %arg8[%broadcast_in_dim3A_3741, %add3A_3744], %get3A_3739 masked %lt3A_1920 : memref<32x1000xf32, #tpu.memory_space<vmem>>[vector<16xi32>, vector<16xi32>], vector<16xf32>, vector<16xi1>
      %add3A_3745 = arith.constant 1 : i32
      %add3A_3746 = arith.addi %mul3A_60, %add3A_3745 : i32
      %mul3A_3747 = arith.constant 32 : i32
      %mul3A_3748 = arith.muli %add3A_3746, %mul3A_3747 : i32
      %add3A_3749 = arith.addi %mul3A_2, %mul3A_3748 : i32
      %dma_start3A_3750 = arith.constant 0 : i32
      %dma_start3A_3751 = tpu.memref_slice %arg5[%add3A_3749, %dma_start3A_3750] : memref<204800x1000xf32, #tpu.memory_space<hbm>> -> memref<32x1000xf32, #tpu.memory_space<hbm>>
      %dma_start3A_3752 = arith.constant 0 : i32
      %dma_start3A_3753 = tpu.memref_slice %arg5[%add3A_3749, %dma_start3A_3752] : memref<204800x1000xf32, #tpu.memory_space<hbm>> -> memref<32x1000xf32, #tpu.memory_space<hbm>>
      tpu.enqueue_dma source(%arg8 : memref<32x1000xf32, #tpu.memory_space<vmem>>) target(%dma_start3A_3753 : memref<32x1000xf32, #tpu.memory_space<hbm>>) target_semaphore(%arg14 : memref<!tpu.dma_semaphore, #tpu.memory_space<semaphore_mem>>)
      %dma_wait3A_3754 = arith.constant 0 : i32
      %dma_wait3A_3755 = tpu.memref_slice %arg5[%mul3A_2, %dma_wait3A_3754] : memref<204800x1000xf32, #tpu.memory_space<hbm>> -> memref<32x1000xf32, #tpu.memory_space<hbm>>
      %dma_wait3A_3756 = arith.constant 0 : i32
      %dma_wait3A_3757 = tpu.memref_slice %arg5[%mul3A_2, %dma_wait3A_3756] : memref<204800x1000xf32, #tpu.memory_space<hbm>> -> memref<32x1000xf32, #tpu.memory_space<hbm>>
      tpu.wait_dma2 semaphore(%arg13 : memref<!tpu.dma_semaphore, #tpu.memory_space<semaphore_mem>>) src(%arg7 : memref<32x1000xf32, #tpu.memory_space<vmem>>) dst(%dma_wait3A_3757 : memref<32x1000xf32, #tpu.memory_space<hbm>>)
      %add3A_3758 = arith.constant 2 : i32
      %add3A_3759 = arith.addi %mul3A_60, %add3A_3758 : i32
      %min3A = arith.constant 198 : i32
      %min3A_3760 = arith.minsi %add3A_3759, %min3A : i32
      %mul3A_3761 = arith.constant 32 : i32
      %mul3A_3762 = arith.muli %min3A_3760, %mul3A_3761 : i32
      %dma_start3A_3763 = arith.constant 0 : i32
      %dma_start3A_3764 = arith.constant 0 : i32
      %dma_start3A_3765 = tpu.memref_slice %arg7[%dma_start3A_3763, %dma_start3A_3764] : memref<32x1000xf32, #tpu.memory_space<vmem>> -> memref<32x896xf32, #tpu.memory_space<vmem>>
      %dma_start3A_3766 = tpu.memref_slice %arg6[%mul3A_3762] : memref<6400xi32, #tpu.memory_space<vmem>> -> memref<32xi32, #tpu.memory_space<vmem>>
      %dma_start3A_3767 = arith.constant 0 : i32
      %dma_start3A_3768 = arith.constant 0 : i32
      %dma_start3A_3769 = tpu.memref_slice %arg2[%dma_start3A_3767, %dma_start3A_3768] : memref<1000x896xf32, #tpu.memory_space<hbm>> -> memref<1000x896xf32, #tpu.memory_space<hbm>>
      tpu.enqueue_indirect_dma source(%dma_start3A_3769 : memref<1000x896xf32, #tpu.memory_space<hbm>>) target(%dma_start3A_3765 : memref<32x896xf32, #tpu.memory_space<vmem>>) offsets(%dma_start3A_3766 : memref<32xi32, #tpu.memory_space<vmem>>) semaphore(%arg11 : memref<!tpu.dma_semaphore, #tpu.memory_space<semaphore_mem>>)
      %dma_start3A_3770 = tpu.memref_slice %arg6[%mul3A_3762] : memref<6400xi32, #tpu.memory_space<vmem>> -> memref<32xi32, #tpu.memory_space<vmem>>
      %dma_start3A_3771 = arith.constant 0 : i32
      %dma_start3A_3772 = arith.constant 0 : i32
      %dma_start3A_3773 = tpu.memref_slice %arg3[%dma_start3A_3771, %dma_start3A_3772] : memref<1000x128xf32, #tpu.memory_space<hbm>> -> memref<1000x128xf32, #tpu.memory_space<hbm>>
      tpu.enqueue_indirect_dma source(%dma_start3A_3773 : memref<1000x128xf32, #tpu.memory_space<hbm>>) target(%arg9 : memref<32x128xf32, #tpu.memory_space<vmem>>) offsets(%dma_start3A_3770 : memref<32xi32, #tpu.memory_space<vmem>>) semaphore(%arg11 : memref<!tpu.dma_semaphore, #tpu.memory_space<semaphore_mem>>)
      %dma_wait3A_3774 = arith.constant 0 : i32
      %dma_wait3A_3775 = tpu.memref_slice %arg5[%mul3A_2, %dma_wait3A_3774] : memref<204800x1000xf32, #tpu.memory_space<hbm>> -> memref<32x1000xf32, #tpu.memory_space<hbm>>
      %dma_wait3A_3776 = arith.constant 0 : i32
      %dma_wait3A_3777 = tpu.memref_slice %arg5[%mul3A_2, %dma_wait3A_3776] : memref<204800x1000xf32, #tpu.memory_space<hbm>> -> memref<32x1000xf32, #tpu.memory_space<hbm>>
      tpu.wait_dma2 semaphore(%arg14 : memref<!tpu.dma_semaphore, #tpu.memory_space<semaphore_mem>>) src(%arg8 : memref<32x1000xf32, #tpu.memory_space<vmem>>) dst(%dma_wait3A_3777 : memref<32x1000xf32, #tpu.memory_space<hbm>>)
      %add3A_3778 = arith.constant 3 : i32
      %add3A_3779 = arith.addi %mul3A_60, %add3A_3778 : i32
      %min3A_3780 = arith.constant 199 : i32
      %min3A_3781 = arith.minsi %add3A_3779, %min3A_3780 : i32
      %mul3A_3782 = arith.constant 32 : i32
      %mul3A_3783 = arith.muli %min3A_3781, %mul3A_3782 : i32
      %dma_start3A_3784 = arith.constant 0 : i32
      %dma_start3A_3785 = arith.constant 0 : i32
      %dma_start3A_3786 = tpu.memref_slice %arg8[%dma_start3A_3784, %dma_start3A_3785] : memref<32x1000xf32, #tpu.memory_space<vmem>> -> memref<32x896xf32, #tpu.memory_space<vmem>>
      %dma_start3A_3787 = tpu.memref_slice %arg6[%mul3A_3783] : memref<6400xi32, #tpu.memory_space<vmem>> -> memref<32xi32, #tpu.memory_space<vmem>>
      %dma_start3A_3788 = arith.constant 0 : i32
      %dma_start3A_3789 = arith.constant 0 : i32
      %dma_start3A_3790 = tpu.memref_slice %arg2[%dma_start3A_3788, %dma_start3A_3789] : memref<1000x896xf32, #tpu.memory_space<hbm>> -> memref<1000x896xf32, #tpu.memory_space<hbm>>
      tpu.enqueue_indirect_dma source(%dma_start3A_3790 : memref<1000x896xf32, #tpu.memory_space<hbm>>) target(%dma_start3A_3786 : memref<32x896xf32, #tpu.memory_space<vmem>>) offsets(%dma_start3A_3787 : memref<32xi32, #tpu.memory_space<vmem>>) semaphore(%arg12 : memref<!tpu.dma_semaphore, #tpu.memory_space<semaphore_mem>>)
      %dma_start3A_3791 = tpu.memref_slice %arg6[%mul3A_3783] : memref<6400xi32, #tpu.memory_space<vmem>> -> memref<32xi32, #tpu.memory_space<vmem>>
      %dma_start3A_3792 = arith.constant 0 : i32
      %dma_start3A_3793 = arith.constant 0 : i32
      %dma_start3A_3794 = tpu.memref_slice %arg3[%dma_start3A_3792, %dma_start3A_3793] : memref<1000x128xf32, #tpu.memory_space<hbm>> -> memref<1000x128xf32, #tpu.memory_space<hbm>>
      tpu.enqueue_indirect_dma source(%dma_start3A_3794 : memref<1000x128xf32, #tpu.memory_space<hbm>>) target(%arg10 : memref<32x128xf32, #tpu.memory_space<vmem>>) offsets(%dma_start3A_3791 : memref<32xi32, #tpu.memory_space<vmem>>) semaphore(%arg12 : memref<!tpu.dma_semaphore, #tpu.memory_space<semaphore_mem>>)
    }
    %scan3A_32 = arith.constant 100 : i32
    %dma_wait3A = arith.constant 0 : i32
    %dma_wait3A_33 = arith.constant 0 : i32
    %dma_wait3A_34 = tpu.memref_slice %arg7[%dma_wait3A, %dma_wait3A_33] : memref<32x1000xf32, #tpu.memory_space<vmem>> -> memref<32x896xf32, #tpu.memory_space<vmem>>
    %dma_wait3A_35 = arith.constant 0 : i32
    %dma_wait3A_36 = tpu.memref_slice %arg6[%dma_wait3A_35] : memref<6400xi32, #tpu.memory_space<vmem>> -> memref<32xi32, #tpu.memory_space<vmem>>
    %dma_wait3A_37 = arith.constant 0 : i32
    %dma_wait3A_38 = arith.constant 0 : i32
    %dma_wait3A_39 = tpu.memref_slice %arg2[%dma_wait3A_37, %dma_wait3A_38] : memref<1000x896xf32, #tpu.memory_space<hbm>> -> memref<1000x896xf32, #tpu.memory_space<hbm>>
    tpu.wait_indirect_dma semaphore(%arg11 : memref<!tpu.dma_semaphore, #tpu.memory_space<semaphore_mem>>) src(%dma_wait3A_39 : memref<1000x896xf32, #tpu.memory_space<hbm>>) dst(%dma_wait3A_34 : memref<32x896xf32, #tpu.memory_space<vmem>>)
    %dma_wait3A_40 = arith.constant 0 : i32
    %dma_wait3A_41 = tpu.memref_slice %arg6[%dma_wait3A_40] : memref<6400xi32, #tpu.memory_space<vmem>> -> memref<32xi32, #tpu.memory_space<vmem>>
    %dma_wait3A_42 = arith.constant 0 : i32
    %dma_wait3A_43 = arith.constant 0 : i32
    %dma_wait3A_44 = tpu.memref_slice %arg3[%dma_wait3A_42, %dma_wait3A_43] : memref<1000x128xf32, #tpu.memory_space<hbm>> -> memref<1000x128xf32, #tpu.memory_space<hbm>>
    tpu.wait_indirect_dma semaphore(%arg11 : memref<!tpu.dma_semaphore, #tpu.memory_space<semaphore_mem>>) src(%dma_wait3A_44 : memref<1000x128xf32, #tpu.memory_space<hbm>>) dst(%arg9 : memref<32x128xf32, #tpu.memory_space<vmem>>)
    %dma_wait3A_45 = arith.constant 0 : i32
    %dma_wait3A_46 = arith.constant 0 : i32
    %dma_wait3A_47 = tpu.memref_slice %arg8[%dma_wait3A_45, %dma_wait3A_46] : memref<32x1000xf32, #tpu.memory_space<vmem>> -> memref<32x896xf32, #tpu.memory_space<vmem>>
    %dma_wait3A_48 = arith.constant 0 : i32
    %dma_wait3A_49 = tpu.memref_slice %arg6[%dma_wait3A_48] : memref<6400xi32, #tpu.memory_space<vmem>> -> memref<32xi32, #tpu.memory_space<vmem>>
    %dma_wait3A_50 = arith.constant 0 : i32
    %dma_wait3A_51 = arith.constant 0 : i32
    %dma_wait3A_52 = tpu.memref_slice %arg2[%dma_wait3A_50, %dma_wait3A_51] : memref<1000x896xf32, #tpu.memory_space<hbm>> -> memref<1000x896xf32, #tpu.memory_space<hbm>>
    tpu.wait_indirect_dma semaphore(%arg12 : memref<!tpu.dma_semaphore, #tpu.memory_space<semaphore_mem>>) src(%dma_wait3A_52 : memref<1000x896xf32, #tpu.memory_space<hbm>>) dst(%dma_wait3A_47 : memref<32x896xf32, #tpu.memory_space<vmem>>)
    %dma_wait3A_53 = arith.constant 0 : i32
    %dma_wait3A_54 = tpu.memref_slice %arg6[%dma_wait3A_53] : memref<6400xi32, #tpu.memory_space<vmem>> -> memref<32xi32, #tpu.memory_space<vmem>>
    %dma_wait3A_55 = arith.constant 0 : i32
    %dma_wait3A_56 = arith.constant 0 : i32
    %dma_wait3A_57 = tpu.memref_slice %arg3[%dma_wait3A_55, %dma_wait3A_56] : memref<1000x128xf32, #tpu.memory_space<hbm>> -> memref<1000x128xf32, #tpu.memory_space<hbm>>
    tpu.wait_indirect_dma semaphore(%arg12 : memref<!tpu.dma_semaphore, #tpu.memory_space<semaphore_mem>>) src(%dma_wait3A_57 : memref<1000x128xf32, #tpu.memory_space<hbm>>) dst(%arg10 : memref<32x128xf32, #tpu.memory_space<vmem>>)
    return
  }
}

module attributes {stable_mosaic.version = 14 : i64} {
  func.func @_table_body(%arg0: memref<1000x32xf32, #tpu.memory_space<vmem>>, %arg1: memref<32x896xf32, #tpu.memory_space<vmem>>, %arg2: memref<32x128xf32, #tpu.memory_space<vmem>>, %arg3: memref<1x896xf32, #tpu.memory_space<vmem>>, %arg4: memref<1x128xf32, #tpu.memory_space<vmem>>, %arg5: memref<1000x896xf32, #tpu.memory_space<vmem>>, %arg6: memref<1000x128xf32, #tpu.memory_space<vmem>>) attributes {dimension_semantics = [], scalar_prefetch = 0 : i64, scratch_operands = 0 : i64, tpu.core_type = #tpu.core_type<tc>} {
    %get3A = arith.constant 0 : index
    %get3A_0 = arith.constant 0 : index
    %get3A_1 = vector.load %arg0[%get3A, %get3A_0] : memref<1000x32xf32, #tpu.memory_space<vmem>>, vector<1000x32xf32>
    %get3A_2 = arith.constant 0 : index
    %get3A_3 = arith.constant 0 : index
    %get3A_4 = vector.load %arg1[%get3A_2, %get3A_3] : memref<32x896xf32, #tpu.memory_space<vmem>>, vector<32x896xf32>
    %dot_general3A = arith.constant dense<0.000000e+00> : vector<1000x896xf32>
    %dot_general3A_5 = tpu.matmul %get3A_1, %get3A_4, %dot_general3A {dimension_numbers = #tpu.dot_dimension_numbers<[1], [0], [0], [1], [0, 0, 1, 1], [], []>, transpose_lhs_hint = false} : vector<1000x32xf32>, vector<32x896xf32>, vector<1000x896xf32> -> vector<1000x896xf32>
    %get3A_6 = arith.constant 0 : index
    %get3A_7 = arith.constant 0 : index
    %get3A_8 = vector.load %arg3[%get3A_6, %get3A_7] : memref<1x896xf32, #tpu.memory_space<vmem>>, vector<1x896xf32>
    %add3A = vector.broadcast %get3A_8 : vector<1x896xf32> to vector<1000x896xf32>
    %add3A_9 = arith.addf %dot_general3A_5, %add3A : vector<1000x896xf32>
    %swap3A = arith.constant 0 : index
    %swap3A_10 = arith.constant 0 : index
    %swap3A_11 = vector.load %arg5[%swap3A, %swap3A_10] : memref<1000x896xf32, #tpu.memory_space<vmem>>, vector<1000x896xf32>
    tpu.vector_store %arg5[%swap3A, %swap3A_10], %add3A_9 {strides = array<i32>} : memref<1000x896xf32, #tpu.memory_space<vmem>>, vector<1000x896xf32>,
    %get3A_12 = arith.constant 0 : index
    %get3A_13 = arith.constant 0 : index
    %get3A_14 = vector.load %arg2[%get3A_12, %get3A_13] : memref<32x128xf32, #tpu.memory_space<vmem>>, vector<32x128xf32>
    %dot_general3A_15 = arith.constant dense<0.000000e+00> : vector<1000x128xf32>
    %dot_general3A_16 = tpu.matmul %get3A_1, %get3A_14, %dot_general3A_15 {dimension_numbers = #tpu.dot_dimension_numbers<[1], [0], [0], [1], [0, 0, 1, 1], [], []>, transpose_lhs_hint = false} : vector<1000x32xf32>, vector<32x128xf32>, vector<1000x128xf32> -> vector<1000x128xf32>
    %get3A_17 = arith.constant 0 : index
    %get3A_18 = arith.constant 0 : index
    %get3A_19 = vector.load %arg4[%get3A_17, %get3A_18] : memref<1x128xf32, #tpu.memory_space<vmem>>, vector<1x128xf32>
    %add3A_20 = vector.broadcast %get3A_19 : vector<1x128xf32> to vector<1000x128xf32>
    %add3A_21 = arith.addf %dot_general3A_16, %add3A_20 : vector<1000x128xf32>
    %swap3A_22 = arith.constant 0 : index
    %swap3A_23 = arith.constant 0 : index
    %swap3A_24 = vector.load %arg6[%swap3A_22, %swap3A_23] : memref<1000x128xf32, #tpu.memory_space<vmem>>, vector<1000x128xf32>
    tpu.vector_store %arg6[%swap3A_22, %swap3A_23], %add3A_21 {strides = array<i32>} : memref<1000x128xf32, #tpu.memory_space<vmem>>, vector<1000x128xf32>,
    return
  }
}

</mosaic_0001>

<sc_bundles>
// kernel: kernel.4.cloned.1.call-start
scs
__scs_entry_jumppad:
0x0: {  	(pc) =	sbr.rel $0x88, $3  }
0x1: {  	(tag) =	ssettag $0x0;
	lr =	simm.s32 $0x1  }
0x2: {  	[smem:$0x3F9D] =	sst lr;
	_ =	strace $0xD0000000  }
0x3: {  	_ = 	snop  }
0x4: {  	_ = 	snop  }
0x5: {  	_ = 	snop  }
0x6: {  	_ = 	snop  }
0x7: {  	_ = 	snop  }
__scs_overlays_trampoline_lowered:
0x8: {  	[smem:$0x3FAC] =	sst s0  }
0x9: {  	[smem:$0x3FAD] =	sst s1  }
0xa: {  	[smem:$0x3FAE] =	sst s2  }
0xb: {  	[smem:$0x3FAF] =	sst s3  }
0xc: {  	[smem:$0x3FB0] =	sst s4  }
0xd: {  	[smem:$0x3FB1] =	sst s5  }
0xe: {  	[smem:$0x3FB2] =	sst s6  }
0xf: {  	[smem:$0x3FB3] =	sst s7  }
0x10: {  	[smem:$0x3FB4] =	sst s8  }
0x11: {  	[smem:$0x3FB5] =	sst s9;
	s0 =	simm.s32 @!p0 $0x0  }
0x12: {  	s1 =	sld [smem:$0x3F9B];
	s0 =	simm.s32 @p0 $0x1  }
0x13: {  	[smem:$0x3FB6] =	sst s0;
	s0 =	simm.s32 @!p1 $0x0  }
0x14: {  	s2 =	sld [smem:$0x3F9A];
	s0 =	simm.s32 @p1 $0x1  }
0x15: {  	[smem:$0x3FB7] =	sst s0;
	s0 =	simm.s32 @!p2 $0x0  }
0x16: {  	s3 =	sld [smem:$0x3FDB];
	s0 =	simm.s32 @p2 $0x1  }
0x17: {  	s4 =	simm.s32 $0x1BF5;
	[smem:$0x3FB9] =	sst s0  }
0x18: {  	s0 =	sld [smem:$0x3F9C];
	_ =	swait.ge [sflag:s4], $0x0  }
0x19: {  	s7 =	sld [smem:$0x3F9D]  }
0x1a: {  	s8 =	sadd.s32 $0xFFFFE003, lr  }
0x1b: {  	s9 =	sadd.s32 $0xFFFFFEF7, lr;
	s5 =	simm.s32 $0xFFFFFFFF;
	p2 =	slt.u32 s8, $0xFFFFF086  }
0x1c: {  	p1 =	slt.u32 s9, $0xF7A;
	s5 =	simm.s32 @!p2 $0x0  }
0x1d: {  	s5 =	simm.s32 @p1 $0x1;
	p0 =	seq.s32 s7, s2  }
0x1e: {  	s7 =	smul.u32 @!p0 $0xF7A, s2;
	p2 =	seq.s32 @!p0 s5, $0x0  }
0x1f: {  	s9 =	smul.u32 $0xF7A, s1;
	s8 =	simm.s32 @!p0 $0x1BF5;
	p2 =	por !p2, p0  }
0x20: {  	[sflag:s8] =	ssyncset.s32 @!p0 $0xFFFFF086;
	s6 =	sadd.s32 @!p0 s3, s7;
	s7 =	simm.s32 @!p0 $0x108  }
0x21: {  	s3 =	sadd.s32 s3, s9;
	s6 =	sadd.s32 @!p0 $0x88, s6;
	s7 =	simm.s32 @p2 $0x1082  }
0x22: {  	[simem:s7], [sflag:s8] =	dma.local @!p0 [hbm:s6], $0xF7A  }
0x23: {  	s9 =	sor.u32 $0xD0000000, s2;
	s6 =	simm.s32 $0x108;
	_ =	swait.ge @!p0 [sflag:s8], $0x0  }
0x24: {  	s3 =	sadd.s32 $0x88, s3;
	s6 =	simm.s32 @!p1 $0x1082;
	[sflag:s4] =	ssyncset.s32 $0xFFFFF086  }
0x25: {  	[simem:s6], [sflag:s4] =	dma.local [hbm:s3], $0xF7A  }
0x26: {  	[smem:$0x3F9D] =	sst s1;
	(tag) =	ssettag s2;
	_ =	strace s9  }
0x27: {  	s1 =	sld [smem:$0x3FAD]  }
0x28: {  	s2 =	sld [smem:$0x3FAE]  }
0x29: {  	s4 =	sld [smem:$0x3FB0]  }
0x2a: {  	p0 =	seq.s32 s5, $0x0;
	s5 =	sld [smem:$0x3FB1]  }
0x2b: {  	s6 =	sld [smem:$0x3FB2]  }
0x2c: {  	s7 =	sld [smem:$0x3FB3]  }
0x2d: {  	s3 =	simm.s32 $0x108;
	s8 =	sld [smem:$0x3FB4]  }
0x2e: {  	s3 =	simm.s32 @!p0 $0x1082;
	s9 =	sld [smem:$0x3FB5]  }
0x2f: {  	lr =	sadd.s32 s0, s3;
	s0 =	sld [smem:$0x3FAC]  }
0x30: {  	s3 =	sld [smem:$0x3FAF]  }
0x31: {  	[smem:$0x3FB8] =	sst s10  }
0x32: {  	s10 =	sld [smem:$0x3FB6];
	_ =	sdelay $0x3  }
0x33: {  	p0 =	seq.s32 s10, $0x1;
	s10 =	sld [smem:$0x3FB8];
	_ =	sdelay $0x3  }
0x34: {  	[smem:$0x3FB8] =	sst s10  }
0x35: {  	s10 =	sld [smem:$0x3FB7];
	_ =	sdelay $0x3  }
0x36: {  	p1 =	seq.s32 s10, $0x1;
	s10 =	sld [smem:$0x3FB8];
	_ =	sdelay $0x3  }
0x37: {  	[smem:$0x3FB8] =	sst s10  }
0x38: {  	s10 =	sld [smem:$0x3FB9]  }
0x39: {  	_ = 	snop;
	(pc) =	sbr.ind lr, $3  }
0x3a: {  	_ = 	snop  }
0x3b: {  	_ = 	snop  }
0x3c: {  	p2 =	seq.s32 s10, $0x1;
	s10 =	sld [smem:$0x3FB8]  }
0x3d: {  	_ =	shalt  }
0x3e: {  	_ =	shalt  }
0x3f: {  	_ =	shalt  }
0x40: {  	_ =	shalt  }
0x41: {  	_ =	shalt  }
0x42: {  	_ =	shalt  }
0x43: {  	_ =	shalt  }
0x44: {  	_ =	shalt  }
0x45: {  	_ =	shalt  }
0x46: {  	_ =	shalt  }
0x47: {  	_ =	shalt  }
0x48: {  	_ =	shalt  }
0x49: {  	_ =	shalt  }
0x4a: {  	_ =	shalt  }
0x4b: {  	_ =	shalt  }
0x4c: {  	_ =	shalt  }
0x4d: {  	_ =	shalt  }
0x4e: {  	_ =	shalt  }
0x4f: {  	_ =	shalt  }
0x50: {  	_ =	shalt  }
0x51: {  	_ =	shalt  }
0x52: {  	_ =	shalt  }
0x53: {  	_ =	shalt  }
0x54: {  	_ =	shalt  }
0x55: {  	_ =	shalt  }
0x56: {  	_ =	shalt  }
0x57: {  	_ =	shalt  }
0x58: {  	_ =	shalt  }
0x59: {  	_ =	shalt  }
0x5a: {  	_ =	shalt  }
0x5b: {  	_ =	shalt  }
0x5c: {  	_ =	shalt  }
0x5d: {  	_ =	shalt  }
0x5e: {  	_ =	shalt  }
0x5f: {  	_ =	shalt  }
0x60: {  	_ =	shalt  }
0x61: {  	_ =	shalt  }
0x62: {  	_ =	shalt  }
0x63: {  	_ =	shalt  }
0x64: {  	_ =	shalt  }
0x65: {  	_ =	shalt  }
0x66: {  	_ =	shalt  }
0x67: {  	_ =	shalt  }
0x68: {  	_ =	shalt  }
0x69: {  	_ =	shalt  }
0x6a: {  	_ =	shalt  }
0x6b: {  	_ =	shalt  }
0x6c: {  	_ =	shalt  }
0x6d: {  	_ =	shalt  }
0x6e: {  	_ =	shalt  }
0x6f: {  	_ =	shalt  }
0x70: {  	_ =	shalt  }
0x71: {  	_ =	shalt  }
0x72: {  	_ =	shalt  }
0x73: {  	_ =	shalt  }
0x74: {  	_ =	shalt  }
0x75: {  	_ =	shalt  }
0x76: {  	_ =	shalt  }
0x77: {  	_ =	shalt  }
0x78: {  	_ =	shalt  }
0x79: {  	_ =	shalt  }
0x7a: {  	_ =	shalt  }
0x7b: {  	_ =	shalt  }
0x7c: {  	_ =	shalt  }
0x7d: {  	_ =	shalt  }
0x7e: {  	_ =	shalt  }
0x7f: {  	_ =	shalt  }
0x80: {  	_ =	shalt  }
0x81: {  	_ =	shalt  }
0x82: {  	_ =	shalt  }
0x83: {  	_ =	shalt  }
0x84: {  	_ =	shalt  }
0x85: {  	_ =	shalt  }
0x86: {  	_ =	shalt  }
0x87: {  	_ =	shalt  }
.Lfunc_end0:
.L_simem_size_0:
called_computation.1_lowered:
.L_overlay_start_0:
0x88: {  	s2 =	sld [smem:$0x3FD9]  }
0x89: {  	s3 =	sld [smem:$0x3FFE];
	_ =	sdelay $0x1  }
0x8a: {  	s1 =	srdreg.scid  }
0x8b: {  	s0 =	sand.u32 $0x1, s1  }
0x8c: {  	s17 =	sshll.u32 s0, $0xA;
	s2 =	sadd.s32 s3, s2  }
0x8d: {  	s2 =	sadd.s32 s2, s17  }
0x8e: {  	[smem:$0x3FC4] =	sst s2  }
0x8f: {  	_ = 	snop  }
0x90: {  	s2 =	sld [smem:$0x3FD0];
	(tm) =	ssettm $0x1  }
0x91: {  	s18 =	sld [smem:$0x3FFB];
	_ =	sdelay $0x3  }
0x92: {  	_ =	strace s18  }
0x93: {  	s3 =	sld [smem:$0x3FFC];
	_ =	sdelay $0x3  }
0x94: {  	_ =	strace s3  }
0x95: {  	s3 =	sld [smem:$0x3FFD];
	_ =	sdelay $0x3  }
0x96: {  	_ =	strace s3  }
0x97: {  	_ =	strace $0x8FFFFFFF  }
0x98: {  	s19 =	sld [smem:$0x3FDB];
	_ =	sdelay $0x1  }
0x99: {  	s4 =	simm.s32 $_scs_section_size  }
0x9a: {  	s5 =	simm.s32 $_size__tile_overlayer_lowered;
	s6 =	simm.s32 $_tile_overlayer_lowered  }
0x9b: {  	s22 =	simm.s32 $0x1BFF;
	s21 =	sshll.u32 s6, $0x1;
	s3 =	sadd.s32 s4, s19  }
0x9c: {  	s7 =	simm.s32 $0x0;
	s20 =	sshll.u32 s5, $0x1;
	s5 =	sadd.s32 s21, s3  }
0x9d: {  	[timem:s7], [sflag:s22] =	dma.local [hbm:s5], s20  }
0x9e: {  	_ =	swait.ge [sflag:s22], s20  }
0x9f: {  	s4 =	ssub.s32 $0x0, s20;
	[sflag:s22] =	ssyncset.done $0x0  }
0xa0: {  	[sflag:s22] =	ssyncadd.s32 s4;
	_ =	sdelay $0x1  }
0xa1: {  	s23 =	simm.s32 $0x1B8B  }
0xa2: {  	_ =	swait.ge [sflag:s23], $0x1  }
0xa3: {  	[sflag:s23] =	ssyncset.done $0x0  }
0xa4: {  	s25 =	simm.s32 $0x1B8E;
	s24 =	sld [smem:$0x3FFE];
	[sflag:s23] =	ssyncadd.s32 $0xFFFFFFFF  }
0xa5: {  	s26 =	simm.s32 $execute0_lowered;
	[smem:$0x3FD2] =	sst s25  }
0xa6: {  	s5 =	sshll.u32 s26, $0x1;
	_ =	strace $0x80000046;
	[dreg:$0x1] =	wrdreg $0xFFFFFFFF  }
0xa7: {  	s28 =	simm.s32 $_size_execute0_lowered;
	s3 =	sadd.s32 s3, s5;
	[dreg:$0x0] =	wrdreg $0x0  }
0xa8: {  	s5 =	sshll.u32 s28, $0x1;
	[dreg:$0x2] =	wrdreg s3  }
0xa9: {  	[dreg:$0x3] =	wrdreg s5  }
0xaa: {  	[dreg:$0x4] =	wrdreg $0xC0  }
0xab: {  	_ =	task [dreg:s7], $0x5FFFF  }
0xac: {  	[dreg:$0x1] =	wrdreg $0xFFFFFFFF  }
0xad: {  	[dreg:$0x0] =	wrdreg $0x60  }
0xae: {  	[dreg:$0x2] =	wrdreg s2  }
0xaf: {  	[dreg:$0x3] =	wrdreg s24  }
0xb0: {  	[dreg:$0x4] =	wrdreg $0x9  }
0xb1: {  	_ =	task.clear_ibuf [dreg:s7], $0x5FFFF;
	_ =	strace $0x90000046  }
0xb2: {  	s29 =	simm.s32 $0x9;
	_ =	strace $0x80000048  }
0xb3: {  	_ =	swait.ge [sflag:s29], $0x1  }
0xb4: {  	[sflag:s29] =	ssyncadd.s32 $0xFFFFFFFF  }
0xb5: {  	_ =	strace $0x90000048  }
0xb6: {  	_ =	sfence  }
0xb7: {  	s30 =	sld [smem:$0x0];
	_ =	sdelay $0x2  }
0xb8: {  	s31 =	sshll.u32 s1, $0xD;
	s1 =	sshrl.u32 s1, $0x2  }
0xb9: {  	s3 =	sand.u32 $0x4000, s31;
	s1 =	sadd.s32 s1, s30  }
0xba: {  	s0 =	sor.u32 s3, s0;
	s1 =	sshll.u32 s1, $0x11  }
0xbb: {  	s0 =	sor.u32 s1, s0  }
0xbc: {  	s0 =	sadd.s32 $0x8F2B, s0  }
0xbd: {  	[sflag:s0] =	ssyncadd.remote.s32 $0x1  }
0xbe: {  	_ =	sfence.sel $0xFFFF  }
0xbf: {  	[dreg:$0x0] =	wrdreg $0xFFFFFFFF;
	(pc) =	sbr.abs _section_cstart, $3  }
0xc0: {  	[dreg:$0x1] =	wrdreg $0xFFFFFFFF  }
0xc1: {  	_ =	task.clear_ibuf [dreg:s7], $0x2FFFF;
	_ =	strace $0x9FFFFFFF  }
0xc2: {  	(tm) =	ssettm $0x7FFFFFFF  }
0xc3: {  	_ =	shalt  }
tec
execute0_lowered:
.L_overlay_start_1:
0x0: {  	(tag) =	ssettag $0x1  }
0x1: {  	s2 =	rddreg [dreg:$0x0];
	s0 =	srdreg.scid  }
0x2: {  	s10 =	stileid.u32;
	s1 =	rddreg [dreg:$0x1];
	s3 =	simm.s32 $0x0  }
0x3: {  	s13 =	simm.s32 $0x1900;
	s12 =	simm.s32 $0x4100;
	s14 =	simm.s32 $0x4900  }
0x4: {  	s15 =	simm.s32 $0x5100;
	s16 =	simm.s32 $0x5900;
	s17 =	simm.s32 $0x6100  }
0x5: {  	s18 =	simm.s32 $0x6900;
	s19 =	simm.s32 $0x7100;
	s20 =	simm.s32 $0x7900  }
0x6: {  	s21 =	simm.s32 $0x8100;
	s22 =	simm.s32 $0x8900;
	s23 =	simm.s32 $0x9100  }
0x7: {  	s30 =	simm.s32 $0x20;
	s29 =	simm.s32 $0x11900;
	s31 =	simm.s32 $0xA100  }
0x8: {  	s24 =	simm.s32 $0x1;
	s28 =	simm.s32 $0x4;
	s8 =	smul.u32 $0x190000, s10  }
0x9: {  	v34 =	vlaneseq.u32;
	vm0 =	vmmov $0xffff;
	vm1 =	vmmov $0xff;
	s0 =	sand.u32 $0x1, s0;
	s4 =	sshll.u32 s10, $0x1;
	s10 =	smul.u32 $0xC80000, s10  }
0xa: {  	[smem:$0x7FF] =	sst s3;
	v0 =	vand.u32 $0x7, v34;
	v1 =	vshrl.u32 v34, $0x3;
	v2 =	vor.u32 $0x8, v34;
	s4 =	sor.u32 s0, s4;
	s9 =	smul.u32 $0xC8000, s0  }
0xb: {  	v3 =	vor.u32 $0x1C60, v34;
	v4 =	vor.u32 $0x1CE0, v34;
	v5 =	vor.u32 $0x1D60, v34;
	_ =	strace $0x80000047;
	s6 =	ssub.s32 $0x2, s0;
	s0 =	smul.u32 $0x640000, s0  }
0xc: {  	v6 =	vor.u32 $0x1DE0, v34;
	v7 =	vor.u32 $0x1E60, v34;
	v8 =	vor.u32 $0x1EE0, v34;
	s5 =	smul.u32 $0x320, s4;
	s4 =	sadd.s32 $0x7200, s1;
	s7 =	sshrl.u32 s6, $0x1  }
0xd: {  	v9 =	vor.u32 $0x1F60, v34;
	v10 =	vor.u32 $0x1FE0, v34;
	v11 =	vor.u32 $0x3C60, v34;
	s11 =	ssub.s32 s6, s7;
	s6 =	sadd.s32 $0x100, s2;
	s7 =	sadd.s32 $0x200, s2  }
0xe: {  	v12 =	vor.u32 $0x3CE0, v34;
	v13 =	vor.u32 $0x3D60, v34;
	v14 =	vor.u32 $0x3DE0, v34;
	s0 =	sadd.s32 s0, s10;
	s10 =	simm.s32 $0x3100;
	s5 =	sadd.s32 s5, s1  }
0xf: {  	v15 =	vor.u32 $0x3E60, v34;
	v16 =	vor.u32 $0x3EE0, v34;
	v17 =	vor.u32 $0x3F60, v34;
	s1 =	sadd.s32 $0xB200, s1;
	s26 =	smax.u32 s11, $0x1;
	s0 =	sshrl.u32 s0, $0x3  }
0x10: {  	v18 =	vor.u32 $0x3FE0, v34;
	v19 =	vor.u32 $0x5C60, v34;
	v20 =	vor.u32 $0x5CE0, v34;
	s11 =	simm.s32 $0x3900;
	s5 =	sadd.s32 $0xE00, s5;
	s25 =	sadd.s32 s8, s1  }
0x11: {  	v21 =	vor.u32 $0x5D60, v34;
	v22 =	vor.u32 $0x5DE0, v34;
	v23 =	vor.u32 $0x5E60, v34;
	s8 =	sadd.s32 $0x300, s2;
	[dreg:$0x4] =	wrdreg s26;
	s0 =	sadd.s32 s0, s1  }
0x12: {  	v24 =	vor.u32 $0x5EE0, v34;
	v25 =	vor.u32 $0x5F60, v34;
	v26 =	vor.u32 $0x5FE0, v34;
	s1 =	simm.s32 $0x9900;
	s26 =	simm.s32 $0x3;
	[dreg:$0x3] =	wrdreg s5  }
0x13: {  	v27 =	vor.u32 $0x7C60, v34;
	v28 =	vor.u32 $0x7CE0, v34;
	v29 =	vor.u32 $0x7D60, v34;
	s5 =	sadd.s32 s9, s25;
	[dreg:$0x6] =	wrdreg s0;
	s0 =	simm.s32 $0x0  }
0x14: {  	v30 =	vor.u32 $0x7DE0, v34;
	v31 =	vor.u32 $0x7E60, v34;
	v32 =	vor.u32 $0x7EE0, v34;
	s9 =	simm.s32 $0x2100;
	s5 =	sadd.s32 $0x1000, s5;
	[dreg:$0x7] =	wrdreg s0  }
0x15: {  	v33 =	vor.u32 $0x7F60, v34;
	v34 =	vor.u32 $0x7FE0, v34;
	v1 =	vmul.u32 $0x8, v1;
	s25 =	simm.s32 $0x2;
	[dreg:$0x5] =	wrdreg s5;
	s5 =	simm.s32 $0x2900  }
.LBB2_1:
0x16: {  	s0 =	rddreg [dreg:$0x3]  }
0x17: {  	[tilespmem:s3], [sflag:$0x5] =	stream.linear.gather [hbm4b:s0+s3], $0x1900, $0x38;
	[tilespmem:$0x13900] =	vst v63  }
0x18: {  	s0 =	simm.s32 $0x5  }
0x19: {  	_ =	swait.ge [sflag:s0], $0x1900  }
0x1a: {  	[sflag:s0] =	ssyncset.done $0x0  }
0x1b: {  	[sflag:s0] =	ssyncadd.s32 $0xFFFFE700  }
0x1c: {  	v35 =	vld [tilespmem:$0x0];
	_ =	sdelay $0x4  }
0x1d: {  	v36 =	vshrl.u32 v35, $0x3  }
0x1e: {  	v36 =	vmul.u32 $0x38, v36  }
0x1f: {  	v35 =	vand.u32 $0x7, v35  }
0x20: {  	v35 =	vor.u32 v35, v36  }
0x21: {  	v36 =	vperm.xlane v35, v0;
	_ =	sdelay $0x1  }
0x22: {  	v36 =	vadd.s32 v1, v36;
	_ =	sdelay $0x4  }
0x23: {  	[tilespmem:s13], [sflag:$0x1] =	stream.indirect_vreg.gather [hbm4b:s2+s3], $0x80, v36, vm0, $0xb8;
	[tilespmem:$0x13900] =	vst v63  }
0x24: {  	v35 =	vperm.xlane v35, v2  }
0x25: {  	[tilespmem:s9], [sflag:$0x1] =	stream.indirect_vreg.gather [hbm4b:s6+s3], $0x80, v36, vm0, $0xb8;
	[tilespmem:$0x13900] =	vst v63  }
0x26: {  	v35 =	vadd.s32 v1, v35  }
0x27: {  	[tilespmem:s5], [sflag:$0x1] =	stream.indirect_vreg.gather [hbm4b:s7+s3], $0x80, v36, vm0, $0xb8;
	[tilespmem:$0x13900] =	vst v63  }
0x28: {  	_ = 	snop  }
0x29: {  	[tilespmem:s10], [sflag:$0x1] =	stream.indirect_vreg.gather [hbm4b:s8+s3], $0x80, v36, vm1, $0xb8;
	[tilespmem:$0x13900] =	vst v63  }
0x2a: {  	_ = 	snop  }
0x2b: {  	[tilespmem:s11], [sflag:$0x1] =	stream.indirect_vreg.gather [hbm4b:s2+s3], $0x80, v35, vm0, $0xb8;
	[tilespmem:$0x13900] =	vst v63  }
0x2c: {  	_ = 	snop  }
0x2d: {  	[tilespmem:s12], [sflag:$0x1] =	stream.indirect_vreg.gather [hbm4b:s6+s3], $0x80, v35, vm0, $0xb8;
	[tilespmem:$0x13900] =	vst v63  }
0x2e: {  	_ = 	snop  }
0x2f: {  	[tilespmem:s14], [sflag:$0x1] =	stream.indirect_vreg.gather [hbm4b:s7+s3], $0x80, v35, vm0, $0xb8;
	[tilespmem:$0x13900] =	vst v63  }
0x30: {  	_ = 	snop  }
0x31: {  	[tilespmem:s15], [sflag:$0x1] =	stream.indirect_vreg.gather [hbm4b:s8+s3], $0x80, v35, vm1, $0xb8;
	[tilespmem:$0x13900] =	vst v63  }
0x32: {  	v35 =	vld [tilespmem:$0x10];
	_ =	sdelay $0x4  }
0x33: {  	v61 =	vshrl.u32 v35, $0x3  }
0x34: {  	v36 =	vmul.u32 $0x38, v61  }
0x35: {  	v35 =	vand.u32 $0x7, v35  }
0x36: {  	v35 =	vor.u32 v35, v36  }
0x37: {  	v36 =	vperm.xlane v35, v0;
	_ =	sdelay $0x1  }
0x38: {  	v36 =	vadd.s32 v1, v36;
	_ =	sdelay $0x4  }
0x39: {  	[tilespmem:s16], [sflag:$0x1] =	stream.indirect_vreg.gather [hbm4b:s2+s3], $0x80, v36, vm0, $0xb8;
	[tilespmem:$0x13900] =	vst v63  }
0x3a: {  	v35 =	vperm.xlane v35, v2  }
0x3b: {  	[tilespmem:s17], [sflag:$0x1] =	stream.indirect_vreg.gather [hbm4b:s6+s3], $0x80, v36, vm0, $0xb8;
	[tilespmem:$0x13900] =	vst v63  }
0x3c: {  	v35 =	vadd.s32 v1, v35  }
0x3d: {  	[tilespmem:s18], [sflag:$0x1] =	stream.indirect_vreg.gather [hbm4b:s7+s3], $0x80, v36, vm0, $0xb8;
	[tilespmem:$0x13900] =	vst v63  }
0x3e: {  	_ = 	snop  }
0x3f: {  	[tilespmem:s19], [sflag:$0x1] =	stream.indirect_vreg.gather [hbm4b:s8+s3], $0x80, v36, vm1, $0xb8;
	[tilespmem:$0x13900] =	vst v63  }
0x40: {  	_ = 	snop  }
0x41: {  	[tilespmem:s20], [sflag:$0x1] =	stream.indirect_vreg.gather [hbm4b:s2+s3], $0x80, v35, vm0, $0xb8;
	[tilespmem:$0x13900] =	vst v63  }
0x42: {  	_ = 	snop  }
0x43: {  	[tilespmem:s21], [sflag:$0x1] =	stream.indirect_vreg.gather [hbm4b:s6+s3], $0x80, v35, vm0, $0xb8;
	[tilespmem:$0x13900] =	vst v63  }
0x44: {  	_ = 	snop  }
0x45: {  	[tilespmem:s22], [sflag:$0x1] =	stream.indirect_vreg.gather [hbm4b:s7+s3], $0x80, v35, vm0, $0xb8;
	[tilespmem:$0x13900] =	vst v63  }
0x46: {  	_ = 	snop  }
0x47: {  	[tilespmem:s23], [sflag:$0x1] =	stream.indirect_vreg.gather [hbm4b:s8+s3], $0x80, v35, vm1, $0xb8;
	[tilespmem:$0x13900] =	vst v63  }
0x48: {  	_ = 	snop  }
0x49: {  	[tilespmem:s29], [sflag:$0x1] =	stream.indirect.gather [hbm4b:s4+s30], $0x80, s3, s30, $0xb8;
	[tilespmem:$0x13900] =	vst v63  }
0x4a: {  	v35 =	vld [tilespmem:$0x20];
	_ =	sdelay $0x4  }
0x4b: {  	v62 =	vshrl.u32 v35, $0x3  }
0x4c: {  	v36 =	vmul.u32 $0x38, v62  }
0x4d: {  	v35 =	vand.u32 $0x7, v35  }
0x4e: {  	v35 =	vor.u32 v35, v36  }
0x4f: {  	v36 =	vperm.xlane v35, v0;
	_ =	sdelay $0x1  }
0x50: {  	v36 =	vadd.s32 v1, v36;
	_ =	sdelay $0x4  }
0x51: {  	[tilespmem:s1], [sflag:$0x2] =	stream.indirect_vreg.gather [hbm4b:s2+s3], $0x80, v36, vm0, $0xb8;
	[tilespmem:$0x13900] =	vst v63  }
0x52: {  	v35 =	vperm.xlane v35, v2  }
0x53: {  	[tilespmem:s31], [sflag:$0x2] =	stream.indirect_vreg.gather [hbm4b:s6+s3], $0x80, v36, vm0, $0xb8;
	[tilespmem:$0x13900] =	vst v63  }
0x54: {  	s21 =	simm.s32 $0xA900;
	v35 =	vadd.s32 v1, v35  }
0x55: {  	[tilespmem:s21], [sflag:$0x2] =	stream.indirect_vreg.gather [hbm4b:s7+s3], $0x80, v36, vm0, $0xb8;
	[tilespmem:$0x13900] =	vst v63  }
0x56: {  	s22 =	simm.s32 $0xB100  }
0x57: {  	[tilespmem:s22], [sflag:$0x2] =	stream.indirect_vreg.gather [hbm4b:s8+s3], $0x80, v36, vm1, $0xb8;
	[tilespmem:$0x13900] =	vst v63  }
0x58: {  	s23 =	simm.s32 $0xB900  }
0x59: {  	[tilespmem:s23], [sflag:$0x2] =	stream.indirect_vreg.gather [hbm4b:s2+s3], $0x80, v35, vm0, $0xb8;
	[tilespmem:$0x13900] =	vst v63  }
0x5a: {  	s18 =	simm.s32 $0xC100  }
0x5b: {  	[tilespmem:s18], [sflag:$0x2] =	stream.indirect_vreg.gather [hbm4b:s6+s3], $0x80, v35, vm0, $0xb8;
	[tilespmem:$0x13900] =	vst v63  }
0x5c: {  	s20 =	simm.s32 $0xC900  }
0x5d: {  	[tilespmem:s20], [sflag:$0x2] =	stream.indirect_vreg.gather [hbm4b:s7+s3], $0x80, v35, vm0, $0xb8;
	[tilespmem:$0x13900] =	vst v63  }
0x5e: {  	s22 =	simm.s32 $0xD100  }
0x5f: {  	[tilespmem:s22], [sflag:$0x2] =	stream.indirect_vreg.gather [hbm4b:s8+s3], $0x80, v35, vm1, $0xb8;
	[tilespmem:$0x13900] =	vst v63  }
0x60: {  	v35 =	vld [tilespmem:$0x30];
	_ =	sdelay $0x4  }
0x61: {  	v63 =	vshrl.u32 v35, $0x3  }
0x62: {  	v36 =	vmul.u32 $0x38, v63  }
0x63: {  	v35 =	vand.u32 $0x7, v35  }
0x64: {  	v35 =	vor.u32 v35, v36  }
0x65: {  	v36 =	vperm.xlane v35, v0;
	_ =	sdelay $0x1  }
0x66: {  	v36 =	vadd.s32 v1, v36;
	_ =	sdelay $0x3  }
0x67: {  	s10 =	simm.s32 $0xD900  }
0x68: {  	[tilespmem:s10], [sflag:$0x2] =	stream.indirect_vreg.gather [hbm4b:s2+s3], $0x80, v36, vm0, $0xb8;
	[tilespmem:$0x13900] =	vst v63  }
0x69: {  	s12 =	simm.s32 $0xE100;
	v35 =	vperm.xlane v35, v2  }
0x6a: {  	[tilespmem:s12], [sflag:$0x2] =	stream.indirect_vreg.gather [hbm4b:s6+s3], $0x80, v36, vm0, $0xb8;
	[tilespmem:$0x13900] =	vst v63  }
0x6b: {  	s15 =	simm.s32 $0xE900;
	v35 =	vadd.s32 v1, v35  }
0x6c: {  	[tilespmem:s15], [sflag:$0x2] =	stream.indirect_vreg.gather [hbm4b:s7+s3], $0x80, v36, vm0, $0xb8;
	[tilespmem:$0x13900] =	vst v63  }
0x6d: {  	s17 =	simm.s32 $0xF100  }
0x6e: {  	[tilespmem:s17], [sflag:$0x2] =	stream.indirect_vreg.gather [hbm4b:s8+s3], $0x80, v36, vm1, $0xb8;
	[tilespmem:$0x13900] =	vst v63  }
0x6f: {  	s19 =	simm.s32 $0xF900  }
0x70: {  	[tilespmem:s19], [sflag:$0x2] =	stream.indirect_vreg.gather [hbm4b:s2+s3], $0x80, v35, vm0, $0xb8;
	[tilespmem:$0x13900] =	vst v63  }
0x71: {  	s21 =	simm.s32 $0x10100  }
0x72: {  	[tilespmem:s21], [sflag:$0x2] =	stream.indirect_vreg.gather [hbm4b:s6+s3], $0x80, v35, vm0, $0xb8;
	[tilespmem:$0x13900] =	vst v63  }
0x73: {  	s23 =	simm.s32 $0x10900  }
0x74: {  	[tilespmem:s23], [sflag:$0x2] =	stream.indirect_vreg.gather [hbm4b:s7+s3], $0x80, v35, vm0, $0xb8;
	[tilespmem:$0x13900] =	vst v63  }
0x75: {  	s0 =	rddreg [dreg:$0x5];
	s11 =	simm.s32 $0x11100  }
0x76: {  	[tilespmem:s11], [sflag:$0x2] =	stream.indirect_vreg.gather [hbm4b:s8+s3], $0x80, v35, vm1, $0xb8;
	[tilespmem:$0x13900] =	vst v63  }
0x77: {  	s14 =	simm.s32 $0x12900;
	s29 =	simm.s32 $0x0;
	s31 =	rddreg [dreg:$0x6]  }
0x78: {  	[tilespmem:s14], [sflag:$0x2] =	stream.indirect.gather [hbm4b:s4+s30], $0x80, s30, s30, $0xb8;
	[tilespmem:$0x13900] =	vst v63  }
.LBB2_2:
0x79: {  	_ =	swait.ge [sflag:s24], $0x7000  }
0x7a: {  	[sflag:s24] =	ssyncset.done $0x0  }
0x7b: {  	[sflag:s24] =	ssyncadd.s32 $0xFFFF9000  }
0x7c: {  	_ =	swait.ge [sflag:s24], $0x1000  }
0x7d: {  	[sflag:s24] =	ssyncset.done $0x0  }
0x7e: {  	[sflag:s24] =	ssyncadd.s32 $0xFFFFF000  }
0x7f: {  	v35 =	vld [tilespmem:$0x11900]  }
0x80: {  	v36 =	vld [tilespmem:$0x11910]  }
0x81: {  	v37 =	vld [tilespmem:$0x11920]  }
0x82: {  	v38 =	vld [tilespmem:$0x11930]  }
0x83: {  	v39 =	vld [tilespmem:$0x11940]  }
0x84: {  	v58 =	vld [tilespmem:$0x11950];
	[tilespmem:$0x3500] =	vst v35  }
0x85: {  	v59 =	vld [tilespmem:$0x11960];
	[tilespmem:$0x3510] =	vst v36  }
0x86: {  	[tilespmem:$0x3520] =	vst v37  }
0x87: {  	[tilespmem:$0x3530] =	vst v38  }
0x88: {  	[tilespmem:$0x3540] =	vst v39  }
0x89: {  	[tilespmem:$0x3550] =	vst v58  }
0x8a: {  	[tilespmem:v3+s13+$0x0] =	vst.idx.msk $0xff, v59  }
0x8b: {  	v60 =	vld [tilespmem:$0x11980]  }
0x8c: {  	v36 =	vld [tilespmem:$0x11990]  }
0x8d: {  	v61 =	vld [tilespmem:$0x119A0]  }
0x8e: {  	v62 =	vld [tilespmem:$0x119B0]  }
0x8f: {  	v63 =	vld [tilespmem:$0x119C0]  }
0x90: {  	v40 =	vld [tilespmem:$0x119D0];
	[tilespmem:$0x3580] =	vst v60  }
0x91: {  	v41 =	vld [tilespmem:$0x119E0];
	[tilespmem:$0x3590] =	vst v36  }
0x92: {  	[tilespmem:$0x35A0] =	vst v61  }
0x93: {  	[tilespmem:$0x35B0] =	vst v62  }
0x94: {  	[tilespmem:$0x35C0] =	vst v63  }
0x95: {  	[tilespmem:$0x35D0] =	vst v40  }
0x96: {  	[tilespmem:v4+s13+$0x0] =	vst.idx.msk $0xff, v41  }
0x97: {  	v42 =	vld [tilespmem:$0x11A00]  }
0x98: {  	v36 =	vld [tilespmem:$0x11A10]  }
0x99: {  	v43 =	vld [tilespmem:$0x11A20]  }
0x9a: {  	v44 =	vld [tilespmem:$0x11A30]  }
0x9b: {  	v45 =	vld [tilespmem:$0x11A40]  }
0x9c: {  	v46 =	vld [tilespmem:$0x11A50];
	[tilespmem:$0x3600] =	vst v42  }
0x9d: {  	v47 =	vld [tilespmem:$0x11A60];
	[tilespmem:$0x3610] =	vst v36  }
0x9e: {  	[tilespmem:$0x3620] =	vst v43  }
0x9f: {  	[tilespmem:$0x3630] =	vst v44  }
0xa0: {  	[tilespmem:$0x3640] =	vst v45  }
0xa1: {  	[tilespmem:$0x3650] =	vst v46  }
0xa2: {  	[tilespmem:v5+s13+$0x0] =	vst.idx.msk $0xff, v47  }
0xa3: {  	v48 =	vld [tilespmem:$0x11A80]  }
0xa4: {  	v36 =	vld [tilespmem:$0x11A90]  }
0xa5: {  	v49 =	vld [tilespmem:$0x11AA0]  }
0xa6: {  	v50 =	vld [tilespmem:$0x11AB0]  }
0xa7: {  	v51 =	vld [tilespmem:$0x11AC0]  }
0xa8: {  	v52 =	vld [tilespmem:$0x11AD0];
	[tilespmem:$0x3680] =	vst v48  }
0xa9: {  	v53 =	vld [tilespmem:$0x11AE0];
	[tilespmem:$0x3690] =	vst v36  }
0xaa: {  	[tilespmem:$0x36A0] =	vst v49  }
0xab: {  	[tilespmem:$0x36B0] =	vst v50  }
0xac: {  	[tilespmem:$0x36C0] =	vst v51  }
0xad: {  	[tilespmem:$0x36D0] =	vst v52  }
0xae: {  	[tilespmem:v6+s13+$0x0] =	vst.idx.msk $0xff, v53  }
0xaf: {  	v54 =	vld [tilespmem:$0x11B00]  }
0xb0: {  	v36 =	vld [tilespmem:$0x11B10]  }
0xb1: {  	v55 =	vld [tilespmem:$0x11B20]  }
0xb2: {  	v56 =	vld [tilespmem:$0x11B30]  }
0xb3: {  	v57 =	vld [tilespmem:$0x11B40]  }
0xb4: {  	v58 =	vld [tilespmem:$0x11B50];
	[tilespmem:$0x3700] =	vst v54  }
0xb5: {  	v59 =	vld [tilespmem:$0x11B60];
	[tilespmem:$0x3710] =	vst v36  }
0xb6: {  	[tilespmem:$0x3720] =	vst v55  }
0xb7: {  	[tilespmem:$0x3730] =	vst v56  }
0xb8: {  	[tilespmem:$0x3740] =	vst v57  }
0xb9: {  	[tilespmem:$0x3750] =	vst v58  }
0xba: {  	[tilespmem:v7+s13+$0x0] =	vst.idx.msk $0xff, v59  }
0xbb: {  	v60 =	vld [tilespmem:$0x11B80]  }
0xbc: {  	v36 =	vld [tilespmem:$0x11B90]  }
0xbd: {  	v61 =	vld [tilespmem:$0x11BA0]  }
0xbe: {  	v62 =	vld [tilespmem:$0x11BB0]  }
0xbf: {  	v63 =	vld [tilespmem:$0x11BC0]  }
0xc0: {  	v40 =	vld [tilespmem:$0x11BD0];
	[tilespmem:$0x3780] =	vst v60  }
0xc1: {  	v41 =	vld [tilespmem:$0x11BE0];
	[tilespmem:$0x3790] =	vst v36  }
0xc2: {  	[tilespmem:$0x37A0] =	vst v61  }
0xc3: {  	[tilespmem:$0x37B0] =	vst v62  }
0xc4: {  	[tilespmem:$0x37C0] =	vst v63  }
0xc5: {  	[tilespmem:$0x37D0] =	vst v40  }
0xc6: {  	[tilespmem:v8+s13+$0x0] =	vst.idx.msk $0xff, v41  }
0xc7: {  	v42 =	vld [tilespmem:$0x11C00]  }
0xc8: {  	v36 =	vld [tilespmem:$0x11C10]  }
0xc9: {  	v43 =	vld [tilespmem:$0x11C20]  }
0xca: {  	v44 =	vld [tilespmem:$0x11C30]  }
0xcb: {  	v45 =	vld [tilespmem:$0x11C40]  }
0xcc: {  	v46 =	vld [tilespmem:$0x11C50];
	[tilespmem:$0x3800] =	vst v42  }
0xcd: {  	v47 =	vld [tilespmem:$0x11C60];
	[tilespmem:$0x3810] =	vst v36  }
0xce: {  	[tilespmem:$0x3820] =	vst v43  }
0xcf: {  	[tilespmem:$0x3830] =	vst v44  }
0xd0: {  	[tilespmem:$0x3840] =	vst v45  }
0xd1: {  	[tilespmem:$0x3850] =	vst v46  }
0xd2: {  	[tilespmem:v9+s13+$0x0] =	vst.idx.msk $0xff, v47  }
0xd3: {  	v48 =	vld [tilespmem:$0x11C80]  }
0xd4: {  	v36 =	vld [tilespmem:$0x11C90]  }
0xd5: {  	v49 =	vld [tilespmem:$0x11CA0]  }
0xd6: {  	v50 =	vld [tilespmem:$0x11CB0]  }
0xd7: {  	v51 =	vld [tilespmem:$0x11CC0]  }
0xd8: {  	v52 =	vld [tilespmem:$0x11CD0];
	[tilespmem:$0x3880] =	vst v48  }
0xd9: {  	v53 =	vld [tilespmem:$0x11CE0];
	[tilespmem:$0x3890] =	vst v36  }
0xda: {  	[tilespmem:$0x38A0] =	vst v49  }
0xdb: {  	[tilespmem:$0x38B0] =	vst v50  }
0xdc: {  	[tilespmem:$0x38C0] =	vst v51  }
0xdd: {  	[tilespmem:$0x38D0] =	vst v52  }
0xde: {  	[tilespmem:v10+s13+$0x0] =	vst.idx.msk $0xff, v53  }
0xdf: {  	v54 =	vld [tilespmem:$0x11D00]  }
0xe0: {  	v36 =	vld [tilespmem:$0x11D10]  }
0xe1: {  	v55 =	vld [tilespmem:$0x11D20]  }
0xe2: {  	v56 =	vld [tilespmem:$0x11D30]  }
0xe3: {  	v57 =	vld [tilespmem:$0x11D40]  }
0xe4: {  	v58 =	vld [tilespmem:$0x11D50];
	[tilespmem:$0x5500] =	vst v54  }
0xe5: {  	v59 =	vld [tilespmem:$0x11D60];
	[tilespmem:$0x5510] =	vst v36  }
0xe6: {  	[tilespmem:$0x5520] =	vst v55  }
0xe7: {  	[tilespmem:$0x5530] =	vst v56  }
0xe8: {  	[tilespmem:$0x5540] =	vst v57  }
0xe9: {  	[tilespmem:$0x5550] =	vst v58  }
0xea: {  	[tilespmem:v11+s13+$0x0] =	vst.idx.msk $0xff, v59  }
0xeb: {  	v60 =	vld [tilespmem:$0x11D80]  }
0xec: {  	v36 =	vld [tilespmem:$0x11D90]  }
0xed: {  	v61 =	vld [tilespmem:$0x11DA0]  }
0xee: {  	v62 =	vld [tilespmem:$0x11DB0]  }
0xef: {  	v63 =	vld [tilespmem:$0x11DC0]  }
0xf0: {  	v40 =	vld [tilespmem:$0x11DD0];
	[tilespmem:$0x5580] =	vst v60  }
0xf1: {  	v41 =	vld [tilespmem:$0x11DE0];
	[tilespmem:$0x5590] =	vst v36  }
0xf2: {  	[tilespmem:$0x55A0] =	vst v61  }
0xf3: {  	[tilespmem:$0x55B0] =	vst v62  }
0xf4: {  	[tilespmem:$0x55C0] =	vst v63  }
0xf5: {  	[tilespmem:$0x55D0] =	vst v40  }
0xf6: {  	[tilespmem:v12+s13+$0x0] =	vst.idx.msk $0xff, v41  }
0xf7: {  	v42 =	vld [tilespmem:$0x11E00]  }
0xf8: {  	v36 =	vld [tilespmem:$0x11E10]  }
0xf9: {  	v43 =	vld [tilespmem:$0x11E20]  }
0xfa: {  	v44 =	vld [tilespmem:$0x11E30]  }
0xfb: {  	v45 =	vld [tilespmem:$0x11E40]  }
0xfc: {  	v46 =	vld [tilespmem:$0x11E50];
	[tilespmem:$0x5600] =	vst v42  }
0xfd: {  	v47 =	vld [tilespmem:$0x11E60];
	[tilespmem:$0x5610] =	vst v36  }
0xfe: {  	[tilespmem:$0x5620] =	vst v43  }
0xff: {  	[tilespmem:$0x5630] =	vst v44  }
0x100: {  	[tilespmem:$0x5640] =	vst v45  }
0x101: {  	[tilespmem:$0x5650] =	vst v46  }
0x102: {  	[tilespmem:v13+s13+$0x0] =	vst.idx.msk $0xff, v47  }
0x103: {  	v48 =	vld [tilespmem:$0x11E80]  }
0x104: {  	v36 =	vld [tilespmem:$0x11E90]  }
0x105: {  	v49 =	vld [tilespmem:$0x11EA0]  }
0x106: {  	v50 =	vld [tilespmem:$0x11EB0]  }
0x107: {  	v51 =	vld [tilespmem:$0x11EC0]  }
0x108: {  	v52 =	vld [tilespmem:$0x11ED0];
	[tilespmem:$0x5680] =	vst v48  }
0x109: {  	v53 =	vld [tilespmem:$0x11EE0];
	[tilespmem:$0x5690] =	vst v36  }
0x10a: {  	[tilespmem:$0x56A0] =	vst v49  }
0x10b: {  	[tilespmem:$0x56B0] =	vst v50  }
0x10c: {  	[tilespmem:$0x56C0] =	vst v51  }
0x10d: {  	[tilespmem:$0x56D0] =	vst v52  }
0x10e: {  	[tilespmem:v14+s13+$0x0] =	vst.idx.msk $0xff, v53  }
0x10f: {  	v54 =	vld [tilespmem:$0x11F00]  }
0x110: {  	v36 =	vld [tilespmem:$0x11F10]  }
0x111: {  	v55 =	vld [tilespmem:$0x11F20]  }
0x112: {  	v56 =	vld [tilespmem:$0x11F30]  }
0x113: {  	v57 =	vld [tilespmem:$0x11F40]  }
0x114: {  	v58 =	vld [tilespmem:$0x11F50];
	[tilespmem:$0x5700] =	vst v54  }
0x115: {  	v59 =	vld [tilespmem:$0x11F60];
	[tilespmem:$0x5710] =	vst v36  }
0x116: {  	[tilespmem:$0x5720] =	vst v55  }
0x117: {  	[tilespmem:$0x5730] =	vst v56  }
0x118: {  	[tilespmem:$0x5740] =	vst v57  }
0x119: {  	[tilespmem:$0x5750] =	vst v58  }
0x11a: {  	[tilespmem:v15+s13+$0x0] =	vst.idx.msk $0xff, v59  }
0x11b: {  	v60 =	vld [tilespmem:$0x11F80]  }
0x11c: {  	v36 =	vld [tilespmem:$0x11F90]  }
0x11d: {  	v61 =	vld [tilespmem:$0x11FA0]  }
0x11e: {  	v62 =	vld [tilespmem:$0x11FB0]  }
0x11f: {  	v63 =	vld [tilespmem:$0x11FC0]  }
0x120: {  	v40 =	vld [tilespmem:$0x11FD0];
	[tilespmem:$0x5780] =	vst v60  }
0x121: {  	v41 =	vld [tilespmem:$0x11FE0];
	[tilespmem:$0x5790] =	vst v36  }
0x122: {  	[tilespmem:$0x57A0] =	vst v61  }
0x123: {  	[tilespmem:$0x57B0] =	vst v62  }
0x124: {  	[tilespmem:$0x57C0] =	vst v63  }
0x125: {  	[tilespmem:$0x57D0] =	vst v40  }
0x126: {  	[tilespmem:v16+s13+$0x0] =	vst.idx.msk $0xff, v41  }
0x127: {  	v42 =	vld [tilespmem:$0x12000]  }
0x128: {  	v36 =	vld [tilespmem:$0x12010]  }
0x129: {  	v43 =	vld [tilespmem:$0x12020]  }
0x12a: {  	v44 =	vld [tilespmem:$0x12030]  }
0x12b: {  	v45 =	vld [tilespmem:$0x12040]  }
0x12c: {  	v46 =	vld [tilespmem:$0x12050];
	[tilespmem:$0x5800] =	vst v42  }
0x12d: {  	v47 =	vld [tilespmem:$0x12060];
	[tilespmem:$0x5810] =	vst v36  }
0x12e: {  	[tilespmem:$0x5820] =	vst v43  }
0x12f: {  	[tilespmem:$0x5830] =	vst v44  }
0x130: {  	[tilespmem:$0x5840] =	vst v45  }
0x131: {  	[tilespmem:$0x5850] =	vst v46  }
0x132: {  	[tilespmem:v17+s13+$0x0] =	vst.idx.msk $0xff, v47  }
0x133: {  	v48 =	vld [tilespmem:$0x12080]  }
0x134: {  	v36 =	vld [tilespmem:$0x12090]  }
0x135: {  	v49 =	vld [tilespmem:$0x120A0]  }
0x136: {  	v50 =	vld [tilespmem:$0x120B0]  }
0x137: {  	v51 =	vld [tilespmem:$0x120C0]  }
0x138: {  	v52 =	vld [tilespmem:$0x120D0];
	[tilespmem:$0x5880] =	vst v48  }
0x139: {  	v53 =	vld [tilespmem:$0x120E0];
	[tilespmem:$0x5890] =	vst v36  }
0x13a: {  	[tilespmem:$0x58A0] =	vst v49  }
0x13b: {  	[tilespmem:$0x58B0] =	vst v50  }
0x13c: {  	[tilespmem:$0x58C0] =	vst v51  }
0x13d: {  	[tilespmem:$0x58D0] =	vst v52  }
0x13e: {  	[tilespmem:v18+s13+$0x0] =	vst.idx.msk $0xff, v53  }
0x13f: {  	v54 =	vld [tilespmem:$0x12100]  }
0x140: {  	v36 =	vld [tilespmem:$0x12110]  }
0x141: {  	v55 =	vld [tilespmem:$0x12120]  }
0x142: {  	v56 =	vld [tilespmem:$0x12130]  }
0x143: {  	v57 =	vld [tilespmem:$0x12140]  }
0x144: {  	v58 =	vld [tilespmem:$0x12150];
	[tilespmem:$0x7500] =	vst v54  }
0x145: {  	v59 =	vld [tilespmem:$0x12160];
	[tilespmem:$0x7510] =	vst v36  }
0x146: {  	[tilespmem:$0x7520] =	vst v55  }
0x147: {  	[tilespmem:$0x7530] =	vst v56  }
0x148: {  	[tilespmem:$0x7540] =	vst v57  }
0x149: {  	[tilespmem:$0x7550] =	vst v58  }
0x14a: {  	[tilespmem:v19+s13+$0x0] =	vst.idx.msk $0xff, v59  }
0x14b: {  	v60 =	vld [tilespmem:$0x12180]  }
0x14c: {  	v36 =	vld [tilespmem:$0x12190]  }
0x14d: {  	v61 =	vld [tilespmem:$0x121A0]  }
0x14e: {  	v62 =	vld [tilespmem:$0x121B0]  }
0x14f: {  	v63 =	vld [tilespmem:$0x121C0]  }
0x150: {  	v40 =	vld [tilespmem:$0x121D0];
	[tilespmem:$0x7580] =	vst v60  }
0x151: {  	v41 =	vld [tilespmem:$0x121E0];
	[tilespmem:$0x7590] =	vst v36  }
0x152: {  	[tilespmem:$0x75A0] =	vst v61  }
0x153: {  	[tilespmem:$0x75B0] =	vst v62  }
0x154: {  	[tilespmem:$0x75C0] =	vst v63  }
0x155: {  	[tilespmem:$0x75D0] =	vst v40  }
0x156: {  	[tilespmem:v20+s13+$0x0] =	vst.idx.msk $0xff, v41  }
0x157: {  	v42 =	vld [tilespmem:$0x12200]  }
0x158: {  	v36 =	vld [tilespmem:$0x12210]  }
0x159: {  	v43 =	vld [tilespmem:$0x12220]  }
0x15a: {  	v44 =	vld [tilespmem:$0x12230]  }
0x15b: {  	v45 =	vld [tilespmem:$0x12240]  }
0x15c: {  	v46 =	vld [tilespmem:$0x12250];
	[tilespmem:$0x7600] =	vst v42  }
0x15d: {  	v47 =	vld [tilespmem:$0x12260];
	[tilespmem:$0x7610] =	vst v36  }
0x15e: {  	[tilespmem:$0x7620] =	vst v43  }
0x15f: {  	[tilespmem:$0x7630] =	vst v44  }
0x160: {  	[tilespmem:$0x7640] =	vst v45  }
0x161: {  	[tilespmem:$0x7650] =	vst v46  }
0x162: {  	[tilespmem:v21+s13+$0x0] =	vst.idx.msk $0xff, v47  }
0x163: {  	v48 =	vld [tilespmem:$0x12280]  }
0x164: {  	v36 =	vld [tilespmem:$0x12290]  }
0x165: {  	v49 =	vld [tilespmem:$0x122A0]  }
0x166: {  	v50 =	vld [tilespmem:$0x122B0]  }
0x167: {  	v51 =	vld [tilespmem:$0x122C0]  }
0x168: {  	v52 =	vld [tilespmem:$0x122D0];
	[tilespmem:$0x7680] =	vst v48  }
0x169: {  	v53 =	vld [tilespmem:$0x122E0];
	[tilespmem:$0x7690] =	vst v36  }
0x16a: {  	[tilespmem:$0x76A0] =	vst v49  }
0x16b: {  	[tilespmem:$0x76B0] =	vst v50  }
0x16c: {  	[tilespmem:$0x76C0] =	vst v51  }
0x16d: {  	[tilespmem:$0x76D0] =	vst v52  }
0x16e: {  	[tilespmem:v22+s13+$0x0] =	vst.idx.msk $0xff, v53  }
0x16f: {  	v54 =	vld [tilespmem:$0x12300]  }
0x170: {  	v36 =	vld [tilespmem:$0x12310]  }
0x171: {  	v55 =	vld [tilespmem:$0x12320]  }
0x172: {  	v56 =	vld [tilespmem:$0x12330]  }
0x173: {  	v57 =	vld [tilespmem:$0x12340]  }
0x174: {  	v58 =	vld [tilespmem:$0x12350];
	[tilespmem:$0x7700] =	vst v54  }
0x175: {  	v59 =	vld [tilespmem:$0x12360];
	[tilespmem:$0x7710] =	vst v36  }
0x176: {  	[tilespmem:$0x7720] =	vst v55  }
0x177: {  	[tilespmem:$0x7730] =	vst v56  }
0x178: {  	[tilespmem:$0x7740] =	vst v57  }
0x179: {  	[tilespmem:$0x7750] =	vst v58  }
0x17a: {  	[tilespmem:v23+s13+$0x0] =	vst.idx.msk $0xff, v59  }
0x17b: {  	v60 =	vld [tilespmem:$0x12380]  }
0x17c: {  	v36 =	vld [tilespmem:$0x12390]  }
0x17d: {  	v61 =	vld [tilespmem:$0x123A0]  }
0x17e: {  	v62 =	vld [tilespmem:$0x123B0]  }
0x17f: {  	v63 =	vld [tilespmem:$0x123C0]  }
0x180: {  	v40 =	vld [tilespmem:$0x123D0];
	[tilespmem:$0x7780] =	vst v60  }
0x181: {  	v41 =	vld [tilespmem:$0x123E0];
	[tilespmem:$0x7790] =	vst v36  }
0x182: {  	[tilespmem:$0x77A0] =	vst v61  }
0x183: {  	[tilespmem:$0x77B0] =	vst v62  }
0x184: {  	[tilespmem:$0x77C0] =	vst v63  }
0x185: {  	[tilespmem:$0x77D0] =	vst v40  }
0x186: {  	[tilespmem:v24+s13+$0x0] =	vst.idx.msk $0xff, v41  }
0x187: {  	v42 =	vld [tilespmem:$0x12400]  }
0x188: {  	v36 =	vld [tilespmem:$0x12410]  }
0x189: {  	v43 =	vld [tilespmem:$0x12420]  }
0x18a: {  	v44 =	vld [tilespmem:$0x12430]  }
0x18b: {  	v45 =	vld [tilespmem:$0x12440]  }
0x18c: {  	v46 =	vld [tilespmem:$0x12450];
	[tilespmem:$0x7800] =	vst v42  }
0x18d: {  	v47 =	vld [tilespmem:$0x12460];
	[tilespmem:$0x7810] =	vst v36  }
0x18e: {  	[tilespmem:$0x7820] =	vst v43  }
0x18f: {  	[tilespmem:$0x7830] =	vst v44  }
0x190: {  	[tilespmem:$0x7840] =	vst v45  }
0x191: {  	[tilespmem:$0x7850] =	vst v46  }
0x192: {  	[tilespmem:v25+s13+$0x0] =	vst.idx.msk $0xff, v47  }
0x193: {  	v48 =	vld [tilespmem:$0x12480]  }
0x194: {  	v36 =	vld [tilespmem:$0x12490]  }
0x195: {  	v49 =	vld [tilespmem:$0x124A0]  }
0x196: {  	v50 =	vld [tilespmem:$0x124B0]  }
0x197: {  	v51 =	vld [tilespmem:$0x124C0]  }
0x198: {  	v52 =	vld [tilespmem:$0x124D0];
	[tilespmem:$0x7880] =	vst v48  }
0x199: {  	v53 =	vld [tilespmem:$0x124E0];
	[tilespmem:$0x7890] =	vst v36  }
0x19a: {  	[tilespmem:$0x78A0] =	vst v49  }
0x19b: {  	[tilespmem:$0x78B0] =	vst v50  }
0x19c: {  	[tilespmem:$0x78C0] =	vst v51  }
0x19d: {  	[tilespmem:$0x78D0] =	vst v52  }
0x19e: {  	[tilespmem:v26+s13+$0x0] =	vst.idx.msk $0xff, v53  }
0x19f: {  	v54 =	vld [tilespmem:$0x12500]  }
0x1a0: {  	v36 =	vld [tilespmem:$0x12510]  }
0x1a1: {  	v55 =	vld [tilespmem:$0x12520]  }
0x1a2: {  	v56 =	vld [tilespmem:$0x12530]  }
0x1a3: {  	v57 =	vld [tilespmem:$0x12540]  }
0x1a4: {  	v58 =	vld [tilespmem:$0x12550];
	[tilespmem:$0x9500] =	vst v54  }
0x1a5: {  	v59 =	vld [tilespmem:$0x12560];
	[tilespmem:$0x9510] =	vst v36  }
0x1a6: {  	[tilespmem:$0x9520] =	vst v55  }
0x1a7: {  	[tilespmem:$0x9530] =	vst v56  }
0x1a8: {  	[tilespmem:$0x9540] =	vst v57  }
0x1a9: {  	[tilespmem:$0x9550] =	vst v58  }
0x1aa: {  	[tilespmem:v27+s13+$0x0] =	vst.idx.msk $0xff, v59  }
0x1ab: {  	v60 =	vld [tilespmem:$0x12580]  }
0x1ac: {  	v36 =	vld [tilespmem:$0x12590]  }
0x1ad: {  	v61 =	vld [tilespmem:$0x125A0]  }
0x1ae: {  	v62 =	vld [tilespmem:$0x125B0]  }
0x1af: {  	v63 =	vld [tilespmem:$0x125C0]  }
0x1b0: {  	v40 =	vld [tilespmem:$0x125D0];
	[tilespmem:$0x9580] =	vst v60  }
0x1b1: {  	v41 =	vld [tilespmem:$0x125E0];
	[tilespmem:$0x9590] =	vst v36  }
0x1b2: {  	[tilespmem:$0x95A0] =	vst v61  }
0x1b3: {  	[tilespmem:$0x95B0] =	vst v62  }
0x1b4: {  	[tilespmem:$0x95C0] =	vst v63  }
0x1b5: {  	[tilespmem:$0x95D0] =	vst v40  }
0x1b6: {  	[tilespmem:v28+s13+$0x0] =	vst.idx.msk $0xff, v41  }
0x1b7: {  	v42 =	vld [tilespmem:$0x12600]  }
0x1b8: {  	v36 =	vld [tilespmem:$0x12610]  }
0x1b9: {  	v43 =	vld [tilespmem:$0x12620]  }
0x1ba: {  	v44 =	vld [tilespmem:$0x12630]  }
0x1bb: {  	v45 =	vld [tilespmem:$0x12640]  }
0x1bc: {  	v46 =	vld [tilespmem:$0x12650];
	[tilespmem:$0x9600] =	vst v42  }
0x1bd: {  	v47 =	vld [tilespmem:$0x12660];
	[tilespmem:$0x9610] =	vst v36  }
0x1be: {  	[tilespmem:$0x9620] =	vst v43  }
0x1bf: {  	[tilespmem:$0x9630] =	vst v44  }
0x1c0: {  	[tilespmem:$0x9640] =	vst v45  }
0x1c1: {  	[tilespmem:$0x9650] =	vst v46  }
0x1c2: {  	[tilespmem:v29+s13+$0x0] =	vst.idx.msk $0xff, v47  }
0x1c3: {  	v48 =	vld [tilespmem:$0x12680]  }
0x1c4: {  	v36 =	vld [tilespmem:$0x12690]  }
0x1c5: {  	v49 =	vld [tilespmem:$0x126A0]  }
0x1c6: {  	v50 =	vld [tilespmem:$0x126B0]  }
0x1c7: {  	v51 =	vld [tilespmem:$0x126C0]  }
0x1c8: {  	v52 =	vld [tilespmem:$0x126D0];
	[tilespmem:$0x9680] =	vst v48  }
0x1c9: {  	v53 =	vld [tilespmem:$0x126E0];
	[tilespmem:$0x9690] =	vst v36  }
0x1ca: {  	[tilespmem:$0x96A0] =	vst v49  }
0x1cb: {  	[tilespmem:$0x96B0] =	vst v50  }
0x1cc: {  	[tilespmem:$0x96C0] =	vst v51  }
0x1cd: {  	[tilespmem:$0x96D0] =	vst v52  }
0x1ce: {  	[tilespmem:v30+s13+$0x0] =	vst.idx.msk $0xff, v53  }
0x1cf: {  	v54 =	vld [tilespmem:$0x12700]  }
0x1d0: {  	v36 =	vld [tilespmem:$0x12710]  }
0x1d1: {  	v55 =	vld [tilespmem:$0x12720]  }
0x1d2: {  	v56 =	vld [tilespmem:$0x12730]  }
0x1d3: {  	v57 =	vld [tilespmem:$0x12740]  }
0x1d4: {  	v58 =	vld [tilespmem:$0x12750];
	[tilespmem:$0x9700] =	vst v54  }
0x1d5: {  	v59 =	vld [tilespmem:$0x12760];
	[tilespmem:$0x9710] =	vst v36  }
0x1d6: {  	[tilespmem:$0x9720] =	vst v55  }
0x1d7: {  	[tilespmem:$0x9730] =	vst v56  }
0x1d8: {  	[tilespmem:$0x9740] =	vst v57  }
0x1d9: {  	[tilespmem:$0x9750] =	vst v58  }
0x1da: {  	[tilespmem:v31+s13+$0x0] =	vst.idx.msk $0xff, v59  }
0x1db: {  	v60 =	vld [tilespmem:$0x12780]  }
0x1dc: {  	v36 =	vld [tilespmem:$0x12790]  }
0x1dd: {  	v61 =	vld [tilespmem:$0x127A0]  }
0x1de: {  	v62 =	vld [tilespmem:$0x127B0]  }
0x1df: {  	v63 =	vld [tilespmem:$0x127C0]  }
0x1e0: {  	v40 =	vld [tilespmem:$0x127D0];
	[tilespmem:$0x9780] =	vst v60  }
0x1e1: {  	v41 =	vld [tilespmem:$0x127E0];
	[tilespmem:$0x9790] =	vst v36  }
0x1e2: {  	[tilespmem:$0x97A0] =	vst v61  }
0x1e3: {  	[tilespmem:$0x97B0] =	vst v62  }
0x1e4: {  	[tilespmem:$0x97C0] =	vst v63  }
0x1e5: {  	[tilespmem:$0x97D0] =	vst v40  }
0x1e6: {  	[tilespmem:v32+s13+$0x0] =	vst.idx.msk $0xff, v41  }
0x1e7: {  	v42 =	vld [tilespmem:$0x12800]  }
0x1e8: {  	v36 =	vld [tilespmem:$0x12810]  }
0x1e9: {  	v43 =	vld [tilespmem:$0x12820]  }
0x1ea: {  	v44 =	vld [tilespmem:$0x12830]  }
0x1eb: {  	v45 =	vld [tilespmem:$0x12840]  }
0x1ec: {  	v46 =	vld [tilespmem:$0x12850];
	[tilespmem:$0x9800] =	vst v42  }
0x1ed: {  	v47 =	vld [tilespmem:$0x12860];
	[tilespmem:$0x9810] =	vst v36  }
0x1ee: {  	[tilespmem:$0x9820] =	vst v43  }
0x1ef: {  	[tilespmem:$0x9830] =	vst v44  }
0x1f0: {  	[tilespmem:$0x9840] =	vst v45  }
0x1f1: {  	[tilespmem:$0x9850] =	vst v46  }
0x1f2: {  	[tilespmem:v33+s13+$0x0] =	vst.idx.msk $0xff, v47  }
0x1f3: {  	v48 =	vld [tilespmem:$0x12880]  }
0x1f4: {  	v36 =	vld [tilespmem:$0x12890]  }
0x1f5: {  	v49 =	vld [tilespmem:$0x128A0]  }
0x1f6: {  	v50 =	vld [tilespmem:$0x128B0]  }
0x1f7: {  	v51 =	vld [tilespmem:$0x128C0]  }
0x1f8: {  	[tilespmem:$0x9880] =	vst v48  }
0x1f9: {  	[tilespmem:$0x9890] =	vst v36  }
0x1fa: {  	[tilespmem:$0x98A0] =	vst v49  }
0x1fb: {  	[tilespmem:$0x98B0] =	vst v50  }
0x1fc: {  	[tilespmem:$0x98C0] =	vst v51  }
0x1fd: {  	v35 =	vld [tilespmem:$0x128D0]  }
0x1fe: {  	v52 =	vld [tilespmem:$0x128E0];
	_ =	sdelay $0x3  }
0x1ff: {  	[tilespmem:$0x98D0] =	vst v35  }
0x200: {  	[tilespmem:v34+s13+$0x0] =	vst.idx.msk $0xff, v52  }
0x201: {  	[hbm4b:s31+s3] =	stream.linear.scatter [tilespmem:s13], [sflag:$0x3], $0x8000, $0x38;
	[tilespmem:$0x13900] =	vst v63  }
0x202: {  	_ =	swait.ge [sflag:s25], $0x7000  }
0x203: {  	[sflag:s25] =	ssyncset.done $0x0  }
0x204: {  	[sflag:s25] =	ssyncadd.s32 $0xFFFF9000  }
0x205: {  	_ =	swait.ge [sflag:s25], $0x1000  }
0x206: {  	[sflag:s25] =	ssyncset.done $0x0  }
0x207: {  	[sflag:s25] =	ssyncadd.s32 $0xFFFFF000  }
0x208: {  	v53 =	vld [tilespmem:$0x12900]  }
0x209: {  	v54 =	vld [tilespmem:$0x12910]  }
0x20a: {  	v55 =	vld [tilespmem:$0x12920]  }
0x20b: {  	v56 =	vld [tilespmem:$0x12930]  }
0x20c: {  	v57 =	vld [tilespmem:$0x12940]  }
0x20d: {  	v58 =	vld [tilespmem:$0x12950];
	[tilespmem:$0xB500] =	vst v53  }
0x20e: {  	v59 =	vld [tilespmem:$0x12960];
	[tilespmem:$0xB510] =	vst v54  }
0x20f: {  	[tilespmem:$0xB520] =	vst v55  }
0x210: {  	[tilespmem:$0xB530] =	vst v56  }
0x211: {  	[tilespmem:$0xB540] =	vst v57  }
0x212: {  	[tilespmem:$0xB550] =	vst v58  }
0x213: {  	[tilespmem:v3+s1+$0x0] =	vst.idx.msk $0xff, v59  }
0x214: {  	v60 =	vld [tilespmem:$0x12980]  }
0x215: {  	v36 =	vld [tilespmem:$0x12990]  }
0x216: {  	v61 =	vld [tilespmem:$0x129A0]  }
0x217: {  	v62 =	vld [tilespmem:$0x129B0]  }
0x218: {  	v63 =	vld [tilespmem:$0x129C0]  }
0x219: {  	v40 =	vld [tilespmem:$0x129D0];
	[tilespmem:$0xB580] =	vst v60  }
0x21a: {  	v41 =	vld [tilespmem:$0x129E0];
	[tilespmem:$0xB590] =	vst v36  }
0x21b: {  	[tilespmem:$0xB5A0] =	vst v61  }
0x21c: {  	[tilespmem:$0xB5B0] =	vst v62  }
0x21d: {  	[tilespmem:$0xB5C0] =	vst v63  }
0x21e: {  	[tilespmem:$0xB5D0] =	vst v40  }
0x21f: {  	[tilespmem:v4+s1+$0x0] =	vst.idx.msk $0xff, v41  }
0x220: {  	v42 =	vld [tilespmem:$0x12A00]  }
0x221: {  	v36 =	vld [tilespmem:$0x12A10]  }
0x222: {  	v43 =	vld [tilespmem:$0x12A20]  }
0x223: {  	v44 =	vld [tilespmem:$0x12A30]  }
0x224: {  	v45 =	vld [tilespmem:$0x12A40]  }
0x225: {  	v46 =	vld [tilespmem:$0x12A50];
	[tilespmem:$0xB600] =	vst v42  }
0x226: {  	v47 =	vld [tilespmem:$0x12A60];
	[tilespmem:$0xB610] =	vst v36  }
0x227: {  	[tilespmem:$0xB620] =	vst v43  }
0x228: {  	[tilespmem:$0xB630] =	vst v44  }
0x229: {  	[tilespmem:$0xB640] =	vst v45  }
0x22a: {  	[tilespmem:$0xB650] =	vst v46  }
0x22b: {  	[tilespmem:v5+s1+$0x0] =	vst.idx.msk $0xff, v47  }
0x22c: {  	v48 =	vld [tilespmem:$0x12A80]  }
0x22d: {  	v36 =	vld [tilespmem:$0x12A90]  }
0x22e: {  	v49 =	vld [tilespmem:$0x12AA0]  }
0x22f: {  	v50 =	vld [tilespmem:$0x12AB0]  }
0x230: {  	v51 =	vld [tilespmem:$0x12AC0]  }
0x231: {  	v52 =	vld [tilespmem:$0x12AD0];
	[tilespmem:$0xB680] =	vst v48  }
0x232: {  	v53 =	vld [tilespmem:$0x12AE0];
	[tilespmem:$0xB690] =	vst v36  }
0x233: {  	[tilespmem:$0xB6A0] =	vst v49  }
0x234: {  	[tilespmem:$0xB6B0] =	vst v50  }
0x235: {  	[tilespmem:$0xB6C0] =	vst v51  }
0x236: {  	[tilespmem:$0xB6D0] =	vst v52  }
0x237: {  	[tilespmem:v6+s1+$0x0] =	vst.idx.msk $0xff, v53  }
0x238: {  	v54 =	vld [tilespmem:$0x12B00]  }
0x239: {  	v36 =	vld [tilespmem:$0x12B10]  }
0x23a: {  	v55 =	vld [tilespmem:$0x12B20]  }
0x23b: {  	v56 =	vld [tilespmem:$0x12B30]  }
0x23c: {  	v57 =	vld [tilespmem:$0x12B40]  }
0x23d: {  	v58 =	vld [tilespmem:$0x12B50];
	[tilespmem:$0xB700] =	vst v54  }
0x23e: {  	v59 =	vld [tilespmem:$0x12B60];
	[tilespmem:$0xB710] =	vst v36  }
0x23f: {  	[tilespmem:$0xB720] =	vst v55  }
0x240: {  	[tilespmem:$0xB730] =	vst v56  }
0x241: {  	[tilespmem:$0xB740] =	vst v57  }
0x242: {  	[tilespmem:$0xB750] =	vst v58  }
0x243: {  	[tilespmem:v7+s1+$0x0] =	vst.idx.msk $0xff, v59  }
0x244: {  	v60 =	vld [tilespmem:$0x12B80]  }
0x245: {  	v36 =	vld [tilespmem:$0x12B90]  }
0x246: {  	v61 =	vld [tilespmem:$0x12BA0]  }
0x247: {  	v62 =	vld [tilespmem:$0x12BB0]  }
0x248: {  	v63 =	vld [tilespmem:$0x12BC0]  }
0x249: {  	v40 =	vld [tilespmem:$0x12BD0];
	[tilespmem:$0xB780] =	vst v60  }
0x24a: {  	v41 =	vld [tilespmem:$0x12BE0];
	[tilespmem:$0xB790] =	vst v36  }
0x24b: {  	[tilespmem:$0xB7A0] =	vst v61  }
0x24c: {  	[tilespmem:$0xB7B0] =	vst v62  }
0x24d: {  	[tilespmem:$0xB7C0] =	vst v63  }
0x24e: {  	[tilespmem:$0xB7D0] =	vst v40  }
0x24f: {  	[tilespmem:v8+s1+$0x0] =	vst.idx.msk $0xff, v41  }
0x250: {  	v42 =	vld [tilespmem:$0x12C00]  }
0x251: {  	v36 =	vld [tilespmem:$0x12C10]  }
0x252: {  	v43 =	vld [tilespmem:$0x12C20]  }
0x253: {  	v44 =	vld [tilespmem:$0x12C30]  }
0x254: {  	v45 =	vld [tilespmem:$0x12C40]  }
0x255: {  	v46 =	vld [tilespmem:$0x12C50];
	[tilespmem:$0xB800] =	vst v42  }
0x256: {  	v47 =	vld [tilespmem:$0x12C60];
	[tilespmem:$0xB810] =	vst v36  }
0x257: {  	[tilespmem:$0xB820] =	vst v43  }
0x258: {  	[tilespmem:$0xB830] =	vst v44  }
0x259: {  	[tilespmem:$0xB840] =	vst v45  }
0x25a: {  	[tilespmem:$0xB850] =	vst v46  }
0x25b: {  	[tilespmem:v9+s1+$0x0] =	vst.idx.msk $0xff, v47  }
0x25c: {  	v48 =	vld [tilespmem:$0x12C80]  }
0x25d: {  	v36 =	vld [tilespmem:$0x12C90]  }
0x25e: {  	v49 =	vld [tilespmem:$0x12CA0]  }
0x25f: {  	v50 =	vld [tilespmem:$0x12CB0]  }
0x260: {  	v51 =	vld [tilespmem:$0x12CC0]  }
0x261: {  	v52 =	vld [tilespmem:$0x12CD0];
	[tilespmem:$0xB880] =	vst v48  }
0x262: {  	v53 =	vld [tilespmem:$0x12CE0];
	[tilespmem:$0xB890] =	vst v36  }
0x263: {  	[tilespmem:$0xB8A0] =	vst v49  }
0x264: {  	[tilespmem:$0xB8B0] =	vst v50  }
0x265: {  	[tilespmem:$0xB8C0] =	vst v51  }
0x266: {  	[tilespmem:$0xB8D0] =	vst v52  }
0x267: {  	[tilespmem:v10+s1+$0x0] =	vst.idx.msk $0xff, v53  }
0x268: {  	v54 =	vld [tilespmem:$0x12D00]  }
0x269: {  	v36 =	vld [tilespmem:$0x12D10]  }
0x26a: {  	v55 =	vld [tilespmem:$0x12D20]  }
0x26b: {  	v56 =	vld [tilespmem:$0x12D30]  }
0x26c: {  	v57 =	vld [tilespmem:$0x12D40]  }
0x26d: {  	v58 =	vld [tilespmem:$0x12D50];
	[tilespmem:$0xD500] =	vst v54  }
0x26e: {  	v59 =	vld [tilespmem:$0x12D60];
	[tilespmem:$0xD510] =	vst v36  }
0x26f: {  	[tilespmem:$0xD520] =	vst v55  }
0x270: {  	[tilespmem:$0xD530] =	vst v56  }
0x271: {  	[tilespmem:$0xD540] =	vst v57  }
0x272: {  	[tilespmem:$0xD550] =	vst v58  }
0x273: {  	[tilespmem:v11+s1+$0x0] =	vst.idx.msk $0xff, v59  }
0x274: {  	v60 =	vld [tilespmem:$0x12D80]  }
0x275: {  	v36 =	vld [tilespmem:$0x12D90]  }
0x276: {  	v61 =	vld [tilespmem:$0x12DA0]  }
0x277: {  	v62 =	vld [tilespmem:$0x12DB0]  }
0x278: {  	v63 =	vld [tilespmem:$0x12DC0]  }
0x279: {  	v40 =	vld [tilespmem:$0x12DD0];
	[tilespmem:$0xD580] =	vst v60  }
0x27a: {  	v41 =	vld [tilespmem:$0x12DE0];
	[tilespmem:$0xD590] =	vst v36  }
0x27b: {  	[tilespmem:$0xD5A0] =	vst v61  }
0x27c: {  	[tilespmem:$0xD5B0] =	vst v62  }
0x27d: {  	[tilespmem:$0xD5C0] =	vst v63  }
0x27e: {  	[tilespmem:$0xD5D0] =	vst v40  }
0x27f: {  	[tilespmem:v12+s1+$0x0] =	vst.idx.msk $0xff, v41  }
0x280: {  	v42 =	vld [tilespmem:$0x12E00]  }
0x281: {  	v36 =	vld [tilespmem:$0x12E10]  }
0x282: {  	v43 =	vld [tilespmem:$0x12E20]  }
0x283: {  	v44 =	vld [tilespmem:$0x12E30]  }
0x284: {  	v45 =	vld [tilespmem:$0x12E40]  }
0x285: {  	v46 =	vld [tilespmem:$0x12E50];
	[tilespmem:$0xD600] =	vst v42  }
0x286: {  	v47 =	vld [tilespmem:$0x12E60];
	[tilespmem:$0xD610] =	vst v36  }
0x287: {  	[tilespmem:$0xD620] =	vst v43  }
0x288: {  	[tilespmem:$0xD630] =	vst v44  }
0x289: {  	[tilespmem:$0xD640] =	vst v45  }
0x28a: {  	[tilespmem:$0xD650] =	vst v46  }
0x28b: {  	[tilespmem:v13+s1+$0x0] =	vst.idx.msk $0xff, v47  }
0x28c: {  	v48 =	vld [tilespmem:$0x12E80]  }
0x28d: {  	v36 =	vld [tilespmem:$0x12E90]  }
0x28e: {  	v49 =	vld [tilespmem:$0x12EA0]  }
0x28f: {  	v50 =	vld [tilespmem:$0x12EB0]  }
0x290: {  	v51 =	vld [tilespmem:$0x12EC0]  }
0x291: {  	v52 =	vld [tilespmem:$0x12ED0];
	[tilespmem:$0xD680] =	vst v48  }
0x292: {  	v53 =	vld [tilespmem:$0x12EE0];
	[tilespmem:$0xD690] =	vst v36  }
0x293: {  	[tilespmem:$0xD6A0] =	vst v49  }
0x294: {  	[tilespmem:$0xD6B0] =	vst v50  }
0x295: {  	[tilespmem:$0xD6C0] =	vst v51  }
0x296: {  	[tilespmem:$0xD6D0] =	vst v52  }
0x297: {  	[tilespmem:v14+s1+$0x0] =	vst.idx.msk $0xff, v53  }
0x298: {  	v54 =	vld [tilespmem:$0x12F00]  }
0x299: {  	v36 =	vld [tilespmem:$0x12F10]  }
0x29a: {  	v55 =	vld [tilespmem:$0x12F20]  }
0x29b: {  	v56 =	vld [tilespmem:$0x12F30]  }
0x29c: {  	v57 =	vld [tilespmem:$0x12F40]  }
0x29d: {  	v58 =	vld [tilespmem:$0x12F50];
	[tilespmem:$0xD700] =	vst v54  }
0x29e: {  	v59 =	vld [tilespmem:$0x12F60];
	[tilespmem:$0xD710] =	vst v36  }
0x29f: {  	[tilespmem:$0xD720] =	vst v55  }
0x2a0: {  	[tilespmem:$0xD730] =	vst v56  }
0x2a1: {  	[tilespmem:$0xD740] =	vst v57  }
0x2a2: {  	[tilespmem:$0xD750] =	vst v58  }
0x2a3: {  	[tilespmem:v15+s1+$0x0] =	vst.idx.msk $0xff, v59  }
0x2a4: {  	v60 =	vld [tilespmem:$0x12F80]  }
0x2a5: {  	v36 =	vld [tilespmem:$0x12F90]  }
0x2a6: {  	v61 =	vld [tilespmem:$0x12FA0]  }
0x2a7: {  	v62 =	vld [tilespmem:$0x12FB0]  }
0x2a8: {  	v63 =	vld [tilespmem:$0x12FC0]  }
0x2a9: {  	v40 =	vld [tilespmem:$0x12FD0];
	[tilespmem:$0xD780] =	vst v60  }
0x2aa: {  	v41 =	vld [tilespmem:$0x12FE0];
	[tilespmem:$0xD790] =	vst v36  }
0x2ab: {  	[tilespmem:$0xD7A0] =	vst v61  }
0x2ac: {  	[tilespmem:$0xD7B0] =	vst v62  }
0x2ad: {  	[tilespmem:$0xD7C0] =	vst v63  }
0x2ae: {  	[tilespmem:$0xD7D0] =	vst v40  }
0x2af: {  	[tilespmem:v16+s1+$0x0] =	vst.idx.msk $0xff, v41  }
0x2b0: {  	v42 =	vld [tilespmem:$0x13000]  }
0x2b1: {  	v36 =	vld [tilespmem:$0x13010]  }
0x2b2: {  	v43 =	vld [tilespmem:$0x13020]  }
0x2b3: {  	v44 =	vld [tilespmem:$0x13030]  }
0x2b4: {  	v45 =	vld [tilespmem:$0x13040]  }
0x2b5: {  	v46 =	vld [tilespmem:$0x13050];
	[tilespmem:$0xD800] =	vst v42  }
0x2b6: {  	v47 =	vld [tilespmem:$0x13060];
	[tilespmem:$0xD810] =	vst v36  }
0x2b7: {  	[tilespmem:$0xD820] =	vst v43  }
0x2b8: {  	[tilespmem:$0xD830] =	vst v44  }
0x2b9: {  	[tilespmem:$0xD840] =	vst v45  }
0x2ba: {  	[tilespmem:$0xD850] =	vst v46  }
0x2bb: {  	[tilespmem:v17+s1+$0x0] =	vst.idx.msk $0xff, v47  }
0x2bc: {  	v48 =	vld [tilespmem:$0x13080]  }
0x2bd: {  	v36 =	vld [tilespmem:$0x13090]  }
0x2be: {  	v49 =	vld [tilespmem:$0x130A0]  }
0x2bf: {  	v50 =	vld [tilespmem:$0x130B0]  }
0x2c0: {  	v51 =	vld [tilespmem:$0x130C0]  }
0x2c1: {  	v52 =	vld [tilespmem:$0x130D0];
	[tilespmem:$0xD880] =	vst v48  }
0x2c2: {  	v53 =	vld [tilespmem:$0x130E0];
	[tilespmem:$0xD890] =	vst v36  }
0x2c3: {  	[tilespmem:$0xD8A0] =	vst v49  }
0x2c4: {  	[tilespmem:$0xD8B0] =	vst v50  }
0x2c5: {  	[tilespmem:$0xD8C0] =	vst v51  }
0x2c6: {  	[tilespmem:$0xD8D0] =	vst v52  }
0x2c7: {  	[tilespmem:v18+s1+$0x0] =	vst.idx.msk $0xff, v53  }
0x2c8: {  	v54 =	vld [tilespmem:$0x13100]  }
0x2c9: {  	v36 =	vld [tilespmem:$0x13110]  }
0x2ca: {  	v55 =	vld [tilespmem:$0x13120]  }
0x2cb: {  	v56 =	vld [tilespmem:$0x13130]  }
0x2cc: {  	v57 =	vld [tilespmem:$0x13140]  }
0x2cd: {  	v58 =	vld [tilespmem:$0x13150];
	[tilespmem:$0xF500] =	vst v54  }
0x2ce: {  	v59 =	vld [tilespmem:$0x13160];
	[tilespmem:$0xF510] =	vst v36  }
0x2cf: {  	[tilespmem:$0xF520] =	vst v55  }
0x2d0: {  	[tilespmem:$0xF530] =	vst v56  }
0x2d1: {  	[tilespmem:$0xF540] =	vst v57  }
0x2d2: {  	[tilespmem:$0xF550] =	vst v58  }
0x2d3: {  	[tilespmem:v19+s1+$0x0] =	vst.idx.msk $0xff, v59  }
0x2d4: {  	v60 =	vld [tilespmem:$0x13180]  }
0x2d5: {  	v36 =	vld [tilespmem:$0x13190]  }
0x2d6: {  	v61 =	vld [tilespmem:$0x131A0]  }
0x2d7: {  	v62 =	vld [tilespmem:$0x131B0]  }
0x2d8: {  	v63 =	vld [tilespmem:$0x131C0]  }
0x2d9: {  	v40 =	vld [tilespmem:$0x131D0];
	[tilespmem:$0xF580] =	vst v60  }
0x2da: {  	v41 =	vld [tilespmem:$0x131E0];
	[tilespmem:$0xF590] =	vst v36  }
0x2db: {  	[tilespmem:$0xF5A0] =	vst v61  }
0x2dc: {  	[tilespmem:$0xF5B0] =	vst v62  }
0x2dd: {  	[tilespmem:$0xF5C0] =	vst v63  }
0x2de: {  	[tilespmem:$0xF5D0] =	vst v40  }
0x2df: {  	[tilespmem:v20+s1+$0x0] =	vst.idx.msk $0xff, v41  }
0x2e0: {  	v42 =	vld [tilespmem:$0x13200]  }
0x2e1: {  	v36 =	vld [tilespmem:$0x13210]  }
0x2e2: {  	v43 =	vld [tilespmem:$0x13220]  }
0x2e3: {  	v44 =	vld [tilespmem:$0x13230]  }
0x2e4: {  	v45 =	vld [tilespmem:$0x13240]  }
0x2e5: {  	v46 =	vld [tilespmem:$0x13250];
	[tilespmem:$0xF600] =	vst v42  }
0x2e6: {  	v47 =	vld [tilespmem:$0x13260];
	[tilespmem:$0xF610] =	vst v36  }
0x2e7: {  	[tilespmem:$0xF620] =	vst v43  }
0x2e8: {  	[tilespmem:$0xF630] =	vst v44  }
0x2e9: {  	[tilespmem:$0xF640] =	vst v45  }
0x2ea: {  	[tilespmem:$0xF650] =	vst v46  }
0x2eb: {  	[tilespmem:v21+s1+$0x0] =	vst.idx.msk $0xff, v47  }
0x2ec: {  	v48 =	vld [tilespmem:$0x13280]  }
0x2ed: {  	v36 =	vld [tilespmem:$0x13290]  }
0x2ee: {  	v49 =	vld [tilespmem:$0x132A0]  }
0x2ef: {  	v50 =	vld [tilespmem:$0x132B0]  }
0x2f0: {  	v51 =	vld [tilespmem:$0x132C0]  }
0x2f1: {  	v52 =	vld [tilespmem:$0x132D0];
	[tilespmem:$0xF680] =	vst v48  }
0x2f2: {  	v53 =	vld [tilespmem:$0x132E0];
	[tilespmem:$0xF690] =	vst v36  }
0x2f3: {  	[tilespmem:$0xF6A0] =	vst v49  }
0x2f4: {  	[tilespmem:$0xF6B0] =	vst v50  }
0x2f5: {  	[tilespmem:$0xF6C0] =	vst v51  }
0x2f6: {  	[tilespmem:$0xF6D0] =	vst v52  }
0x2f7: {  	[tilespmem:v22+s1+$0x0] =	vst.idx.msk $0xff, v53  }
0x2f8: {  	v54 =	vld [tilespmem:$0x13300]  }
0x2f9: {  	v36 =	vld [tilespmem:$0x13310]  }
0x2fa: {  	v55 =	vld [tilespmem:$0x13320]  }
0x2fb: {  	v56 =	vld [tilespmem:$0x13330]  }
0x2fc: {  	v57 =	vld [tilespmem:$0x13340]  }
0x2fd: {  	v58 =	vld [tilespmem:$0x13350];
	[tilespmem:$0xF700] =	vst v54  }
0x2fe: {  	v59 =	vld [tilespmem:$0x13360];
	[tilespmem:$0xF710] =	vst v36  }
0x2ff: {  	[tilespmem:$0xF720] =	vst v55  }
0x300: {  	[tilespmem:$0xF730] =	vst v56  }
0x301: {  	[tilespmem:$0xF740] =	vst v57  }
0x302: {  	[tilespmem:$0xF750] =	vst v58  }
0x303: {  	[tilespmem:v23+s1+$0x0] =	vst.idx.msk $0xff, v59  }
0x304: {  	v60 =	vld [tilespmem:$0x13380]  }
0x305: {  	v36 =	vld [tilespmem:$0x13390]  }
0x306: {  	v61 =	vld [tilespmem:$0x133A0]  }
0x307: {  	v62 =	vld [tilespmem:$0x133B0]  }
0x308: {  	v63 =	vld [tilespmem:$0x133C0]  }
0x309: {  	v40 =	vld [tilespmem:$0x133D0];
	[tilespmem:$0xF780] =	vst v60  }
0x30a: {  	v41 =	vld [tilespmem:$0x133E0];
	[tilespmem:$0xF790] =	vst v36  }
0x30b: {  	[tilespmem:$0xF7A0] =	vst v61  }
0x30c: {  	[tilespmem:$0xF7B0] =	vst v62  }
0x30d: {  	[tilespmem:$0xF7C0] =	vst v63  }
0x30e: {  	[tilespmem:$0xF7D0] =	vst v40  }
0x30f: {  	[tilespmem:v24+s1+$0x0] =	vst.idx.msk $0xff, v41  }
0x310: {  	v42 =	vld [tilespmem:$0x13400]  }
0x311: {  	v36 =	vld [tilespmem:$0x13410]  }
0x312: {  	v43 =	vld [tilespmem:$0x13420]  }
0x313: {  	v44 =	vld [tilespmem:$0x13430]  }
0x314: {  	v45 =	vld [tilespmem:$0x13440]  }
0x315: {  	v46 =	vld [tilespmem:$0x13450];
	[tilespmem:$0xF800] =	vst v42  }
0x316: {  	v47 =	vld [tilespmem:$0x13460];
	[tilespmem:$0xF810] =	vst v36  }
0x317: {  	[tilespmem:$0xF820] =	vst v43  }
0x318: {  	[tilespmem:$0xF830] =	vst v44  }
0x319: {  	[tilespmem:$0xF840] =	vst v45  }
0x31a: {  	[tilespmem:$0xF850] =	vst v46  }
0x31b: {  	[tilespmem:v25+s1+$0x0] =	vst.idx.msk $0xff, v47  }
0x31c: {  	v48 =	vld [tilespmem:$0x13480]  }
0x31d: {  	v36 =	vld [tilespmem:$0x13490]  }
0x31e: {  	v49 =	vld [tilespmem:$0x134A0]  }
0x31f: {  	v50 =	vld [tilespmem:$0x134B0]  }
0x320: {  	v51 =	vld [tilespmem:$0x134C0]  }
0x321: {  	v52 =	vld [tilespmem:$0x134D0];
	[tilespmem:$0xF880] =	vst v48  }
0x322: {  	v53 =	vld [tilespmem:$0x134E0];
	[tilespmem:$0xF890] =	vst v36  }
0x323: {  	[tilespmem:$0xF8A0] =	vst v49  }
0x324: {  	[tilespmem:$0xF8B0] =	vst v50  }
0x325: {  	[tilespmem:$0xF8C0] =	vst v51  }
0x326: {  	[tilespmem:$0xF8D0] =	vst v52  }
0x327: {  	[tilespmem:v26+s1+$0x0] =	vst.idx.msk $0xff, v53  }
0x328: {  	v54 =	vld [tilespmem:$0x13500]  }
0x329: {  	v36 =	vld [tilespmem:$0x13510]  }
0x32a: {  	v55 =	vld [tilespmem:$0x13520]  }
0x32b: {  	v56 =	vld [tilespmem:$0x13530]  }
0x32c: {  	v57 =	vld [tilespmem:$0x13540]  }
0x32d: {  	v58 =	vld [tilespmem:$0x13550];
	[tilespmem:$0x11500] =	vst v54  }
0x32e: {  	v59 =	vld [tilespmem:$0x13560];
	[tilespmem:$0x11510] =	vst v36  }
0x32f: {  	[tilespmem:$0x11520] =	vst v55  }
0x330: {  	[tilespmem:$0x11530] =	vst v56  }
0x331: {  	[tilespmem:$0x11540] =	vst v57  }
0x332: {  	[tilespmem:$0x11550] =	vst v58  }
0x333: {  	[tilespmem:v27+s1+$0x0] =	vst.idx.msk $0xff, v59  }
0x334: {  	v60 =	vld [tilespmem:$0x13580]  }
0x335: {  	v36 =	vld [tilespmem:$0x13590]  }
0x336: {  	v61 =	vld [tilespmem:$0x135A0]  }
0x337: {  	v62 =	vld [tilespmem:$0x135B0]  }
0x338: {  	v63 =	vld [tilespmem:$0x135C0]  }
0x339: {  	v42 =	vld [tilespmem:$0x135D0];
	[tilespmem:$0x11580] =	vst v60  }
0x33a: {  	v43 =	vld [tilespmem:$0x135E0];
	[tilespmem:$0x11590] =	vst v36  }
0x33b: {  	[tilespmem:$0x115A0] =	vst v61  }
0x33c: {  	[tilespmem:$0x115B0] =	vst v62  }
0x33d: {  	[tilespmem:$0x115C0] =	vst v63  }
0x33e: {  	[tilespmem:$0x115D0] =	vst v42  }
0x33f: {  	[tilespmem:v28+s1+$0x0] =	vst.idx.msk $0xff, v43  }
0x340: {  	v44 =	vld [tilespmem:$0x13600]  }
0x341: {  	v36 =	vld [tilespmem:$0x13610]  }
0x342: {  	v45 =	vld [tilespmem:$0x13620]  }
0x343: {  	v46 =	vld [tilespmem:$0x13630]  }
0x344: {  	v47 =	vld [tilespmem:$0x13640]  }
0x345: {  	v48 =	vld [tilespmem:$0x13650];
	[tilespmem:$0x11600] =	vst v44  }
0x346: {  	v49 =	vld [tilespmem:$0x13660];
	[tilespmem:$0x11610] =	vst v36  }
0x347: {  	[tilespmem:$0x11620] =	vst v45  }
0x348: {  	[tilespmem:$0x11630] =	vst v46  }
0x349: {  	[tilespmem:$0x11640] =	vst v47  }
0x34a: {  	[tilespmem:$0x11650] =	vst v48  }
0x34b: {  	[tilespmem:v29+s1+$0x0] =	vst.idx.msk $0xff, v49  }
0x34c: {  	v50 =	vld [tilespmem:$0x13680]  }
0x34d: {  	v36 =	vld [tilespmem:$0x13690]  }
0x34e: {  	v51 =	vld [tilespmem:$0x136A0]  }
0x34f: {  	v52 =	vld [tilespmem:$0x136B0]  }
0x350: {  	v53 =	vld [tilespmem:$0x136C0]  }
0x351: {  	v54 =	vld [tilespmem:$0x136D0];
	[tilespmem:$0x11680] =	vst v50  }
0x352: {  	v55 =	vld [tilespmem:$0x136E0];
	[tilespmem:$0x11690] =	vst v36  }
0x353: {  	[tilespmem:$0x116A0] =	vst v51  }
0x354: {  	[tilespmem:$0x116B0] =	vst v52  }
0x355: {  	[tilespmem:$0x116C0] =	vst v53  }
0x356: {  	[tilespmem:$0x116D0] =	vst v54  }
0x357: {  	[tilespmem:v30+s1+$0x0] =	vst.idx.msk $0xff, v55  }
0x358: {  	v56 =	vld [tilespmem:$0x13700]  }
0x359: {  	v36 =	vld [tilespmem:$0x13710]  }
0x35a: {  	v57 =	vld [tilespmem:$0x13720]  }
0x35b: {  	v58 =	vld [tilespmem:$0x13730]  }
0x35c: {  	v59 =	vld [tilespmem:$0x13740]  }
0x35d: {  	v60 =	vld [tilespmem:$0x13750];
	[tilespmem:$0x11700] =	vst v56  }
0x35e: {  	v61 =	vld [tilespmem:$0x13760];
	[tilespmem:$0x11710] =	vst v36  }
0x35f: {  	[tilespmem:$0x11720] =	vst v57  }
0x360: {  	[tilespmem:$0x11730] =	vst v58  }
0x361: {  	[tilespmem:$0x11740] =	vst v59  }
0x362: {  	[tilespmem:$0x11750] =	vst v60  }
0x363: {  	[tilespmem:v31+s1+$0x0] =	vst.idx.msk $0xff, v61  }
0x364: {  	v62 =	vld [tilespmem:$0x13780]  }
0x365: {  	v36 =	vld [tilespmem:$0x13790]  }
0x366: {  	v63 =	vld [tilespmem:$0x137A0]  }
0x367: {  	v42 =	vld [tilespmem:$0x137B0]  }
0x368: {  	v43 =	vld [tilespmem:$0x137C0]  }
0x369: {  	v44 =	vld [tilespmem:$0x137D0];
	[tilespmem:$0x11780] =	vst v62  }
0x36a: {  	v45 =	vld [tilespmem:$0x137E0];
	[tilespmem:$0x11790] =	vst v36  }
0x36b: {  	[tilespmem:$0x117A0] =	vst v63  }
0x36c: {  	[tilespmem:$0x117B0] =	vst v42  }
0x36d: {  	[tilespmem:$0x117C0] =	vst v43  }
0x36e: {  	[tilespmem:$0x117D0] =	vst v44  }
0x36f: {  	[tilespmem:v32+s1+$0x0] =	vst.idx.msk $0xff, v45  }
0x370: {  	v46 =	vld [tilespmem:$0x13800]  }
0x371: {  	v36 =	vld [tilespmem:$0x13810]  }
0x372: {  	v47 =	vld [tilespmem:$0x13820]  }
0x373: {  	v48 =	vld [tilespmem:$0x13830]  }
0x374: {  	v49 =	vld [tilespmem:$0x13840]  }
0x375: {  	v50 =	vld [tilespmem:$0x13850];
	[tilespmem:$0x11800] =	vst v46  }
0x376: {  	v51 =	vld [tilespmem:$0x13860];
	[tilespmem:$0x11810] =	vst v36  }
0x377: {  	[tilespmem:$0x11820] =	vst v47  }
0x378: {  	[tilespmem:$0x11830] =	vst v48  }
0x379: {  	[tilespmem:$0x11840] =	vst v49  }
0x37a: {  	[tilespmem:$0x11850] =	vst v50  }
0x37b: {  	[tilespmem:v33+s1+$0x0] =	vst.idx.msk $0xff, v51  }
0x37c: {  	v52 =	vld [tilespmem:$0x13880]  }
0x37d: {  	v36 =	vld [tilespmem:$0x13890]  }
0x37e: {  	v53 =	vld [tilespmem:$0x138A0]  }
0x37f: {  	v54 =	vld [tilespmem:$0x138B0]  }
0x380: {  	v55 =	vld [tilespmem:$0x138C0]  }
0x381: {  	v56 =	vld [tilespmem:$0x138D0];
	[tilespmem:$0x11880] =	vst v52  }
0x382: {  	v57 =	vld [tilespmem:$0x138E0];
	[tilespmem:$0x11890] =	vst v36  }
0x383: {  	[tilespmem:$0x118A0] =	vst v53  }
0x384: {  	[tilespmem:$0x118B0] =	vst v54  }
0x385: {  	[tilespmem:$0x118C0] =	vst v55  }
0x386: {  	[tilespmem:$0x118D0] =	vst v56  }
0x387: {  	[tilespmem:v34+s1+$0x0] =	vst.idx.msk $0xff, v57  }
0x388: {  	[hbm4b:s0+s3] =	stream.linear.scatter [tilespmem:s1], [sflag:$0x4], $0x8000, $0x38;
	[tilespmem:$0x13900] =	vst v63  }
0x389: {  	_ =	swait.ge [sflag:s26], $0x8000  }
0x38a: {  	s5 =	smin.u32 s29, $0xC4;
	[sflag:s26] =	ssyncset.done $0x0  }
0x38b: {  	s5 =	sshll.u32 s5, $0x5;
	[sflag:s26] =	ssyncadd.s32 $0xFFFF8000  }
0x38c: {  	v58 =	vld [tilespmem:s5+$0x40];
	_ =	sdelay $0x4  }
0x38d: {  	v59 =	vshrl.u32 v58, $0x3  }
0x38e: {  	v36 =	vmul.u32 $0x38, v59  }
0x38f: {  	v35 =	vand.u32 $0x7, v58  }
0x390: {  	v35 =	vor.u32 v35, v36  }
0x391: {  	v36 =	vperm.xlane v35, v0;
	_ =	sdelay $0x1  }
0x392: {  	v36 =	vadd.s32 v1, v36;
	_ =	sdelay $0x4  }
0x393: {  	[tilespmem:s13], [sflag:$0x1] =	stream.indirect_vreg.gather [hbm4b:s2+s3], $0x80, v36, vm0, $0xb8;
	[tilespmem:$0x13900] =	vst v63  }
0x394: {  	v35 =	vperm.xlane v35, v2  }
0x395: {  	[tilespmem:s9], [sflag:$0x1] =	stream.indirect_vreg.gather [hbm4b:s6+s3], $0x80, v36, vm0, $0xb8;
	[tilespmem:$0x13900] =	vst v63  }
0x396: {  	s16 =	simm.s32 $0x2900;
	v35 =	vadd.s32 v1, v35  }
0x397: {  	[tilespmem:s16], [sflag:$0x1] =	stream.indirect_vreg.gather [hbm4b:s7+s3], $0x80, v36, vm0, $0xb8;
	[tilespmem:$0x13900] =	vst v63  }
0x398: {  	s16 =	simm.s32 $0x3100  }
0x399: {  	[tilespmem:s16], [sflag:$0x1] =	stream.indirect_vreg.gather [hbm4b:s8+s3], $0x80, v36, vm1, $0xb8;
	[tilespmem:$0x13900] =	vst v63  }
0x39a: {  	s16 =	simm.s32 $0x3900  }
0x39b: {  	[tilespmem:s16], [sflag:$0x1] =	stream.indirect_vreg.gather [hbm4b:s2+s3], $0x80, v35, vm0, $0xb8;
	[tilespmem:$0x13900] =	vst v63  }
0x39c: {  	s16 =	simm.s32 $0x4100  }
0x39d: {  	[tilespmem:s16], [sflag:$0x1] =	stream.indirect_vreg.gather [hbm4b:s6+s3], $0x80, v35, vm0, $0xb8;
	[tilespmem:$0x13900] =	vst v63  }
0x39e: {  	s16 =	simm.s32 $0x4900  }
0x39f: {  	[tilespmem:s16], [sflag:$0x1] =	stream.indirect_vreg.gather [hbm4b:s7+s3], $0x80, v35, vm0, $0xb8;
	[tilespmem:$0x13900] =	vst v63  }
0x3a0: {  	s16 =	simm.s32 $0x5100  }
0x3a1: {  	[tilespmem:s16], [sflag:$0x1] =	stream.indirect_vreg.gather [hbm4b:s8+s3], $0x80, v35, vm1, $0xb8;
	[tilespmem:$0x13900] =	vst v63  }
0x3a2: {  	v35 =	vld [tilespmem:s5+$0x50];
	_ =	sdelay $0x4  }
0x3a3: {  	v60 =	vshrl.u32 v35, $0x3  }
0x3a4: {  	v36 =	vmul.u32 $0x38, v60  }
0x3a5: {  	v35 =	vand.u32 $0x7, v35  }
0x3a6: {  	v35 =	vor.u32 v35, v36  }
0x3a7: {  	v36 =	vperm.xlane v35, v0;
	_ =	sdelay $0x1  }
0x3a8: {  	v36 =	vadd.s32 v1, v36;
	_ =	sdelay $0x3  }
0x3a9: {  	s16 =	simm.s32 $0x5900  }
0x3aa: {  	[tilespmem:s16], [sflag:$0x1] =	stream.indirect_vreg.gather [hbm4b:s2+s3], $0x80, v36, vm0, $0xb8;
	[tilespmem:$0x13900] =	vst v63  }
0x3ab: {  	v35 =	vperm.xlane v35, v2;
	s16 =	simm.s32 $0x6100  }
0x3ac: {  	[tilespmem:s16], [sflag:$0x1] =	stream.indirect_vreg.gather [hbm4b:s6+s3], $0x80, v36, vm0, $0xb8;
	[tilespmem:$0x13900] =	vst v63  }
0x3ad: {  	v35 =	vadd.s32 v1, v35;
	s16 =	simm.s32 $0x6900  }
0x3ae: {  	[tilespmem:s16], [sflag:$0x1] =	stream.indirect_vreg.gather [hbm4b:s7+s3], $0x80, v36, vm0, $0xb8;
	[tilespmem:$0x13900] =	vst v63  }
0x3af: {  	s16 =	simm.s32 $0x7100  }
0x3b0: {  	[tilespmem:s16], [sflag:$0x1] =	stream.indirect_vreg.gather [hbm4b:s8+s3], $0x80, v36, vm1, $0xb8;
	[tilespmem:$0x13900] =	vst v63  }
0x3b1: {  	s16 =	simm.s32 $0x7900  }
0x3b2: {  	[tilespmem:s16], [sflag:$0x1] =	stream.indirect_vreg.gather [hbm4b:s2+s3], $0x80, v35, vm0, $0xb8;
	[tilespmem:$0x13900] =	vst v63  }
0x3b3: {  	s16 =	simm.s32 $0x8100  }
0x3b4: {  	[tilespmem:s16], [sflag:$0x1] =	stream.indirect_vreg.gather [hbm4b:s6+s3], $0x80, v35, vm0, $0xb8;
	[tilespmem:$0x13900] =	vst v63  }
0x3b5: {  	s16 =	simm.s32 $0x8900  }
0x3b6: {  	[tilespmem:s16], [sflag:$0x1] =	stream.indirect_vreg.gather [hbm4b:s7+s3], $0x80, v35, vm0, $0xb8;
	[tilespmem:$0x13900] =	vst v63  }
0x3b7: {  	s16 =	simm.s32 $0x9100  }
0x3b8: {  	[tilespmem:s16], [sflag:$0x1] =	stream.indirect_vreg.gather [hbm4b:s8+s3], $0x80, v35, vm1, $0xb8;
	[tilespmem:$0x13900] =	vst v63  }
0x3b9: {  	s9 =	sadd.s32 $0x40, s5;
	s16 =	simm.s32 $0x11900  }
0x3ba: {  	[tilespmem:s16], [sflag:$0x1] =	stream.indirect.gather [hbm4b:s4+s30], $0x80, s9, s30, $0xb8;
	[tilespmem:$0x13900] =	vst v63  }
0x3bb: {  	_ =	swait.ge [sflag:s28], $0x8000  }
0x3bc: {  	[sflag:s28] =	ssyncset.done $0x0  }
0x3bd: {  	[sflag:s28] =	ssyncadd.s32 $0xFFFF8000  }
0x3be: {  	v61 =	vld [tilespmem:s5+$0x60];
	_ =	sdelay $0x4  }
0x3bf: {  	v62 =	vshrl.u32 v61, $0x3  }
0x3c0: {  	v36 =	vmul.u32 $0x38, v62  }
0x3c1: {  	v35 =	vand.u32 $0x7, v61  }
0x3c2: {  	v35 =	vor.u32 v35, v36  }
0x3c3: {  	v36 =	vperm.xlane v35, v0;
	_ =	sdelay $0x1  }
0x3c4: {  	v36 =	vadd.s32 v1, v36;
	_ =	sdelay $0x4  }
0x3c5: {  	[tilespmem:s1], [sflag:$0x2] =	stream.indirect_vreg.gather [hbm4b:s2+s3], $0x80, v36, vm0, $0xb8;
	[tilespmem:$0x13900] =	vst v63  }
0x3c6: {  	s16 =	simm.s32 $0xA100;
	v35 =	vperm.xlane v35, v2  }
0x3c7: {  	[tilespmem:s16], [sflag:$0x2] =	stream.indirect_vreg.gather [hbm4b:s6+s3], $0x80, v36, vm0, $0xb8;
	[tilespmem:$0x13900] =	vst v63  }
0x3c8: {  	v35 =	vadd.s32 v1, v35;
	s16 =	simm.s32 $0xA900  }
0x3c9: {  	[tilespmem:s16], [sflag:$0x2] =	stream.indirect_vreg.gather [hbm4b:s7+s3], $0x80, v36, vm0, $0xb8;
	[tilespmem:$0x13900] =	vst v63  }
0x3ca: {  	s16 =	simm.s32 $0xB100  }
0x3cb: {  	[tilespmem:s16], [sflag:$0x2] =	stream.indirect_vreg.gather [hbm4b:s8+s3], $0x80, v36, vm1, $0xb8;
	[tilespmem:$0x13900] =	vst v63  }
0x3cc: {  	s16 =	simm.s32 $0xB900  }
0x3cd: {  	[tilespmem:s16], [sflag:$0x2] =	stream.indirect_vreg.gather [hbm4b:s2+s3], $0x80, v35, vm0, $0xb8;
	[tilespmem:$0x13900] =	vst v63  }
0x3ce: {  	_ = 	snop  }
0x3cf: {  	[tilespmem:s18], [sflag:$0x2] =	stream.indirect_vreg.gather [hbm4b:s6+s3], $0x80, v35, vm0, $0xb8;
	[tilespmem:$0x13900] =	vst v63  }
0x3d0: {  	_ = 	snop  }
0x3d1: {  	[tilespmem:s20], [sflag:$0x2] =	stream.indirect_vreg.gather [hbm4b:s7+s3], $0x80, v35, vm0, $0xb8;
	[tilespmem:$0x13900] =	vst v63  }
0x3d2: {  	_ = 	snop  }
0x3d3: {  	[tilespmem:s22], [sflag:$0x2] =	stream.indirect_vreg.gather [hbm4b:s8+s3], $0x80, v35, vm1, $0xb8;
	[tilespmem:$0x13900] =	vst v63  }
0x3d4: {  	v35 =	vld [tilespmem:s5+$0x70];
	_ =	sdelay $0x4  }
0x3d5: {  	v63 =	vshrl.u32 v35, $0x3  }
0x3d6: {  	v36 =	vmul.u32 $0x38, v63  }
0x3d7: {  	v35 =	vand.u32 $0x7, v35  }
0x3d8: {  	v35 =	vor.u32 v35, v36  }
0x3d9: {  	v36 =	vperm.xlane v35, v0;
	_ =	sdelay $0x1  }
0x3da: {  	v36 =	vadd.s32 v1, v36;
	_ =	sdelay $0x4  }
0x3db: {  	[tilespmem:s10], [sflag:$0x2] =	stream.indirect_vreg.gather [hbm4b:s2+s3], $0x80, v36, vm0, $0xb8;
	[tilespmem:$0x13900] =	vst v63  }
0x3dc: {  	v35 =	vperm.xlane v35, v2  }
0x3dd: {  	[tilespmem:s12], [sflag:$0x2] =	stream.indirect_vreg.gather [hbm4b:s6+s3], $0x80, v36, vm0, $0xb8;
	[tilespmem:$0x13900] =	vst v63  }
0x3de: {  	v35 =	vadd.s32 v1, v35  }
0x3df: {  	[tilespmem:s15], [sflag:$0x2] =	stream.indirect_vreg.gather [hbm4b:s7+s3], $0x80, v36, vm0, $0xb8;
	[tilespmem:$0x13900] =	vst v63  }
0x3e0: {  	_ = 	snop  }
0x3e1: {  	[tilespmem:s17], [sflag:$0x2] =	stream.indirect_vreg.gather [hbm4b:s8+s3], $0x80, v36, vm1, $0xb8;
	[tilespmem:$0x13900] =	vst v63  }
0x3e2: {  	_ = 	snop  }
0x3e3: {  	[tilespmem:s19], [sflag:$0x2] =	stream.indirect_vreg.gather [hbm4b:s2+s3], $0x80, v35, vm0, $0xb8;
	[tilespmem:$0x13900] =	vst v63  }
0x3e4: {  	_ = 	snop  }
0x3e5: {  	[tilespmem:s21], [sflag:$0x2] =	stream.indirect_vreg.gather [hbm4b:s6+s3], $0x80, v35, vm0, $0xb8;
	[tilespmem:$0x13900] =	vst v63  }
0x3e6: {  	p0 =	sne.s32 s29, $0xC6  }
0x3e7: {  	[tilespmem:s23], [sflag:$0x2] =	stream.indirect_vreg.gather [hbm4b:s7+s3], $0x80, v35, vm0, $0xb8;
	[tilespmem:$0x13900] =	vst v63  }
.Ltmp0:
0x3e8: {  	_ = 	snop;
	(pc) =	sbr.rel @p0 .LBB2_2-.Ltmp0, $4  }
0x3e9: {  	s29 =	sadd.s32 $0x2, s29;
	s31 =	sadd.s32 $0x2000, s31  }
0x3ea: {  	[tilespmem:s11], [sflag:$0x2] =	stream.indirect_vreg.gather [hbm4b:s8+s3], $0x80, v35, vm1, $0xb8;
	[tilespmem:$0x13900] =	vst v63  }
0x3eb: {  	s0 =	sadd.s32 $0x2000, s0;
	s9 =	simm.s32 $0x2100;
	s5 =	sadd.s32 $0x60, s5  }
0x3ec: {  	[tilespmem:s14], [sflag:$0x2] =	stream.indirect.gather [hbm4b:s4+s30], $0x80, s5, s30, $0xb8;
	[tilespmem:$0x13900] =	vst v63  }
0x3ed: {  	_ =	swait.ge [sflag:s24], $0x7000  }
0x3ee: {  	[sflag:s24] =	ssyncset.done $0x0  }
0x3ef: {  	[sflag:s24] =	ssyncadd.s32 $0xFFFF9000  }
0x3f0: {  	_ =	swait.ge [sflag:s24], $0x1000  }
0x3f1: {  	[sflag:s24] =	ssyncset.done $0x0  }
0x3f2: {  	[sflag:s24] =	ssyncadd.s32 $0xFFFFF000  }
0x3f3: {  	_ =	swait.ge [sflag:s25], $0x7000  }
0x3f4: {  	[sflag:s25] =	ssyncset.done $0x0  }
0x3f5: {  	[sflag:s25] =	ssyncadd.s32 $0xFFFF9000  }
0x3f6: {  	_ =	swait.ge [sflag:s25], $0x1000  }
0x3f7: {  	s10 =	simm.s32 $0x3100;
	s11 =	simm.s32 $0x3900;
	s5 =	rddreg [dreg:$0x7]  }
0x3f8: {  	s12 =	simm.s32 $0x4100;
	s0 =	rddreg [dreg:$0x4];
	s5 =	sadd.s32 $0x1, s5  }
0x3f9: {  	s14 =	simm.s32 $0x4900;
	s15 =	simm.s32 $0x5100;
	p0 =	sne.s32 s5, s0  }
.Ltmp1:
0x3fa: {  	s16 =	simm.s32 $0x5900;
	s17 =	simm.s32 $0x6100;
	(pc) =	sbr.rel @p0 .LBB2_1-.Ltmp1, $4  }
0x3fb: {  	s18 =	simm.s32 $0x6900;
	s19 =	simm.s32 $0x7100;
	s20 =	simm.s32 $0x7900  }
0x3fc: {  	s21 =	simm.s32 $0x8100;
	s22 =	simm.s32 $0x8900;
	s23 =	simm.s32 $0x9100  }
0x3fd: {  	s29 =	simm.s32 $0x11900;
	s31 =	simm.s32 $0xA100;
	[sflag:s25] =	ssyncset.done $0x0  }
0x3fe: {  	[sflag:s25] =	ssyncadd.s32 $0xFFFFF000;
	[dreg:$0x7] =	wrdreg s5;
	s5 =	simm.s32 $0x2900  }
0x3ff: {  	_ =	sfence.sel $0x180000  }
0x400: {  	[bflag:$0x0] =	sbarrier.arrive $0xFFFF  }
0x401: {  	_ =	strace $0x90000047  }
0x402: {  	s0 =	stileid.u32;
	[bflag:$0x2] =	sbarrier.arrive $0xFFFF  }
0x403: {  	p0 =	sne.s32 s0, $0x0;
	s0 =	rddreg [dreg:$0x2]  }
0x404: {  	s0 =	sadd.s32 @!p0 $0x100000, s0  }
0x405: {  	[sflag:s0] =	ssyncadd.tile.s32 @!p0 $0x1;
	_ =	shalt  }
.Lfunc_end2:
_tile_overlayer_lowered:
.L_overlay_start_2:
0x406: {  	(tag) =	ssettag $0x2  }
0x407: {  	s0 =	rddreg [dreg:$0x0];
	s2 =	stileid.u32  }
0x408: {  	s1 =	rddreg [dreg:$0x1];
	p0 =	sne.s32 s2, $0x0  }
0x409: {  	s3 =	rddreg [dreg:$0x2];
	[bflag:$0x3] =	sbarrier.arrive $0xFFFF;
	s2 =	simm.s32 @!p0 $0x1C05  }
0x40a: {  	[timem:s3], [sflag:s2] =	dma.local @!p0 [hbm:s0], s1  }
0x40b: {  	s0 =	simm.s32 @!p0 $0x5  }
0x40c: {  	_ =	swait.ge @!p0 [sflag:s0], s1  }
0x40d: {  	s1 =	ssub.s32 @!p0 $0x0, s1;
	[sflag:s0] =	ssyncset.done @!p0 $0x0  }
0x40e: {  	[sflag:s0] =	ssyncadd.s32 @!p0 s1  }
0x40f: {  	[bflag:$0x3] =	sbarrier.arrive $0xFFFF  }
0x410: {  	_ =	shalt  }

// kernel: sparse-core-data-format-call.cloned.1.call-start
scs
called_computation_lowered:
.L_overlay_start_0:
0x0: {  	s2 =	sld [smem:$0x3FD9]  }
0x1: {  	s3 =	sld [smem:$0x3FFE];
	_ =	sdelay $0x1  }
0x2: {  	s1 =	srdreg.scid  }
0x3: {  	s0 =	sand.u32 $0x1, s1  }
0x4: {  	s18 =	sshll.u32 s0, $0xA;
	s2 =	sadd.s32 s3, s2  }
0x5: {  	s2 =	sadd.s32 s2, s18  }
0x6: {  	[smem:$0x3FC4] =	sst s2  }
0x7: {  	_ = 	snop  }
0x8: {  	s2 =	sld [smem:$0x3FD0];
	(tm) =	ssettm $0x1  }
0x9: {  	s19 =	sld [smem:$0x3FFB];
	_ =	sdelay $0x3  }
0xa: {  	_ =	strace s19  }
0xb: {  	s3 =	sld [smem:$0x3FFC];
	_ =	sdelay $0x3  }
0xc: {  	_ =	strace s3  }
0xd: {  	s3 =	sld [smem:$0x3FFD];
	_ =	sdelay $0x3  }
0xe: {  	_ =	strace s3  }
0xf: {  	_ =	strace $0x8FFFFFFF  }
0x10: {  	s20 =	sld [smem:$0x3FDB];
	_ =	sdelay $0x1  }
0x11: {  	s4 =	simm.s32 $_scs_section_size  }
0x12: {  	s5 =	simm.s32 $_size__tile_overlayer_lowered;
	s6 =	simm.s32 $_tile_overlayer_lowered  }
0x13: {  	s23 =	simm.s32 $0x1BFF;
	s22 =	sshll.u32 s6, $0x1;
	s3 =	sadd.s32 s4, s20  }
0x14: {  	s7 =	simm.s32 $0x0;
	s21 =	sshll.u32 s5, $0x1;
	s5 =	sadd.s32 s22, s3  }
0x15: {  	[timem:s7], [sflag:s23] =	dma.local [hbm:s5], s21  }
0x16: {  	_ =	swait.ge [sflag:s23], s21  }
0x17: {  	s4 =	ssub.s32 $0x0, s21;
	[sflag:s23] =	ssyncset.done $0x0  }
0x18: {  	[sflag:s23] =	ssyncadd.s32 s4;
	_ =	sdelay $0x1  }
0x19: {  	s24 =	simm.s32 $0x1B8B  }
0x1a: {  	_ =	swait.ge [sflag:s24], $0x1  }
0x1b: {  	[sflag:s24] =	ssyncset.done $0x0  }
0x1c: {  	s26 =	simm.s32 $0x1B8E;
	s25 =	sld [smem:$0x3FFE];
	[sflag:s24] =	ssyncadd.s32 $0xFFFFFFFF  }
0x1d: {  	s27 =	simm.s32 $execute0_lowered;
	[smem:$0x3FD2] =	sst s26  }
0x1e: {  	s5 =	sshll.u32 s27, $0x1;
	_ =	strace $0x80000049;
	[dreg:$0x1] =	wrdreg $0xFFFFFFFF  }
0x1f: {  	s28 =	simm.s32 $_size_execute0_lowered;
	s3 =	sadd.s32 s3, s5;
	[dreg:$0x0] =	wrdreg $0x0  }
0x20: {  	s5 =	sshll.u32 s28, $0x1;
	[dreg:$0x2] =	wrdreg s3  }
0x21: {  	[dreg:$0x3] =	wrdreg s5  }
0x22: {  	[dreg:$0x4] =	wrdreg $0xC0  }
0x23: {  	_ =	task [dreg:s7], $0x5FFFF  }
0x24: {  	[dreg:$0x1] =	wrdreg $0xFFFFFFFF  }
0x25: {  	[dreg:$0x0] =	wrdreg $0x60  }
0x26: {  	[dreg:$0x2] =	wrdreg s25  }
0x27: {  	[dreg:$0x3] =	wrdreg s2  }
0x28: {  	[dreg:$0x4] =	wrdreg $0x9  }
0x29: {  	_ =	task.clear_ibuf [dreg:s7], $0x5FFFF;
	_ =	strace $0x90000049  }
0x2a: {  	s29 =	simm.s32 $0x9;
	_ =	strace $0x8000004B  }
0x2b: {  	_ =	swait.ge [sflag:s29], $0x1  }
0x2c: {  	[sflag:s29] =	ssyncadd.s32 $0xFFFFFFFF  }
0x2d: {  	_ =	strace $0x9000004B  }
0x2e: {  	_ =	sfence  }
0x2f: {  	s30 =	sld [smem:$0x0];
	_ =	sdelay $0x2  }
0x30: {  	s31 =	sshll.u32 s1, $0xD;
	s1 =	sshrl.u32 s1, $0x2  }
0x31: {  	s3 =	sand.u32 $0x4000, s31;
	s1 =	sadd.s32 s1, s30  }
0x32: {  	s0 =	sor.u32 s3, s0;
	s1 =	sshll.u32 s1, $0x11  }
0x33: {  	s0 =	sor.u32 s1, s0  }
0x34: {  	s0 =	sadd.s32 $0x8F2B, s0  }
0x35: {  	[sflag:s0] =	ssyncadd.remote.s32 $0x1  }
0x36: {  	_ =	sfence.sel $0xFFFF  }
0x37: {  	[dreg:$0x0] =	wrdreg $0xFFFFFFFF;
	(pc) =	sbr.abs _section_cstart, $3  }
0x38: {  	[dreg:$0x1] =	wrdreg $0xFFFFFFFF  }
0x39: {  	_ =	task.clear_ibuf [dreg:s7], $0x2FFFF;
	_ =	strace $0x9FFFFFFF  }
0x3a: {  	(tm) =	ssettm $0x7FFFFFFF  }
0x3b: {  	_ =	shalt  }
tec
execute0_lowered:
.L_overlay_start_1:
0x0: {  	(tag) =	ssettag $0x1  }
0x1: {  	s4 =	rddreg [dreg:$0x0]  }
0x2: {  	s0 =	stileid.u32;
	s2 =	rddreg [dreg:$0x1]  }
0x3: {  	s7 =	srdreg.scid;
	s31 =	simm.s32 $0x2;
	s17 =	simm.s32 $0x0  }
0x4: {  	s9 =	simm.s32 $0x2000;
	s19 =	simm.s32 $0x0;
	s18 =	simm.s32 $0x0  }
0x5: {  	s10 =	simm.s32 $0x0;
	s11 =	simm.s32 $0x0;
	s1 =	sshll.u32 s0, $0x7  }
0x6: {  	s12 =	simm.s32 $0x0;
	s14 =	simm.s32 $0x0;
	s3 =	sand.u32 $0x380, s1  }
0x7: {  	s16 =	simm.s32 $0x0;
	s4 =	sadd.s32 $0xB200, s4;
	s5 =	ssub.s32 $0x400, s3  }
0x8: {  	s8 =	sshll.u32 s0, $0x4;
	s7 =	sshll.u32 s7, $0x8;
	s6 =	sand.u32 $0x380, s5  }
0x9: {  	s1 =	rddreg [dreg:$0x2];
	p0 =	sne.s32 s6, $0x0;
	s6 =	simm.s32 $0x1  }
.Ltmp0:
0xa: {  	s5 =	sshrl.u32 s5, $0xA;
	s6 =	simm.s32 @!p0 $0x0;
	(pc) =	sbr.rel .LBB1_1-.Ltmp0, $4  }
0xb: {  	_ =	strace $0x8000004A;
	s7 =	sor.u32 s8, s7;
	s6 =	sadd.s32 s6, s5  }
0xc: {  	s7 =	sand.u32 $0x180, s7;
	s5 =	simm.s32 $0x1;
	s6 =	smul.u32 $0x190, s6  }
0xd: {  	s15 =	smov.u32 s3;
	s13 =	smov.u32 s7;
	[sflag:s5] =	ssyncpa.u1 $0x0  }
0xe: {  	p0 =	por $0x0, $0x0;
	[sflag:s31] =	ssyncpa.u1 $0x0;
	s8 =	sor.u32 $0x1, s6  }
.LBB1_4:
0xf: {  	s25 =	sshll.u32 s10, $0xA;
	s24 =	sshra.s32 s24, $0x2;
	s26 =	sshll.u32 s12, $0x3  }
0x10: {  	p1 =	sgt.s32 s11, $0xC7;
	s27 =	smov.u32 s11;
	s28 =	sshra.s32 s11, $0x1F  }
0x11: {  	p2 =	sgt.s32 s12, $0x380;
	s31 =	sshra.s32 s12, $0x1F;
	s25 =	sand.u32 $0xFFFFE000, s25  }
0x12: {  	s26 =	sand.u32 $0xFFFFFC00, s26;
	s27 =	simm.s32 @!p1 $0xC7;
	s28 =	sand.u32 s28, s11  }
0x13: {  	[tilespmem:s22+$0x2040 ss:$0x81] =	vst.msk $0xffff, v4;
	s23 =	sadd.s32 s24, s23;
	s29 =	sadd.s32 s26, s25;
	s25 =	ssub.s32 s27, s28  }
0x14: {  	[tilespmem:s22+$0x2850 ss:$0x81] =	vst.msk $0xffff, v3;
	s27 =	smov.u32 s12;
	s28 =	smov.u32 s10;
	s26 =	sand.u32 s31, s12  }
0x15: {  	[tilespmem:s22+$0x3060 ss:$0x81] =	vst.msk $0xffff, v2;
	s24 =	sshrl.u32 s29, $0xA;
	s30 =	sadd.s32 $0xFFFFFF39, s25;
	s27 =	simm.s32 @!p2 $0x380  }
0x16: {  	v5 =	vld [tilespmem:s21+$0xFFFFFFD0];
	[tilespmem:s22+$0x0 ss:$0x81] =	vst.msk $0xffff, v1;
	p2 =	sgt.s32 s10, $0x368;
	s29 =	sshra.s32 s10, $0x1F;
	s22 =	ssub.s32 $0xC8, s25  }
0x17: {  	v58 =	vld [tilespmem:s21+$0xFFFFFFE0];
	p1 =	sgt.s32 s30, $0x0;
	s28 =	simm.s32 @!p2 $0x368;
	s29 =	sand.u32 s29, s10  }
0x18: {  	v59 =	vld [tilespmem:s21+$0xFFFFFFF0];
	s26 =	ssub.s32 s27, s26;
	s27 =	smulhi.u32 $0x418938, s24;
	s28 =	ssub.s32 s28, s29  }
0x19: {  	v60 =	vld [tilespmem:s21+$0x0];
	s30 =	sadd.s32 $0xFFFFFC80, s26;
	s25 =	ssub.s32 $0x400, s26;
	s22 =	simm.s32 @p1 $0x0  }
0x1a: {  	v61 =	vld [tilespmem:s21+$0x10];
	[tilespmem:s23+$0x3870 ss:$0x81] =	vst.msk $0xffff, v0;
	s29 =	sand.u32 $0x78, s12;
	p2 =	sgt.s32 s30, $0x7F;
	s31 =	sadd.s32 $0xFFFFFC98, s28  }
0x1b: {  	v62 =	vld [tilespmem:s21+$0x20];
	[tilespmem:s23+$0x810 ss:$0x81] =	vst.msk $0xffff, v5;
	s27 =	smul.u32 $0x3E8, s27;
	s30 =	sshll.u32 s10, $0x7;
	s28 =	ssub.s32 $0x3E8, s28  }
0x1c: {  	v63 =	vld [tilespmem:s21+$0xFFFFFFC0];
	[tilespmem:s23+$0x1020 ss:$0x81] =	vst.msk $0xffff, v58;
	s25 =	simm.s32 @p2 $0x0;
	p1 =	sgt.s32 s31, $0x7F;
	s31 =	smul.u32 $0x1F400, s11  }
0x1d: {  	[tilespmem:s23+$0x1830 ss:$0x81] =	vst.msk $0xffff, v59;
	s21 =	sand.u32 $0x380, s30;
	s22 =	smul.u32 s25, s22;
	s28 =	simm.s32 @p1 $0x0  }
0x1e: {  	[tilespmem:s23+$0x2040 ss:$0x81] =	vst.msk $0xffff, v60;
	s21 =	sor.u32 s29, s21;
	s24 =	ssub.s32 s24, s27;
	s29 =	sand.u32 $0x7, s12  }
0x1f: {  	[tilespmem:s23+$0x2850 ss:$0x81] =	vst.msk $0xffff, v61;
	s21 =	sshrl.u32 s21, $0x3;
	s25 =	sadd.s32 s2, s31;
	s22 =	smul.u32 s28, s22  }
0x20: {  	[tilespmem:s23+$0x3060 ss:$0x81] =	vst.msk $0xffff, v62;
	s24 =	sshll.u32 s24, $0x7;
	s30 =	sshll.u32 s29, $0x12;
	s21 =	sadd.s32 s21, s25  }
0x21: {  	[tilespmem:s23+$0x0 ss:$0x81] =	vst.msk $0xffff, v63;
	s31 =	sor.u32 $0x400, s30;
	s21 =	sadd.s32 s24, s21;
	s22 =	sand.u32 $0x3FFFFFFF, s22  }
0x22: {  	[hbm4b:s21+s31] =	stream.strided.scatter [tilespmem:s20], [sflag:$0x2], s22, s9, s31, $0x20;
	[tilespmem:$0x10100] =	vst v63  }
.LBB1_5:
0x23: {  	p1 =	slt.u32 s16, $0x2  }
0x24: {  	p2 =	sgt.s32 @!p1 s19, $0xC7  }
0x25: {  	s20 =	smov.u32 s19;
	s21 =	sshra.s32 @!p1 s19, $0x1F;
	p2 =	por !p2, p1  }
0x26: {  	s19 =	sand.u32 @!p1 s21, s19;
	s20 =	simm.s32 @p2 $0xC7  }
0x27: {  	p3 =	sgt.s32 @!p1 s17, $0x368;
	s19 =	ssub.s32 @!p1 s20, s19  }
0x28: {  	p4 =	sgt.s32 @!p1 s18, $0x380;
	s22 =	sshra.s32 @!p1 s18, $0x1F;
	s20 =	sadd.s32 @!p1 $0xFFFFFF39, s19  }
0x29: {  	s21 =	smov.u32 s17;
	p2 =	sgt.s32 @!p1 s20, $0x0;
	s20 =	sshra.s32 @!p1 s17, $0x1F  }
0x2a: {  	p4 =	por !p4, p1;
	s17 =	sand.u32 @!p1 s20, s17;
	s20 =	smov.u32 s18  }
0x2b: {  	p3 =	por !p3, p1;
	s18 =	sand.u32 @!p1 s22, s18;
	s20 =	simm.s32 @p4 $0x380  }
0x2c: {  	s21 =	simm.s32 @p3 $0x368;
	s19 =	ssub.s32 @!p1 $0xC8, s19;
	s18 =	ssub.s32 @!p1 s20, s18  }
0x2d: {  	p2 =	por !p2, p1;
	s17 =	ssub.s32 @!p1 s21, s17;
	s21 =	sadd.s32 @!p1 $0xFFFFFC80, s18  }
0x2e: {  	s19 =	simm.s32 @!p2 $0x0;
	p3 =	sgt.s32 @!p1 s21, $0x7F  }
0x2f: {  	s20 =	sadd.s32 @!p1 $0xFFFFFC98, s17;
	s18 =	ssub.s32 @!p1 $0x400, s18;
	p3 =	por !p3, p1  }
0x30: {  	p2 =	sgt.s32 @!p1 s20, $0x7F;
	s20 =	sadd.s32 $0x200, s13;
	s18 =	simm.s32 @!p3 $0x0  }
0x31: {  	p3 =	sgt.s32 s20, $0x3E7;
	s18 =	smul.u32 @!p1 s18, s19;
	s19 =	simm.s32 $0x1  }
0x32: {  	s17 =	ssub.s32 @!p1 $0x3E8, s17;
	p2 =	por !p2, p1;
	s19 =	simm.s32 @!p3 $0x0  }
0x33: {  	s22 =	smov.u32 s15;
	s17 =	simm.s32 @!p2 $0x0;
	s21 =	sadd.s32 s19, s14  }
0x34: {  	s17 =	smul.u32 @!p1 s17, s18;
	s18 =	sadd.s32 $0x400, s15;
	p2 =	sgt.s32 s21, $0xC7  }
0x35: {  	p0 =	por !p0, !p0;
	s23 =	simm.s32 @!p1 $0x2;
	s22 =	smov.u32 @p2 s18  }
0x36: {  	s20 =	smov.u32 @p3 s7;
	s21 =	simm.s32 @p2 $0x0;
	p2 =	sgt.s32 s22, $0x3FF  }
0x37: {  	s19 =	smov.u32 s11;
	s22 =	smov.u32 @p2 s3;
	p2 =	sne.s32 s16, s8  }
.Ltmp1:
0x38: {  	s11 =	smov.u32 s14;
	s17 =	sand.u32 @!p1 $0x3FFFFFFF, s17;
	(pc) =	sbr.rel @!p2 .LBB1_6-.Ltmp1, $4  }
0x39: {  	s18 =	smov.u32 s12;
	s12 =	smov.u32 s15;
	_ =	swait.ge @!p1 [sflag:s23], s17  }
0x3a: {  	s24 =	ssub.s32 @!p1 $0x0, s17;
	s17 =	smov.u32 s10;
	s10 =	smov.u32 s13  }
0x3b: {  	s13 =	smov.u32 s20;
	s14 =	smov.u32 s21;
	[sflag:s23] =	ssyncset.done @!p1 $0x0  }
0x3c: {  	s16 =	sadd.s32 $0x1, s16;
	[sflag:s23] =	ssyncadd.s32 @!p1 s24;
	s15 =	smov.u32 s22  }
.LBB1_1:
0x3d: {  	p1 =	sge.u32 s16, s6  }
0x3e: {  	s20 =	sshll.u32 @!p1 s14, $0xA  }
0x3f: {  	s21 =	sshll.u32 @!p1 s13, $0x3;
	s20 =	sand.u32 @!p1 $0xFFFFE000, s20  }
0x40: {  	s20 =	sadd.s32 @!p1 s20, s21  }
0x41: {  	s20 =	sshrl.u32 @!p1 s20, $0xA  }
0x42: {  	s21 =	smulhi.u32 @!p1 $0x147AE15, s20  }
0x43: {  	s22 =	sshll.u32 @!p1 s14, $0x7;
	s24 =	smul.u32 @!p1 $0x6400, s15  }
0x44: {  	s23 =	sand.u32 @!p1 $0x78, s13;
	s22 =	sand.u32 @!p1 $0x380, s22;
	s21 =	smul.u32 @!p1 $0xC8, s21  }
0x45: {  	s31 =	sadd.s32 $0xFFFFFFFF, s16;
	s22 =	sor.u32 @!p1 s23, s22;
	s23 =	sadd.s32 @!p1 s4, s24  }
0x46: {  	s22 =	sshrl.u32 @!p1 s22, $0x3;
	s20 =	ssub.s32 @!p1 s20, s21;
	s21 =	sxor.u32 @!p1 $0xFFFFFFFF, s16  }
0x47: {  	s22 =	sadd.s32 @!p1 s22, s23;
	s23 =	sand.u32 @!p1 $0x7, s13;
	s21 =	sshll.u32 @!p1 s21, $0xE  }
0x48: {  	s23 =	sshll.u32 @!p1 s23, $0x12;
	s20 =	sshll.u32 @!p1 s20, $0x7;
	s21 =	sand.u32 @!p1 $0x4000, s21  }
0x49: {  	s20 =	sadd.s32 @!p1 s20, s22;
	s22 =	sor.u32 @!p1 $0x80, s23;
	s23 =	simm.s32 @!p1 $0x32000  }
0x4a: {  	[tilespmem:s21], [sflag:$0x1] =	stream.strided.gather @!p1 [hbm4b:s20+s22], $0x4000, s23, s22, $0x38;
	[tilespmem:$0x10100] =	vst v63  }
0x4b: {  	p1 =	sge.u32 s31, s6  }
.Ltmp2:
0x4c: {  	_ = 	snop;
	(pc) =	sbr.rel @p1 .LBB1_5-.Ltmp2, $1  }
0x4d: {  	_ =	sdelay $0x3  }
0x4e: {  	s20 =	simm.s32 $0x1  }
0x4f: {  	_ =	swait.ge [sflag:s5], $0x4000;
	s20 =	simm.s32 @!p0 $0x0  }
0x50: {  	[sflag:s5] =	ssyncset.done $0x0;
	s21 =	sshll.u32 s20, $0xE  }
0x51: {  	[sflag:s5] =	ssyncadd.s32 $0xFFFFC000;
	s21 =	sor.u32 $0x40, s21  }
0x52: {  	s20 =	smul.u32 $0x10200, s20;
	v0 =	vld [tilespmem:s21+$0x30]  }
0x53: {  	v1 =	vld [tilespmem:s21+$0xFFFFFFD0]  }
0x54: {  	s20 =	sshrl.u32 s20, $0x2;
	v5 =	vld [tilespmem:s21+$0xFFFFFFE0]  }
0x55: {  	v6 =	vld [tilespmem:s21+$0xFFFFFFF0];
	s23 =	sor.u32 $0x8000, s20  }
0x56: {  	s31 =	sand.u32 $0x1, s16;
	v4 =	vld [tilespmem:s21+$0x0];
	s22 =	sadd.s32 $0x0, s23  }
0x57: {  	v3 =	vld [tilespmem:s21+$0x10];
	s20 =	smul.u32 $0x10200, s31;
	[tilespmem:s22+$0x3870 ss:$0x81] =	vst.msk $0xffff, v0  }
0x58: {  	v2 =	vld [tilespmem:s21+$0x20];
	[tilespmem:s22+$0x810 ss:$0x81] =	vst.msk $0xffff, v1  }
0x59: {  	s20 =	sshrl.u32 s20, $0x2;
	v1 =	vld [tilespmem:s21+$0xFFFFFFC0];
	[tilespmem:s22+$0x1020 ss:$0x81] =	vst.msk $0xffff, v5;
	s21 =	sadd.s32 $0x80, s21  }
0x5a: {  	s24 =	simm.s32 $0x4;
	s25 =	simm.s32 $0x8;
	s20 =	sor.u32 $0x8000, s20;
	[tilespmem:s22+$0x1830 ss:$0x81] =	vst.msk $0xffff, v6;
	v0 =	vld [tilespmem:s21+$0x30]  }
.LBB1_3:
0x5b: {  	p1 =	sne.s32 s25, $0x1FC;
	v5 =	vld [tilespmem:s21+$0xFFFFFFD0];
	[tilespmem:s22+$0x2040 ss:$0x81] =	vst.msk $0xffff, v4  }
0x5c: {  	v6 =	vld [tilespmem:s21+$0xFFFFFFE0];
	[tilespmem:s22+$0x2850 ss:$0x81] =	vst.msk $0xffff, v3  }
0x5d: {  	s26 =	sshra.s32 s24, $0x2;
	s24 =	smov.u32 s25;
	v7 =	vld [tilespmem:s21+$0xFFFFFFF0];
	[tilespmem:s22+$0x3060 ss:$0x81] =	vst.msk $0xffff, v2  }
.Ltmp3:
0x5e: {  	v4 =	vld [tilespmem:s21+$0x0];
	[tilespmem:s22+$0x0 ss:$0x81] =	vst.msk $0xffff, v1;
	s22 =	sadd.s32 s26, s23;
	(pc) =	sbr.rel @p1 .LBB1_3-.Ltmp3, $4  }
0x5f: {  	v3 =	vld [tilespmem:s21+$0x10];
	[tilespmem:s22+$0x3870 ss:$0x81] =	vst.msk $0xffff, v0  }
0x60: {  	[tilespmem:s22+$0x810 ss:$0x81] =	vst.msk $0xffff, v5;
	v2 =	vld [tilespmem:s21+$0x20]  }
0x61: {  	v1 =	vld [tilespmem:s21+$0xFFFFFFC0];
	[tilespmem:s22+$0x1020 ss:$0x81] =	vst.msk $0xffff, v6;
	s21 =	sadd.s32 $0x80, s21  }
0x62: {  	s25 =	sadd.s32 $0x4, s25;
	v0 =	vld [tilespmem:s21+$0x30];
	[tilespmem:s22+$0x1830 ss:$0x81] =	vst.msk $0xffff, v7  }
.Ltmp4:
0x63: {  	_ = 	snop;
	(pc) =	sbr.rel .LBB1_4-.Ltmp4, $1  }
0x64: {  	_ =	sdelay $0x3  }
.LBB1_6:
0x65: {  	_ =	sfence.sel $0x180000  }
0x66: {  	s2 =	simm.s32 $0x1;
	[bflag:$0x0] =	sbarrier.arrive $0xFFFF  }
0x67: {  	s31 =	simm.s32 $0x2;
	[sflag:s2] =	ssyncpa.u1 $0x1  }
0x68: {  	[sflag:s31] =	ssyncpa.u1 $0x1  }
0x69: {  	p0 =	sne.s32 s0, $0x0;
	_ =	strace $0x9000004A  }
0x6a: {  	s0 =	sadd.s32 @!p0 $0x100000, s1;
	[bflag:$0x2] =	sbarrier.arrive $0xFFFF  }
0x6b: {  	[sflag:s0] =	ssyncadd.tile.s32 @!p0 $0x1;
	_ =	shalt  }
.Lfunc_end1:
_tile_overlayer_lowered:
.L_overlay_start_2:
0x6c: {  	(tag) =	ssettag $0x2  }
0x6d: {  	s0 =	rddreg [dreg:$0x0];
	s2 =	stileid.u32  }
0x6e: {  	s1 =	rddreg [dreg:$0x1];
	p0 =	sne.s32 s2, $0x0  }
0x6f: {  	s3 =	rddreg [dreg:$0x2];
	[bflag:$0x3] =	sbarrier.arrive $0xFFFF;
	s2 =	simm.s32 @!p0 $0x1C01  }
0x70: {  	[timem:s3], [sflag:s2] =	dma.local @!p0 [hbm:s0], s1  }
0x71: {  	s0 =	simm.s32 @!p0 $0x1  }
0x72: {  	_ =	swait.ge @!p0 [sflag:s0], s1  }
0x73: {  	s1 =	ssub.s32 @!p0 $0x0, s1;
	[sflag:s0] =	ssyncset.done @!p0 $0x0  }
0x74: {  	[sflag:s0] =	ssyncadd.s32 @!p0 s1  }
0x75: {  	[bflag:$0x3] =	sbarrier.arrive $0xFFFF  }
0x76: {  	_ =	shalt  }

</sc_bundles>
